<compile_context>
chip_gen: v7x
topology: tpu7x:2x2x1
jax: 0.10.2.dev20260603
libtpu: 0.0.44.dev20260713+nightly
codegen_flags: <defaults>
</compile_context>

<pallas_src>
import functools

import numpy as np
import jax
import jax.numpy as jnp
from jax import lax
from jax.experimental import pallas as pl
from jax.experimental.pallas import tpu as pltpu
from jax.experimental.pallas import tpu_sc as plsc

RCR = 5.1
RMIN = 0.8
NRBF = 16
RCA = 3.5
AMIN = 0.8
NDIV = 4
NSEC = 4
NSPECIES = 7
ETA_R = 19.7
ETA_A = 12.5
ZETA = 14.1
SHFR = np.linspace(RMIN, RCR, NRBF + 1)[:-1].astype(np.float32)
SHFA = np.linspace(AMIN, RCA, NDIV + 1)[:-1].astype(np.float32)
SHFZ = ((np.arange(NSEC) + 0.5) * np.pi / NSEC).astype(np.float32)
CZ = np.cos(SHFZ).astype(np.float32)
SZ = np.sin(SHFZ).astype(np.float32)
LN2 = 0.6931471805599453
LOG2C = (-3.2407022, 7.1100354, -7.443873, 5.7234015,
         -2.9452062, 0.9618663, -0.18029977, 0.014778721)

KCAP = 96
NSP = NSPECIES * (NSPECIES + 1) // 2
ANG_W = NSP * NDIV * NSEC
NW = 32
APW = 320


def _triu_index(num_species):
    s1, s2 = np.triu_indices(num_species)
    pidx = np.arange(s1.shape[0])
    ret = np.zeros((num_species, num_species), dtype=np.int64)
    ret[s1, s2] = pidx
    ret[s2, s1] = pidx
    return ret


TRIU16_FLAT = (_triu_index(NSPECIES).reshape(-1) * 16).astype(np.int32)


def _cosine_cutoff(d, cutoff):
    return 0.5 * (jnp.cos(jnp.pi * d / cutoff) + 1.0) * (d <= cutoff)



def _rfv_kernel(d_ref, out_ref):
    d = d_ref[...]
    fc = 0.5 * (jnp.cos(jnp.pi / RCR * d) + 1.0) * (d <= RCR)
    for c in range(NRBF):
        x = d - float(SHFR[c])
        out_ref[c] = 0.25 * jnp.exp(-ETA_R * x * x) * fc


def _radial_fv(d):
    P = d.shape[0]
    rows = P // 128
    d2 = d.reshape(rows, 128)
    out = pl.pallas_call(
        _rfv_kernel,
        out_shape=jax.ShapeDtypeStruct((NRBF, rows, 128), jnp.float32),
    )(d2)
    return out.reshape(NRBF, P).T



def _log2_poly(m):
    p = jnp.full_like(m, LOG2C[-1])
    for c in reversed(LOG2C[:-1]):
        p = p * m + c
    return p


def _make_angular(N):
    mesh = plsc.VectorSubcoreMesh(core_axis_name="c", subcore_axis_name="s")

    @functools.partial(
        pl.kernel,
        out_type=jax.ShapeDtypeStruct((N * ANG_W,), jnp.float32),
        mesh=mesh,
        compiler_params=pltpu.CompilerParams(needs_layout_passes=False),
        scratch_types=[
            pltpu.VMEM((APW + 16,), jnp.float32),
            pltpu.VMEM((APW + 16,), jnp.float32),
            pltpu.VMEM((64,), jnp.int32),
            pltpu.VMEM((KCAP * 8,), jnp.float32),
            pltpu.VMEM((ANG_W,), jnp.float32),
        ],
    )
    def ang(packed_hbm, offs_hbm, cnts_hbm, triu_hbm, out_hbm,
            offs_v, cnts_v, triu_v, rowbuf, acc):
        w = lax.axis_index("s") * 2 + lax.axis_index("c")
        base = w * APW
        pltpu.sync_copy(offs_hbm.at[pl.ds(base, APW + 16)], offs_v)
        pltpu.sync_copy(cnts_hbm.at[pl.ds(base, APW + 16)], cnts_v)
        pltpu.sync_copy(triu_hbm, triu_v)
        iota = lax.iota(jnp.int32, 16)
        lane0 = iota == 0
        zero16 = jnp.zeros((16,), jnp.float32)
        f0 = jnp.zeros((16,), jnp.int32)
        f1c = f0 + 1
        f2c = f0 + 2
        f3c = f0 + 3
        f4c = f0 + 4
        f5c = f0 + 5
        f6c = f0 + 6

        def per_atom(i, carry):
            a = base + i

            @pl.when(a < N)
            def _():
                off_s = offs_v[pl.ds(i, 16)][0].astype(jnp.int32)
                c_s = cnts_v[pl.ds(i, 16)][0].astype(jnp.int32)
                for k in range(NSP):
                    acc[pl.ds(k * 16, 16)] = zero16

                @pl.when(c_s >= 2)
                def _():
                    pltpu.sync_copy(packed_hbm.at[pl.ds(off_s * 8, KCAP * 8)],
                                    rowbuf)

                    def jj_body(jj, c1):
                        jv = jnp.full((16,), jj * 8, jnp.int32)
                        xj = plsc.load_gather(rowbuf, [jv])
                        yj = plsc.load_gather(rowbuf, [jv + f1c])
                        zj = plsc.load_gather(rowbuf, [jv + f2c])
                        dj = plsc.load_gather(rowbuf, [jv + f3c])
                        fcj = plsc.load_gather(rowbuf, [jv + f4c])
                        oj7 = plsc.load_gather(rowbuf, [jv + f6c])

                        def v_body(v, c2):
                            ii = v * 16 + iota
                            msk = ii < jj
                            i8 = ii * 8
                            xi = plsc.load_gather(rowbuf, [i8], mask=msk)
                            yi = plsc.load_gather(rowbuf, [i8 + f1c], mask=msk)
                            zi = plsc.load_gather(rowbuf, [i8 + f2c], mask=msk)
                            di = plsc.load_gather(rowbuf, [i8 + f3c], mask=msk)
                            fci = plsc.load_gather(rowbuf, [i8 + f4c], mask=msk)
                            oi = plsc.load_gather(rowbuf, [i8 + f5c], mask=msk)
                            dot = xi * xj + yi * yj + zi * zj
                            cc = jnp.clip(0.95 * dot / (di * dj), -0.98, 0.98)
                            uu = 1.0 - cc * cc
                            bi = plsc.bitcast(uu, jnp.int32)
                            r0 = plsc.bitcast(0x5f3759df - (bi >> 1), jnp.float32)
                            r1 = r0 * (1.5 - 0.5 * uu * r0 * r0)
                            r2 = r1 * (1.5 - 0.5 * uu * r1 * r1)
                            ss = uu * r2
                            dm = 0.5 * (di + dj)
                            pref = 2.0 * fci * fcj
                            chan = (oi + oj7).astype(jnp.int32)
                            t16 = plsc.load_gather(triu_v, [chan], mask=msk)
                            f2s = []
                            for a4 in range(NDIV):
                                e2 = dm - float(SHFA[a4])
                                f2s.append(jnp.exp(-ETA_A * e2 * e2))
                            for z in range(NSEC):
                                tz = 0.5 + 0.5 * (cc * float(CZ[z]) + ss * float(SZ[z]))
                                b = plsc.bitcast(tz, jnp.int32)
                                e = ((b >> 23) - 127).astype(jnp.float32)
                                m = plsc.bitcast((b & 0x7fffff) | 0x3f800000,
                                                 jnp.float32)
                                l2 = e + _log2_poly(m)
                                f1z = jnp.exp((ZETA * LN2) * l2) * pref
                                for a4 in range(NDIV):
                                    val = f1z * f2s[a4]
                                    addr = t16 + (a4 * NSEC + z)
                                    plsc.addupdate_scatter(acc, [addr], val,
                                                           mask=msk)
                            return c2

                        nv = (jj + 15) >> 4
                        lax.fori_loop(0, nv, v_body, 0)
                        return c1

                    lax.fori_loop(1, c_s, jj_body, 0)

                pltpu.sync_copy(acc, out_hbm.at[pl.ds(a * ANG_W, ANG_W)])

            return carry

        lax.fori_loop(0, APW, per_atom, 0)

    return ang


def kernel(d_ij, r_ij, pair_indices, atom_index, number_of_atoms):
    N = atom_index.shape[0]
    P = pair_indices.shape[1]
    d = d_ij[:, 0]
    rfv = _radial_fv(d)
    species12 = atom_index[pair_indices]
    index12 = pair_indices * NSPECIES + species12[::-1]
    radial_aev = jnp.zeros((N * NSPECIES, NRBF), dtype=jnp.float32)
    radial_aev = radial_aev.at[index12[0]].add(rfv)
    radial_aev = radial_aev.at[index12[1]].add(rfv)
    radial_aev = radial_aev.reshape(N, NSPECIES * NRBF)

    close = d <= RCA
    slot_atom = pair_indices.reshape(-1)
    slot_valid = jnp.concatenate([close, close])
    sort_key = jnp.where(slot_valid, slot_atom, N).astype(jnp.int32)
    pos = jnp.arange(2 * P, dtype=jnp.int32)
    sorted_key, order = lax.sort((sort_key, pos), num_keys=1, is_stable=True)
    minpos = jnp.full((N + 2,), 2 * P, jnp.int32).at[sorted_key].min(pos)
    off = lax.cummin(minpos, axis=0, reverse=True)[:N + 1]
    cnt = jnp.minimum(off[1:] - off[:-1], KCAP)
    in_first = order < P
    ent_pair = jnp.where(in_first, order, order - P)
    sgn = jnp.where(in_first, 1.0, -1.0)
    r4 = jnp.concatenate([r_ij, d_ij], axis=1)
    g = r4[ent_pair]
    ev = g[:, :3] * sgn[:, None]
    ed = g[:, 3]
    efc = _cosine_cutoff(ed, RCA)
    osp_all = jnp.concatenate([species12[1], species12[0]])
    eosp = osp_all[order].astype(jnp.float32)
    packed = jnp.concatenate(
        [ev, ed[:, None], efc[:, None], eosp[:, None], eosp[:, None] * 7.0,
         jnp.zeros((2 * P, 1), jnp.float32)], axis=1)
    packed = jnp.pad(packed, ((0, KCAP), (0, 0))).reshape(-1)
    pad_to = NW * APW + 16
    offs_f = jnp.pad(off[:N].astype(jnp.float32), (0, pad_to - N))
    cnts_f = jnp.pad(cnt.astype(jnp.float32), (0, pad_to - N))
    triu16 = jnp.asarray(np.pad(TRIU16_FLAT, (0, 64 - TRIU16_FLAT.shape[0])))

    angular_aev = _make_angular(N)(packed, offs_f, cnts_f,
                                   triu16).reshape(N, ANG_W)
    aevs = jnp.concatenate([radial_aev, angular_aev], axis=-1)
    return (atom_index, aevs)

# --- scband reference (transcript-rebuilt; emitter-appended) ---
"""Pipeline reference for scband-anirepresentation-47553877901498 (READ-ONLY COPY).

The authoritative reference and input builder live on the scoring server;
editing this copy changes nothing except your own understanding.
"""

import jax, jax.numpy as jnp
import numpy as np

RCR = 5.1
RMIN = 0.8
NRBF = 16
RCA = 3.5
AMIN = 0.8
NDIV = 4
NSEC = 4
NSPECIES = 7
ETA_R = 19.7
ETA_A = 12.5
ZETA = 14.1
SHFR = np.linspace(RMIN, RCR, NRBF + 1)[:-1].astype(np.float32)
SHFA = np.linspace(AMIN, RCA, NDIV + 1)[:-1].astype(np.float32)
SHFZ = ((np.arange(NSEC) + 0.5) * np.pi / NSEC).astype(np.float32)


def triu_index(num_species):
    s1, s2 = np.triu_indices(num_species)
    pidx = np.arange(s1.shape[0])
    ret = np.zeros((num_species, num_species), dtype=np.int64)
    ret[s1, s2] = pidx
    ret[s2, s1] = pidx
    return ret

TRIU = triu_index(NSPECIES)


def cosine_cutoff(d, cutoff):
    return 0.5 * (jnp.cos(jnp.pi * d / cutoff) + 1.0) * (d <= cutoff)


def cumsum_from_zero(counts):
    return np.concatenate([np.zeros(1, dtype=np.int64), np.cumsum(counts)[:-1]])


def triple_by_molecule_np(atom_index12):
    ai1 = atom_index12.reshape(-1)
    rev_indices = np.argsort(ai1, kind='stable')
    sorted_ai1 = ai1[rev_indices]
    uniq, counts = np.unique(sorted_ai1, return_counts=True)
    pair_sizes = (counts * (counts - 1) // 2).astype(np.int64)
    pair_indices = np.repeat(np.arange(len(counts)), pair_sizes)
    central_atom_index = uniq[pair_indices]
    m = int(counts.max()) if counts.size > 0 else 0
    n = pair_sizes.shape[0]
    lower = np.stack(np.tril_indices(m, -1)).astype(np.int64)
    intra = np.broadcast_to(lower[:, None, :], (2, n, lower.shape[1]))
    mask = (np.arange(lower.shape[1])[None, :] < pair_sizes[:, None]).reshape(-1)
    sorted_local_index12 = intra.reshape(2, -1)[:, mask]
    sorted_local_index12 = sorted_local_index12 + cumsum_from_zero(counts)[pair_indices][None, :]
    local_index12 = rev_indices[sorted_local_index12]
    n_pairs = atom_index12.shape[1]
    sign12 = (local_index12 < n_pairs).astype(np.int64) * 2 - 1
    return central_atom_index, local_index12 % n_pairs, sign12


def setup_inputs(seed: int = 0):
    key = jax.random.key(seed)
    N = 10000
    P = 160000
    k1, k2, k3, k4 = jax.random.split(key, 4)
    dirs = jax.random.normal(k1, (P, 3), dtype=jnp.float32)
    dirs = dirs / (jnp.linalg.norm(dirs, axis=1, keepdims=True) + 1e-9)
    mags = jax.random.uniform(k2, (P, 1), dtype=jnp.float32, minval=0.8, maxval=5.0)
    r_ij = dirs * mags
    d_ij = jnp.linalg.norm(r_ij, axis=1, keepdims=True)
    pair_indices = jax.random.randint(k3, (2, P), 0, N, dtype=jnp.int32)
    atom_index = jax.random.randint(k4, (N,), 0, NSPECIES, dtype=jnp.int32)
    return {'d_ij': d_ij, 'r_ij': r_ij, 'pair_indices': pair_indices, 'atom_index': atom_index, 'number_of_atoms': N}


def reference(d_ij, r_ij, pair_indices, atom_index, number_of_atoms):
    N = atom_index.shape[0]
    P = pair_indices.shape[1]
    d = d_ij[:, 0]
    rfv = 0.25 * jnp.exp(-ETA_R * (d[:, None] - jnp.asarray(SHFR)[None, :]) ** 2)
    rfv = rfv * cosine_cutoff(d, RCR)[:, None]
    species12 = atom_index[pair_indices]
    index12 = pair_indices * NSPECIES + species12[::-1] + number_of_atoms * 0
    radial_aev = jnp.zeros((N * NSPECIES, NRBF), dtype=jnp.float32)
    radial_aev = radial_aev.at[index12[0]].add(rfv)
    radial_aev = radial_aev.at[index12[1]].add(rfv)
    radial_aev = radial_aev.reshape(N, NSPECIES * NRBF)
    close = d <= RCA
    K = 96
    slot_atom = pair_indices.reshape(-1)
    slot_pair = jnp.concatenate([jnp.arange(P, dtype=jnp.int32), jnp.arange(P, dtype=jnp.int32)])
    slot_sign = jnp.concatenate([jnp.ones((P,), jnp.float32), -jnp.ones((P,), jnp.float32)])
    slot_osp = jnp.concatenate([species12[1], species12[0]])
    slot_valid = jnp.concatenate([close, close])
    sort_key = jnp.where(slot_valid, slot_atom, N)
    order = jnp.argsort(sort_key, stable=True)
    sorted_key = sort_key[order]
    idx = jnp.arange(2 * P, dtype=jnp.int32)
    is_start = jnp.concatenate([jnp.array([True]), sorted_key[1:] != sorted_key[:-1]])
    rank = idx - jax.lax.cummax(jnp.where(is_start, idx, 0))
    table_pair = jnp.zeros((N, K), jnp.int32).at[sorted_key, rank].set(slot_pair[order], mode='drop')
    table_sign = jnp.zeros((N, K), jnp.float32).at[sorted_key, rank].set(slot_sign[order], mode='drop')
    table_osp = jnp.zeros((N, K), jnp.int32).at[sorted_key, rank].set(slot_osp[order], mode='drop')
    table_valid = jnp.zeros((N, K), bool).at[sorted_key, rank].set(slot_valid[order], mode='drop')
    ii, jj = np.tril_indices(K, -1)
    L = ii.shape[0]
    nsp = NSPECIES * (NSPECIES + 1) // 2
    triu_t = jnp.asarray(TRIU)
    C = 200 if N % 200 == 0 else 1
    la = jnp.arange(C)

    def chunk_body(carry, a0):
        pc = jax.lax.dynamic_slice(table_pair, (a0, 0), (C, K))
        sc = jax.lax.dynamic_slice(table_sign, (a0, 0), (C, K))
        oc = jax.lax.dynamic_slice(table_osp, (a0, 0), (C, K))
        vc = jax.lax.dynamic_slice(table_valid, (a0, 0), (C, K))
        p_i, p_j = pc[:, ii], pc[:, jj]
        s_i, s_j = sc[:, ii], sc[:, jj]
        o_i, o_j = oc[:, ii], oc[:, jj]
        tv = vc[:, ii] & vc[:, jj]
        vec_i = r_ij[p_i] * s_i[:, :, None]
        vec_j = r_ij[p_j] * s_j[:, :, None]
        d_i = jnp.sqrt(jnp.sum(vec_i * vec_i, axis=-1) + 1e-12)
        d_j = jnp.sqrt(jnp.sum(vec_j * vec_j, axis=-1) + 1e-12)
        cos_t = 0.95 * jnp.sum(vec_i * vec_j, axis=-1) / (d_i * d_j)
        angles = jnp.arccos(jnp.clip(cos_t, -0.98, 0.98))
        fc_i = cosine_cutoff(d_i, RCA)
        fc_j = cosine_cutoff(d_j, RCA)
        factor1 = ((1.0 + jnp.cos(angles[:, :, None] - jnp.asarray(SHFZ)[None, None, :])) / 2.0) ** ZETA
        factor2 = jnp.exp(-ETA_A * (((d_i + d_j) / 2.0)[:, :, None] - jnp.asarray(SHFA)[None, None, :]) ** 2)
        ang = 2.0 * factor2[:, :, :, None] * factor1[:, :, None, :] * (fc_i * fc_j)[:, :, None, None]
        ang_fv = jnp.where(tv[:, :, None, None], ang, 0.0).reshape(C * L, NDIV * NSEC)
        index_local = (la[:, None] * nsp + triu_t[o_i, o_j]).reshape(-1)
        local = jnp.zeros((C * nsp, NDIV * NSEC), jnp.float32).at[index_local].add(ang_fv)
        return carry, local

    _, locals_ = jax.lax.scan(chunk_body, 0, jnp.arange(0, N, C))
    angular_aev = locals_.reshape(N, nsp * NDIV * NSEC)
    aevs = jnp.concatenate([radial_aev, angular_aev], axis=-1)
    return (atom_index, aevs)

if __name__ == "__main__":
    import jax
    _d = setup_inputs()
    print(jax.jit(kernel)(*tuple(_d.values())))

</pallas_src>

<mosaic_0001>
#map = affine_map<(d0, d1) -> (0)>
module attributes {stable_mosaic.version = 14 : i64} {
  func.func @ang(%arg0: i32, %arg1: i32, %arg2: memref<2560768xf32, #tpu.memory_space<hbm>>, %arg3: memref<10256xf32, #tpu.memory_space<hbm>>, %arg4: memref<10256xf32, #tpu.memory_space<hbm>>, %arg5: memref<64xi32, #tpu.memory_space<hbm>>, %arg6: memref<4480000xf32, #tpu.memory_space<hbm>>, %arg7: memref<336xf32, #tpu.memory_space<vmem>>, %arg8: memref<336xf32, #tpu.memory_space<vmem>>, %arg9: memref<64xi32, #tpu.memory_space<vmem>>, %arg10: memref<768xf32, #tpu.memory_space<vmem>>, %arg11: memref<448xf32, #tpu.memory_space<vmem>>) attributes {dimension_semantics = [#tpu.dimension_semantics<core_parallel>, #tpu.dimension_semantics<subcore_parallel>], iteration_bounds = array<i64: 2, 16>, scalar_prefetch = 0 : i64, scratch_operands = 5 : i64, tpu.core_type = #tpu.core_type<sc_vector_subcore>, window_params = [{transform_indices = #map}, {transform_indices = #map}, {transform_indices = #map}, {transform_indices = #map}, {transform_indices = #map}]} {
    %mul3A = arith.constant 2 : i32
    %mul3A_0 = arith.muli %arg1, %mul3A : i32
    %add3A = arith.addi %mul3A_0, %arg0 : i32
    %mul3A_1 = arith.constant 320 : i32
    %mul3A_2 = arith.muli %add3A, %mul3A_1 : i32
    "tpu.region"() ({
      %run_scoped3A = tpu.sem_alloc : memref<!tpu.dma_semaphore, #tpu.memory_space<semaphore_mem>>
      %dma_start3A = tpu.memref_slice %arg3[%mul3A_2] : memref<10256xf32, #tpu.memory_space<hbm>> -> memref<336xf32, #tpu.memory_space<hbm>>
      %dma_start3A_31 = tpu.memref_slice %arg3[%mul3A_2] : memref<10256xf32, #tpu.memory_space<hbm>> -> memref<336xf32, #tpu.memory_space<hbm>>
      tpu.enqueue_dma source(%dma_start3A_31 : memref<336xf32, #tpu.memory_space<hbm>>) target(%arg7 : memref<336xf32, #tpu.memory_space<vmem>>) target_semaphore(%run_scoped3A : memref<!tpu.dma_semaphore, #tpu.memory_space<semaphore_mem>>)
      %dma_wait3A = tpu.memref_slice %arg3[%mul3A_2] : memref<10256xf32, #tpu.memory_space<hbm>> -> memref<336xf32, #tpu.memory_space<hbm>>
      %dma_wait3A_32 = tpu.memref_slice %arg3[%mul3A_2] : memref<10256xf32, #tpu.memory_space<hbm>> -> memref<336xf32, #tpu.memory_space<hbm>>
      tpu.wait_dma2 semaphore(%run_scoped3A : memref<!tpu.dma_semaphore, #tpu.memory_space<semaphore_mem>>) src(%dma_wait3A_32 : memref<336xf32, #tpu.memory_space<hbm>>) dst(%arg7 : memref<336xf32, #tpu.memory_space<vmem>>)
      tpu.yield
    }) : () -> ()
    "tpu.region"() ({
      %run_scoped3A = tpu.sem_alloc : memref<!tpu.dma_semaphore, #tpu.memory_space<semaphore_mem>>
      %dma_start3A = tpu.memref_slice %arg4[%mul3A_2] : memref<10256xf32, #tpu.memory_space<hbm>> -> memref<336xf32, #tpu.memory_space<hbm>>
      %dma_start3A_31 = tpu.memref_slice %arg4[%mul3A_2] : memref<10256xf32, #tpu.memory_space<hbm>> -> memref<336xf32, #tpu.memory_space<hbm>>
      tpu.enqueue_dma source(%dma_start3A_31 : memref<336xf32, #tpu.memory_space<hbm>>) target(%arg8 : memref<336xf32, #tpu.memory_space<vmem>>) target_semaphore(%run_scoped3A : memref<!tpu.dma_semaphore, #tpu.memory_space<semaphore_mem>>)
      %dma_wait3A = tpu.memref_slice %arg4[%mul3A_2] : memref<10256xf32, #tpu.memory_space<hbm>> -> memref<336xf32, #tpu.memory_space<hbm>>
      %dma_wait3A_32 = tpu.memref_slice %arg4[%mul3A_2] : memref<10256xf32, #tpu.memory_space<hbm>> -> memref<336xf32, #tpu.memory_space<hbm>>
      tpu.wait_dma2 semaphore(%run_scoped3A : memref<!tpu.dma_semaphore, #tpu.memory_space<semaphore_mem>>) src(%dma_wait3A_32 : memref<336xf32, #tpu.memory_space<hbm>>) dst(%arg8 : memref<336xf32, #tpu.memory_space<vmem>>)
      tpu.yield
    }) : () -> ()
    "tpu.region"() ({
      %run_scoped3A = tpu.sem_alloc : memref<!tpu.dma_semaphore, #tpu.memory_space<semaphore_mem>>
      tpu.enqueue_dma source(%arg5 : memref<64xi32, #tpu.memory_space<hbm>>) target(%arg9 : memref<64xi32, #tpu.memory_space<vmem>>) target_semaphore(%run_scoped3A : memref<!tpu.dma_semaphore, #tpu.memory_space<semaphore_mem>>)
      tpu.wait_dma2 semaphore(%run_scoped3A : memref<!tpu.dma_semaphore, #tpu.memory_space<semaphore_mem>>) src(%arg5 : memref<64xi32, #tpu.memory_space<hbm>>) dst(%arg9 : memref<64xi32, #tpu.memory_space<vmem>>)
      tpu.yield
    }) : () -> ()
    %iota3A = tpu.iota {dimensions = array<i32: 0>} : vector<16xi32>
    %eq3A = arith.constant 0 : i32
    %eq3A_3 = vector.broadcast %eq3A : i32 to vector<16xi32>
    %eq3A_4 = arith.cmpi eq, %iota3A, %eq3A_3 : vector<16xi32>
    %broadcast_in_dim3A = arith.constant 0.000000e+00 : f32
    %broadcast_in_dim3A_5 = vector.broadcast %broadcast_in_dim3A : f32 to vector<16xf32>
    %broadcast_in_dim3A_6 = arith.constant 0 : i32
    %broadcast_in_dim3A_7 = vector.broadcast %broadcast_in_dim3A_6 : i32 to vector<16xi32>
    %add3A_8 = arith.constant 1 : i32
    %add3A_9 = vector.broadcast %add3A_8 : i32 to vector<16xi32>
    %add3A_10 = arith.addi %broadcast_in_dim3A_7, %add3A_9 : vector<16xi32>
    %add3A_11 = arith.constant 2 : i32
    %add3A_12 = vector.broadcast %add3A_11 : i32 to vector<16xi32>
    %add3A_13 = arith.addi %broadcast_in_dim3A_7, %add3A_12 : vector<16xi32>
    %add3A_14 = arith.constant 3 : i32
    %add3A_15 = vector.broadcast %add3A_14 : i32 to vector<16xi32>
    %add3A_16 = arith.addi %broadcast_in_dim3A_7, %add3A_15 : vector<16xi32>
    %add3A_17 = arith.constant 4 : i32
    %add3A_18 = vector.broadcast %add3A_17 : i32 to vector<16xi32>
    %add3A_19 = arith.addi %broadcast_in_dim3A_7, %add3A_18 : vector<16xi32>
    %add3A_20 = arith.constant 5 : i32
    %add3A_21 = vector.broadcast %add3A_20 : i32 to vector<16xi32>
    %add3A_22 = arith.addi %broadcast_in_dim3A_7, %add3A_21 : vector<16xi32>
    %add3A_23 = arith.constant 6 : i32
    %add3A_24 = vector.broadcast %add3A_23 : i32 to vector<16xi32>
    %add3A_25 = arith.addi %broadcast_in_dim3A_7, %add3A_24 : vector<16xi32>
    %scan3A = arith.constant 0 : i32
    %scan3A_26 = arith.constant 0 : i32
    %scan3A_27 = arith.constant 320 : i32
    %scan3A_28 = arith.addi %scan3A_26, %scan3A_27 : i32
    %scan3A_29 = arith.constant 1 : i32
    scf.for %scan3A_31 = %scan3A_26 to %scan3A_28 step %scan3A_29  : i32 {
      %add3A_32 = arith.addi %mul3A_2, %scan3A_31 : i32
      %lt3A = arith.constant 10000 : i32
      %lt3A_33 = arith.cmpi slt, %add3A_32, %lt3A : i32
      %convert_element_type3A = arith.extui %lt3A_33 : i1 to i32
      %cond3A = arith.constant 0 : i32
      %cond3A_34 = arith.cmpi ne, %convert_element_type3A, %cond3A : i32
      scf.if %cond3A_34 {
        %get3A = arith.index_cast %scan3A_31 : i32 to index
        %get3A_35 = tpu.vector_load %arg7[%get3A] {strides = array<i32>} : memref<336xf32, #tpu.memory_space<vmem>>, vector<16xf32>,
        %slice3A = vector.extract_strided_slice %get3A_35 {offsets = [0], sizes = [1], strides = [1]} : vector<16xf32> to vector<1xf32>
        %squeeze3A = vector.extract %slice3A[0] : f32 from vector<1xf32>
        %convert_element_type3A_36 = arith.fptosi %squeeze3A : f32 to i32
        %get3A_37 = arith.index_cast %scan3A_31 : i32 to index
        %get3A_38 = tpu.vector_load %arg8[%get3A_37] {strides = array<i32>} : memref<336xf32, #tpu.memory_space<vmem>>, vector<16xf32>,
        %slice3A_39 = vector.extract_strided_slice %get3A_38 {offsets = [0], sizes = [1], strides = [1]} : vector<16xf32> to vector<1xf32>
        %squeeze3A_40 = vector.extract %slice3A_39[0] : f32 from vector<1xf32>
        %convert_element_type3A_41 = arith.fptosi %squeeze3A_40 : f32 to i32
        %swap3A = arith.constant 0 : index
        %swap3A_42 = tpu.vector_load %arg11[%swap3A] {strides = array<i32>} : memref<448xf32, #tpu.memory_space<vmem>>, vector<16xf32>,
        tpu.vector_store %arg11[%swap3A], %broadcast_in_dim3A_5 {strides = array<i32>} : memref<448xf32, #tpu.memory_space<vmem>>, vector<16xf32>,
        %swap3A_43 = arith.constant 16 : index
        %swap3A_44 = tpu.vector_load %arg11[%swap3A_43] {strides = array<i32>} : memref<448xf32, #tpu.memory_space<vmem>>, vector<16xf32>,
        tpu.vector_store %arg11[%swap3A_43], %broadcast_in_dim3A_5 {strides = array<i32>} : memref<448xf32, #tpu.memory_space<vmem>>, vector<16xf32>,
        %swap3A_45 = arith.constant 32 : index
        %swap3A_46 = tpu.vector_load %arg11[%swap3A_45] {strides = array<i32>} : memref<448xf32, #tpu.memory_space<vmem>>, vector<16xf32>,
        tpu.vector_store %arg11[%swap3A_45], %broadcast_in_dim3A_5 {strides = array<i32>} : memref<448xf32, #tpu.memory_space<vmem>>, vector<16xf32>,
        %swap3A_47 = arith.constant 48 : index
        %swap3A_48 = tpu.vector_load %arg11[%swap3A_47] {strides = array<i32>} : memref<448xf32, #tpu.memory_space<vmem>>, vector<16xf32>,
        tpu.vector_store %arg11[%swap3A_47], %broadcast_in_dim3A_5 {strides = array<i32>} : memref<448xf32, #tpu.memory_space<vmem>>, vector<16xf32>,
        %swap3A_49 = arith.constant 64 : index
        %swap3A_50 = tpu.vector_load %arg11[%swap3A_49] {strides = array<i32>} : memref<448xf32, #tpu.memory_space<vmem>>, vector<16xf32>,
        tpu.vector_store %arg11[%swap3A_49], %broadcast_in_dim3A_5 {strides = array<i32>} : memref<448xf32, #tpu.memory_space<vmem>>, vector<16xf32>,
        %swap3A_51 = arith.constant 80 : index
        %swap3A_52 = tpu.vector_load %arg11[%swap3A_51] {strides = array<i32>} : memref<448xf32, #tpu.memory_space<vmem>>, vector<16xf32>,
        tpu.vector_store %arg11[%swap3A_51], %broadcast_in_dim3A_5 {strides = array<i32>} : memref<448xf32, #tpu.memory_space<vmem>>, vector<16xf32>,
        %swap3A_53 = arith.constant 96 : index
        %swap3A_54 = tpu.vector_load %arg11[%swap3A_53] {strides = array<i32>} : memref<448xf32, #tpu.memory_space<vmem>>, vector<16xf32>,
        tpu.vector_store %arg11[%swap3A_53], %broadcast_in_dim3A_5 {strides = array<i32>} : memref<448xf32, #tpu.memory_space<vmem>>, vector<16xf32>,
        %swap3A_55 = arith.constant 112 : index
        %swap3A_56 = tpu.vector_load %arg11[%swap3A_55] {strides = array<i32>} : memref<448xf32, #tpu.memory_space<vmem>>, vector<16xf32>,
        tpu.vector_store %arg11[%swap3A_55], %broadcast_in_dim3A_5 {strides = array<i32>} : memref<448xf32, #tpu.memory_space<vmem>>, vector<16xf32>,
        %swap3A_57 = arith.constant 128 : index
        %swap3A_58 = tpu.vector_load %arg11[%swap3A_57] {strides = array<i32>} : memref<448xf32, #tpu.memory_space<vmem>>, vector<16xf32>,
        tpu.vector_store %arg11[%swap3A_57], %broadcast_in_dim3A_5 {strides = array<i32>} : memref<448xf32, #tpu.memory_space<vmem>>, vector<16xf32>,
        %swap3A_59 = arith.constant 144 : index
        %swap3A_60 = tpu.vector_load %arg11[%swap3A_59] {strides = array<i32>} : memref<448xf32, #tpu.memory_space<vmem>>, vector<16xf32>,
        tpu.vector_store %arg11[%swap3A_59], %broadcast_in_dim3A_5 {strides = array<i32>} : memref<448xf32, #tpu.memory_space<vmem>>, vector<16xf32>,
        %swap3A_61 = arith.constant 160 : index
        %swap3A_62 = tpu.vector_load %arg11[%swap3A_61] {strides = array<i32>} : memref<448xf32, #tpu.memory_space<vmem>>, vector<16xf32>,
        tpu.vector_store %arg11[%swap3A_61], %broadcast_in_dim3A_5 {strides = array<i32>} : memref<448xf32, #tpu.memory_space<vmem>>, vector<16xf32>,
        %swap3A_63 = arith.constant 176 : index
        %swap3A_64 = tpu.vector_load %arg11[%swap3A_63] {strides = array<i32>} : memref<448xf32, #tpu.memory_space<vmem>>, vector<16xf32>,
        tpu.vector_store %arg11[%swap3A_63], %broadcast_in_dim3A_5 {strides = array<i32>} : memref<448xf32, #tpu.memory_space<vmem>>, vector<16xf32>,
        %swap3A_65 = arith.constant 192 : index
        %swap3A_66 = tpu.vector_load %arg11[%swap3A_65] {strides = array<i32>} : memref<448xf32, #tpu.memory_space<vmem>>, vector<16xf32>,
        tpu.vector_store %arg11[%swap3A_65], %broadcast_in_dim3A_5 {strides = array<i32>} : memref<448xf32, #tpu.memory_space<vmem>>, vector<16xf32>,
        %swap3A_67 = arith.constant 208 : index
        %swap3A_68 = tpu.vector_load %arg11[%swap3A_67] {strides = array<i32>} : memref<448xf32, #tpu.memory_space<vmem>>, vector<16xf32>,
        tpu.vector_store %arg11[%swap3A_67], %broadcast_in_dim3A_5 {strides = array<i32>} : memref<448xf32, #tpu.memory_space<vmem>>, vector<16xf32>,
        %swap3A_69 = arith.constant 224 : index
        %swap3A_70 = tpu.vector_load %arg11[%swap3A_69] {strides = array<i32>} : memref<448xf32, #tpu.memory_space<vmem>>, vector<16xf32>,
        tpu.vector_store %arg11[%swap3A_69], %broadcast_in_dim3A_5 {strides = array<i32>} : memref<448xf32, #tpu.memory_space<vmem>>, vector<16xf32>,
        %swap3A_71 = arith.constant 240 : index
        %swap3A_72 = tpu.vector_load %arg11[%swap3A_71] {strides = array<i32>} : memref<448xf32, #tpu.memory_space<vmem>>, vector<16xf32>,
        tpu.vector_store %arg11[%swap3A_71], %broadcast_in_dim3A_5 {strides = array<i32>} : memref<448xf32, #tpu.memory_space<vmem>>, vector<16xf32>,
        %swap3A_73 = arith.constant 256 : index
        %swap3A_74 = tpu.vector_load %arg11[%swap3A_73] {strides = array<i32>} : memref<448xf32, #tpu.memory_space<vmem>>, vector<16xf32>,
        tpu.vector_store %arg11[%swap3A_73], %broadcast_in_dim3A_5 {strides = array<i32>} : memref<448xf32, #tpu.memory_space<vmem>>, vector<16xf32>,
        %swap3A_75 = arith.constant 272 : index
        %swap3A_76 = tpu.vector_load %arg11[%swap3A_75] {strides = array<i32>} : memref<448xf32, #tpu.memory_space<vmem>>, vector<16xf32>,
        tpu.vector_store %arg11[%swap3A_75], %broadcast_in_dim3A_5 {strides = array<i32>} : memref<448xf32, #tpu.memory_space<vmem>>, vector<16xf32>,
        %swap3A_77 = arith.constant 288 : index
        %swap3A_78 = tpu.vector_load %arg11[%swap3A_77] {strides = array<i32>} : memref<448xf32, #tpu.memory_space<vmem>>, vector<16xf32>,
        tpu.vector_store %arg11[%swap3A_77], %broadcast_in_dim3A_5 {strides = array<i32>} : memref<448xf32, #tpu.memory_space<vmem>>, vector<16xf32>,
        %swap3A_79 = arith.constant 304 : index
        %swap3A_80 = tpu.vector_load %arg11[%swap3A_79] {strides = array<i32>} : memref<448xf32, #tpu.memory_space<vmem>>, vector<16xf32>,
        tpu.vector_store %arg11[%swap3A_79], %broadcast_in_dim3A_5 {strides = array<i32>} : memref<448xf32, #tpu.memory_space<vmem>>, vector<16xf32>,
        %swap3A_81 = arith.constant 320 : index
        %swap3A_82 = tpu.vector_load %arg11[%swap3A_81] {strides = array<i32>} : memref<448xf32, #tpu.memory_space<vmem>>, vector<16xf32>,
        tpu.vector_store %arg11[%swap3A_81], %broadcast_in_dim3A_5 {strides = array<i32>} : memref<448xf32, #tpu.memory_space<vmem>>, vector<16xf32>,
        %swap3A_83 = arith.constant 336 : index
        %swap3A_84 = tpu.vector_load %arg11[%swap3A_83] {strides = array<i32>} : memref<448xf32, #tpu.memory_space<vmem>>, vector<16xf32>,
        tpu.vector_store %arg11[%swap3A_83], %broadcast_in_dim3A_5 {strides = array<i32>} : memref<448xf32, #tpu.memory_space<vmem>>, vector<16xf32>,
        %swap3A_85 = arith.constant 352 : index
        %swap3A_86 = tpu.vector_load %arg11[%swap3A_85] {strides = array<i32>} : memref<448xf32, #tpu.memory_space<vmem>>, vector<16xf32>,
        tpu.vector_store %arg11[%swap3A_85], %broadcast_in_dim3A_5 {strides = array<i32>} : memref<448xf32, #tpu.memory_space<vmem>>, vector<16xf32>,
        %swap3A_87 = arith.constant 368 : index
        %swap3A_88 = tpu.vector_load %arg11[%swap3A_87] {strides = array<i32>} : memref<448xf32, #tpu.memory_space<vmem>>, vector<16xf32>,
        tpu.vector_store %arg11[%swap3A_87], %broadcast_in_dim3A_5 {strides = array<i32>} : memref<448xf32, #tpu.memory_space<vmem>>, vector<16xf32>,
        %swap3A_89 = arith.constant 384 : index
        %swap3A_90 = tpu.vector_load %arg11[%swap3A_89] {strides = array<i32>} : memref<448xf32, #tpu.memory_space<vmem>>, vector<16xf32>,
        tpu.vector_store %arg11[%swap3A_89], %broadcast_in_dim3A_5 {strides = array<i32>} : memref<448xf32, #tpu.memory_space<vmem>>, vector<16xf32>,
        %swap3A_91 = arith.constant 400 : index
        %swap3A_92 = tpu.vector_load %arg11[%swap3A_91] {strides = array<i32>} : memref<448xf32, #tpu.memory_space<vmem>>, vector<16xf32>,
        tpu.vector_store %arg11[%swap3A_91], %broadcast_in_dim3A_5 {strides = array<i32>} : memref<448xf32, #tpu.memory_space<vmem>>, vector<16xf32>,
        %swap3A_93 = arith.constant 416 : index
        %swap3A_94 = tpu.vector_load %arg11[%swap3A_93] {strides = array<i32>} : memref<448xf32, #tpu.memory_space<vmem>>, vector<16xf32>,
        tpu.vector_store %arg11[%swap3A_93], %broadcast_in_dim3A_5 {strides = array<i32>} : memref<448xf32, #tpu.memory_space<vmem>>, vector<16xf32>,
        %swap3A_95 = arith.constant 432 : index
        %swap3A_96 = tpu.vector_load %arg11[%swap3A_95] {strides = array<i32>} : memref<448xf32, #tpu.memory_space<vmem>>, vector<16xf32>,
        tpu.vector_store %arg11[%swap3A_95], %broadcast_in_dim3A_5 {strides = array<i32>} : memref<448xf32, #tpu.memory_space<vmem>>, vector<16xf32>,
        %ge3A = arith.constant 2 : i32
        %ge3A_97 = arith.cmpi sge, %convert_element_type3A_41, %ge3A : i32
        %convert_element_type3A_98 = arith.extui %ge3A_97 : i1 to i32
        %cond3A_99 = arith.constant 0 : i32
        %cond3A_100 = arith.cmpi ne, %convert_element_type3A_98, %cond3A_99 : i32
        scf.if %cond3A_100 {
          %mul3A_103 = arith.constant 8 : i32
          %mul3A_104 = arith.muli %convert_element_type3A_36, %mul3A_103 : i32
          "tpu.region"() ({
            %run_scoped3A = tpu.sem_alloc : memref<!tpu.dma_semaphore, #tpu.memory_space<semaphore_mem>>
            %dma_start3A = tpu.memref_slice %arg2[%mul3A_104] : memref<2560768xf32, #tpu.memory_space<hbm>> -> memref<768xf32, #tpu.memory_space<hbm>>
            %dma_start3A_114 = tpu.memref_slice %arg2[%mul3A_104] : memref<2560768xf32, #tpu.memory_space<hbm>> -> memref<768xf32, #tpu.memory_space<hbm>>
            tpu.enqueue_dma source(%dma_start3A_114 : memref<768xf32, #tpu.memory_space<hbm>>) target(%arg10 : memref<768xf32, #tpu.memory_space<vmem>>) target_semaphore(%run_scoped3A : memref<!tpu.dma_semaphore, #tpu.memory_space<semaphore_mem>>)
            %dma_wait3A = tpu.memref_slice %arg2[%mul3A_104] : memref<2560768xf32, #tpu.memory_space<hbm>> -> memref<768xf32, #tpu.memory_space<hbm>>
            %dma_wait3A_115 = tpu.memref_slice %arg2[%mul3A_104] : memref<2560768xf32, #tpu.memory_space<hbm>> -> memref<768xf32, #tpu.memory_space<hbm>>
            tpu.wait_dma2 semaphore(%run_scoped3A : memref<!tpu.dma_semaphore, #tpu.memory_space<semaphore_mem>>) src(%dma_wait3A_115 : memref<768xf32, #tpu.memory_space<hbm>>) dst(%arg10 : memref<768xf32, #tpu.memory_space<vmem>>)
            tpu.yield
          }) : () -> ()
          %while3A = arith.constant 0 : i32
          %while3A_105 = arith.constant 1 : i32
          %while3A_106 = arith.subi %convert_element_type3A_41, %while3A_105 : i32
          %while3A_107 = arith.addi %while3A_105, %while3A_106 : i32
          %while3A_108 = arith.constant 1 : i32
          %while3A_109 = arith.divsi %while3A_106, %while3A_108 : i32
          %while3A_110 = arith.muli %while3A_109, %while3A_108 : i32
          %while3A_111 = arith.addi %while3A_105, %while3A_110 : i32
          %while3A_112 = arith.constant 1 : i32
          scf.for %while3A_114 = %while3A_105 to %while3A_111 step %while3A_112  : i32 {
            %mul3A_115 = arith.constant 8 : i32
            %mul3A_116 = arith.muli %while3A_114, %mul3A_115 : i32
            %broadcast_in_dim3A_117 = vector.broadcast %mul3A_116 : i32 to vector<16xi32>
            %gather3A = tpu.vector_load_idx %arg10[%broadcast_in_dim3A_117] : memref<768xf32, #tpu.memory_space<vmem>>[vector<16xi32>], vector<16xf32>,
            %add3A_118 = arith.addi %broadcast_in_dim3A_117, %add3A_10 : vector<16xi32>
            %gather3A_119 = tpu.vector_load_idx %arg10[%add3A_118] : memref<768xf32, #tpu.memory_space<vmem>>[vector<16xi32>], vector<16xf32>,
            %add3A_120 = arith.addi %broadcast_in_dim3A_117, %add3A_13 : vector<16xi32>
            %gather3A_121 = tpu.vector_load_idx %arg10[%add3A_120] : memref<768xf32, #tpu.memory_space<vmem>>[vector<16xi32>], vector<16xf32>,
            %add3A_122 = arith.addi %broadcast_in_dim3A_117, %add3A_16 : vector<16xi32>
            %gather3A_123 = tpu.vector_load_idx %arg10[%add3A_122] : memref<768xf32, #tpu.memory_space<vmem>>[vector<16xi32>], vector<16xf32>,
            %add3A_124 = arith.addi %broadcast_in_dim3A_117, %add3A_19 : vector<16xi32>
            %gather3A_125 = tpu.vector_load_idx %arg10[%add3A_124] : memref<768xf32, #tpu.memory_space<vmem>>[vector<16xi32>], vector<16xf32>,
            %add3A_126 = arith.addi %broadcast_in_dim3A_117, %add3A_25 : vector<16xi32>
            %gather3A_127 = tpu.vector_load_idx %arg10[%add3A_126] : memref<768xf32, #tpu.memory_space<vmem>>[vector<16xi32>], vector<16xf32>,
            %add3A_128 = arith.constant 15 : i32
            %add3A_129 = arith.addi %while3A_114, %add3A_128 : i32
            %shift_right_arithmetic3A = arith.constant 4 : i32
            %shift_right_arithmetic3A_130 = arith.shrsi %add3A_129, %shift_right_arithmetic3A : i32
            %while3A_131 = arith.constant 0 : i32
            %while3A_132 = arith.constant 0 : i32
            %while3A_133 = arith.subi %shift_right_arithmetic3A_130, %while3A_132 : i32
            %while3A_134 = arith.addi %while3A_132, %while3A_133 : i32
            %while3A_135 = arith.constant 1 : i32
            %while3A_136 = arith.divsi %while3A_133, %while3A_135 : i32
            %while3A_137 = arith.muli %while3A_136, %while3A_135 : i32
            %while3A_138 = arith.addi %while3A_132, %while3A_137 : i32
            %while3A_139 = arith.constant 1 : i32
            scf.for %while3A_141 = %while3A_132 to %while3A_138 step %while3A_139  : i32 {
              %mul3A_142 = arith.constant 16 : i32
              %mul3A_143 = arith.muli %while3A_141, %mul3A_142 : i32
              %add3A_144 = vector.broadcast %mul3A_143 : i32 to vector<16xi32>
              %add3A_145 = arith.addi %add3A_144, %iota3A : vector<16xi32>
              %lt3A_146 = vector.broadcast %while3A_114 : i32 to vector<16xi32>
              %lt3A_147 = arith.cmpi slt, %add3A_145, %lt3A_146 : vector<16xi32>
              %mul3A_148 = arith.constant 8 : i32
              %mul3A_149 = vector.broadcast %mul3A_148 : i32 to vector<16xi32>
              %mul3A_150 = arith.muli %add3A_145, %mul3A_149 : vector<16xi32>
              %gather3A_151 = tpu.vector_load_idx %arg10[%mul3A_150] masked %lt3A_147 : memref<768xf32, #tpu.memory_space<vmem>>[vector<16xi32>], vector<16xf32>, vector<16xi1>
              %add3A_152 = arith.addi %mul3A_150, %add3A_10 : vector<16xi32>
              %gather3A_153 = tpu.vector_load_idx %arg10[%add3A_152] masked %lt3A_147 : memref<768xf32, #tpu.memory_space<vmem>>[vector<16xi32>], vector<16xf32>, vector<16xi1>
              %add3A_154 = arith.addi %mul3A_150, %add3A_13 : vector<16xi32>
              %gather3A_155 = tpu.vector_load_idx %arg10[%add3A_154] masked %lt3A_147 : memref<768xf32, #tpu.memory_space<vmem>>[vector<16xi32>], vector<16xf32>, vector<16xi1>
              %add3A_156 = arith.addi %mul3A_150, %add3A_16 : vector<16xi32>
              %gather3A_157 = tpu.vector_load_idx %arg10[%add3A_156] masked %lt3A_147 : memref<768xf32, #tpu.memory_space<vmem>>[vector<16xi32>], vector<16xf32>, vector<16xi1>
              %add3A_158 = arith.addi %mul3A_150, %add3A_19 : vector<16xi32>
              %gather3A_159 = tpu.vector_load_idx %arg10[%add3A_158] masked %lt3A_147 : memref<768xf32, #tpu.memory_space<vmem>>[vector<16xi32>], vector<16xf32>, vector<16xi1>
              %add3A_160 = arith.addi %mul3A_150, %add3A_22 : vector<16xi32>
              %gather3A_161 = tpu.vector_load_idx %arg10[%add3A_160] masked %lt3A_147 : memref<768xf32, #tpu.memory_space<vmem>>[vector<16xi32>], vector<16xf32>, vector<16xi1>
              %mul3A_162 = arith.mulf %gather3A_151, %gather3A : vector<16xf32>
              %mul3A_163 = arith.mulf %gather3A_153, %gather3A_119 : vector<16xf32>
              %add3A_164 = arith.addf %mul3A_162, %mul3A_163 : vector<16xf32>
              %mul3A_165 = arith.mulf %gather3A_155, %gather3A_121 : vector<16xf32>
              %add3A_166 = arith.addf %add3A_164, %mul3A_165 : vector<16xf32>
              %mul3A_167 = arith.constant 0.949999988 : f32
              %mul3A_168 = vector.broadcast %mul3A_167 : f32 to vector<16xf32>
              %mul3A_169 = arith.mulf %mul3A_168, %add3A_166 : vector<16xf32>
              %mul3A_170 = arith.mulf %gather3A_157, %gather3A_123 : vector<16xf32>
              %div3A = arith.divf %mul3A_169, %mul3A_170 : vector<16xf32>
              %jit3A = arith.constant -9.800000e-01 : f32
              %jit3A_171 = arith.constant 9.800000e-01 : f32
              %max3A = vector.broadcast %jit3A : f32 to vector<16xf32>
              %max3A_172 = arith.maximumf %max3A, %div3A : vector<16xf32>
              %min3A = vector.broadcast %jit3A_171 : f32 to vector<16xf32>
              %min3A_173 = arith.minimumf %min3A, %max3A_172 : vector<16xf32>
              %mul3A_174 = arith.mulf %min3A_173, %min3A_173 : vector<16xf32>
              %sub3A = arith.constant 1.000000e+00 : f32
              %sub3A_175 = vector.broadcast %sub3A : f32 to vector<16xf32>
              %sub3A_176 = arith.subf %sub3A_175, %mul3A_174 : vector<16xf32>
              %bitcast3A = vector.bitcast %sub3A_176 : vector<16xf32> to vector<16xi32>
              %shift_right_arithmetic3A_177 = arith.constant 1 : i32
              %shift_right_arithmetic3A_178 = vector.broadcast %shift_right_arithmetic3A_177 : i32 to vector<16xi32>
              %shift_right_arithmetic3A_179 = arith.shrsi %bitcast3A, %shift_right_arithmetic3A_178 : vector<16xi32>
              %sub3A_180 = arith.constant 1597463007 : i32
              %sub3A_181 = vector.broadcast %sub3A_180 : i32 to vector<16xi32>
              %sub3A_182 = arith.subi %sub3A_181, %shift_right_arithmetic3A_179 : vector<16xi32>
              %bitcast3A_183 = vector.bitcast %sub3A_182 : vector<16xi32> to vector<16xf32>
              %mul3A_184 = arith.constant 5.000000e-01 : f32
              %mul3A_185 = vector.broadcast %mul3A_184 : f32 to vector<16xf32>
              %mul3A_186 = arith.mulf %mul3A_185, %sub3A_176 : vector<16xf32>
              %mul3A_187 = arith.mulf %mul3A_186, %bitcast3A_183 : vector<16xf32>
              %mul3A_188 = arith.mulf %mul3A_187, %bitcast3A_183 : vector<16xf32>
              %sub3A_189 = arith.constant 1.500000e+00 : f32
              %sub3A_190 = vector.broadcast %sub3A_189 : f32 to vector<16xf32>
              %sub3A_191 = arith.subf %sub3A_190, %mul3A_188 : vector<16xf32>
              %mul3A_192 = arith.mulf %bitcast3A_183, %sub3A_191 : vector<16xf32>
              %mul3A_193 = arith.constant 5.000000e-01 : f32
              %mul3A_194 = vector.broadcast %mul3A_193 : f32 to vector<16xf32>
              %mul3A_195 = arith.mulf %mul3A_194, %sub3A_176 : vector<16xf32>
              %mul3A_196 = arith.mulf %mul3A_195, %mul3A_192 : vector<16xf32>
              %mul3A_197 = arith.mulf %mul3A_196, %mul3A_192 : vector<16xf32>
              %sub3A_198 = arith.constant 1.500000e+00 : f32
              %sub3A_199 = vector.broadcast %sub3A_198 : f32 to vector<16xf32>
              %sub3A_200 = arith.subf %sub3A_199, %mul3A_197 : vector<16xf32>
              %mul3A_201 = arith.mulf %mul3A_192, %sub3A_200 : vector<16xf32>
              %mul3A_202 = arith.mulf %sub3A_176, %mul3A_201 : vector<16xf32>
              %add3A_203 = arith.addf %gather3A_157, %gather3A_123 : vector<16xf32>
              %mul3A_204 = arith.constant 5.000000e-01 : f32
              %mul3A_205 = vector.broadcast %mul3A_204 : f32 to vector<16xf32>
              %mul3A_206 = arith.mulf %mul3A_205, %add3A_203 : vector<16xf32>
              %mul3A_207 = arith.constant 2.000000e+00 : f32
              %mul3A_208 = vector.broadcast %mul3A_207 : f32 to vector<16xf32>
              %mul3A_209 = arith.mulf %mul3A_208, %gather3A_159 : vector<16xf32>
              %mul3A_210 = arith.mulf %mul3A_209, %gather3A_125 : vector<16xf32>
              %add3A_211 = arith.addf %gather3A_161, %gather3A_127 : vector<16xf32>
              %convert_element_type3A_212 = arith.fptosi %add3A_211 : vector<16xf32> to vector<16xi32>
              %gather3A_213 = tpu.vector_load_idx %arg9[%convert_element_type3A_212] masked %lt3A_147 : memref<64xi32, #tpu.memory_space<vmem>>[vector<16xi32>], vector<16xi32>, vector<16xi1>
              %sub3A_214 = arith.constant 8.000000e-01 : f32
              %sub3A_215 = vector.broadcast %sub3A_214 : f32 to vector<16xf32>
              %sub3A_216 = arith.subf %mul3A_206, %sub3A_215 : vector<16xf32>
              %mul3A_217 = arith.constant -1.250000e+01 : f32
              %mul3A_218 = vector.broadcast %mul3A_217 : f32 to vector<16xf32>
              %mul3A_219 = arith.mulf %mul3A_218, %sub3A_216 : vector<16xf32>
              %mul3A_220 = arith.mulf %mul3A_219, %sub3A_216 : vector<16xf32>
              %exp3A = math.exp %mul3A_220 : vector<16xf32>
              %sub3A_221 = arith.constant 1.475000e+00 : f32
              %sub3A_222 = vector.broadcast %sub3A_221 : f32 to vector<16xf32>
              %sub3A_223 = arith.subf %mul3A_206, %sub3A_222 : vector<16xf32>
              %mul3A_224 = arith.constant -1.250000e+01 : f32
              %mul3A_225 = vector.broadcast %mul3A_224 : f32 to vector<16xf32>
              %mul3A_226 = arith.mulf %mul3A_225, %sub3A_223 : vector<16xf32>
              %mul3A_227 = arith.mulf %mul3A_226, %sub3A_223 : vector<16xf32>
              %exp3A_228 = math.exp %mul3A_227 : vector<16xf32>
              %sub3A_229 = arith.constant 2.150000e+00 : f32
              %sub3A_230 = vector.broadcast %sub3A_229 : f32 to vector<16xf32>
              %sub3A_231 = arith.subf %mul3A_206, %sub3A_230 : vector<16xf32>
              %mul3A_232 = arith.constant -1.250000e+01 : f32
              %mul3A_233 = vector.broadcast %mul3A_232 : f32 to vector<16xf32>
              %mul3A_234 = arith.mulf %mul3A_233, %sub3A_231 : vector<16xf32>
              %mul3A_235 = arith.mulf %mul3A_234, %sub3A_231 : vector<16xf32>
              %exp3A_236 = math.exp %mul3A_235 : vector<16xf32>
              %sub3A_237 = arith.constant 2.825000e+00 : f32
              %sub3A_238 = vector.broadcast %sub3A_237 : f32 to vector<16xf32>
              %sub3A_239 = arith.subf %mul3A_206, %sub3A_238 : vector<16xf32>
              %mul3A_240 = arith.constant -1.250000e+01 : f32
              %mul3A_241 = vector.broadcast %mul3A_240 : f32 to vector<16xf32>
              %mul3A_242 = arith.mulf %mul3A_241, %sub3A_239 : vector<16xf32>
              %mul3A_243 = arith.mulf %mul3A_242, %sub3A_239 : vector<16xf32>
              %exp3A_244 = math.exp %mul3A_243 : vector<16xf32>
              %mul3A_245 = arith.constant 0.923879504 : f32
              %mul3A_246 = vector.broadcast %mul3A_245 : f32 to vector<16xf32>
              %mul3A_247 = arith.mulf %min3A_173, %mul3A_246 : vector<16xf32>
              %mul3A_248 = arith.constant 0.382683456 : f32
              %mul3A_249 = vector.broadcast %mul3A_248 : f32 to vector<16xf32>
              %mul3A_250 = arith.mulf %mul3A_202, %mul3A_249 : vector<16xf32>
              %add3A_251 = arith.addf %mul3A_247, %mul3A_250 : vector<16xf32>
              %mul3A_252 = arith.constant 5.000000e-01 : f32
              %mul3A_253 = vector.broadcast %mul3A_252 : f32 to vector<16xf32>
              %mul3A_254 = arith.mulf %mul3A_253, %add3A_251 : vector<16xf32>
              %add3A_255 = arith.constant 5.000000e-01 : f32
              %add3A_256 = vector.broadcast %add3A_255 : f32 to vector<16xf32>
              %add3A_257 = arith.addf %add3A_256, %mul3A_254 : vector<16xf32>
              %bitcast3A_258 = vector.bitcast %add3A_257 : vector<16xf32> to vector<16xi32>
              %shift_right_arithmetic3A_259 = arith.constant 23 : i32
              %shift_right_arithmetic3A_260 = vector.broadcast %shift_right_arithmetic3A_259 : i32 to vector<16xi32>
              %shift_right_arithmetic3A_261 = arith.shrsi %bitcast3A_258, %shift_right_arithmetic3A_260 : vector<16xi32>
              %sub3A_262 = arith.constant 127 : i32
              %sub3A_263 = vector.broadcast %sub3A_262 : i32 to vector<16xi32>
              %sub3A_264 = arith.subi %shift_right_arithmetic3A_261, %sub3A_263 : vector<16xi32>
              %convert_element_type3A_265 = arith.sitofp %sub3A_264 : vector<16xi32> to vector<16xf32>
              %and3A = arith.constant 8388607 : i32
              %and3A_266 = vector.broadcast %and3A : i32 to vector<16xi32>
              %and3A_267 = arith.andi %bitcast3A_258, %and3A_266 : vector<16xi32>
              %or3A = arith.constant 1065353216 : i32
              %or3A_268 = vector.broadcast %or3A : i32 to vector<16xi32>
              %or3A_269 = arith.ori %and3A_267, %or3A_268 : vector<16xi32>
              %bitcast3A_270 = vector.bitcast %or3A_269 : vector<16xi32> to vector<16xf32>
              %broadcast_in_dim3A_271 = arith.constant 0.0147787211 : f32
              %broadcast_in_dim3A_272 = vector.broadcast %broadcast_in_dim3A_271 : f32 to vector<16xf32>
              %mul3A_273 = arith.mulf %broadcast_in_dim3A_272, %bitcast3A_270 : vector<16xf32>
              %add3A_274 = arith.constant -0.180299774 : f32
              %add3A_275 = vector.broadcast %add3A_274 : f32 to vector<16xf32>
              %add3A_276 = arith.addf %mul3A_273, %add3A_275 : vector<16xf32>
              %mul3A_277 = arith.mulf %add3A_276, %bitcast3A_270 : vector<16xf32>
              %add3A_278 = arith.constant 0.961866319 : f32
              %add3A_279 = vector.broadcast %add3A_278 : f32 to vector<16xf32>
              %add3A_280 = arith.addf %mul3A_277, %add3A_279 : vector<16xf32>
              %mul3A_281 = arith.mulf %add3A_280, %bitcast3A_270 : vector<16xf32>
              %add3A_282 = arith.constant -2.94520617 : f32
              %add3A_283 = vector.broadcast %add3A_282 : f32 to vector<16xf32>
              %add3A_284 = arith.addf %mul3A_281, %add3A_283 : vector<16xf32>
              %mul3A_285 = arith.mulf %add3A_284, %bitcast3A_270 : vector<16xf32>
              %add3A_286 = arith.constant 5.72340155 : f32
              %add3A_287 = vector.broadcast %add3A_286 : f32 to vector<16xf32>
              %add3A_288 = arith.addf %mul3A_285, %add3A_287 : vector<16xf32>
              %mul3A_289 = arith.mulf %add3A_288, %bitcast3A_270 : vector<16xf32>
              %add3A_290 = arith.constant -7.44387293 : f32
              %add3A_291 = vector.broadcast %add3A_290 : f32 to vector<16xf32>
              %add3A_292 = arith.addf %mul3A_289, %add3A_291 : vector<16xf32>
              %mul3A_293 = arith.mulf %add3A_292, %bitcast3A_270 : vector<16xf32>
              %add3A_294 = arith.constant 7.11003542 : f32
              %add3A_295 = vector.broadcast %add3A_294 : f32 to vector<16xf32>
              %add3A_296 = arith.addf %mul3A_293, %add3A_295 : vector<16xf32>
              %mul3A_297 = arith.mulf %add3A_296, %bitcast3A_270 : vector<16xf32>
              %add3A_298 = arith.constant -3.24070215 : f32
              %add3A_299 = vector.broadcast %add3A_298 : f32 to vector<16xf32>
              %add3A_300 = arith.addf %mul3A_297, %add3A_299 : vector<16xf32>
              %add3A_301 = arith.addf %convert_element_type3A_265, %add3A_300 : vector<16xf32>
              %mul3A_302 = arith.constant 9.77337551 : f32
              %mul3A_303 = vector.broadcast %mul3A_302 : f32 to vector<16xf32>
              %mul3A_304 = arith.mulf %mul3A_303, %add3A_301 : vector<16xf32>
              %exp3A_305 = math.exp %mul3A_304 : vector<16xf32>
              %mul3A_306 = arith.mulf %exp3A_305, %mul3A_210 : vector<16xf32>
              %mul3A_307 = arith.mulf %mul3A_306, %exp3A : vector<16xf32>
              %add3A_308 = arith.constant 0 : i32
              %add3A_309 = vector.broadcast %add3A_308 : i32 to vector<16xi32>
              %add3A_310 = arith.addi %gather3A_213, %add3A_309 : vector<16xi32>
              tpu.vector_store_idx %arg11[%add3A_310], %mul3A_307 masked %lt3A_147 {add = true} : memref<448xf32, #tpu.memory_space<vmem>>[vector<16xi32>], vector<16xf32>, vector<16xi1>
              %mul3A_311 = arith.mulf %mul3A_306, %exp3A_228 : vector<16xf32>
              %add3A_312 = arith.constant 4 : i32
              %add3A_313 = vector.broadcast %add3A_312 : i32 to vector<16xi32>
              %add3A_314 = arith.addi %gather3A_213, %add3A_313 : vector<16xi32>
              tpu.vector_store_idx %arg11[%add3A_314], %mul3A_311 masked %lt3A_147 {add = true} : memref<448xf32, #tpu.memory_space<vmem>>[vector<16xi32>], vector<16xf32>, vector<16xi1>
              %mul3A_315 = arith.mulf %mul3A_306, %exp3A_236 : vector<16xf32>
              %add3A_316 = arith.constant 8 : i32
              %add3A_317 = vector.broadcast %add3A_316 : i32 to vector<16xi32>
              %add3A_318 = arith.addi %gather3A_213, %add3A_317 : vector<16xi32>
              tpu.vector_store_idx %arg11[%add3A_318], %mul3A_315 masked %lt3A_147 {add = true} : memref<448xf32, #tpu.memory_space<vmem>>[vector<16xi32>], vector<16xf32>, vector<16xi1>
              %mul3A_319 = arith.mulf %mul3A_306, %exp3A_244 : vector<16xf32>
              %add3A_320 = arith.constant 12 : i32
              %add3A_321 = vector.broadcast %add3A_320 : i32 to vector<16xi32>
              %add3A_322 = arith.addi %gather3A_213, %add3A_321 : vector<16xi32>
              tpu.vector_store_idx %arg11[%add3A_322], %mul3A_319 masked %lt3A_147 {add = true} : memref<448xf32, #tpu.memory_space<vmem>>[vector<16xi32>], vector<16xf32>, vector<16xi1>
              %mul3A_323 = arith.constant 0.382683456 : f32
              %mul3A_324 = vector.broadcast %mul3A_323 : f32 to vector<16xf32>
              %mul3A_325 = arith.mulf %min3A_173, %mul3A_324 : vector<16xf32>
              %mul3A_326 = arith.constant 0.923879504 : f32
              %mul3A_327 = vector.broadcast %mul3A_326 : f32 to vector<16xf32>
              %mul3A_328 = arith.mulf %mul3A_202, %mul3A_327 : vector<16xf32>
              %add3A_329 = arith.addf %mul3A_325, %mul3A_328 : vector<16xf32>
              %mul3A_330 = arith.constant 5.000000e-01 : f32
              %mul3A_331 = vector.broadcast %mul3A_330 : f32 to vector<16xf32>
              %mul3A_332 = arith.mulf %mul3A_331, %add3A_329 : vector<16xf32>
              %add3A_333 = arith.constant 5.000000e-01 : f32
              %add3A_334 = vector.broadcast %add3A_333 : f32 to vector<16xf32>
              %add3A_335 = arith.addf %add3A_334, %mul3A_332 : vector<16xf32>
              %bitcast3A_336 = vector.bitcast %add3A_335 : vector<16xf32> to vector<16xi32>
              %shift_right_arithmetic3A_337 = arith.constant 23 : i32
              %shift_right_arithmetic3A_338 = vector.broadcast %shift_right_arithmetic3A_337 : i32 to vector<16xi32>
              %shift_right_arithmetic3A_339 = arith.shrsi %bitcast3A_336, %shift_right_arithmetic3A_338 : vector<16xi32>
              %sub3A_340 = arith.constant 127 : i32
              %sub3A_341 = vector.broadcast %sub3A_340 : i32 to vector<16xi32>
              %sub3A_342 = arith.subi %shift_right_arithmetic3A_339, %sub3A_341 : vector<16xi32>
              %convert_element_type3A_343 = arith.sitofp %sub3A_342 : vector<16xi32> to vector<16xf32>
              %and3A_344 = arith.constant 8388607 : i32
              %and3A_345 = vector.broadcast %and3A_344 : i32 to vector<16xi32>
              %and3A_346 = arith.andi %bitcast3A_336, %and3A_345 : vector<16xi32>
              %or3A_347 = arith.constant 1065353216 : i32
              %or3A_348 = vector.broadcast %or3A_347 : i32 to vector<16xi32>
              %or3A_349 = arith.ori %and3A_346, %or3A_348 : vector<16xi32>
              %bitcast3A_350 = vector.bitcast %or3A_349 : vector<16xi32> to vector<16xf32>
              %broadcast_in_dim3A_351 = arith.constant 0.0147787211 : f32
              %broadcast_in_dim3A_352 = vector.broadcast %broadcast_in_dim3A_351 : f32 to vector<16xf32>
              %mul3A_353 = arith.mulf %broadcast_in_dim3A_352, %bitcast3A_350 : vector<16xf32>
              %add3A_354 = arith.constant -0.180299774 : f32
              %add3A_355 = vector.broadcast %add3A_354 : f32 to vector<16xf32>
              %add3A_356 = arith.addf %mul3A_353, %add3A_355 : vector<16xf32>
              %mul3A_357 = arith.mulf %add3A_356, %bitcast3A_350 : vector<16xf32>
              %add3A_358 = arith.constant 0.961866319 : f32
              %add3A_359 = vector.broadcast %add3A_358 : f32 to vector<16xf32>
              %add3A_360 = arith.addf %mul3A_357, %add3A_359 : vector<16xf32>
              %mul3A_361 = arith.mulf %add3A_360, %bitcast3A_350 : vector<16xf32>
              %add3A_362 = arith.constant -2.94520617 : f32
              %add3A_363 = vector.broadcast %add3A_362 : f32 to vector<16xf32>
              %add3A_364 = arith.addf %mul3A_361, %add3A_363 : vector<16xf32>
              %mul3A_365 = arith.mulf %add3A_364, %bitcast3A_350 : vector<16xf32>
              %add3A_366 = arith.constant 5.72340155 : f32
              %add3A_367 = vector.broadcast %add3A_366 : f32 to vector<16xf32>
              %add3A_368 = arith.addf %mul3A_365, %add3A_367 : vector<16xf32>
              %mul3A_369 = arith.mulf %add3A_368, %bitcast3A_350 : vector<16xf32>
              %add3A_370 = arith.constant -7.44387293 : f32
              %add3A_371 = vector.broadcast %add3A_370 : f32 to vector<16xf32>
              %add3A_372 = arith.addf %mul3A_369, %add3A_371 : vector<16xf32>
              %mul3A_373 = arith.mulf %add3A_372, %bitcast3A_350 : vector<16xf32>
              %add3A_374 = arith.constant 7.11003542 : f32
              %add3A_375 = vector.broadcast %add3A_374 : f32 to vector<16xf32>
              %add3A_376 = arith.addf %mul3A_373, %add3A_375 : vector<16xf32>
              %mul3A_377 = arith.mulf %add3A_376, %bitcast3A_350 : vector<16xf32>
              %add3A_378 = arith.constant -3.24070215 : f32
              %add3A_379 = vector.broadcast %add3A_378 : f32 to vector<16xf32>
              %add3A_380 = arith.addf %mul3A_377, %add3A_379 : vector<16xf32>
              %add3A_381 = arith.addf %convert_element_type3A_343, %add3A_380 : vector<16xf32>
              %mul3A_382 = arith.constant 9.77337551 : f32
              %mul3A_383 = vector.broadcast %mul3A_382 : f32 to vector<16xf32>
              %mul3A_384 = arith.mulf %mul3A_383, %add3A_381 : vector<16xf32>
              %exp3A_385 = math.exp %mul3A_384 : vector<16xf32>
              %mul3A_386 = arith.mulf %exp3A_385, %mul3A_210 : vector<16xf32>
              %mul3A_387 = arith.mulf %mul3A_386, %exp3A : vector<16xf32>
              %add3A_388 = arith.constant 1 : i32
              %add3A_389 = vector.broadcast %add3A_388 : i32 to vector<16xi32>
              %add3A_390 = arith.addi %gather3A_213, %add3A_389 : vector<16xi32>
              tpu.vector_store_idx %arg11[%add3A_390], %mul3A_387 masked %lt3A_147 {add = true} : memref<448xf32, #tpu.memory_space<vmem>>[vector<16xi32>], vector<16xf32>, vector<16xi1>
              %mul3A_391 = arith.mulf %mul3A_386, %exp3A_228 : vector<16xf32>
              %add3A_392 = arith.constant 5 : i32
              %add3A_393 = vector.broadcast %add3A_392 : i32 to vector<16xi32>
              %add3A_394 = arith.addi %gather3A_213, %add3A_393 : vector<16xi32>
              tpu.vector_store_idx %arg11[%add3A_394], %mul3A_391 masked %lt3A_147 {add = true} : memref<448xf32, #tpu.memory_space<vmem>>[vector<16xi32>], vector<16xf32>, vector<16xi1>
              %mul3A_395 = arith.mulf %mul3A_386, %exp3A_236 : vector<16xf32>
              %add3A_396 = arith.constant 9 : i32
              %add3A_397 = vector.broadcast %add3A_396 : i32 to vector<16xi32>
              %add3A_398 = arith.addi %gather3A_213, %add3A_397 : vector<16xi32>
              tpu.vector_store_idx %arg11[%add3A_398], %mul3A_395 masked %lt3A_147 {add = true} : memref<448xf32, #tpu.memory_space<vmem>>[vector<16xi32>], vector<16xf32>, vector<16xi1>
              %mul3A_399 = arith.mulf %mul3A_386, %exp3A_244 : vector<16xf32>
              %add3A_400 = arith.constant 13 : i32
              %add3A_401 = vector.broadcast %add3A_400 : i32 to vector<16xi32>
              %add3A_402 = arith.addi %gather3A_213, %add3A_401 : vector<16xi32>
              tpu.vector_store_idx %arg11[%add3A_402], %mul3A_399 masked %lt3A_147 {add = true} : memref<448xf32, #tpu.memory_space<vmem>>[vector<16xi32>], vector<16xf32>, vector<16xi1>
              %mul3A_403 = arith.constant -0.382683396 : f32
              %mul3A_404 = vector.broadcast %mul3A_403 : f32 to vector<16xf32>
              %mul3A_405 = arith.mulf %min3A_173, %mul3A_404 : vector<16xf32>
              %mul3A_406 = arith.constant 0.923879563 : f32
              %mul3A_407 = vector.broadcast %mul3A_406 : f32 to vector<16xf32>
              %mul3A_408 = arith.mulf %mul3A_202, %mul3A_407 : vector<16xf32>
              %add3A_409 = arith.addf %mul3A_405, %mul3A_408 : vector<16xf32>
              %mul3A_410 = arith.constant 5.000000e-01 : f32
              %mul3A_411 = vector.broadcast %mul3A_410 : f32 to vector<16xf32>
              %mul3A_412 = arith.mulf %mul3A_411, %add3A_409 : vector<16xf32>
              %add3A_413 = arith.constant 5.000000e-01 : f32
              %add3A_414 = vector.broadcast %add3A_413 : f32 to vector<16xf32>
              %add3A_415 = arith.addf %add3A_414, %mul3A_412 : vector<16xf32>
              %bitcast3A_416 = vector.bitcast %add3A_415 : vector<16xf32> to vector<16xi32>
              %shift_right_arithmetic3A_417 = arith.constant 23 : i32
              %shift_right_arithmetic3A_418 = vector.broadcast %shift_right_arithmetic3A_417 : i32 to vector<16xi32>
              %shift_right_arithmetic3A_419 = arith.shrsi %bitcast3A_416, %shift_right_arithmetic3A_418 : vector<16xi32>
              %sub3A_420 = arith.constant 127 : i32
              %sub3A_421 = vector.broadcast %sub3A_420 : i32 to vector<16xi32>
              %sub3A_422 = arith.subi %shift_right_arithmetic3A_419, %sub3A_421 : vector<16xi32>
              %convert_element_type3A_423 = arith.sitofp %sub3A_422 : vector<16xi32> to vector<16xf32>
              %and3A_424 = arith.constant 8388607 : i32
              %and3A_425 = vector.broadcast %and3A_424 : i32 to vector<16xi32>
              %and3A_426 = arith.andi %bitcast3A_416, %and3A_425 : vector<16xi32>
              %or3A_427 = arith.constant 1065353216 : i32
              %or3A_428 = vector.broadcast %or3A_427 : i32 to vector<16xi32>
              %or3A_429 = arith.ori %and3A_426, %or3A_428 : vector<16xi32>
              %bitcast3A_430 = vector.bitcast %or3A_429 : vector<16xi32> to vector<16xf32>
              %broadcast_in_dim3A_431 = arith.constant 0.0147787211 : f32
              %broadcast_in_dim3A_432 = vector.broadcast %broadcast_in_dim3A_431 : f32 to vector<16xf32>
              %mul3A_433 = arith.mulf %broadcast_in_dim3A_432, %bitcast3A_430 : vector<16xf32>
              %add3A_434 = arith.constant -0.180299774 : f32
              %add3A_435 = vector.broadcast %add3A_434 : f32 to vector<16xf32>
              %add3A_436 = arith.addf %mul3A_433, %add3A_435 : vector<16xf32>
              %mul3A_437 = arith.mulf %add3A_436, %bitcast3A_430 : vector<16xf32>
              %add3A_438 = arith.constant 0.961866319 : f32
              %add3A_439 = vector.broadcast %add3A_438 : f32 to vector<16xf32>
              %add3A_440 = arith.addf %mul3A_437, %add3A_439 : vector<16xf32>
              %mul3A_441 = arith.mulf %add3A_440, %bitcast3A_430 : vector<16xf32>
              %add3A_442 = arith.constant -2.94520617 : f32
              %add3A_443 = vector.broadcast %add3A_442 : f32 to vector<16xf32>
              %add3A_444 = arith.addf %mul3A_441, %add3A_443 : vector<16xf32>
              %mul3A_445 = arith.mulf %add3A_444, %bitcast3A_430 : vector<16xf32>
              %add3A_446 = arith.constant 5.72340155 : f32
              %add3A_447 = vector.broadcast %add3A_446 : f32 to vector<16xf32>
              %add3A_448 = arith.addf %mul3A_445, %add3A_447 : vector<16xf32>
              %mul3A_449 = arith.mulf %add3A_448, %bitcast3A_430 : vector<16xf32>
              %add3A_450 = arith.constant -7.44387293 : f32
              %add3A_451 = vector.broadcast %add3A_450 : f32 to vector<16xf32>
              %add3A_452 = arith.addf %mul3A_449, %add3A_451 : vector<16xf32>
              %mul3A_453 = arith.mulf %add3A_452, %bitcast3A_430 : vector<16xf32>
              %add3A_454 = arith.constant 7.11003542 : f32
              %add3A_455 = vector.broadcast %add3A_454 : f32 to vector<16xf32>
              %add3A_456 = arith.addf %mul3A_453, %add3A_455 : vector<16xf32>
              %mul3A_457 = arith.mulf %add3A_456, %bitcast3A_430 : vector<16xf32>
              %add3A_458 = arith.constant -3.24070215 : f32
              %add3A_459 = vector.broadcast %add3A_458 : f32 to vector<16xf32>
              %add3A_460 = arith.addf %mul3A_457, %add3A_459 : vector<16xf32>
              %add3A_461 = arith.addf %convert_element_type3A_423, %add3A_460 : vector<16xf32>
              %mul3A_462 = arith.constant 9.77337551 : f32
              %mul3A_463 = vector.broadcast %mul3A_462 : f32 to vector<16xf32>
              %mul3A_464 = arith.mulf %mul3A_463, %add3A_461 : vector<16xf32>
              %exp3A_465 = math.exp %mul3A_464 : vector<16xf32>
              %mul3A_466 = arith.mulf %exp3A_465, %mul3A_210 : vector<16xf32>
              %mul3A_467 = arith.mulf %mul3A_466, %exp3A : vector<16xf32>
              %add3A_468 = arith.constant 2 : i32
              %add3A_469 = vector.broadcast %add3A_468 : i32 to vector<16xi32>
              %add3A_470 = arith.addi %gather3A_213, %add3A_469 : vector<16xi32>
              tpu.vector_store_idx %arg11[%add3A_470], %mul3A_467 masked %lt3A_147 {add = true} : memref<448xf32, #tpu.memory_space<vmem>>[vector<16xi32>], vector<16xf32>, vector<16xi1>
              %mul3A_471 = arith.mulf %mul3A_466, %exp3A_228 : vector<16xf32>
              %add3A_472 = arith.constant 6 : i32
              %add3A_473 = vector.broadcast %add3A_472 : i32 to vector<16xi32>
              %add3A_474 = arith.addi %gather3A_213, %add3A_473 : vector<16xi32>
              tpu.vector_store_idx %arg11[%add3A_474], %mul3A_471 masked %lt3A_147 {add = true} : memref<448xf32, #tpu.memory_space<vmem>>[vector<16xi32>], vector<16xf32>, vector<16xi1>
              %mul3A_475 = arith.mulf %mul3A_466, %exp3A_236 : vector<16xf32>
              %add3A_476 = arith.constant 10 : i32
              %add3A_477 = vector.broadcast %add3A_476 : i32 to vector<16xi32>
              %add3A_478 = arith.addi %gather3A_213, %add3A_477 : vector<16xi32>
              tpu.vector_store_idx %arg11[%add3A_478], %mul3A_475 masked %lt3A_147 {add = true} : memref<448xf32, #tpu.memory_space<vmem>>[vector<16xi32>], vector<16xf32>, vector<16xi1>
              %mul3A_479 = arith.mulf %mul3A_466, %exp3A_244 : vector<16xf32>
              %add3A_480 = arith.constant 14 : i32
              %add3A_481 = vector.broadcast %add3A_480 : i32 to vector<16xi32>
              %add3A_482 = arith.addi %gather3A_213, %add3A_481 : vector<16xi32>
              tpu.vector_store_idx %arg11[%add3A_482], %mul3A_479 masked %lt3A_147 {add = true} : memref<448xf32, #tpu.memory_space<vmem>>[vector<16xi32>], vector<16xf32>, vector<16xi1>
              %mul3A_483 = arith.constant -0.923879504 : f32
              %mul3A_484 = vector.broadcast %mul3A_483 : f32 to vector<16xf32>
              %mul3A_485 = arith.mulf %min3A_173, %mul3A_484 : vector<16xf32>
              %mul3A_486 = arith.constant 0.382683486 : f32
              %mul3A_487 = vector.broadcast %mul3A_486 : f32 to vector<16xf32>
              %mul3A_488 = arith.mulf %mul3A_202, %mul3A_487 : vector<16xf32>
              %add3A_489 = arith.addf %mul3A_485, %mul3A_488 : vector<16xf32>
              %mul3A_490 = arith.constant 5.000000e-01 : f32
              %mul3A_491 = vector.broadcast %mul3A_490 : f32 to vector<16xf32>
              %mul3A_492 = arith.mulf %mul3A_491, %add3A_489 : vector<16xf32>
              %add3A_493 = arith.constant 5.000000e-01 : f32
              %add3A_494 = vector.broadcast %add3A_493 : f32 to vector<16xf32>
              %add3A_495 = arith.addf %add3A_494, %mul3A_492 : vector<16xf32>
              %bitcast3A_496 = vector.bitcast %add3A_495 : vector<16xf32> to vector<16xi32>
              %shift_right_arithmetic3A_497 = arith.constant 23 : i32
              %shift_right_arithmetic3A_498 = vector.broadcast %shift_right_arithmetic3A_497 : i32 to vector<16xi32>
              %shift_right_arithmetic3A_499 = arith.shrsi %bitcast3A_496, %shift_right_arithmetic3A_498 : vector<16xi32>
              %sub3A_500 = arith.constant 127 : i32
              %sub3A_501 = vector.broadcast %sub3A_500 : i32 to vector<16xi32>
              %sub3A_502 = arith.subi %shift_right_arithmetic3A_499, %sub3A_501 : vector<16xi32>
              %convert_element_type3A_503 = arith.sitofp %sub3A_502 : vector<16xi32> to vector<16xf32>
              %and3A_504 = arith.constant 8388607 : i32
              %and3A_505 = vector.broadcast %and3A_504 : i32 to vector<16xi32>
              %and3A_506 = arith.andi %bitcast3A_496, %and3A_505 : vector<16xi32>
              %or3A_507 = arith.constant 1065353216 : i32
              %or3A_508 = vector.broadcast %or3A_507 : i32 to vector<16xi32>
              %or3A_509 = arith.ori %and3A_506, %or3A_508 : vector<16xi32>
              %bitcast3A_510 = vector.bitcast %or3A_509 : vector<16xi32> to vector<16xf32>
              %broadcast_in_dim3A_511 = arith.constant 0.0147787211 : f32
              %broadcast_in_dim3A_512 = vector.broadcast %broadcast_in_dim3A_511 : f32 to vector<16xf32>
              %mul3A_513 = arith.mulf %broadcast_in_dim3A_512, %bitcast3A_510 : vector<16xf32>
              %add3A_514 = arith.constant -0.180299774 : f32
              %add3A_515 = vector.broadcast %add3A_514 : f32 to vector<16xf32>
              %add3A_516 = arith.addf %mul3A_513, %add3A_515 : vector<16xf32>
              %mul3A_517 = arith.mulf %add3A_516, %bitcast3A_510 : vector<16xf32>
              %add3A_518 = arith.constant 0.961866319 : f32
              %add3A_519 = vector.broadcast %add3A_518 : f32 to vector<16xf32>
              %add3A_520 = arith.addf %mul3A_517, %add3A_519 : vector<16xf32>
              %mul3A_521 = arith.mulf %add3A_520, %bitcast3A_510 : vector<16xf32>
              %add3A_522 = arith.constant -2.94520617 : f32
              %add3A_523 = vector.broadcast %add3A_522 : f32 to vector<16xf32>
              %add3A_524 = arith.addf %mul3A_521, %add3A_523 : vector<16xf32>
              %mul3A_525 = arith.mulf %add3A_524, %bitcast3A_510 : vector<16xf32>
              %add3A_526 = arith.constant 5.72340155 : f32
              %add3A_527 = vector.broadcast %add3A_526 : f32 to vector<16xf32>
              %add3A_528 = arith.addf %mul3A_525, %add3A_527 : vector<16xf32>
              %mul3A_529 = arith.mulf %add3A_528, %bitcast3A_510 : vector<16xf32>
              %add3A_530 = arith.constant -7.44387293 : f32
              %add3A_531 = vector.broadcast %add3A_530 : f32 to vector<16xf32>
              %add3A_532 = arith.addf %mul3A_529, %add3A_531 : vector<16xf32>
              %mul3A_533 = arith.mulf %add3A_532, %bitcast3A_510 : vector<16xf32>
              %add3A_534 = arith.constant 7.11003542 : f32
              %add3A_535 = vector.broadcast %add3A_534 : f32 to vector<16xf32>
              %add3A_536 = arith.addf %mul3A_533, %add3A_535 : vector<16xf32>
              %mul3A_537 = arith.mulf %add3A_536, %bitcast3A_510 : vector<16xf32>
              %add3A_538 = arith.constant -3.24070215 : f32
              %add3A_539 = vector.broadcast %add3A_538 : f32 to vector<16xf32>
              %add3A_540 = arith.addf %mul3A_537, %add3A_539 : vector<16xf32>
              %add3A_541 = arith.addf %convert_element_type3A_503, %add3A_540 : vector<16xf32>
              %mul3A_542 = arith.constant 9.77337551 : f32
              %mul3A_543 = vector.broadcast %mul3A_542 : f32 to vector<16xf32>
              %mul3A_544 = arith.mulf %mul3A_543, %add3A_541 : vector<16xf32>
              %exp3A_545 = math.exp %mul3A_544 : vector<16xf32>
              %mul3A_546 = arith.mulf %exp3A_545, %mul3A_210 : vector<16xf32>
              %mul3A_547 = arith.mulf %mul3A_546, %exp3A : vector<16xf32>
              %add3A_548 = arith.constant 3 : i32
              %add3A_549 = vector.broadcast %add3A_548 : i32 to vector<16xi32>
              %add3A_550 = arith.addi %gather3A_213, %add3A_549 : vector<16xi32>
              tpu.vector_store_idx %arg11[%add3A_550], %mul3A_547 masked %lt3A_147 {add = true} : memref<448xf32, #tpu.memory_space<vmem>>[vector<16xi32>], vector<16xf32>, vector<16xi1>
              %mul3A_551 = arith.mulf %mul3A_546, %exp3A_228 : vector<16xf32>
              %add3A_552 = arith.constant 7 : i32
              %add3A_553 = vector.broadcast %add3A_552 : i32 to vector<16xi32>
              %add3A_554 = arith.addi %gather3A_213, %add3A_553 : vector<16xi32>
              tpu.vector_store_idx %arg11[%add3A_554], %mul3A_551 masked %lt3A_147 {add = true} : memref<448xf32, #tpu.memory_space<vmem>>[vector<16xi32>], vector<16xf32>, vector<16xi1>
              %mul3A_555 = arith.mulf %mul3A_546, %exp3A_236 : vector<16xf32>
              %add3A_556 = arith.constant 11 : i32
              %add3A_557 = vector.broadcast %add3A_556 : i32 to vector<16xi32>
              %add3A_558 = arith.addi %gather3A_213, %add3A_557 : vector<16xi32>
              tpu.vector_store_idx %arg11[%add3A_558], %mul3A_555 masked %lt3A_147 {add = true} : memref<448xf32, #tpu.memory_space<vmem>>[vector<16xi32>], vector<16xf32>, vector<16xi1>
              %mul3A_559 = arith.mulf %mul3A_546, %exp3A_244 : vector<16xf32>
              %add3A_560 = arith.constant 15 : i32
              %add3A_561 = vector.broadcast %add3A_560 : i32 to vector<16xi32>
              %add3A_562 = arith.addi %gather3A_213, %add3A_561 : vector<16xi32>
              tpu.vector_store_idx %arg11[%add3A_562], %mul3A_559 masked %lt3A_147 {add = true} : memref<448xf32, #tpu.memory_space<vmem>>[vector<16xi32>], vector<16xf32>, vector<16xi1>
            }
            %while3A_140 = arith.constant 1 : i32
            scf.for %while3A_141 = %while3A_138 to %while3A_134 step %while3A_140  : i32 {
              %mul3A_142 = arith.constant 16 : i32
              %mul3A_143 = arith.muli %while3A_141, %mul3A_142 : i32
              %add3A_144 = vector.broadcast %mul3A_143 : i32 to vector<16xi32>
              %add3A_145 = arith.addi %add3A_144, %iota3A : vector<16xi32>
              %lt3A_146 = vector.broadcast %while3A_114 : i32 to vector<16xi32>
              %lt3A_147 = arith.cmpi slt, %add3A_145, %lt3A_146 : vector<16xi32>
              %mul3A_148 = arith.constant 8 : i32
              %mul3A_149 = vector.broadcast %mul3A_148 : i32 to vector<16xi32>
              %mul3A_150 = arith.muli %add3A_145, %mul3A_149 : vector<16xi32>
              %gather3A_151 = tpu.vector_load_idx %arg10[%mul3A_150] masked %lt3A_147 : memref<768xf32, #tpu.memory_space<vmem>>[vector<16xi32>], vector<16xf32>, vector<16xi1>
              %add3A_152 = arith.addi %mul3A_150, %add3A_10 : vector<16xi32>
              %gather3A_153 = tpu.vector_load_idx %arg10[%add3A_152] masked %lt3A_147 : memref<768xf32, #tpu.memory_space<vmem>>[vector<16xi32>], vector<16xf32>, vector<16xi1>
              %add3A_154 = arith.addi %mul3A_150, %add3A_13 : vector<16xi32>
              %gather3A_155 = tpu.vector_load_idx %arg10[%add3A_154] masked %lt3A_147 : memref<768xf32, #tpu.memory_space<vmem>>[vector<16xi32>], vector<16xf32>, vector<16xi1>
              %add3A_156 = arith.addi %mul3A_150, %add3A_16 : vector<16xi32>
              %gather3A_157 = tpu.vector_load_idx %arg10[%add3A_156] masked %lt3A_147 : memref<768xf32, #tpu.memory_space<vmem>>[vector<16xi32>], vector<16xf32>, vector<16xi1>
              %add3A_158 = arith.addi %mul3A_150, %add3A_19 : vector<16xi32>
              %gather3A_159 = tpu.vector_load_idx %arg10[%add3A_158] masked %lt3A_147 : memref<768xf32, #tpu.memory_space<vmem>>[vector<16xi32>], vector<16xf32>, vector<16xi1>
              %add3A_160 = arith.addi %mul3A_150, %add3A_22 : vector<16xi32>
              %gather3A_161 = tpu.vector_load_idx %arg10[%add3A_160] masked %lt3A_147 : memref<768xf32, #tpu.memory_space<vmem>>[vector<16xi32>], vector<16xf32>, vector<16xi1>
              %mul3A_162 = arith.mulf %gather3A_151, %gather3A : vector<16xf32>
              %mul3A_163 = arith.mulf %gather3A_153, %gather3A_119 : vector<16xf32>
              %add3A_164 = arith.addf %mul3A_162, %mul3A_163 : vector<16xf32>
              %mul3A_165 = arith.mulf %gather3A_155, %gather3A_121 : vector<16xf32>
              %add3A_166 = arith.addf %add3A_164, %mul3A_165 : vector<16xf32>
              %mul3A_167 = arith.constant 0.949999988 : f32
              %mul3A_168 = vector.broadcast %mul3A_167 : f32 to vector<16xf32>
              %mul3A_169 = arith.mulf %mul3A_168, %add3A_166 : vector<16xf32>
              %mul3A_170 = arith.mulf %gather3A_157, %gather3A_123 : vector<16xf32>
              %div3A = arith.divf %mul3A_169, %mul3A_170 : vector<16xf32>
              %jit3A = arith.constant -9.800000e-01 : f32
              %jit3A_171 = arith.constant 9.800000e-01 : f32
              %max3A = vector.broadcast %jit3A : f32 to vector<16xf32>
              %max3A_172 = arith.maximumf %max3A, %div3A : vector<16xf32>
              %min3A = vector.broadcast %jit3A_171 : f32 to vector<16xf32>
              %min3A_173 = arith.minimumf %min3A, %max3A_172 : vector<16xf32>
              %mul3A_174 = arith.mulf %min3A_173, %min3A_173 : vector<16xf32>
              %sub3A = arith.constant 1.000000e+00 : f32
              %sub3A_175 = vector.broadcast %sub3A : f32 to vector<16xf32>
              %sub3A_176 = arith.subf %sub3A_175, %mul3A_174 : vector<16xf32>
              %bitcast3A = vector.bitcast %sub3A_176 : vector<16xf32> to vector<16xi32>
              %shift_right_arithmetic3A_177 = arith.constant 1 : i32
              %shift_right_arithmetic3A_178 = vector.broadcast %shift_right_arithmetic3A_177 : i32 to vector<16xi32>
              %shift_right_arithmetic3A_179 = arith.shrsi %bitcast3A, %shift_right_arithmetic3A_178 : vector<16xi32>
              %sub3A_180 = arith.constant 1597463007 : i32
              %sub3A_181 = vector.broadcast %sub3A_180 : i32 to vector<16xi32>
              %sub3A_182 = arith.subi %sub3A_181, %shift_right_arithmetic3A_179 : vector<16xi32>
              %bitcast3A_183 = vector.bitcast %sub3A_182 : vector<16xi32> to vector<16xf32>
              %mul3A_184 = arith.constant 5.000000e-01 : f32
              %mul3A_185 = vector.broadcast %mul3A_184 : f32 to vector<16xf32>
              %mul3A_186 = arith.mulf %mul3A_185, %sub3A_176 : vector<16xf32>
              %mul3A_187 = arith.mulf %mul3A_186, %bitcast3A_183 : vector<16xf32>
              %mul3A_188 = arith.mulf %mul3A_187, %bitcast3A_183 : vector<16xf32>
              %sub3A_189 = arith.constant 1.500000e+00 : f32
              %sub3A_190 = vector.broadcast %sub3A_189 : f32 to vector<16xf32>
              %sub3A_191 = arith.subf %sub3A_190, %mul3A_188 : vector<16xf32>
              %mul3A_192 = arith.mulf %bitcast3A_183, %sub3A_191 : vector<16xf32>
              %mul3A_193 = arith.constant 5.000000e-01 : f32
              %mul3A_194 = vector.broadcast %mul3A_193 : f32 to vector<16xf32>
              %mul3A_195 = arith.mulf %mul3A_194, %sub3A_176 : vector<16xf32>
              %mul3A_196 = arith.mulf %mul3A_195, %mul3A_192 : vector<16xf32>
              %mul3A_197 = arith.mulf %mul3A_196, %mul3A_192 : vector<16xf32>
              %sub3A_198 = arith.constant 1.500000e+00 : f32
              %sub3A_199 = vector.broadcast %sub3A_198 : f32 to vector<16xf32>
              %sub3A_200 = arith.subf %sub3A_199, %mul3A_197 : vector<16xf32>
              %mul3A_201 = arith.mulf %mul3A_192, %sub3A_200 : vector<16xf32>
              %mul3A_202 = arith.mulf %sub3A_176, %mul3A_201 : vector<16xf32>
              %add3A_203 = arith.addf %gather3A_157, %gather3A_123 : vector<16xf32>
              %mul3A_204 = arith.constant 5.000000e-01 : f32
              %mul3A_205 = vector.broadcast %mul3A_204 : f32 to vector<16xf32>
              %mul3A_206 = arith.mulf %mul3A_205, %add3A_203 : vector<16xf32>
              %mul3A_207 = arith.constant 2.000000e+00 : f32
              %mul3A_208 = vector.broadcast %mul3A_207 : f32 to vector<16xf32>
              %mul3A_209 = arith.mulf %mul3A_208, %gather3A_159 : vector<16xf32>
              %mul3A_210 = arith.mulf %mul3A_209, %gather3A_125 : vector<16xf32>
              %add3A_211 = arith.addf %gather3A_161, %gather3A_127 : vector<16xf32>
              %convert_element_type3A_212 = arith.fptosi %add3A_211 : vector<16xf32> to vector<16xi32>
              %gather3A_213 = tpu.vector_load_idx %arg9[%convert_element_type3A_212] masked %lt3A_147 : memref<64xi32, #tpu.memory_space<vmem>>[vector<16xi32>], vector<16xi32>, vector<16xi1>
              %sub3A_214 = arith.constant 8.000000e-01 : f32
              %sub3A_215 = vector.broadcast %sub3A_214 : f32 to vector<16xf32>
              %sub3A_216 = arith.subf %mul3A_206, %sub3A_215 : vector<16xf32>
              %mul3A_217 = arith.constant -1.250000e+01 : f32
              %mul3A_218 = vector.broadcast %mul3A_217 : f32 to vector<16xf32>
              %mul3A_219 = arith.mulf %mul3A_218, %sub3A_216 : vector<16xf32>
              %mul3A_220 = arith.mulf %mul3A_219, %sub3A_216 : vector<16xf32>
              %exp3A = math.exp %mul3A_220 : vector<16xf32>
              %sub3A_221 = arith.constant 1.475000e+00 : f32
              %sub3A_222 = vector.broadcast %sub3A_221 : f32 to vector<16xf32>
              %sub3A_223 = arith.subf %mul3A_206, %sub3A_222 : vector<16xf32>
              %mul3A_224 = arith.constant -1.250000e+01 : f32
              %mul3A_225 = vector.broadcast %mul3A_224 : f32 to vector<16xf32>
              %mul3A_226 = arith.mulf %mul3A_225, %sub3A_223 : vector<16xf32>
              %mul3A_227 = arith.mulf %mul3A_226, %sub3A_223 : vector<16xf32>
              %exp3A_228 = math.exp %mul3A_227 : vector<16xf32>
              %sub3A_229 = arith.constant 2.150000e+00 : f32
              %sub3A_230 = vector.broadcast %sub3A_229 : f32 to vector<16xf32>
              %sub3A_231 = arith.subf %mul3A_206, %sub3A_230 : vector<16xf32>
              %mul3A_232 = arith.constant -1.250000e+01 : f32
              %mul3A_233 = vector.broadcast %mul3A_232 : f32 to vector<16xf32>
              %mul3A_234 = arith.mulf %mul3A_233, %sub3A_231 : vector<16xf32>
              %mul3A_235 = arith.mulf %mul3A_234, %sub3A_231 : vector<16xf32>
              %exp3A_236 = math.exp %mul3A_235 : vector<16xf32>
              %sub3A_237 = arith.constant 2.825000e+00 : f32
              %sub3A_238 = vector.broadcast %sub3A_237 : f32 to vector<16xf32>
              %sub3A_239 = arith.subf %mul3A_206, %sub3A_238 : vector<16xf32>
              %mul3A_240 = arith.constant -1.250000e+01 : f32
              %mul3A_241 = vector.broadcast %mul3A_240 : f32 to vector<16xf32>
              %mul3A_242 = arith.mulf %mul3A_241, %sub3A_239 : vector<16xf32>
              %mul3A_243 = arith.mulf %mul3A_242, %sub3A_239 : vector<16xf32>
              %exp3A_244 = math.exp %mul3A_243 : vector<16xf32>
              %mul3A_245 = arith.constant 0.923879504 : f32
              %mul3A_246 = vector.broadcast %mul3A_245 : f32 to vector<16xf32>
              %mul3A_247 = arith.mulf %min3A_173, %mul3A_246 : vector<16xf32>
              %mul3A_248 = arith.constant 0.382683456 : f32
              %mul3A_249 = vector.broadcast %mul3A_248 : f32 to vector<16xf32>
              %mul3A_250 = arith.mulf %mul3A_202, %mul3A_249 : vector<16xf32>
              %add3A_251 = arith.addf %mul3A_247, %mul3A_250 : vector<16xf32>
              %mul3A_252 = arith.constant 5.000000e-01 : f32
              %mul3A_253 = vector.broadcast %mul3A_252 : f32 to vector<16xf32>
              %mul3A_254 = arith.mulf %mul3A_253, %add3A_251 : vector<16xf32>
              %add3A_255 = arith.constant 5.000000e-01 : f32
              %add3A_256 = vector.broadcast %add3A_255 : f32 to vector<16xf32>
              %add3A_257 = arith.addf %add3A_256, %mul3A_254 : vector<16xf32>
              %bitcast3A_258 = vector.bitcast %add3A_257 : vector<16xf32> to vector<16xi32>
              %shift_right_arithmetic3A_259 = arith.constant 23 : i32
              %shift_right_arithmetic3A_260 = vector.broadcast %shift_right_arithmetic3A_259 : i32 to vector<16xi32>
              %shift_right_arithmetic3A_261 = arith.shrsi %bitcast3A_258, %shift_right_arithmetic3A_260 : vector<16xi32>
              %sub3A_262 = arith.constant 127 : i32
              %sub3A_263 = vector.broadcast %sub3A_262 : i32 to vector<16xi32>
              %sub3A_264 = arith.subi %shift_right_arithmetic3A_261, %sub3A_263 : vector<16xi32>
              %convert_element_type3A_265 = arith.sitofp %sub3A_264 : vector<16xi32> to vector<16xf32>
              %and3A = arith.constant 8388607 : i32
              %and3A_266 = vector.broadcast %and3A : i32 to vector<16xi32>
              %and3A_267 = arith.andi %bitcast3A_258, %and3A_266 : vector<16xi32>
              %or3A = arith.constant 1065353216 : i32
              %or3A_268 = vector.broadcast %or3A : i32 to vector<16xi32>
              %or3A_269 = arith.ori %and3A_267, %or3A_268 : vector<16xi32>
              %bitcast3A_270 = vector.bitcast %or3A_269 : vector<16xi32> to vector<16xf32>
              %broadcast_in_dim3A_271 = arith.constant 0.0147787211 : f32
              %broadcast_in_dim3A_272 = vector.broadcast %broadcast_in_dim3A_271 : f32 to vector<16xf32>
              %mul3A_273 = arith.mulf %broadcast_in_dim3A_272, %bitcast3A_270 : vector<16xf32>
              %add3A_274 = arith.constant -0.180299774 : f32
              %add3A_275 = vector.broadcast %add3A_274 : f32 to vector<16xf32>
              %add3A_276 = arith.addf %mul3A_273, %add3A_275 : vector<16xf32>
              %mul3A_277 = arith.mulf %add3A_276, %bitcast3A_270 : vector<16xf32>
              %add3A_278 = arith.constant 0.961866319 : f32
              %add3A_279 = vector.broadcast %add3A_278 : f32 to vector<16xf32>
              %add3A_280 = arith.addf %mul3A_277, %add3A_279 : vector<16xf32>
              %mul3A_281 = arith.mulf %add3A_280, %bitcast3A_270 : vector<16xf32>
              %add3A_282 = arith.constant -2.94520617 : f32
              %add3A_283 = vector.broadcast %add3A_282 : f32 to vector<16xf32>
              %add3A_284 = arith.addf %mul3A_281, %add3A_283 : vector<16xf32>
              %mul3A_285 = arith.mulf %add3A_284, %bitcast3A_270 : vector<16xf32>
              %add3A_286 = arith.constant 5.72340155 : f32
              %add3A_287 = vector.broadcast %add3A_286 : f32 to vector<16xf32>
              %add3A_288 = arith.addf %mul3A_285, %add3A_287 : vector<16xf32>
              %mul3A_289 = arith.mulf %add3A_288, %bitcast3A_270 : vector<16xf32>
              %add3A_290 = arith.constant -7.44387293 : f32
              %add3A_291 = vector.broadcast %add3A_290 : f32 to vector<16xf32>
              %add3A_292 = arith.addf %mul3A_289, %add3A_291 : vector<16xf32>
              %mul3A_293 = arith.mulf %add3A_292, %bitcast3A_270 : vector<16xf32>
              %add3A_294 = arith.constant 7.11003542 : f32
              %add3A_295 = vector.broadcast %add3A_294 : f32 to vector<16xf32>
              %add3A_296 = arith.addf %mul3A_293, %add3A_295 : vector<16xf32>
              %mul3A_297 = arith.mulf %add3A_296, %bitcast3A_270 : vector<16xf32>
              %add3A_298 = arith.constant -3.24070215 : f32
              %add3A_299 = vector.broadcast %add3A_298 : f32 to vector<16xf32>
              %add3A_300 = arith.addf %mul3A_297, %add3A_299 : vector<16xf32>
              %add3A_301 = arith.addf %convert_element_type3A_265, %add3A_300 : vector<16xf32>
              %mul3A_302 = arith.constant 9.77337551 : f32
              %mul3A_303 = vector.broadcast %mul3A_302 : f32 to vector<16xf32>
              %mul3A_304 = arith.mulf %mul3A_303, %add3A_301 : vector<16xf32>
              %exp3A_305 = math.exp %mul3A_304 : vector<16xf32>
              %mul3A_306 = arith.mulf %exp3A_305, %mul3A_210 : vector<16xf32>
              %mul3A_307 = arith.mulf %mul3A_306, %exp3A : vector<16xf32>
              %add3A_308 = arith.constant 0 : i32
              %add3A_309 = vector.broadcast %add3A_308 : i32 to vector<16xi32>
              %add3A_310 = arith.addi %gather3A_213, %add3A_309 : vector<16xi32>
              tpu.vector_store_idx %arg11[%add3A_310], %mul3A_307 masked %lt3A_147 {add = true} : memref<448xf32, #tpu.memory_space<vmem>>[vector<16xi32>], vector<16xf32>, vector<16xi1>
              %mul3A_311 = arith.mulf %mul3A_306, %exp3A_228 : vector<16xf32>
              %add3A_312 = arith.constant 4 : i32
              %add3A_313 = vector.broadcast %add3A_312 : i32 to vector<16xi32>
              %add3A_314 = arith.addi %gather3A_213, %add3A_313 : vector<16xi32>
              tpu.vector_store_idx %arg11[%add3A_314], %mul3A_311 masked %lt3A_147 {add = true} : memref<448xf32, #tpu.memory_space<vmem>>[vector<16xi32>], vector<16xf32>, vector<16xi1>
              %mul3A_315 = arith.mulf %mul3A_306, %exp3A_236 : vector<16xf32>
              %add3A_316 = arith.constant 8 : i32
              %add3A_317 = vector.broadcast %add3A_316 : i32 to vector<16xi32>
              %add3A_318 = arith.addi %gather3A_213, %add3A_317 : vector<16xi32>
              tpu.vector_store_idx %arg11[%add3A_318], %mul3A_315 masked %lt3A_147 {add = true} : memref<448xf32, #tpu.memory_space<vmem>>[vector<16xi32>], vector<16xf32>, vector<16xi1>
              %mul3A_319 = arith.mulf %mul3A_306, %exp3A_244 : vector<16xf32>
              %add3A_320 = arith.constant 12 : i32
              %add3A_321 = vector.broadcast %add3A_320 : i32 to vector<16xi32>
              %add3A_322 = arith.addi %gather3A_213, %add3A_321 : vector<16xi32>
              tpu.vector_store_idx %arg11[%add3A_322], %mul3A_319 masked %lt3A_147 {add = true} : memref<448xf32, #tpu.memory_space<vmem>>[vector<16xi32>], vector<16xf32>, vector<16xi1>
              %mul3A_323 = arith.constant 0.382683456 : f32
              %mul3A_324 = vector.broadcast %mul3A_323 : f32 to vector<16xf32>
              %mul3A_325 = arith.mulf %min3A_173, %mul3A_324 : vector<16xf32>
              %mul3A_326 = arith.constant 0.923879504 : f32
              %mul3A_327 = vector.broadcast %mul3A_326 : f32 to vector<16xf32>
              %mul3A_328 = arith.mulf %mul3A_202, %mul3A_327 : vector<16xf32>
              %add3A_329 = arith.addf %mul3A_325, %mul3A_328 : vector<16xf32>
              %mul3A_330 = arith.constant 5.000000e-01 : f32
              %mul3A_331 = vector.broadcast %mul3A_330 : f32 to vector<16xf32>
              %mul3A_332 = arith.mulf %mul3A_331, %add3A_329 : vector<16xf32>
              %add3A_333 = arith.constant 5.000000e-01 : f32
              %add3A_334 = vector.broadcast %add3A_333 : f32 to vector<16xf32>
              %add3A_335 = arith.addf %add3A_334, %mul3A_332 : vector<16xf32>
              %bitcast3A_336 = vector.bitcast %add3A_335 : vector<16xf32> to vector<16xi32>
              %shift_right_arithmetic3A_337 = arith.constant 23 : i32
              %shift_right_arithmetic3A_338 = vector.broadcast %shift_right_arithmetic3A_337 : i32 to vector<16xi32>
              %shift_right_arithmetic3A_339 = arith.shrsi %bitcast3A_336, %shift_right_arithmetic3A_338 : vector<16xi32>
              %sub3A_340 = arith.constant 127 : i32
              %sub3A_341 = vector.broadcast %sub3A_340 : i32 to vector<16xi32>
              %sub3A_342 = arith.subi %shift_right_arithmetic3A_339, %sub3A_341 : vector<16xi32>
              %convert_element_type3A_343 = arith.sitofp %sub3A_342 : vector<16xi32> to vector<16xf32>
              %and3A_344 = arith.constant 8388607 : i32
              %and3A_345 = vector.broadcast %and3A_344 : i32 to vector<16xi32>
              %and3A_346 = arith.andi %bitcast3A_336, %and3A_345 : vector<16xi32>
              %or3A_347 = arith.constant 1065353216 : i32
              %or3A_348 = vector.broadcast %or3A_347 : i32 to vector<16xi32>
              %or3A_349 = arith.ori %and3A_346, %or3A_348 : vector<16xi32>
              %bitcast3A_350 = vector.bitcast %or3A_349 : vector<16xi32> to vector<16xf32>
              %broadcast_in_dim3A_351 = arith.constant 0.0147787211 : f32
              %broadcast_in_dim3A_352 = vector.broadcast %broadcast_in_dim3A_351 : f32 to vector<16xf32>
              %mul3A_353 = arith.mulf %broadcast_in_dim3A_352, %bitcast3A_350 : vector<16xf32>
              %add3A_354 = arith.constant -0.180299774 : f32
              %add3A_355 = vector.broadcast %add3A_354 : f32 to vector<16xf32>
              %add3A_356 = arith.addf %mul3A_353, %add3A_355 : vector<16xf32>
              %mul3A_357 = arith.mulf %add3A_356, %bitcast3A_350 : vector<16xf32>
              %add3A_358 = arith.constant 0.961866319 : f32
              %add3A_359 = vector.broadcast %add3A_358 : f32 to vector<16xf32>
              %add3A_360 = arith.addf %mul3A_357, %add3A_359 : vector<16xf32>
              %mul3A_361 = arith.mulf %add3A_360, %bitcast3A_350 : vector<16xf32>
              %add3A_362 = arith.constant -2.94520617 : f32
              %add3A_363 = vector.broadcast %add3A_362 : f32 to vector<16xf32>
              %add3A_364 = arith.addf %mul3A_361, %add3A_363 : vector<16xf32>
              %mul3A_365 = arith.mulf %add3A_364, %bitcast3A_350 : vector<16xf32>
              %add3A_366 = arith.constant 5.72340155 : f32
              %add3A_367 = vector.broadcast %add3A_366 : f32 to vector<16xf32>
              %add3A_368 = arith.addf %mul3A_365, %add3A_367 : vector<16xf32>
              %mul3A_369 = arith.mulf %add3A_368, %bitcast3A_350 : vector<16xf32>
              %add3A_370 = arith.constant -7.44387293 : f32
              %add3A_371 = vector.broadcast %add3A_370 : f32 to vector<16xf32>
              %add3A_372 = arith.addf %mul3A_369, %add3A_371 : vector<16xf32>
              %mul3A_373 = arith.mulf %add3A_372, %bitcast3A_350 : vector<16xf32>
              %add3A_374 = arith.constant 7.11003542 : f32
              %add3A_375 = vector.broadcast %add3A_374 : f32 to vector<16xf32>
              %add3A_376 = arith.addf %mul3A_373, %add3A_375 : vector<16xf32>
              %mul3A_377 = arith.mulf %add3A_376, %bitcast3A_350 : vector<16xf32>
              %add3A_378 = arith.constant -3.24070215 : f32
              %add3A_379 = vector.broadcast %add3A_378 : f32 to vector<16xf32>
              %add3A_380 = arith.addf %mul3A_377, %add3A_379 : vector<16xf32>
              %add3A_381 = arith.addf %convert_element_type3A_343, %add3A_380 : vector<16xf32>
              %mul3A_382 = arith.constant 9.77337551 : f32
              %mul3A_383 = vector.broadcast %mul3A_382 : f32 to vector<16xf32>
              %mul3A_384 = arith.mulf %mul3A_383, %add3A_381 : vector<16xf32>
              %exp3A_385 = math.exp %mul3A_384 : vector<16xf32>
              %mul3A_386 = arith.mulf %exp3A_385, %mul3A_210 : vector<16xf32>
              %mul3A_387 = arith.mulf %mul3A_386, %exp3A : vector<16xf32>
              %add3A_388 = arith.constant 1 : i32
              %add3A_389 = vector.broadcast %add3A_388 : i32 to vector<16xi32>
              %add3A_390 = arith.addi %gather3A_213, %add3A_389 : vector<16xi32>
              tpu.vector_store_idx %arg11[%add3A_390], %mul3A_387 masked %lt3A_147 {add = true} : memref<448xf32, #tpu.memory_space<vmem>>[vector<16xi32>], vector<16xf32>, vector<16xi1>
              %mul3A_391 = arith.mulf %mul3A_386, %exp3A_228 : vector<16xf32>
              %add3A_392 = arith.constant 5 : i32
              %add3A_393 = vector.broadcast %add3A_392 : i32 to vector<16xi32>
              %add3A_394 = arith.addi %gather3A_213, %add3A_393 : vector<16xi32>
              tpu.vector_store_idx %arg11[%add3A_394], %mul3A_391 masked %lt3A_147 {add = true} : memref<448xf32, #tpu.memory_space<vmem>>[vector<16xi32>], vector<16xf32>, vector<16xi1>
              %mul3A_395 = arith.mulf %mul3A_386, %exp3A_236 : vector<16xf32>
              %add3A_396 = arith.constant 9 : i32
              %add3A_397 = vector.broadcast %add3A_396 : i32 to vector<16xi32>
              %add3A_398 = arith.addi %gather3A_213, %add3A_397 : vector<16xi32>
              tpu.vector_store_idx %arg11[%add3A_398], %mul3A_395 masked %lt3A_147 {add = true} : memref<448xf32, #tpu.memory_space<vmem>>[vector<16xi32>], vector<16xf32>, vector<16xi1>
              %mul3A_399 = arith.mulf %mul3A_386, %exp3A_244 : vector<16xf32>
              %add3A_400 = arith.constant 13 : i32
              %add3A_401 = vector.broadcast %add3A_400 : i32 to vector<16xi32>
              %add3A_402 = arith.addi %gather3A_213, %add3A_401 : vector<16xi32>
              tpu.vector_store_idx %arg11[%add3A_402], %mul3A_399 masked %lt3A_147 {add = true} : memref<448xf32, #tpu.memory_space<vmem>>[vector<16xi32>], vector<16xf32>, vector<16xi1>
              %mul3A_403 = arith.constant -0.382683396 : f32
              %mul3A_404 = vector.broadcast %mul3A_403 : f32 to vector<16xf32>
              %mul3A_405 = arith.mulf %min3A_173, %mul3A_404 : vector<16xf32>
              %mul3A_406 = arith.constant 0.923879563 : f32
              %mul3A_407 = vector.broadcast %mul3A_406 : f32 to vector<16xf32>
              %mul3A_408 = arith.mulf %mul3A_202, %mul3A_407 : vector<16xf32>
              %add3A_409 = arith.addf %mul3A_405, %mul3A_408 : vector<16xf32>
              %mul3A_410 = arith.constant 5.000000e-01 : f32
              %mul3A_411 = vector.broadcast %mul3A_410 : f32 to vector<16xf32>
              %mul3A_412 = arith.mulf %mul3A_411, %add3A_409 : vector<16xf32>
              %add3A_413 = arith.constant 5.000000e-01 : f32
              %add3A_414 = vector.broadcast %add3A_413 : f32 to vector<16xf32>
              %add3A_415 = arith.addf %add3A_414, %mul3A_412 : vector<16xf32>
              %bitcast3A_416 = vector.bitcast %add3A_415 : vector<16xf32> to vector<16xi32>
              %shift_right_arithmetic3A_417 = arith.constant 23 : i32
              %shift_right_arithmetic3A_418 = vector.broadcast %shift_right_arithmetic3A_417 : i32 to vector<16xi32>
              %shift_right_arithmetic3A_419 = arith.shrsi %bitcast3A_416, %shift_right_arithmetic3A_418 : vector<16xi32>
              %sub3A_420 = arith.constant 127 : i32
              %sub3A_421 = vector.broadcast %sub3A_420 : i32 to vector<16xi32>
              %sub3A_422 = arith.subi %shift_right_arithmetic3A_419, %sub3A_421 : vector<16xi32>
              %convert_element_type3A_423 = arith.sitofp %sub3A_422 : vector<16xi32> to vector<16xf32>
              %and3A_424 = arith.constant 8388607 : i32
              %and3A_425 = vector.broadcast %and3A_424 : i32 to vector<16xi32>
              %and3A_426 = arith.andi %bitcast3A_416, %and3A_425 : vector<16xi32>
              %or3A_427 = arith.constant 1065353216 : i32
              %or3A_428 = vector.broadcast %or3A_427 : i32 to vector<16xi32>
              %or3A_429 = arith.ori %and3A_426, %or3A_428 : vector<16xi32>
              %bitcast3A_430 = vector.bitcast %or3A_429 : vector<16xi32> to vector<16xf32>
              %broadcast_in_dim3A_431 = arith.constant 0.0147787211 : f32
              %broadcast_in_dim3A_432 = vector.broadcast %broadcast_in_dim3A_431 : f32 to vector<16xf32>
              %mul3A_433 = arith.mulf %broadcast_in_dim3A_432, %bitcast3A_430 : vector<16xf32>
              %add3A_434 = arith.constant -0.180299774 : f32
              %add3A_435 = vector.broadcast %add3A_434 : f32 to vector<16xf32>
              %add3A_436 = arith.addf %mul3A_433, %add3A_435 : vector<16xf32>
              %mul3A_437 = arith.mulf %add3A_436, %bitcast3A_430 : vector<16xf32>
              %add3A_438 = arith.constant 0.961866319 : f32
              %add3A_439 = vector.broadcast %add3A_438 : f32 to vector<16xf32>
              %add3A_440 = arith.addf %mul3A_437, %add3A_439 : vector<16xf32>
              %mul3A_441 = arith.mulf %add3A_440, %bitcast3A_430 : vector<16xf32>
              %add3A_442 = arith.constant -2.94520617 : f32
              %add3A_443 = vector.broadcast %add3A_442 : f32 to vector<16xf32>
              %add3A_444 = arith.addf %mul3A_441, %add3A_443 : vector<16xf32>
              %mul3A_445 = arith.mulf %add3A_444, %bitcast3A_430 : vector<16xf32>
              %add3A_446 = arith.constant 5.72340155 : f32
              %add3A_447 = vector.broadcast %add3A_446 : f32 to vector<16xf32>
              %add3A_448 = arith.addf %mul3A_445, %add3A_447 : vector<16xf32>
              %mul3A_449 = arith.mulf %add3A_448, %bitcast3A_430 : vector<16xf32>
              %add3A_450 = arith.constant -7.44387293 : f32
              %add3A_451 = vector.broadcast %add3A_450 : f32 to vector<16xf32>
              %add3A_452 = arith.addf %mul3A_449, %add3A_451 : vector<16xf32>
              %mul3A_453 = arith.mulf %add3A_452, %bitcast3A_430 : vector<16xf32>
              %add3A_454 = arith.constant 7.11003542 : f32
              %add3A_455 = vector.broadcast %add3A_454 : f32 to vector<16xf32>
              %add3A_456 = arith.addf %mul3A_453, %add3A_455 : vector<16xf32>
              %mul3A_457 = arith.mulf %add3A_456, %bitcast3A_430 : vector<16xf32>
              %add3A_458 = arith.constant -3.24070215 : f32
              %add3A_459 = vector.broadcast %add3A_458 : f32 to vector<16xf32>
              %add3A_460 = arith.addf %mul3A_457, %add3A_459 : vector<16xf32>
              %add3A_461 = arith.addf %convert_element_type3A_423, %add3A_460 : vector<16xf32>
              %mul3A_462 = arith.constant 9.77337551 : f32
              %mul3A_463 = vector.broadcast %mul3A_462 : f32 to vector<16xf32>
              %mul3A_464 = arith.mulf %mul3A_463, %add3A_461 : vector<16xf32>
              %exp3A_465 = math.exp %mul3A_464 : vector<16xf32>
              %mul3A_466 = arith.mulf %exp3A_465, %mul3A_210 : vector<16xf32>
              %mul3A_467 = arith.mulf %mul3A_466, %exp3A : vector<16xf32>
              %add3A_468 = arith.constant 2 : i32
              %add3A_469 = vector.broadcast %add3A_468 : i32 to vector<16xi32>
              %add3A_470 = arith.addi %gather3A_213, %add3A_469 : vector<16xi32>
              tpu.vector_store_idx %arg11[%add3A_470], %mul3A_467 masked %lt3A_147 {add = true} : memref<448xf32, #tpu.memory_space<vmem>>[vector<16xi32>], vector<16xf32>, vector<16xi1>
              %mul3A_471 = arith.mulf %mul3A_466, %exp3A_228 : vector<16xf32>
              %add3A_472 = arith.constant 6 : i32
              %add3A_473 = vector.broadcast %add3A_472 : i32 to vector<16xi32>
              %add3A_474 = arith.addi %gather3A_213, %add3A_473 : vector<16xi32>
              tpu.vector_store_idx %arg11[%add3A_474], %mul3A_471 masked %lt3A_147 {add = true} : memref<448xf32, #tpu.memory_space<vmem>>[vector<16xi32>], vector<16xf32>, vector<16xi1>
              %mul3A_475 = arith.mulf %mul3A_466, %exp3A_236 : vector<16xf32>
              %add3A_476 = arith.constant 10 : i32
              %add3A_477 = vector.broadcast %add3A_476 : i32 to vector<16xi32>
              %add3A_478 = arith.addi %gather3A_213, %add3A_477 : vector<16xi32>
              tpu.vector_store_idx %arg11[%add3A_478], %mul3A_475 masked %lt3A_147 {add = true} : memref<448xf32, #tpu.memory_space<vmem>>[vector<16xi32>], vector<16xf32>, vector<16xi1>
              %mul3A_479 = arith.mulf %mul3A_466, %exp3A_244 : vector<16xf32>
              %add3A_480 = arith.constant 14 : i32
              %add3A_481 = vector.broadcast %add3A_480 : i32 to vector<16xi32>
              %add3A_482 = arith.addi %gather3A_213, %add3A_481 : vector<16xi32>
              tpu.vector_store_idx %arg11[%add3A_482], %mul3A_479 masked %lt3A_147 {add = true} : memref<448xf32, #tpu.memory_space<vmem>>[vector<16xi32>], vector<16xf32>, vector<16xi1>
              %mul3A_483 = arith.constant -0.923879504 : f32
              %mul3A_484 = vector.broadcast %mul3A_483 : f32 to vector<16xf32>
              %mul3A_485 = arith.mulf %min3A_173, %mul3A_484 : vector<16xf32>
              %mul3A_486 = arith.constant 0.382683486 : f32
              %mul3A_487 = vector.broadcast %mul3A_486 : f32 to vector<16xf32>
              %mul3A_488 = arith.mulf %mul3A_202, %mul3A_487 : vector<16xf32>
              %add3A_489 = arith.addf %mul3A_485, %mul3A_488 : vector<16xf32>
              %mul3A_490 = arith.constant 5.000000e-01 : f32
              %mul3A_491 = vector.broadcast %mul3A_490 : f32 to vector<16xf32>
              %mul3A_492 = arith.mulf %mul3A_491, %add3A_489 : vector<16xf32>
              %add3A_493 = arith.constant 5.000000e-01 : f32
              %add3A_494 = vector.broadcast %add3A_493 : f32 to vector<16xf32>
              %add3A_495 = arith.addf %add3A_494, %mul3A_492 : vector<16xf32>
              %bitcast3A_496 = vector.bitcast %add3A_495 : vector<16xf32> to vector<16xi32>
              %shift_right_arithmetic3A_497 = arith.constant 23 : i32
              %shift_right_arithmetic3A_498 = vector.broadcast %shift_right_arithmetic3A_497 : i32 to vector<16xi32>
              %shift_right_arithmetic3A_499 = arith.shrsi %bitcast3A_496, %shift_right_arithmetic3A_498 : vector<16xi32>
              %sub3A_500 = arith.constant 127 : i32
              %sub3A_501 = vector.broadcast %sub3A_500 : i32 to vector<16xi32>
              %sub3A_502 = arith.subi %shift_right_arithmetic3A_499, %sub3A_501 : vector<16xi32>
              %convert_element_type3A_503 = arith.sitofp %sub3A_502 : vector<16xi32> to vector<16xf32>
              %and3A_504 = arith.constant 8388607 : i32
              %and3A_505 = vector.broadcast %and3A_504 : i32 to vector<16xi32>
              %and3A_506 = arith.andi %bitcast3A_496, %and3A_505 : vector<16xi32>
              %or3A_507 = arith.constant 1065353216 : i32
              %or3A_508 = vector.broadcast %or3A_507 : i32 to vector<16xi32>
              %or3A_509 = arith.ori %and3A_506, %or3A_508 : vector<16xi32>
              %bitcast3A_510 = vector.bitcast %or3A_509 : vector<16xi32> to vector<16xf32>
              %broadcast_in_dim3A_511 = arith.constant 0.0147787211 : f32
              %broadcast_in_dim3A_512 = vector.broadcast %broadcast_in_dim3A_511 : f32 to vector<16xf32>
              %mul3A_513 = arith.mulf %broadcast_in_dim3A_512, %bitcast3A_510 : vector<16xf32>
              %add3A_514 = arith.constant -0.180299774 : f32
              %add3A_515 = vector.broadcast %add3A_514 : f32 to vector<16xf32>
              %add3A_516 = arith.addf %mul3A_513, %add3A_515 : vector<16xf32>
              %mul3A_517 = arith.mulf %add3A_516, %bitcast3A_510 : vector<16xf32>
              %add3A_518 = arith.constant 0.961866319 : f32
              %add3A_519 = vector.broadcast %add3A_518 : f32 to vector<16xf32>
              %add3A_520 = arith.addf %mul3A_517, %add3A_519 : vector<16xf32>
              %mul3A_521 = arith.mulf %add3A_520, %bitcast3A_510 : vector<16xf32>
              %add3A_522 = arith.constant -2.94520617 : f32
              %add3A_523 = vector.broadcast %add3A_522 : f32 to vector<16xf32>
              %add3A_524 = arith.addf %mul3A_521, %add3A_523 : vector<16xf32>
              %mul3A_525 = arith.mulf %add3A_524, %bitcast3A_510 : vector<16xf32>
              %add3A_526 = arith.constant 5.72340155 : f32
              %add3A_527 = vector.broadcast %add3A_526 : f32 to vector<16xf32>
              %add3A_528 = arith.addf %mul3A_525, %add3A_527 : vector<16xf32>
              %mul3A_529 = arith.mulf %add3A_528, %bitcast3A_510 : vector<16xf32>
              %add3A_530 = arith.constant -7.44387293 : f32
              %add3A_531 = vector.broadcast %add3A_530 : f32 to vector<16xf32>
              %add3A_532 = arith.addf %mul3A_529, %add3A_531 : vector<16xf32>
              %mul3A_533 = arith.mulf %add3A_532, %bitcast3A_510 : vector<16xf32>
              %add3A_534 = arith.constant 7.11003542 : f32
              %add3A_535 = vector.broadcast %add3A_534 : f32 to vector<16xf32>
              %add3A_536 = arith.addf %mul3A_533, %add3A_535 : vector<16xf32>
              %mul3A_537 = arith.mulf %add3A_536, %bitcast3A_510 : vector<16xf32>
              %add3A_538 = arith.constant -3.24070215 : f32
              %add3A_539 = vector.broadcast %add3A_538 : f32 to vector<16xf32>
              %add3A_540 = arith.addf %mul3A_537, %add3A_539 : vector<16xf32>
              %add3A_541 = arith.addf %convert_element_type3A_503, %add3A_540 : vector<16xf32>
              %mul3A_542 = arith.constant 9.77337551 : f32
              %mul3A_543 = vector.broadcast %mul3A_542 : f32 to vector<16xf32>
              %mul3A_544 = arith.mulf %mul3A_543, %add3A_541 : vector<16xf32>
              %exp3A_545 = math.exp %mul3A_544 : vector<16xf32>
              %mul3A_546 = arith.mulf %exp3A_545, %mul3A_210 : vector<16xf32>
              %mul3A_547 = arith.mulf %mul3A_546, %exp3A : vector<16xf32>
              %add3A_548 = arith.constant 3 : i32
              %add3A_549 = vector.broadcast %add3A_548 : i32 to vector<16xi32>
              %add3A_550 = arith.addi %gather3A_213, %add3A_549 : vector<16xi32>
              tpu.vector_store_idx %arg11[%add3A_550], %mul3A_547 masked %lt3A_147 {add = true} : memref<448xf32, #tpu.memory_space<vmem>>[vector<16xi32>], vector<16xf32>, vector<16xi1>
              %mul3A_551 = arith.mulf %mul3A_546, %exp3A_228 : vector<16xf32>
              %add3A_552 = arith.constant 7 : i32
              %add3A_553 = vector.broadcast %add3A_552 : i32 to vector<16xi32>
              %add3A_554 = arith.addi %gather3A_213, %add3A_553 : vector<16xi32>
              tpu.vector_store_idx %arg11[%add3A_554], %mul3A_551 masked %lt3A_147 {add = true} : memref<448xf32, #tpu.memory_space<vmem>>[vector<16xi32>], vector<16xf32>, vector<16xi1>
              %mul3A_555 = arith.mulf %mul3A_546, %exp3A_236 : vector<16xf32>
              %add3A_556 = arith.constant 11 : i32
              %add3A_557 = vector.broadcast %add3A_556 : i32 to vector<16xi32>
              %add3A_558 = arith.addi %gather3A_213, %add3A_557 : vector<16xi32>
              tpu.vector_store_idx %arg11[%add3A_558], %mul3A_555 masked %lt3A_147 {add = true} : memref<448xf32, #tpu.memory_space<vmem>>[vector<16xi32>], vector<16xf32>, vector<16xi1>
              %mul3A_559 = arith.mulf %mul3A_546, %exp3A_244 : vector<16xf32>
              %add3A_560 = arith.constant 15 : i32
              %add3A_561 = vector.broadcast %add3A_560 : i32 to vector<16xi32>
              %add3A_562 = arith.addi %gather3A_213, %add3A_561 : vector<16xi32>
              tpu.vector_store_idx %arg11[%add3A_562], %mul3A_559 masked %lt3A_147 {add = true} : memref<448xf32, #tpu.memory_space<vmem>>[vector<16xi32>], vector<16xf32>, vector<16xi1>
            }
          }
          %while3A_113 = arith.constant 1 : i32
          scf.for %while3A_114 = %while3A_111 to %while3A_107 step %while3A_113  : i32 {
            %mul3A_115 = arith.constant 8 : i32
            %mul3A_116 = arith.muli %while3A_114, %mul3A_115 : i32
            %broadcast_in_dim3A_117 = vector.broadcast %mul3A_116 : i32 to vector<16xi32>
            %gather3A = tpu.vector_load_idx %arg10[%broadcast_in_dim3A_117] : memref<768xf32, #tpu.memory_space<vmem>>[vector<16xi32>], vector<16xf32>,
            %add3A_118 = arith.addi %broadcast_in_dim3A_117, %add3A_10 : vector<16xi32>
            %gather3A_119 = tpu.vector_load_idx %arg10[%add3A_118] : memref<768xf32, #tpu.memory_space<vmem>>[vector<16xi32>], vector<16xf32>,
            %add3A_120 = arith.addi %broadcast_in_dim3A_117, %add3A_13 : vector<16xi32>
            %gather3A_121 = tpu.vector_load_idx %arg10[%add3A_120] : memref<768xf32, #tpu.memory_space<vmem>>[vector<16xi32>], vector<16xf32>,
            %add3A_122 = arith.addi %broadcast_in_dim3A_117, %add3A_16 : vector<16xi32>
            %gather3A_123 = tpu.vector_load_idx %arg10[%add3A_122] : memref<768xf32, #tpu.memory_space<vmem>>[vector<16xi32>], vector<16xf32>,
            %add3A_124 = arith.addi %broadcast_in_dim3A_117, %add3A_19 : vector<16xi32>
            %gather3A_125 = tpu.vector_load_idx %arg10[%add3A_124] : memref<768xf32, #tpu.memory_space<vmem>>[vector<16xi32>], vector<16xf32>,
            %add3A_126 = arith.addi %broadcast_in_dim3A_117, %add3A_25 : vector<16xi32>
            %gather3A_127 = tpu.vector_load_idx %arg10[%add3A_126] : memref<768xf32, #tpu.memory_space<vmem>>[vector<16xi32>], vector<16xf32>,
            %add3A_128 = arith.constant 15 : i32
            %add3A_129 = arith.addi %while3A_114, %add3A_128 : i32
            %shift_right_arithmetic3A = arith.constant 4 : i32
            %shift_right_arithmetic3A_130 = arith.shrsi %add3A_129, %shift_right_arithmetic3A : i32
            %while3A_131 = arith.constant 0 : i32
            %while3A_132 = arith.constant 0 : i32
            %while3A_133 = arith.subi %shift_right_arithmetic3A_130, %while3A_132 : i32
            %while3A_134 = arith.addi %while3A_132, %while3A_133 : i32
            %while3A_135 = arith.constant 1 : i32
            %while3A_136 = arith.divsi %while3A_133, %while3A_135 : i32
            %while3A_137 = arith.muli %while3A_136, %while3A_135 : i32
            %while3A_138 = arith.addi %while3A_132, %while3A_137 : i32
            %while3A_139 = arith.constant 1 : i32
            scf.for %while3A_141 = %while3A_132 to %while3A_138 step %while3A_139  : i32 {
              %mul3A_142 = arith.constant 16 : i32
              %mul3A_143 = arith.muli %while3A_141, %mul3A_142 : i32
              %add3A_144 = vector.broadcast %mul3A_143 : i32 to vector<16xi32>
              %add3A_145 = arith.addi %add3A_144, %iota3A : vector<16xi32>
              %lt3A_146 = vector.broadcast %while3A_114 : i32 to vector<16xi32>
              %lt3A_147 = arith.cmpi slt, %add3A_145, %lt3A_146 : vector<16xi32>
              %mul3A_148 = arith.constant 8 : i32
              %mul3A_149 = vector.broadcast %mul3A_148 : i32 to vector<16xi32>
              %mul3A_150 = arith.muli %add3A_145, %mul3A_149 : vector<16xi32>
              %gather3A_151 = tpu.vector_load_idx %arg10[%mul3A_150] masked %lt3A_147 : memref<768xf32, #tpu.memory_space<vmem>>[vector<16xi32>], vector<16xf32>, vector<16xi1>
              %add3A_152 = arith.addi %mul3A_150, %add3A_10 : vector<16xi32>
              %gather3A_153 = tpu.vector_load_idx %arg10[%add3A_152] masked %lt3A_147 : memref<768xf32, #tpu.memory_space<vmem>>[vector<16xi32>], vector<16xf32>, vector<16xi1>
              %add3A_154 = arith.addi %mul3A_150, %add3A_13 : vector<16xi32>
              %gather3A_155 = tpu.vector_load_idx %arg10[%add3A_154] masked %lt3A_147 : memref<768xf32, #tpu.memory_space<vmem>>[vector<16xi32>], vector<16xf32>, vector<16xi1>
              %add3A_156 = arith.addi %mul3A_150, %add3A_16 : vector<16xi32>
              %gather3A_157 = tpu.vector_load_idx %arg10[%add3A_156] masked %lt3A_147 : memref<768xf32, #tpu.memory_space<vmem>>[vector<16xi32>], vector<16xf32>, vector<16xi1>
              %add3A_158 = arith.addi %mul3A_150, %add3A_19 : vector<16xi32>
              %gather3A_159 = tpu.vector_load_idx %arg10[%add3A_158] masked %lt3A_147 : memref<768xf32, #tpu.memory_space<vmem>>[vector<16xi32>], vector<16xf32>, vector<16xi1>
              %add3A_160 = arith.addi %mul3A_150, %add3A_22 : vector<16xi32>
              %gather3A_161 = tpu.vector_load_idx %arg10[%add3A_160] masked %lt3A_147 : memref<768xf32, #tpu.memory_space<vmem>>[vector<16xi32>], vector<16xf32>, vector<16xi1>
              %mul3A_162 = arith.mulf %gather3A_151, %gather3A : vector<16xf32>
              %mul3A_163 = arith.mulf %gather3A_153, %gather3A_119 : vector<16xf32>
              %add3A_164 = arith.addf %mul3A_162, %mul3A_163 : vector<16xf32>
              %mul3A_165 = arith.mulf %gather3A_155, %gather3A_121 : vector<16xf32>
              %add3A_166 = arith.addf %add3A_164, %mul3A_165 : vector<16xf32>
              %mul3A_167 = arith.constant 0.949999988 : f32
              %mul3A_168 = vector.broadcast %mul3A_167 : f32 to vector<16xf32>
              %mul3A_169 = arith.mulf %mul3A_168, %add3A_166 : vector<16xf32>
              %mul3A_170 = arith.mulf %gather3A_157, %gather3A_123 : vector<16xf32>
              %div3A = arith.divf %mul3A_169, %mul3A_170 : vector<16xf32>
              %jit3A = arith.constant -9.800000e-01 : f32
              %jit3A_171 = arith.constant 9.800000e-01 : f32
              %max3A = vector.broadcast %jit3A : f32 to vector<16xf32>
              %max3A_172 = arith.maximumf %max3A, %div3A : vector<16xf32>
              %min3A = vector.broadcast %jit3A_171 : f32 to vector<16xf32>
              %min3A_173 = arith.minimumf %min3A, %max3A_172 : vector<16xf32>
              %mul3A_174 = arith.mulf %min3A_173, %min3A_173 : vector<16xf32>
              %sub3A = arith.constant 1.000000e+00 : f32
              %sub3A_175 = vector.broadcast %sub3A : f32 to vector<16xf32>
              %sub3A_176 = arith.subf %sub3A_175, %mul3A_174 : vector<16xf32>
              %bitcast3A = vector.bitcast %sub3A_176 : vector<16xf32> to vector<16xi32>
              %shift_right_arithmetic3A_177 = arith.constant 1 : i32
              %shift_right_arithmetic3A_178 = vector.broadcast %shift_right_arithmetic3A_177 : i32 to vector<16xi32>
              %shift_right_arithmetic3A_179 = arith.shrsi %bitcast3A, %shift_right_arithmetic3A_178 : vector<16xi32>
              %sub3A_180 = arith.constant 1597463007 : i32
              %sub3A_181 = vector.broadcast %sub3A_180 : i32 to vector<16xi32>
              %sub3A_182 = arith.subi %sub3A_181, %shift_right_arithmetic3A_179 : vector<16xi32>
              %bitcast3A_183 = vector.bitcast %sub3A_182 : vector<16xi32> to vector<16xf32>
              %mul3A_184 = arith.constant 5.000000e-01 : f32
              %mul3A_185 = vector.broadcast %mul3A_184 : f32 to vector<16xf32>
              %mul3A_186 = arith.mulf %mul3A_185, %sub3A_176 : vector<16xf32>
              %mul3A_187 = arith.mulf %mul3A_186, %bitcast3A_183 : vector<16xf32>
              %mul3A_188 = arith.mulf %mul3A_187, %bitcast3A_183 : vector<16xf32>
              %sub3A_189 = arith.constant 1.500000e+00 : f32
              %sub3A_190 = vector.broadcast %sub3A_189 : f32 to vector<16xf32>
              %sub3A_191 = arith.subf %sub3A_190, %mul3A_188 : vector<16xf32>
              %mul3A_192 = arith.mulf %bitcast3A_183, %sub3A_191 : vector<16xf32>
              %mul3A_193 = arith.constant 5.000000e-01 : f32
              %mul3A_194 = vector.broadcast %mul3A_193 : f32 to vector<16xf32>
              %mul3A_195 = arith.mulf %mul3A_194, %sub3A_176 : vector<16xf32>
              %mul3A_196 = arith.mulf %mul3A_195, %mul3A_192 : vector<16xf32>
              %mul3A_197 = arith.mulf %mul3A_196, %mul3A_192 : vector<16xf32>
              %sub3A_198 = arith.constant 1.500000e+00 : f32
              %sub3A_199 = vector.broadcast %sub3A_198 : f32 to vector<16xf32>
              %sub3A_200 = arith.subf %sub3A_199, %mul3A_197 : vector<16xf32>
              %mul3A_201 = arith.mulf %mul3A_192, %sub3A_200 : vector<16xf32>
              %mul3A_202 = arith.mulf %sub3A_176, %mul3A_201 : vector<16xf32>
              %add3A_203 = arith.addf %gather3A_157, %gather3A_123 : vector<16xf32>
              %mul3A_204 = arith.constant 5.000000e-01 : f32
              %mul3A_205 = vector.broadcast %mul3A_204 : f32 to vector<16xf32>
              %mul3A_206 = arith.mulf %mul3A_205, %add3A_203 : vector<16xf32>
              %mul3A_207 = arith.constant 2.000000e+00 : f32
              %mul3A_208 = vector.broadcast %mul3A_207 : f32 to vector<16xf32>
              %mul3A_209 = arith.mulf %mul3A_208, %gather3A_159 : vector<16xf32>
              %mul3A_210 = arith.mulf %mul3A_209, %gather3A_125 : vector<16xf32>
              %add3A_211 = arith.addf %gather3A_161, %gather3A_127 : vector<16xf32>
              %convert_element_type3A_212 = arith.fptosi %add3A_211 : vector<16xf32> to vector<16xi32>
              %gather3A_213 = tpu.vector_load_idx %arg9[%convert_element_type3A_212] masked %lt3A_147 : memref<64xi32, #tpu.memory_space<vmem>>[vector<16xi32>], vector<16xi32>, vector<16xi1>
              %sub3A_214 = arith.constant 8.000000e-01 : f32
              %sub3A_215 = vector.broadcast %sub3A_214 : f32 to vector<16xf32>
              %sub3A_216 = arith.subf %mul3A_206, %sub3A_215 : vector<16xf32>
              %mul3A_217 = arith.constant -1.250000e+01 : f32
              %mul3A_218 = vector.broadcast %mul3A_217 : f32 to vector<16xf32>
              %mul3A_219 = arith.mulf %mul3A_218, %sub3A_216 : vector<16xf32>
              %mul3A_220 = arith.mulf %mul3A_219, %sub3A_216 : vector<16xf32>
              %exp3A = math.exp %mul3A_220 : vector<16xf32>
              %sub3A_221 = arith.constant 1.475000e+00 : f32
              %sub3A_222 = vector.broadcast %sub3A_221 : f32 to vector<16xf32>
              %sub3A_223 = arith.subf %mul3A_206, %sub3A_222 : vector<16xf32>
              %mul3A_224 = arith.constant -1.250000e+01 : f32
              %mul3A_225 = vector.broadcast %mul3A_224 : f32 to vector<16xf32>
              %mul3A_226 = arith.mulf %mul3A_225, %sub3A_223 : vector<16xf32>
              %mul3A_227 = arith.mulf %mul3A_226, %sub3A_223 : vector<16xf32>
              %exp3A_228 = math.exp %mul3A_227 : vector<16xf32>
              %sub3A_229 = arith.constant 2.150000e+00 : f32
              %sub3A_230 = vector.broadcast %sub3A_229 : f32 to vector<16xf32>
              %sub3A_231 = arith.subf %mul3A_206, %sub3A_230 : vector<16xf32>
              %mul3A_232 = arith.constant -1.250000e+01 : f32
              %mul3A_233 = vector.broadcast %mul3A_232 : f32 to vector<16xf32>
              %mul3A_234 = arith.mulf %mul3A_233, %sub3A_231 : vector<16xf32>
              %mul3A_235 = arith.mulf %mul3A_234, %sub3A_231 : vector<16xf32>
              %exp3A_236 = math.exp %mul3A_235 : vector<16xf32>
              %sub3A_237 = arith.constant 2.825000e+00 : f32
              %sub3A_238 = vector.broadcast %sub3A_237 : f32 to vector<16xf32>
              %sub3A_239 = arith.subf %mul3A_206, %sub3A_238 : vector<16xf32>
              %mul3A_240 = arith.constant -1.250000e+01 : f32
              %mul3A_241 = vector.broadcast %mul3A_240 : f32 to vector<16xf32>
              %mul3A_242 = arith.mulf %mul3A_241, %sub3A_239 : vector<16xf32>
              %mul3A_243 = arith.mulf %mul3A_242, %sub3A_239 : vector<16xf32>
              %exp3A_244 = math.exp %mul3A_243 : vector<16xf32>
              %mul3A_245 = arith.constant 0.923879504 : f32
              %mul3A_246 = vector.broadcast %mul3A_245 : f32 to vector<16xf32>
              %mul3A_247 = arith.mulf %min3A_173, %mul3A_246 : vector<16xf32>
              %mul3A_248 = arith.constant 0.382683456 : f32
              %mul3A_249 = vector.broadcast %mul3A_248 : f32 to vector<16xf32>
              %mul3A_250 = arith.mulf %mul3A_202, %mul3A_249 : vector<16xf32>
              %add3A_251 = arith.addf %mul3A_247, %mul3A_250 : vector<16xf32>
              %mul3A_252 = arith.constant 5.000000e-01 : f32
              %mul3A_253 = vector.broadcast %mul3A_252 : f32 to vector<16xf32>
              %mul3A_254 = arith.mulf %mul3A_253, %add3A_251 : vector<16xf32>
              %add3A_255 = arith.constant 5.000000e-01 : f32
              %add3A_256 = vector.broadcast %add3A_255 : f32 to vector<16xf32>
              %add3A_257 = arith.addf %add3A_256, %mul3A_254 : vector<16xf32>
              %bitcast3A_258 = vector.bitcast %add3A_257 : vector<16xf32> to vector<16xi32>
              %shift_right_arithmetic3A_259 = arith.constant 23 : i32
              %shift_right_arithmetic3A_260 = vector.broadcast %shift_right_arithmetic3A_259 : i32 to vector<16xi32>
              %shift_right_arithmetic3A_261 = arith.shrsi %bitcast3A_258, %shift_right_arithmetic3A_260 : vector<16xi32>
              %sub3A_262 = arith.constant 127 : i32
              %sub3A_263 = vector.broadcast %sub3A_262 : i32 to vector<16xi32>
              %sub3A_264 = arith.subi %shift_right_arithmetic3A_261, %sub3A_263 : vector<16xi32>
              %convert_element_type3A_265 = arith.sitofp %sub3A_264 : vector<16xi32> to vector<16xf32>
              %and3A = arith.constant 8388607 : i32
              %and3A_266 = vector.broadcast %and3A : i32 to vector<16xi32>
              %and3A_267 = arith.andi %bitcast3A_258, %and3A_266 : vector<16xi32>
              %or3A = arith.constant 1065353216 : i32
              %or3A_268 = vector.broadcast %or3A : i32 to vector<16xi32>
              %or3A_269 = arith.ori %and3A_267, %or3A_268 : vector<16xi32>
              %bitcast3A_270 = vector.bitcast %or3A_269 : vector<16xi32> to vector<16xf32>
              %broadcast_in_dim3A_271 = arith.constant 0.0147787211 : f32
              %broadcast_in_dim3A_272 = vector.broadcast %broadcast_in_dim3A_271 : f32 to vector<16xf32>
              %mul3A_273 = arith.mulf %broadcast_in_dim3A_272, %bitcast3A_270 : vector<16xf32>
              %add3A_274 = arith.constant -0.180299774 : f32
              %add3A_275 = vector.broadcast %add3A_274 : f32 to vector<16xf32>
              %add3A_276 = arith.addf %mul3A_273, %add3A_275 : vector<16xf32>
              %mul3A_277 = arith.mulf %add3A_276, %bitcast3A_270 : vector<16xf32>
              %add3A_278 = arith.constant 0.961866319 : f32
              %add3A_279 = vector.broadcast %add3A_278 : f32 to vector<16xf32>
              %add3A_280 = arith.addf %mul3A_277, %add3A_279 : vector<16xf32>
              %mul3A_281 = arith.mulf %add3A_280, %bitcast3A_270 : vector<16xf32>
              %add3A_282 = arith.constant -2.94520617 : f32
              %add3A_283 = vector.broadcast %add3A_282 : f32 to vector<16xf32>
              %add3A_284 = arith.addf %mul3A_281, %add3A_283 : vector<16xf32>
              %mul3A_285 = arith.mulf %add3A_284, %bitcast3A_270 : vector<16xf32>
              %add3A_286 = arith.constant 5.72340155 : f32
              %add3A_287 = vector.broadcast %add3A_286 : f32 to vector<16xf32>
              %add3A_288 = arith.addf %mul3A_285, %add3A_287 : vector<16xf32>
              %mul3A_289 = arith.mulf %add3A_288, %bitcast3A_270 : vector<16xf32>
              %add3A_290 = arith.constant -7.44387293 : f32
              %add3A_291 = vector.broadcast %add3A_290 : f32 to vector<16xf32>
              %add3A_292 = arith.addf %mul3A_289, %add3A_291 : vector<16xf32>
              %mul3A_293 = arith.mulf %add3A_292, %bitcast3A_270 : vector<16xf32>
              %add3A_294 = arith.constant 7.11003542 : f32
              %add3A_295 = vector.broadcast %add3A_294 : f32 to vector<16xf32>
              %add3A_296 = arith.addf %mul3A_293, %add3A_295 : vector<16xf32>
              %mul3A_297 = arith.mulf %add3A_296, %bitcast3A_270 : vector<16xf32>
              %add3A_298 = arith.constant -3.24070215 : f32
              %add3A_299 = vector.broadcast %add3A_298 : f32 to vector<16xf32>
              %add3A_300 = arith.addf %mul3A_297, %add3A_299 : vector<16xf32>
              %add3A_301 = arith.addf %convert_element_type3A_265, %add3A_300 : vector<16xf32>
              %mul3A_302 = arith.constant 9.77337551 : f32
              %mul3A_303 = vector.broadcast %mul3A_302 : f32 to vector<16xf32>
              %mul3A_304 = arith.mulf %mul3A_303, %add3A_301 : vector<16xf32>
              %exp3A_305 = math.exp %mul3A_304 : vector<16xf32>
              %mul3A_306 = arith.mulf %exp3A_305, %mul3A_210 : vector<16xf32>
              %mul3A_307 = arith.mulf %mul3A_306, %exp3A : vector<16xf32>
              %add3A_308 = arith.constant 0 : i32
              %add3A_309 = vector.broadcast %add3A_308 : i32 to vector<16xi32>
              %add3A_310 = arith.addi %gather3A_213, %add3A_309 : vector<16xi32>
              tpu.vector_store_idx %arg11[%add3A_310], %mul3A_307 masked %lt3A_147 {add = true} : memref<448xf32, #tpu.memory_space<vmem>>[vector<16xi32>], vector<16xf32>, vector<16xi1>
              %mul3A_311 = arith.mulf %mul3A_306, %exp3A_228 : vector<16xf32>
              %add3A_312 = arith.constant 4 : i32
              %add3A_313 = vector.broadcast %add3A_312 : i32 to vector<16xi32>
              %add3A_314 = arith.addi %gather3A_213, %add3A_313 : vector<16xi32>
              tpu.vector_store_idx %arg11[%add3A_314], %mul3A_311 masked %lt3A_147 {add = true} : memref<448xf32, #tpu.memory_space<vmem>>[vector<16xi32>], vector<16xf32>, vector<16xi1>
              %mul3A_315 = arith.mulf %mul3A_306, %exp3A_236 : vector<16xf32>
              %add3A_316 = arith.constant 8 : i32
              %add3A_317 = vector.broadcast %add3A_316 : i32 to vector<16xi32>
              %add3A_318 = arith.addi %gather3A_213, %add3A_317 : vector<16xi32>
              tpu.vector_store_idx %arg11[%add3A_318], %mul3A_315 masked %lt3A_147 {add = true} : memref<448xf32, #tpu.memory_space<vmem>>[vector<16xi32>], vector<16xf32>, vector<16xi1>
              %mul3A_319 = arith.mulf %mul3A_306, %exp3A_244 : vector<16xf32>
              %add3A_320 = arith.constant 12 : i32
              %add3A_321 = vector.broadcast %add3A_320 : i32 to vector<16xi32>
              %add3A_322 = arith.addi %gather3A_213, %add3A_321 : vector<16xi32>
              tpu.vector_store_idx %arg11[%add3A_322], %mul3A_319 masked %lt3A_147 {add = true} : memref<448xf32, #tpu.memory_space<vmem>>[vector<16xi32>], vector<16xf32>, vector<16xi1>
              %mul3A_323 = arith.constant 0.382683456 : f32
              %mul3A_324 = vector.broadcast %mul3A_323 : f32 to vector<16xf32>
              %mul3A_325 = arith.mulf %min3A_173, %mul3A_324 : vector<16xf32>
              %mul3A_326 = arith.constant 0.923879504 : f32
              %mul3A_327 = vector.broadcast %mul3A_326 : f32 to vector<16xf32>
              %mul3A_328 = arith.mulf %mul3A_202, %mul3A_327 : vector<16xf32>
              %add3A_329 = arith.addf %mul3A_325, %mul3A_328 : vector<16xf32>
              %mul3A_330 = arith.constant 5.000000e-01 : f32
              %mul3A_331 = vector.broadcast %mul3A_330 : f32 to vector<16xf32>
              %mul3A_332 = arith.mulf %mul3A_331, %add3A_329 : vector<16xf32>
              %add3A_333 = arith.constant 5.000000e-01 : f32
              %add3A_334 = vector.broadcast %add3A_333 : f32 to vector<16xf32>
              %add3A_335 = arith.addf %add3A_334, %mul3A_332 : vector<16xf32>
              %bitcast3A_336 = vector.bitcast %add3A_335 : vector<16xf32> to vector<16xi32>
              %shift_right_arithmetic3A_337 = arith.constant 23 : i32
              %shift_right_arithmetic3A_338 = vector.broadcast %shift_right_arithmetic3A_337 : i32 to vector<16xi32>
              %shift_right_arithmetic3A_339 = arith.shrsi %bitcast3A_336, %shift_right_arithmetic3A_338 : vector<16xi32>
              %sub3A_340 = arith.constant 127 : i32
              %sub3A_341 = vector.broadcast %sub3A_340 : i32 to vector<16xi32>
              %sub3A_342 = arith.subi %shift_right_arithmetic3A_339, %sub3A_341 : vector<16xi32>
              %convert_element_type3A_343 = arith.sitofp %sub3A_342 : vector<16xi32> to vector<16xf32>
              %and3A_344 = arith.constant 8388607 : i32
              %and3A_345 = vector.broadcast %and3A_344 : i32 to vector<16xi32>
              %and3A_346 = arith.andi %bitcast3A_336, %and3A_345 : vector<16xi32>
              %or3A_347 = arith.constant 1065353216 : i32
              %or3A_348 = vector.broadcast %or3A_347 : i32 to vector<16xi32>
              %or3A_349 = arith.ori %and3A_346, %or3A_348 : vector<16xi32>
              %bitcast3A_350 = vector.bitcast %or3A_349 : vector<16xi32> to vector<16xf32>
              %broadcast_in_dim3A_351 = arith.constant 0.0147787211 : f32
              %broadcast_in_dim3A_352 = vector.broadcast %broadcast_in_dim3A_351 : f32 to vector<16xf32>
              %mul3A_353 = arith.mulf %broadcast_in_dim3A_352, %bitcast3A_350 : vector<16xf32>
              %add3A_354 = arith.constant -0.180299774 : f32
              %add3A_355 = vector.broadcast %add3A_354 : f32 to vector<16xf32>
              %add3A_356 = arith.addf %mul3A_353, %add3A_355 : vector<16xf32>
              %mul3A_357 = arith.mulf %add3A_356, %bitcast3A_350 : vector<16xf32>
              %add3A_358 = arith.constant 0.961866319 : f32
              %add3A_359 = vector.broadcast %add3A_358 : f32 to vector<16xf32>
              %add3A_360 = arith.addf %mul3A_357, %add3A_359 : vector<16xf32>
              %mul3A_361 = arith.mulf %add3A_360, %bitcast3A_350 : vector<16xf32>
              %add3A_362 = arith.constant -2.94520617 : f32
              %add3A_363 = vector.broadcast %add3A_362 : f32 to vector<16xf32>
              %add3A_364 = arith.addf %mul3A_361, %add3A_363 : vector<16xf32>
              %mul3A_365 = arith.mulf %add3A_364, %bitcast3A_350 : vector<16xf32>
              %add3A_366 = arith.constant 5.72340155 : f32
              %add3A_367 = vector.broadcast %add3A_366 : f32 to vector<16xf32>
              %add3A_368 = arith.addf %mul3A_365, %add3A_367 : vector<16xf32>
              %mul3A_369 = arith.mulf %add3A_368, %bitcast3A_350 : vector<16xf32>
              %add3A_370 = arith.constant -7.44387293 : f32
              %add3A_371 = vector.broadcast %add3A_370 : f32 to vector<16xf32>
              %add3A_372 = arith.addf %mul3A_369, %add3A_371 : vector<16xf32>
              %mul3A_373 = arith.mulf %add3A_372, %bitcast3A_350 : vector<16xf32>
              %add3A_374 = arith.constant 7.11003542 : f32
              %add3A_375 = vector.broadcast %add3A_374 : f32 to vector<16xf32>
              %add3A_376 = arith.addf %mul3A_373, %add3A_375 : vector<16xf32>
              %mul3A_377 = arith.mulf %add3A_376, %bitcast3A_350 : vector<16xf32>
              %add3A_378 = arith.constant -3.24070215 : f32
              %add3A_379 = vector.broadcast %add3A_378 : f32 to vector<16xf32>
              %add3A_380 = arith.addf %mul3A_377, %add3A_379 : vector<16xf32>
              %add3A_381 = arith.addf %convert_element_type3A_343, %add3A_380 : vector<16xf32>
              %mul3A_382 = arith.constant 9.77337551 : f32
              %mul3A_383 = vector.broadcast %mul3A_382 : f32 to vector<16xf32>
              %mul3A_384 = arith.mulf %mul3A_383, %add3A_381 : vector<16xf32>
              %exp3A_385 = math.exp %mul3A_384 : vector<16xf32>
              %mul3A_386 = arith.mulf %exp3A_385, %mul3A_210 : vector<16xf32>
              %mul3A_387 = arith.mulf %mul3A_386, %exp3A : vector<16xf32>
              %add3A_388 = arith.constant 1 : i32
              %add3A_389 = vector.broadcast %add3A_388 : i32 to vector<16xi32>
              %add3A_390 = arith.addi %gather3A_213, %add3A_389 : vector<16xi32>
              tpu.vector_store_idx %arg11[%add3A_390], %mul3A_387 masked %lt3A_147 {add = true} : memref<448xf32, #tpu.memory_space<vmem>>[vector<16xi32>], vector<16xf32>, vector<16xi1>
              %mul3A_391 = arith.mulf %mul3A_386, %exp3A_228 : vector<16xf32>
              %add3A_392 = arith.constant 5 : i32
              %add3A_393 = vector.broadcast %add3A_392 : i32 to vector<16xi32>
              %add3A_394 = arith.addi %gather3A_213, %add3A_393 : vector<16xi32>
              tpu.vector_store_idx %arg11[%add3A_394], %mul3A_391 masked %lt3A_147 {add = true} : memref<448xf32, #tpu.memory_space<vmem>>[vector<16xi32>], vector<16xf32>, vector<16xi1>
              %mul3A_395 = arith.mulf %mul3A_386, %exp3A_236 : vector<16xf32>
              %add3A_396 = arith.constant 9 : i32
              %add3A_397 = vector.broadcast %add3A_396 : i32 to vector<16xi32>
              %add3A_398 = arith.addi %gather3A_213, %add3A_397 : vector<16xi32>
              tpu.vector_store_idx %arg11[%add3A_398], %mul3A_395 masked %lt3A_147 {add = true} : memref<448xf32, #tpu.memory_space<vmem>>[vector<16xi32>], vector<16xf32>, vector<16xi1>
              %mul3A_399 = arith.mulf %mul3A_386, %exp3A_244 : vector<16xf32>
              %add3A_400 = arith.constant 13 : i32
              %add3A_401 = vector.broadcast %add3A_400 : i32 to vector<16xi32>
              %add3A_402 = arith.addi %gather3A_213, %add3A_401 : vector<16xi32>
              tpu.vector_store_idx %arg11[%add3A_402], %mul3A_399 masked %lt3A_147 {add = true} : memref<448xf32, #tpu.memory_space<vmem>>[vector<16xi32>], vector<16xf32>, vector<16xi1>
              %mul3A_403 = arith.constant -0.382683396 : f32
              %mul3A_404 = vector.broadcast %mul3A_403 : f32 to vector<16xf32>
              %mul3A_405 = arith.mulf %min3A_173, %mul3A_404 : vector<16xf32>
              %mul3A_406 = arith.constant 0.923879563 : f32
              %mul3A_407 = vector.broadcast %mul3A_406 : f32 to vector<16xf32>
              %mul3A_408 = arith.mulf %mul3A_202, %mul3A_407 : vector<16xf32>
              %add3A_409 = arith.addf %mul3A_405, %mul3A_408 : vector<16xf32>
              %mul3A_410 = arith.constant 5.000000e-01 : f32
              %mul3A_411 = vector.broadcast %mul3A_410 : f32 to vector<16xf32>
              %mul3A_412 = arith.mulf %mul3A_411, %add3A_409 : vector<16xf32>
              %add3A_413 = arith.constant 5.000000e-01 : f32
              %add3A_414 = vector.broadcast %add3A_413 : f32 to vector<16xf32>
              %add3A_415 = arith.addf %add3A_414, %mul3A_412 : vector<16xf32>
              %bitcast3A_416 = vector.bitcast %add3A_415 : vector<16xf32> to vector<16xi32>
              %shift_right_arithmetic3A_417 = arith.constant 23 : i32
              %shift_right_arithmetic3A_418 = vector.broadcast %shift_right_arithmetic3A_417 : i32 to vector<16xi32>
              %shift_right_arithmetic3A_419 = arith.shrsi %bitcast3A_416, %shift_right_arithmetic3A_418 : vector<16xi32>
              %sub3A_420 = arith.constant 127 : i32
              %sub3A_421 = vector.broadcast %sub3A_420 : i32 to vector<16xi32>
              %sub3A_422 = arith.subi %shift_right_arithmetic3A_419, %sub3A_421 : vector<16xi32>
              %convert_element_type3A_423 = arith.sitofp %sub3A_422 : vector<16xi32> to vector<16xf32>
              %and3A_424 = arith.constant 8388607 : i32
              %and3A_425 = vector.broadcast %and3A_424 : i32 to vector<16xi32>
              %and3A_426 = arith.andi %bitcast3A_416, %and3A_425 : vector<16xi32>
              %or3A_427 = arith.constant 1065353216 : i32
              %or3A_428 = vector.broadcast %or3A_427 : i32 to vector<16xi32>
              %or3A_429 = arith.ori %and3A_426, %or3A_428 : vector<16xi32>
              %bitcast3A_430 = vector.bitcast %or3A_429 : vector<16xi32> to vector<16xf32>
              %broadcast_in_dim3A_431 = arith.constant 0.0147787211 : f32
              %broadcast_in_dim3A_432 = vector.broadcast %broadcast_in_dim3A_431 : f32 to vector<16xf32>
              %mul3A_433 = arith.mulf %broadcast_in_dim3A_432, %bitcast3A_430 : vector<16xf32>
              %add3A_434 = arith.constant -0.180299774 : f32
              %add3A_435 = vector.broadcast %add3A_434 : f32 to vector<16xf32>
              %add3A_436 = arith.addf %mul3A_433, %add3A_435 : vector<16xf32>
              %mul3A_437 = arith.mulf %add3A_436, %bitcast3A_430 : vector<16xf32>
              %add3A_438 = arith.constant 0.961866319 : f32
              %add3A_439 = vector.broadcast %add3A_438 : f32 to vector<16xf32>
              %add3A_440 = arith.addf %mul3A_437, %add3A_439 : vector<16xf32>
              %mul3A_441 = arith.mulf %add3A_440, %bitcast3A_430 : vector<16xf32>
              %add3A_442 = arith.constant -2.94520617 : f32
              %add3A_443 = vector.broadcast %add3A_442 : f32 to vector<16xf32>
              %add3A_444 = arith.addf %mul3A_441, %add3A_443 : vector<16xf32>
              %mul3A_445 = arith.mulf %add3A_444, %bitcast3A_430 : vector<16xf32>
              %add3A_446 = arith.constant 5.72340155 : f32
              %add3A_447 = vector.broadcast %add3A_446 : f32 to vector<16xf32>
              %add3A_448 = arith.addf %mul3A_445, %add3A_447 : vector<16xf32>
              %mul3A_449 = arith.mulf %add3A_448, %bitcast3A_430 : vector<16xf32>
              %add3A_450 = arith.constant -7.44387293 : f32
              %add3A_451 = vector.broadcast %add3A_450 : f32 to vector<16xf32>
              %add3A_452 = arith.addf %mul3A_449, %add3A_451 : vector<16xf32>
              %mul3A_453 = arith.mulf %add3A_452, %bitcast3A_430 : vector<16xf32>
              %add3A_454 = arith.constant 7.11003542 : f32
              %add3A_455 = vector.broadcast %add3A_454 : f32 to vector<16xf32>
              %add3A_456 = arith.addf %mul3A_453, %add3A_455 : vector<16xf32>
              %mul3A_457 = arith.mulf %add3A_456, %bitcast3A_430 : vector<16xf32>
              %add3A_458 = arith.constant -3.24070215 : f32
              %add3A_459 = vector.broadcast %add3A_458 : f32 to vector<16xf32>
              %add3A_460 = arith.addf %mul3A_457, %add3A_459 : vector<16xf32>
              %add3A_461 = arith.addf %convert_element_type3A_423, %add3A_460 : vector<16xf32>
              %mul3A_462 = arith.constant 9.77337551 : f32
              %mul3A_463 = vector.broadcast %mul3A_462 : f32 to vector<16xf32>
              %mul3A_464 = arith.mulf %mul3A_463, %add3A_461 : vector<16xf32>
              %exp3A_465 = math.exp %mul3A_464 : vector<16xf32>
              %mul3A_466 = arith.mulf %exp3A_465, %mul3A_210 : vector<16xf32>
              %mul3A_467 = arith.mulf %mul3A_466, %exp3A : vector<16xf32>
              %add3A_468 = arith.constant 2 : i32
              %add3A_469 = vector.broadcast %add3A_468 : i32 to vector<16xi32>
              %add3A_470 = arith.addi %gather3A_213, %add3A_469 : vector<16xi32>
              tpu.vector_store_idx %arg11[%add3A_470], %mul3A_467 masked %lt3A_147 {add = true} : memref<448xf32, #tpu.memory_space<vmem>>[vector<16xi32>], vector<16xf32>, vector<16xi1>
              %mul3A_471 = arith.mulf %mul3A_466, %exp3A_228 : vector<16xf32>
              %add3A_472 = arith.constant 6 : i32
              %add3A_473 = vector.broadcast %add3A_472 : i32 to vector<16xi32>
              %add3A_474 = arith.addi %gather3A_213, %add3A_473 : vector<16xi32>
              tpu.vector_store_idx %arg11[%add3A_474], %mul3A_471 masked %lt3A_147 {add = true} : memref<448xf32, #tpu.memory_space<vmem>>[vector<16xi32>], vector<16xf32>, vector<16xi1>
              %mul3A_475 = arith.mulf %mul3A_466, %exp3A_236 : vector<16xf32>
              %add3A_476 = arith.constant 10 : i32
              %add3A_477 = vector.broadcast %add3A_476 : i32 to vector<16xi32>
              %add3A_478 = arith.addi %gather3A_213, %add3A_477 : vector<16xi32>
              tpu.vector_store_idx %arg11[%add3A_478], %mul3A_475 masked %lt3A_147 {add = true} : memref<448xf32, #tpu.memory_space<vmem>>[vector<16xi32>], vector<16xf32>, vector<16xi1>
              %mul3A_479 = arith.mulf %mul3A_466, %exp3A_244 : vector<16xf32>
              %add3A_480 = arith.constant 14 : i32
              %add3A_481 = vector.broadcast %add3A_480 : i32 to vector<16xi32>
              %add3A_482 = arith.addi %gather3A_213, %add3A_481 : vector<16xi32>
              tpu.vector_store_idx %arg11[%add3A_482], %mul3A_479 masked %lt3A_147 {add = true} : memref<448xf32, #tpu.memory_space<vmem>>[vector<16xi32>], vector<16xf32>, vector<16xi1>
              %mul3A_483 = arith.constant -0.923879504 : f32
              %mul3A_484 = vector.broadcast %mul3A_483 : f32 to vector<16xf32>
              %mul3A_485 = arith.mulf %min3A_173, %mul3A_484 : vector<16xf32>
              %mul3A_486 = arith.constant 0.382683486 : f32
              %mul3A_487 = vector.broadcast %mul3A_486 : f32 to vector<16xf32>
              %mul3A_488 = arith.mulf %mul3A_202, %mul3A_487 : vector<16xf32>
              %add3A_489 = arith.addf %mul3A_485, %mul3A_488 : vector<16xf32>
              %mul3A_490 = arith.constant 5.000000e-01 : f32
              %mul3A_491 = vector.broadcast %mul3A_490 : f32 to vector<16xf32>
              %mul3A_492 = arith.mulf %mul3A_491, %add3A_489 : vector<16xf32>
              %add3A_493 = arith.constant 5.000000e-01 : f32
              %add3A_494 = vector.broadcast %add3A_493 : f32 to vector<16xf32>
              %add3A_495 = arith.addf %add3A_494, %mul3A_492 : vector<16xf32>
              %bitcast3A_496 = vector.bitcast %add3A_495 : vector<16xf32> to vector<16xi32>
              %shift_right_arithmetic3A_497 = arith.constant 23 : i32
              %shift_right_arithmetic3A_498 = vector.broadcast %shift_right_arithmetic3A_497 : i32 to vector<16xi32>
              %shift_right_arithmetic3A_499 = arith.shrsi %bitcast3A_496, %shift_right_arithmetic3A_498 : vector<16xi32>
              %sub3A_500 = arith.constant 127 : i32
              %sub3A_501 = vector.broadcast %sub3A_500 : i32 to vector<16xi32>
              %sub3A_502 = arith.subi %shift_right_arithmetic3A_499, %sub3A_501 : vector<16xi32>
              %convert_element_type3A_503 = arith.sitofp %sub3A_502 : vector<16xi32> to vector<16xf32>
              %and3A_504 = arith.constant 8388607 : i32
              %and3A_505 = vector.broadcast %and3A_504 : i32 to vector<16xi32>
              %and3A_506 = arith.andi %bitcast3A_496, %and3A_505 : vector<16xi32>
              %or3A_507 = arith.constant 1065353216 : i32
              %or3A_508 = vector.broadcast %or3A_507 : i32 to vector<16xi32>
              %or3A_509 = arith.ori %and3A_506, %or3A_508 : vector<16xi32>
              %bitcast3A_510 = vector.bitcast %or3A_509 : vector<16xi32> to vector<16xf32>
              %broadcast_in_dim3A_511 = arith.constant 0.0147787211 : f32
              %broadcast_in_dim3A_512 = vector.broadcast %broadcast_in_dim3A_511 : f32 to vector<16xf32>
              %mul3A_513 = arith.mulf %broadcast_in_dim3A_512, %bitcast3A_510 : vector<16xf32>
              %add3A_514 = arith.constant -0.180299774 : f32
              %add3A_515 = vector.broadcast %add3A_514 : f32 to vector<16xf32>
              %add3A_516 = arith.addf %mul3A_513, %add3A_515 : vector<16xf32>
              %mul3A_517 = arith.mulf %add3A_516, %bitcast3A_510 : vector<16xf32>
              %add3A_518 = arith.constant 0.961866319 : f32
              %add3A_519 = vector.broadcast %add3A_518 : f32 to vector<16xf32>
              %add3A_520 = arith.addf %mul3A_517, %add3A_519 : vector<16xf32>
              %mul3A_521 = arith.mulf %add3A_520, %bitcast3A_510 : vector<16xf32>
              %add3A_522 = arith.constant -2.94520617 : f32
              %add3A_523 = vector.broadcast %add3A_522 : f32 to vector<16xf32>
              %add3A_524 = arith.addf %mul3A_521, %add3A_523 : vector<16xf32>
              %mul3A_525 = arith.mulf %add3A_524, %bitcast3A_510 : vector<16xf32>
              %add3A_526 = arith.constant 5.72340155 : f32
              %add3A_527 = vector.broadcast %add3A_526 : f32 to vector<16xf32>
              %add3A_528 = arith.addf %mul3A_525, %add3A_527 : vector<16xf32>
              %mul3A_529 = arith.mulf %add3A_528, %bitcast3A_510 : vector<16xf32>
              %add3A_530 = arith.constant -7.44387293 : f32
              %add3A_531 = vector.broadcast %add3A_530 : f32 to vector<16xf32>
              %add3A_532 = arith.addf %mul3A_529, %add3A_531 : vector<16xf32>
              %mul3A_533 = arith.mulf %add3A_532, %bitcast3A_510 : vector<16xf32>
              %add3A_534 = arith.constant 7.11003542 : f32
              %add3A_535 = vector.broadcast %add3A_534 : f32 to vector<16xf32>
              %add3A_536 = arith.addf %mul3A_533, %add3A_535 : vector<16xf32>
              %mul3A_537 = arith.mulf %add3A_536, %bitcast3A_510 : vector<16xf32>
              %add3A_538 = arith.constant -3.24070215 : f32
              %add3A_539 = vector.broadcast %add3A_538 : f32 to vector<16xf32>
              %add3A_540 = arith.addf %mul3A_537, %add3A_539 : vector<16xf32>
              %add3A_541 = arith.addf %convert_element_type3A_503, %add3A_540 : vector<16xf32>
              %mul3A_542 = arith.constant 9.77337551 : f32
              %mul3A_543 = vector.broadcast %mul3A_542 : f32 to vector<16xf32>
              %mul3A_544 = arith.mulf %mul3A_543, %add3A_541 : vector<16xf32>
              %exp3A_545 = math.exp %mul3A_544 : vector<16xf32>
              %mul3A_546 = arith.mulf %exp3A_545, %mul3A_210 : vector<16xf32>
              %mul3A_547 = arith.mulf %mul3A_546, %exp3A : vector<16xf32>
              %add3A_548 = arith.constant 3 : i32
              %add3A_549 = vector.broadcast %add3A_548 : i32 to vector<16xi32>
              %add3A_550 = arith.addi %gather3A_213, %add3A_549 : vector<16xi32>
              tpu.vector_store_idx %arg11[%add3A_550], %mul3A_547 masked %lt3A_147 {add = true} : memref<448xf32, #tpu.memory_space<vmem>>[vector<16xi32>], vector<16xf32>, vector<16xi1>
              %mul3A_551 = arith.mulf %mul3A_546, %exp3A_228 : vector<16xf32>
              %add3A_552 = arith.constant 7 : i32
              %add3A_553 = vector.broadcast %add3A_552 : i32 to vector<16xi32>
              %add3A_554 = arith.addi %gather3A_213, %add3A_553 : vector<16xi32>
              tpu.vector_store_idx %arg11[%add3A_554], %mul3A_551 masked %lt3A_147 {add = true} : memref<448xf32, #tpu.memory_space<vmem>>[vector<16xi32>], vector<16xf32>, vector<16xi1>
              %mul3A_555 = arith.mulf %mul3A_546, %exp3A_236 : vector<16xf32>
              %add3A_556 = arith.constant 11 : i32
              %add3A_557 = vector.broadcast %add3A_556 : i32 to vector<16xi32>
              %add3A_558 = arith.addi %gather3A_213, %add3A_557 : vector<16xi32>
              tpu.vector_store_idx %arg11[%add3A_558], %mul3A_555 masked %lt3A_147 {add = true} : memref<448xf32, #tpu.memory_space<vmem>>[vector<16xi32>], vector<16xf32>, vector<16xi1>
              %mul3A_559 = arith.mulf %mul3A_546, %exp3A_244 : vector<16xf32>
              %add3A_560 = arith.constant 15 : i32
              %add3A_561 = vector.broadcast %add3A_560 : i32 to vector<16xi32>
              %add3A_562 = arith.addi %gather3A_213, %add3A_561 : vector<16xi32>
              tpu.vector_store_idx %arg11[%add3A_562], %mul3A_559 masked %lt3A_147 {add = true} : memref<448xf32, #tpu.memory_space<vmem>>[vector<16xi32>], vector<16xf32>, vector<16xi1>
            }
            %while3A_140 = arith.constant 1 : i32
            scf.for %while3A_141 = %while3A_138 to %while3A_134 step %while3A_140  : i32 {
              %mul3A_142 = arith.constant 16 : i32
              %mul3A_143 = arith.muli %while3A_141, %mul3A_142 : i32
              %add3A_144 = vector.broadcast %mul3A_143 : i32 to vector<16xi32>
              %add3A_145 = arith.addi %add3A_144, %iota3A : vector<16xi32>
              %lt3A_146 = vector.broadcast %while3A_114 : i32 to vector<16xi32>
              %lt3A_147 = arith.cmpi slt, %add3A_145, %lt3A_146 : vector<16xi32>
              %mul3A_148 = arith.constant 8 : i32
              %mul3A_149 = vector.broadcast %mul3A_148 : i32 to vector<16xi32>
              %mul3A_150 = arith.muli %add3A_145, %mul3A_149 : vector<16xi32>
              %gather3A_151 = tpu.vector_load_idx %arg10[%mul3A_150] masked %lt3A_147 : memref<768xf32, #tpu.memory_space<vmem>>[vector<16xi32>], vector<16xf32>, vector<16xi1>
              %add3A_152 = arith.addi %mul3A_150, %add3A_10 : vector<16xi32>
              %gather3A_153 = tpu.vector_load_idx %arg10[%add3A_152] masked %lt3A_147 : memref<768xf32, #tpu.memory_space<vmem>>[vector<16xi32>], vector<16xf32>, vector<16xi1>
              %add3A_154 = arith.addi %mul3A_150, %add3A_13 : vector<16xi32>
              %gather3A_155 = tpu.vector_load_idx %arg10[%add3A_154] masked %lt3A_147 : memref<768xf32, #tpu.memory_space<vmem>>[vector<16xi32>], vector<16xf32>, vector<16xi1>
              %add3A_156 = arith.addi %mul3A_150, %add3A_16 : vector<16xi32>
              %gather3A_157 = tpu.vector_load_idx %arg10[%add3A_156] masked %lt3A_147 : memref<768xf32, #tpu.memory_space<vmem>>[vector<16xi32>], vector<16xf32>, vector<16xi1>
              %add3A_158 = arith.addi %mul3A_150, %add3A_19 : vector<16xi32>
              %gather3A_159 = tpu.vector_load_idx %arg10[%add3A_158] masked %lt3A_147 : memref<768xf32, #tpu.memory_space<vmem>>[vector<16xi32>], vector<16xf32>, vector<16xi1>
              %add3A_160 = arith.addi %mul3A_150, %add3A_22 : vector<16xi32>
              %gather3A_161 = tpu.vector_load_idx %arg10[%add3A_160] masked %lt3A_147 : memref<768xf32, #tpu.memory_space<vmem>>[vector<16xi32>], vector<16xf32>, vector<16xi1>
              %mul3A_162 = arith.mulf %gather3A_151, %gather3A : vector<16xf32>
              %mul3A_163 = arith.mulf %gather3A_153, %gather3A_119 : vector<16xf32>
              %add3A_164 = arith.addf %mul3A_162, %mul3A_163 : vector<16xf32>
              %mul3A_165 = arith.mulf %gather3A_155, %gather3A_121 : vector<16xf32>
              %add3A_166 = arith.addf %add3A_164, %mul3A_165 : vector<16xf32>
              %mul3A_167 = arith.constant 0.949999988 : f32
              %mul3A_168 = vector.broadcast %mul3A_167 : f32 to vector<16xf32>
              %mul3A_169 = arith.mulf %mul3A_168, %add3A_166 : vector<16xf32>
              %mul3A_170 = arith.mulf %gather3A_157, %gather3A_123 : vector<16xf32>
              %div3A = arith.divf %mul3A_169, %mul3A_170 : vector<16xf32>
              %jit3A = arith.constant -9.800000e-01 : f32
              %jit3A_171 = arith.constant 9.800000e-01 : f32
              %max3A = vector.broadcast %jit3A : f32 to vector<16xf32>
              %max3A_172 = arith.maximumf %max3A, %div3A : vector<16xf32>
              %min3A = vector.broadcast %jit3A_171 : f32 to vector<16xf32>
              %min3A_173 = arith.minimumf %min3A, %max3A_172 : vector<16xf32>
              %mul3A_174 = arith.mulf %min3A_173, %min3A_173 : vector<16xf32>
              %sub3A = arith.constant 1.000000e+00 : f32
              %sub3A_175 = vector.broadcast %sub3A : f32 to vector<16xf32>
              %sub3A_176 = arith.subf %sub3A_175, %mul3A_174 : vector<16xf32>
              %bitcast3A = vector.bitcast %sub3A_176 : vector<16xf32> to vector<16xi32>
              %shift_right_arithmetic3A_177 = arith.constant 1 : i32
              %shift_right_arithmetic3A_178 = vector.broadcast %shift_right_arithmetic3A_177 : i32 to vector<16xi32>
              %shift_right_arithmetic3A_179 = arith.shrsi %bitcast3A, %shift_right_arithmetic3A_178 : vector<16xi32>
              %sub3A_180 = arith.constant 1597463007 : i32
              %sub3A_181 = vector.broadcast %sub3A_180 : i32 to vector<16xi32>
              %sub3A_182 = arith.subi %sub3A_181, %shift_right_arithmetic3A_179 : vector<16xi32>
              %bitcast3A_183 = vector.bitcast %sub3A_182 : vector<16xi32> to vector<16xf32>
              %mul3A_184 = arith.constant 5.000000e-01 : f32
              %mul3A_185 = vector.broadcast %mul3A_184 : f32 to vector<16xf32>
              %mul3A_186 = arith.mulf %mul3A_185, %sub3A_176 : vector<16xf32>
              %mul3A_187 = arith.mulf %mul3A_186, %bitcast3A_183 : vector<16xf32>
              %mul3A_188 = arith.mulf %mul3A_187, %bitcast3A_183 : vector<16xf32>
              %sub3A_189 = arith.constant 1.500000e+00 : f32
              %sub3A_190 = vector.broadcast %sub3A_189 : f32 to vector<16xf32>
              %sub3A_191 = arith.subf %sub3A_190, %mul3A_188 : vector<16xf32>
              %mul3A_192 = arith.mulf %bitcast3A_183, %sub3A_191 : vector<16xf32>
              %mul3A_193 = arith.constant 5.000000e-01 : f32
              %mul3A_194 = vector.broadcast %mul3A_193 : f32 to vector<16xf32>
              %mul3A_195 = arith.mulf %mul3A_194, %sub3A_176 : vector<16xf32>
              %mul3A_196 = arith.mulf %mul3A_195, %mul3A_192 : vector<16xf32>
              %mul3A_197 = arith.mulf %mul3A_196, %mul3A_192 : vector<16xf32>
              %sub3A_198 = arith.constant 1.500000e+00 : f32
              %sub3A_199 = vector.broadcast %sub3A_198 : f32 to vector<16xf32>
              %sub3A_200 = arith.subf %sub3A_199, %mul3A_197 : vector<16xf32>
              %mul3A_201 = arith.mulf %mul3A_192, %sub3A_200 : vector<16xf32>
              %mul3A_202 = arith.mulf %sub3A_176, %mul3A_201 : vector<16xf32>
              %add3A_203 = arith.addf %gather3A_157, %gather3A_123 : vector<16xf32>
              %mul3A_204 = arith.constant 5.000000e-01 : f32
              %mul3A_205 = vector.broadcast %mul3A_204 : f32 to vector<16xf32>
              %mul3A_206 = arith.mulf %mul3A_205, %add3A_203 : vector<16xf32>
              %mul3A_207 = arith.constant 2.000000e+00 : f32
              %mul3A_208 = vector.broadcast %mul3A_207 : f32 to vector<16xf32>
              %mul3A_209 = arith.mulf %mul3A_208, %gather3A_159 : vector<16xf32>
              %mul3A_210 = arith.mulf %mul3A_209, %gather3A_125 : vector<16xf32>
              %add3A_211 = arith.addf %gather3A_161, %gather3A_127 : vector<16xf32>
              %convert_element_type3A_212 = arith.fptosi %add3A_211 : vector<16xf32> to vector<16xi32>
              %gather3A_213 = tpu.vector_load_idx %arg9[%convert_element_type3A_212] masked %lt3A_147 : memref<64xi32, #tpu.memory_space<vmem>>[vector<16xi32>], vector<16xi32>, vector<16xi1>
              %sub3A_214 = arith.constant 8.000000e-01 : f32
              %sub3A_215 = vector.broadcast %sub3A_214 : f32 to vector<16xf32>
              %sub3A_216 = arith.subf %mul3A_206, %sub3A_215 : vector<16xf32>
              %mul3A_217 = arith.constant -1.250000e+01 : f32
              %mul3A_218 = vector.broadcast %mul3A_217 : f32 to vector<16xf32>
              %mul3A_219 = arith.mulf %mul3A_218, %sub3A_216 : vector<16xf32>
              %mul3A_220 = arith.mulf %mul3A_219, %sub3A_216 : vector<16xf32>
              %exp3A = math.exp %mul3A_220 : vector<16xf32>
              %sub3A_221 = arith.constant 1.475000e+00 : f32
              %sub3A_222 = vector.broadcast %sub3A_221 : f32 to vector<16xf32>
              %sub3A_223 = arith.subf %mul3A_206, %sub3A_222 : vector<16xf32>
              %mul3A_224 = arith.constant -1.250000e+01 : f32
              %mul3A_225 = vector.broadcast %mul3A_224 : f32 to vector<16xf32>
              %mul3A_226 = arith.mulf %mul3A_225, %sub3A_223 : vector<16xf32>
              %mul3A_227 = arith.mulf %mul3A_226, %sub3A_223 : vector<16xf32>
              %exp3A_228 = math.exp %mul3A_227 : vector<16xf32>
              %sub3A_229 = arith.constant 2.150000e+00 : f32
              %sub3A_230 = vector.broadcast %sub3A_229 : f32 to vector<16xf32>
              %sub3A_231 = arith.subf %mul3A_206, %sub3A_230 : vector<16xf32>
              %mul3A_232 = arith.constant -1.250000e+01 : f32
              %mul3A_233 = vector.broadcast %mul3A_232 : f32 to vector<16xf32>
              %mul3A_234 = arith.mulf %mul3A_233, %sub3A_231 : vector<16xf32>
              %mul3A_235 = arith.mulf %mul3A_234, %sub3A_231 : vector<16xf32>
              %exp3A_236 = math.exp %mul3A_235 : vector<16xf32>
              %sub3A_237 = arith.constant 2.825000e+00 : f32
              %sub3A_238 = vector.broadcast %sub3A_237 : f32 to vector<16xf32>
              %sub3A_239 = arith.subf %mul3A_206, %sub3A_238 : vector<16xf32>
              %mul3A_240 = arith.constant -1.250000e+01 : f32
              %mul3A_241 = vector.broadcast %mul3A_240 : f32 to vector<16xf32>
              %mul3A_242 = arith.mulf %mul3A_241, %sub3A_239 : vector<16xf32>
              %mul3A_243 = arith.mulf %mul3A_242, %sub3A_239 : vector<16xf32>
              %exp3A_244 = math.exp %mul3A_243 : vector<16xf32>
              %mul3A_245 = arith.constant 0.923879504 : f32
              %mul3A_246 = vector.broadcast %mul3A_245 : f32 to vector<16xf32>
              %mul3A_247 = arith.mulf %min3A_173, %mul3A_246 : vector<16xf32>
              %mul3A_248 = arith.constant 0.382683456 : f32
              %mul3A_249 = vector.broadcast %mul3A_248 : f32 to vector<16xf32>
              %mul3A_250 = arith.mulf %mul3A_202, %mul3A_249 : vector<16xf32>
              %add3A_251 = arith.addf %mul3A_247, %mul3A_250 : vector<16xf32>
              %mul3A_252 = arith.constant 5.000000e-01 : f32
              %mul3A_253 = vector.broadcast %mul3A_252 : f32 to vector<16xf32>
              %mul3A_254 = arith.mulf %mul3A_253, %add3A_251 : vector<16xf32>
              %add3A_255 = arith.constant 5.000000e-01 : f32
              %add3A_256 = vector.broadcast %add3A_255 : f32 to vector<16xf32>
              %add3A_257 = arith.addf %add3A_256, %mul3A_254 : vector<16xf32>
              %bitcast3A_258 = vector.bitcast %add3A_257 : vector<16xf32> to vector<16xi32>
              %shift_right_arithmetic3A_259 = arith.constant 23 : i32
              %shift_right_arithmetic3A_260 = vector.broadcast %shift_right_arithmetic3A_259 : i32 to vector<16xi32>
              %shift_right_arithmetic3A_261 = arith.shrsi %bitcast3A_258, %shift_right_arithmetic3A_260 : vector<16xi32>
              %sub3A_262 = arith.constant 127 : i32
              %sub3A_263 = vector.broadcast %sub3A_262 : i32 to vector<16xi32>
              %sub3A_264 = arith.subi %shift_right_arithmetic3A_261, %sub3A_263 : vector<16xi32>
              %convert_element_type3A_265 = arith.sitofp %sub3A_264 : vector<16xi32> to vector<16xf32>
              %and3A = arith.constant 8388607 : i32
              %and3A_266 = vector.broadcast %and3A : i32 to vector<16xi32>
              %and3A_267 = arith.andi %bitcast3A_258, %and3A_266 : vector<16xi32>
              %or3A = arith.constant 1065353216 : i32
              %or3A_268 = vector.broadcast %or3A : i32 to vector<16xi32>
              %or3A_269 = arith.ori %and3A_267, %or3A_268 : vector<16xi32>
              %bitcast3A_270 = vector.bitcast %or3A_269 : vector<16xi32> to vector<16xf32>
              %broadcast_in_dim3A_271 = arith.constant 0.0147787211 : f32
              %broadcast_in_dim3A_272 = vector.broadcast %broadcast_in_dim3A_271 : f32 to vector<16xf32>
              %mul3A_273 = arith.mulf %broadcast_in_dim3A_272, %bitcast3A_270 : vector<16xf32>
              %add3A_274 = arith.constant -0.180299774 : f32
              %add3A_275 = vector.broadcast %add3A_274 : f32 to vector<16xf32>
              %add3A_276 = arith.addf %mul3A_273, %add3A_275 : vector<16xf32>
              %mul3A_277 = arith.mulf %add3A_276, %bitcast3A_270 : vector<16xf32>
              %add3A_278 = arith.constant 0.961866319 : f32
              %add3A_279 = vector.broadcast %add3A_278 : f32 to vector<16xf32>
              %add3A_280 = arith.addf %mul3A_277, %add3A_279 : vector<16xf32>
              %mul3A_281 = arith.mulf %add3A_280, %bitcast3A_270 : vector<16xf32>
              %add3A_282 = arith.constant -2.94520617 : f32
              %add3A_283 = vector.broadcast %add3A_282 : f32 to vector<16xf32>
              %add3A_284 = arith.addf %mul3A_281, %add3A_283 : vector<16xf32>
              %mul3A_285 = arith.mulf %add3A_284, %bitcast3A_270 : vector<16xf32>
              %add3A_286 = arith.constant 5.72340155 : f32
              %add3A_287 = vector.broadcast %add3A_286 : f32 to vector<16xf32>
              %add3A_288 = arith.addf %mul3A_285, %add3A_287 : vector<16xf32>
              %mul3A_289 = arith.mulf %add3A_288, %bitcast3A_270 : vector<16xf32>
              %add3A_290 = arith.constant -7.44387293 : f32
              %add3A_291 = vector.broadcast %add3A_290 : f32 to vector<16xf32>
              %add3A_292 = arith.addf %mul3A_289, %add3A_291 : vector<16xf32>
              %mul3A_293 = arith.mulf %add3A_292, %bitcast3A_270 : vector<16xf32>
              %add3A_294 = arith.constant 7.11003542 : f32
              %add3A_295 = vector.broadcast %add3A_294 : f32 to vector<16xf32>
              %add3A_296 = arith.addf %mul3A_293, %add3A_295 : vector<16xf32>
              %mul3A_297 = arith.mulf %add3A_296, %bitcast3A_270 : vector<16xf32>
              %add3A_298 = arith.constant -3.24070215 : f32
              %add3A_299 = vector.broadcast %add3A_298 : f32 to vector<16xf32>
              %add3A_300 = arith.addf %mul3A_297, %add3A_299 : vector<16xf32>
              %add3A_301 = arith.addf %convert_element_type3A_265, %add3A_300 : vector<16xf32>
              %mul3A_302 = arith.constant 9.77337551 : f32
              %mul3A_303 = vector.broadcast %mul3A_302 : f32 to vector<16xf32>
              %mul3A_304 = arith.mulf %mul3A_303, %add3A_301 : vector<16xf32>
              %exp3A_305 = math.exp %mul3A_304 : vector<16xf32>
              %mul3A_306 = arith.mulf %exp3A_305, %mul3A_210 : vector<16xf32>
              %mul3A_307 = arith.mulf %mul3A_306, %exp3A : vector<16xf32>
              %add3A_308 = arith.constant 0 : i32
              %add3A_309 = vector.broadcast %add3A_308 : i32 to vector<16xi32>
              %add3A_310 = arith.addi %gather3A_213, %add3A_309 : vector<16xi32>
              tpu.vector_store_idx %arg11[%add3A_310], %mul3A_307 masked %lt3A_147 {add = true} : memref<448xf32, #tpu.memory_space<vmem>>[vector<16xi32>], vector<16xf32>, vector<16xi1>
              %mul3A_311 = arith.mulf %mul3A_306, %exp3A_228 : vector<16xf32>
              %add3A_312 = arith.constant 4 : i32
              %add3A_313 = vector.broadcast %add3A_312 : i32 to vector<16xi32>
              %add3A_314 = arith.addi %gather3A_213, %add3A_313 : vector<16xi32>
              tpu.vector_store_idx %arg11[%add3A_314], %mul3A_311 masked %lt3A_147 {add = true} : memref<448xf32, #tpu.memory_space<vmem>>[vector<16xi32>], vector<16xf32>, vector<16xi1>
              %mul3A_315 = arith.mulf %mul3A_306, %exp3A_236 : vector<16xf32>
              %add3A_316 = arith.constant 8 : i32
              %add3A_317 = vector.broadcast %add3A_316 : i32 to vector<16xi32>
              %add3A_318 = arith.addi %gather3A_213, %add3A_317 : vector<16xi32>
              tpu.vector_store_idx %arg11[%add3A_318], %mul3A_315 masked %lt3A_147 {add = true} : memref<448xf32, #tpu.memory_space<vmem>>[vector<16xi32>], vector<16xf32>, vector<16xi1>
              %mul3A_319 = arith.mulf %mul3A_306, %exp3A_244 : vector<16xf32>
              %add3A_320 = arith.constant 12 : i32
              %add3A_321 = vector.broadcast %add3A_320 : i32 to vector<16xi32>
              %add3A_322 = arith.addi %gather3A_213, %add3A_321 : vector<16xi32>
              tpu.vector_store_idx %arg11[%add3A_322], %mul3A_319 masked %lt3A_147 {add = true} : memref<448xf32, #tpu.memory_space<vmem>>[vector<16xi32>], vector<16xf32>, vector<16xi1>
              %mul3A_323 = arith.constant 0.382683456 : f32
              %mul3A_324 = vector.broadcast %mul3A_323 : f32 to vector<16xf32>
              %mul3A_325 = arith.mulf %min3A_173, %mul3A_324 : vector<16xf32>
              %mul3A_326 = arith.constant 0.923879504 : f32
              %mul3A_327 = vector.broadcast %mul3A_326 : f32 to vector<16xf32>
              %mul3A_328 = arith.mulf %mul3A_202, %mul3A_327 : vector<16xf32>
              %add3A_329 = arith.addf %mul3A_325, %mul3A_328 : vector<16xf32>
              %mul3A_330 = arith.constant 5.000000e-01 : f32
              %mul3A_331 = vector.broadcast %mul3A_330 : f32 to vector<16xf32>
              %mul3A_332 = arith.mulf %mul3A_331, %add3A_329 : vector<16xf32>
              %add3A_333 = arith.constant 5.000000e-01 : f32
              %add3A_334 = vector.broadcast %add3A_333 : f32 to vector<16xf32>
              %add3A_335 = arith.addf %add3A_334, %mul3A_332 : vector<16xf32>
              %bitcast3A_336 = vector.bitcast %add3A_335 : vector<16xf32> to vector<16xi32>
              %shift_right_arithmetic3A_337 = arith.constant 23 : i32
              %shift_right_arithmetic3A_338 = vector.broadcast %shift_right_arithmetic3A_337 : i32 to vector<16xi32>
              %shift_right_arithmetic3A_339 = arith.shrsi %bitcast3A_336, %shift_right_arithmetic3A_338 : vector<16xi32>
              %sub3A_340 = arith.constant 127 : i32
              %sub3A_341 = vector.broadcast %sub3A_340 : i32 to vector<16xi32>
              %sub3A_342 = arith.subi %shift_right_arithmetic3A_339, %sub3A_341 : vector<16xi32>
              %convert_element_type3A_343 = arith.sitofp %sub3A_342 : vector<16xi32> to vector<16xf32>
              %and3A_344 = arith.constant 8388607 : i32
              %and3A_345 = vector.broadcast %and3A_344 : i32 to vector<16xi32>
              %and3A_346 = arith.andi %bitcast3A_336, %and3A_345 : vector<16xi32>
              %or3A_347 = arith.constant 1065353216 : i32
              %or3A_348 = vector.broadcast %or3A_347 : i32 to vector<16xi32>
              %or3A_349 = arith.ori %and3A_346, %or3A_348 : vector<16xi32>
              %bitcast3A_350 = vector.bitcast %or3A_349 : vector<16xi32> to vector<16xf32>
              %broadcast_in_dim3A_351 = arith.constant 0.0147787211 : f32
              %broadcast_in_dim3A_352 = vector.broadcast %broadcast_in_dim3A_351 : f32 to vector<16xf32>
              %mul3A_353 = arith.mulf %broadcast_in_dim3A_352, %bitcast3A_350 : vector<16xf32>
              %add3A_354 = arith.constant -0.180299774 : f32
              %add3A_355 = vector.broadcast %add3A_354 : f32 to vector<16xf32>
              %add3A_356 = arith.addf %mul3A_353, %add3A_355 : vector<16xf32>
              %mul3A_357 = arith.mulf %add3A_356, %bitcast3A_350 : vector<16xf32>
              %add3A_358 = arith.constant 0.961866319 : f32
              %add3A_359 = vector.broadcast %add3A_358 : f32 to vector<16xf32>
              %add3A_360 = arith.addf %mul3A_357, %add3A_359 : vector<16xf32>
              %mul3A_361 = arith.mulf %add3A_360, %bitcast3A_350 : vector<16xf32>
              %add3A_362 = arith.constant -2.94520617 : f32
              %add3A_363 = vector.broadcast %add3A_362 : f32 to vector<16xf32>
              %add3A_364 = arith.addf %mul3A_361, %add3A_363 : vector<16xf32>
              %mul3A_365 = arith.mulf %add3A_364, %bitcast3A_350 : vector<16xf32>
              %add3A_366 = arith.constant 5.72340155 : f32
              %add3A_367 = vector.broadcast %add3A_366 : f32 to vector<16xf32>
              %add3A_368 = arith.addf %mul3A_365, %add3A_367 : vector<16xf32>
              %mul3A_369 = arith.mulf %add3A_368, %bitcast3A_350 : vector<16xf32>
              %add3A_370 = arith.constant -7.44387293 : f32
              %add3A_371 = vector.broadcast %add3A_370 : f32 to vector<16xf32>
              %add3A_372 = arith.addf %mul3A_369, %add3A_371 : vector<16xf32>
              %mul3A_373 = arith.mulf %add3A_372, %bitcast3A_350 : vector<16xf32>
              %add3A_374 = arith.constant 7.11003542 : f32
              %add3A_375 = vector.broadcast %add3A_374 : f32 to vector<16xf32>
              %add3A_376 = arith.addf %mul3A_373, %add3A_375 : vector<16xf32>
              %mul3A_377 = arith.mulf %add3A_376, %bitcast3A_350 : vector<16xf32>
              %add3A_378 = arith.constant -3.24070215 : f32
              %add3A_379 = vector.broadcast %add3A_378 : f32 to vector<16xf32>
              %add3A_380 = arith.addf %mul3A_377, %add3A_379 : vector<16xf32>
              %add3A_381 = arith.addf %convert_element_type3A_343, %add3A_380 : vector<16xf32>
              %mul3A_382 = arith.constant 9.77337551 : f32
              %mul3A_383 = vector.broadcast %mul3A_382 : f32 to vector<16xf32>
              %mul3A_384 = arith.mulf %mul3A_383, %add3A_381 : vector<16xf32>
              %exp3A_385 = math.exp %mul3A_384 : vector<16xf32>
              %mul3A_386 = arith.mulf %exp3A_385, %mul3A_210 : vector<16xf32>
              %mul3A_387 = arith.mulf %mul3A_386, %exp3A : vector<16xf32>
              %add3A_388 = arith.constant 1 : i32
              %add3A_389 = vector.broadcast %add3A_388 : i32 to vector<16xi32>
              %add3A_390 = arith.addi %gather3A_213, %add3A_389 : vector<16xi32>
              tpu.vector_store_idx %arg11[%add3A_390], %mul3A_387 masked %lt3A_147 {add = true} : memref<448xf32, #tpu.memory_space<vmem>>[vector<16xi32>], vector<16xf32>, vector<16xi1>
              %mul3A_391 = arith.mulf %mul3A_386, %exp3A_228 : vector<16xf32>
              %add3A_392 = arith.constant 5 : i32
              %add3A_393 = vector.broadcast %add3A_392 : i32 to vector<16xi32>
              %add3A_394 = arith.addi %gather3A_213, %add3A_393 : vector<16xi32>
              tpu.vector_store_idx %arg11[%add3A_394], %mul3A_391 masked %lt3A_147 {add = true} : memref<448xf32, #tpu.memory_space<vmem>>[vector<16xi32>], vector<16xf32>, vector<16xi1>
              %mul3A_395 = arith.mulf %mul3A_386, %exp3A_236 : vector<16xf32>
              %add3A_396 = arith.constant 9 : i32
              %add3A_397 = vector.broadcast %add3A_396 : i32 to vector<16xi32>
              %add3A_398 = arith.addi %gather3A_213, %add3A_397 : vector<16xi32>
              tpu.vector_store_idx %arg11[%add3A_398], %mul3A_395 masked %lt3A_147 {add = true} : memref<448xf32, #tpu.memory_space<vmem>>[vector<16xi32>], vector<16xf32>, vector<16xi1>
              %mul3A_399 = arith.mulf %mul3A_386, %exp3A_244 : vector<16xf32>
              %add3A_400 = arith.constant 13 : i32
              %add3A_401 = vector.broadcast %add3A_400 : i32 to vector<16xi32>
              %add3A_402 = arith.addi %gather3A_213, %add3A_401 : vector<16xi32>
              tpu.vector_store_idx %arg11[%add3A_402], %mul3A_399 masked %lt3A_147 {add = true} : memref<448xf32, #tpu.memory_space<vmem>>[vector<16xi32>], vector<16xf32>, vector<16xi1>
              %mul3A_403 = arith.constant -0.382683396 : f32
              %mul3A_404 = vector.broadcast %mul3A_403 : f32 to vector<16xf32>
              %mul3A_405 = arith.mulf %min3A_173, %mul3A_404 : vector<16xf32>
              %mul3A_406 = arith.constant 0.923879563 : f32
              %mul3A_407 = vector.broadcast %mul3A_406 : f32 to vector<16xf32>
              %mul3A_408 = arith.mulf %mul3A_202, %mul3A_407 : vector<16xf32>
              %add3A_409 = arith.addf %mul3A_405, %mul3A_408 : vector<16xf32>
              %mul3A_410 = arith.constant 5.000000e-01 : f32
              %mul3A_411 = vector.broadcast %mul3A_410 : f32 to vector<16xf32>
              %mul3A_412 = arith.mulf %mul3A_411, %add3A_409 : vector<16xf32>
              %add3A_413 = arith.constant 5.000000e-01 : f32
              %add3A_414 = vector.broadcast %add3A_413 : f32 to vector<16xf32>
              %add3A_415 = arith.addf %add3A_414, %mul3A_412 : vector<16xf32>
              %bitcast3A_416 = vector.bitcast %add3A_415 : vector<16xf32> to vector<16xi32>
              %shift_right_arithmetic3A_417 = arith.constant 23 : i32
              %shift_right_arithmetic3A_418 = vector.broadcast %shift_right_arithmetic3A_417 : i32 to vector<16xi32>
              %shift_right_arithmetic3A_419 = arith.shrsi %bitcast3A_416, %shift_right_arithmetic3A_418 : vector<16xi32>
              %sub3A_420 = arith.constant 127 : i32
              %sub3A_421 = vector.broadcast %sub3A_420 : i32 to vector<16xi32>
              %sub3A_422 = arith.subi %shift_right_arithmetic3A_419, %sub3A_421 : vector<16xi32>
              %convert_element_type3A_423 = arith.sitofp %sub3A_422 : vector<16xi32> to vector<16xf32>
              %and3A_424 = arith.constant 8388607 : i32
              %and3A_425 = vector.broadcast %and3A_424 : i32 to vector<16xi32>
              %and3A_426 = arith.andi %bitcast3A_416, %and3A_425 : vector<16xi32>
              %or3A_427 = arith.constant 1065353216 : i32
              %or3A_428 = vector.broadcast %or3A_427 : i32 to vector<16xi32>
              %or3A_429 = arith.ori %and3A_426, %or3A_428 : vector<16xi32>
              %bitcast3A_430 = vector.bitcast %or3A_429 : vector<16xi32> to vector<16xf32>
              %broadcast_in_dim3A_431 = arith.constant 0.0147787211 : f32
              %broadcast_in_dim3A_432 = vector.broadcast %broadcast_in_dim3A_431 : f32 to vector<16xf32>
              %mul3A_433 = arith.mulf %broadcast_in_dim3A_432, %bitcast3A_430 : vector<16xf32>
              %add3A_434 = arith.constant -0.180299774 : f32
              %add3A_435 = vector.broadcast %add3A_434 : f32 to vector<16xf32>
              %add3A_436 = arith.addf %mul3A_433, %add3A_435 : vector<16xf32>
              %mul3A_437 = arith.mulf %add3A_436, %bitcast3A_430 : vector<16xf32>
              %add3A_438 = arith.constant 0.961866319 : f32
              %add3A_439 = vector.broadcast %add3A_438 : f32 to vector<16xf32>
              %add3A_440 = arith.addf %mul3A_437, %add3A_439 : vector<16xf32>
              %mul3A_441 = arith.mulf %add3A_440, %bitcast3A_430 : vector<16xf32>
              %add3A_442 = arith.constant -2.94520617 : f32
              %add3A_443 = vector.broadcast %add3A_442 : f32 to vector<16xf32>
              %add3A_444 = arith.addf %mul3A_441, %add3A_443 : vector<16xf32>
              %mul3A_445 = arith.mulf %add3A_444, %bitcast3A_430 : vector<16xf32>
              %add3A_446 = arith.constant 5.72340155 : f32
              %add3A_447 = vector.broadcast %add3A_446 : f32 to vector<16xf32>
              %add3A_448 = arith.addf %mul3A_445, %add3A_447 : vector<16xf32>
              %mul3A_449 = arith.mulf %add3A_448, %bitcast3A_430 : vector<16xf32>
              %add3A_450 = arith.constant -7.44387293 : f32
              %add3A_451 = vector.broadcast %add3A_450 : f32 to vector<16xf32>
              %add3A_452 = arith.addf %mul3A_449, %add3A_451 : vector<16xf32>
              %mul3A_453 = arith.mulf %add3A_452, %bitcast3A_430 : vector<16xf32>
              %add3A_454 = arith.constant 7.11003542 : f32
              %add3A_455 = vector.broadcast %add3A_454 : f32 to vector<16xf32>
              %add3A_456 = arith.addf %mul3A_453, %add3A_455 : vector<16xf32>
              %mul3A_457 = arith.mulf %add3A_456, %bitcast3A_430 : vector<16xf32>
              %add3A_458 = arith.constant -3.24070215 : f32
              %add3A_459 = vector.broadcast %add3A_458 : f32 to vector<16xf32>
              %add3A_460 = arith.addf %mul3A_457, %add3A_459 : vector<16xf32>
              %add3A_461 = arith.addf %convert_element_type3A_423, %add3A_460 : vector<16xf32>
              %mul3A_462 = arith.constant 9.77337551 : f32
              %mul3A_463 = vector.broadcast %mul3A_462 : f32 to vector<16xf32>
              %mul3A_464 = arith.mulf %mul3A_463, %add3A_461 : vector<16xf32>
              %exp3A_465 = math.exp %mul3A_464 : vector<16xf32>
              %mul3A_466 = arith.mulf %exp3A_465, %mul3A_210 : vector<16xf32>
              %mul3A_467 = arith.mulf %mul3A_466, %exp3A : vector<16xf32>
              %add3A_468 = arith.constant 2 : i32
              %add3A_469 = vector.broadcast %add3A_468 : i32 to vector<16xi32>
              %add3A_470 = arith.addi %gather3A_213, %add3A_469 : vector<16xi32>
              tpu.vector_store_idx %arg11[%add3A_470], %mul3A_467 masked %lt3A_147 {add = true} : memref<448xf32, #tpu.memory_space<vmem>>[vector<16xi32>], vector<16xf32>, vector<16xi1>
              %mul3A_471 = arith.mulf %mul3A_466, %exp3A_228 : vector<16xf32>
              %add3A_472 = arith.constant 6 : i32
              %add3A_473 = vector.broadcast %add3A_472 : i32 to vector<16xi32>
              %add3A_474 = arith.addi %gather3A_213, %add3A_473 : vector<16xi32>
              tpu.vector_store_idx %arg11[%add3A_474], %mul3A_471 masked %lt3A_147 {add = true} : memref<448xf32, #tpu.memory_space<vmem>>[vector<16xi32>], vector<16xf32>, vector<16xi1>
              %mul3A_475 = arith.mulf %mul3A_466, %exp3A_236 : vector<16xf32>
              %add3A_476 = arith.constant 10 : i32
              %add3A_477 = vector.broadcast %add3A_476 : i32 to vector<16xi32>
              %add3A_478 = arith.addi %gather3A_213, %add3A_477 : vector<16xi32>
              tpu.vector_store_idx %arg11[%add3A_478], %mul3A_475 masked %lt3A_147 {add = true} : memref<448xf32, #tpu.memory_space<vmem>>[vector<16xi32>], vector<16xf32>, vector<16xi1>
              %mul3A_479 = arith.mulf %mul3A_466, %exp3A_244 : vector<16xf32>
              %add3A_480 = arith.constant 14 : i32
              %add3A_481 = vector.broadcast %add3A_480 : i32 to vector<16xi32>
              %add3A_482 = arith.addi %gather3A_213, %add3A_481 : vector<16xi32>
              tpu.vector_store_idx %arg11[%add3A_482], %mul3A_479 masked %lt3A_147 {add = true} : memref<448xf32, #tpu.memory_space<vmem>>[vector<16xi32>], vector<16xf32>, vector<16xi1>
              %mul3A_483 = arith.constant -0.923879504 : f32
              %mul3A_484 = vector.broadcast %mul3A_483 : f32 to vector<16xf32>
              %mul3A_485 = arith.mulf %min3A_173, %mul3A_484 : vector<16xf32>
              %mul3A_486 = arith.constant 0.382683486 : f32
              %mul3A_487 = vector.broadcast %mul3A_486 : f32 to vector<16xf32>
              %mul3A_488 = arith.mulf %mul3A_202, %mul3A_487 : vector<16xf32>
              %add3A_489 = arith.addf %mul3A_485, %mul3A_488 : vector<16xf32>
              %mul3A_490 = arith.constant 5.000000e-01 : f32
              %mul3A_491 = vector.broadcast %mul3A_490 : f32 to vector<16xf32>
              %mul3A_492 = arith.mulf %mul3A_491, %add3A_489 : vector<16xf32>
              %add3A_493 = arith.constant 5.000000e-01 : f32
              %add3A_494 = vector.broadcast %add3A_493 : f32 to vector<16xf32>
              %add3A_495 = arith.addf %add3A_494, %mul3A_492 : vector<16xf32>
              %bitcast3A_496 = vector.bitcast %add3A_495 : vector<16xf32> to vector<16xi32>
              %shift_right_arithmetic3A_497 = arith.constant 23 : i32
              %shift_right_arithmetic3A_498 = vector.broadcast %shift_right_arithmetic3A_497 : i32 to vector<16xi32>
              %shift_right_arithmetic3A_499 = arith.shrsi %bitcast3A_496, %shift_right_arithmetic3A_498 : vector<16xi32>
              %sub3A_500 = arith.constant 127 : i32
              %sub3A_501 = vector.broadcast %sub3A_500 : i32 to vector<16xi32>
              %sub3A_502 = arith.subi %shift_right_arithmetic3A_499, %sub3A_501 : vector<16xi32>
              %convert_element_type3A_503 = arith.sitofp %sub3A_502 : vector<16xi32> to vector<16xf32>
              %and3A_504 = arith.constant 8388607 : i32
              %and3A_505 = vector.broadcast %and3A_504 : i32 to vector<16xi32>
              %and3A_506 = arith.andi %bitcast3A_496, %and3A_505 : vector<16xi32>
              %or3A_507 = arith.constant 1065353216 : i32
              %or3A_508 = vector.broadcast %or3A_507 : i32 to vector<16xi32>
              %or3A_509 = arith.ori %and3A_506, %or3A_508 : vector<16xi32>
              %bitcast3A_510 = vector.bitcast %or3A_509 : vector<16xi32> to vector<16xf32>
              %broadcast_in_dim3A_511 = arith.constant 0.0147787211 : f32
              %broadcast_in_dim3A_512 = vector.broadcast %broadcast_in_dim3A_511 : f32 to vector<16xf32>
              %mul3A_513 = arith.mulf %broadcast_in_dim3A_512, %bitcast3A_510 : vector<16xf32>
              %add3A_514 = arith.constant -0.180299774 : f32
              %add3A_515 = vector.broadcast %add3A_514 : f32 to vector<16xf32>
              %add3A_516 = arith.addf %mul3A_513, %add3A_515 : vector<16xf32>
              %mul3A_517 = arith.mulf %add3A_516, %bitcast3A_510 : vector<16xf32>
              %add3A_518 = arith.constant 0.961866319 : f32
              %add3A_519 = vector.broadcast %add3A_518 : f32 to vector<16xf32>
              %add3A_520 = arith.addf %mul3A_517, %add3A_519 : vector<16xf32>
              %mul3A_521 = arith.mulf %add3A_520, %bitcast3A_510 : vector<16xf32>
              %add3A_522 = arith.constant -2.94520617 : f32
              %add3A_523 = vector.broadcast %add3A_522 : f32 to vector<16xf32>
              %add3A_524 = arith.addf %mul3A_521, %add3A_523 : vector<16xf32>
              %mul3A_525 = arith.mulf %add3A_524, %bitcast3A_510 : vector<16xf32>
              %add3A_526 = arith.constant 5.72340155 : f32
              %add3A_527 = vector.broadcast %add3A_526 : f32 to vector<16xf32>
              %add3A_528 = arith.addf %mul3A_525, %add3A_527 : vector<16xf32>
              %mul3A_529 = arith.mulf %add3A_528, %bitcast3A_510 : vector<16xf32>
              %add3A_530 = arith.constant -7.44387293 : f32
              %add3A_531 = vector.broadcast %add3A_530 : f32 to vector<16xf32>
              %add3A_532 = arith.addf %mul3A_529, %add3A_531 : vector<16xf32>
              %mul3A_533 = arith.mulf %add3A_532, %bitcast3A_510 : vector<16xf32>
              %add3A_534 = arith.constant 7.11003542 : f32
              %add3A_535 = vector.broadcast %add3A_534 : f32 to vector<16xf32>
              %add3A_536 = arith.addf %mul3A_533, %add3A_535 : vector<16xf32>
              %mul3A_537 = arith.mulf %add3A_536, %bitcast3A_510 : vector<16xf32>
              %add3A_538 = arith.constant -3.24070215 : f32
              %add3A_539 = vector.broadcast %add3A_538 : f32 to vector<16xf32>
              %add3A_540 = arith.addf %mul3A_537, %add3A_539 : vector<16xf32>
              %add3A_541 = arith.addf %convert_element_type3A_503, %add3A_540 : vector<16xf32>
              %mul3A_542 = arith.constant 9.77337551 : f32
              %mul3A_543 = vector.broadcast %mul3A_542 : f32 to vector<16xf32>
              %mul3A_544 = arith.mulf %mul3A_543, %add3A_541 : vector<16xf32>
              %exp3A_545 = math.exp %mul3A_544 : vector<16xf32>
              %mul3A_546 = arith.mulf %exp3A_545, %mul3A_210 : vector<16xf32>
              %mul3A_547 = arith.mulf %mul3A_546, %exp3A : vector<16xf32>
              %add3A_548 = arith.constant 3 : i32
              %add3A_549 = vector.broadcast %add3A_548 : i32 to vector<16xi32>
              %add3A_550 = arith.addi %gather3A_213, %add3A_549 : vector<16xi32>
              tpu.vector_store_idx %arg11[%add3A_550], %mul3A_547 masked %lt3A_147 {add = true} : memref<448xf32, #tpu.memory_space<vmem>>[vector<16xi32>], vector<16xf32>, vector<16xi1>
              %mul3A_551 = arith.mulf %mul3A_546, %exp3A_228 : vector<16xf32>
              %add3A_552 = arith.constant 7 : i32
              %add3A_553 = vector.broadcast %add3A_552 : i32 to vector<16xi32>
              %add3A_554 = arith.addi %gather3A_213, %add3A_553 : vector<16xi32>
              tpu.vector_store_idx %arg11[%add3A_554], %mul3A_551 masked %lt3A_147 {add = true} : memref<448xf32, #tpu.memory_space<vmem>>[vector<16xi32>], vector<16xf32>, vector<16xi1>
              %mul3A_555 = arith.mulf %mul3A_546, %exp3A_236 : vector<16xf32>
              %add3A_556 = arith.constant 11 : i32
              %add3A_557 = vector.broadcast %add3A_556 : i32 to vector<16xi32>
              %add3A_558 = arith.addi %gather3A_213, %add3A_557 : vector<16xi32>
              tpu.vector_store_idx %arg11[%add3A_558], %mul3A_555 masked %lt3A_147 {add = true} : memref<448xf32, #tpu.memory_space<vmem>>[vector<16xi32>], vector<16xf32>, vector<16xi1>
              %mul3A_559 = arith.mulf %mul3A_546, %exp3A_244 : vector<16xf32>
              %add3A_560 = arith.constant 15 : i32
              %add3A_561 = vector.broadcast %add3A_560 : i32 to vector<16xi32>
              %add3A_562 = arith.addi %gather3A_213, %add3A_561 : vector<16xi32>
              tpu.vector_store_idx %arg11[%add3A_562], %mul3A_559 masked %lt3A_147 {add = true} : memref<448xf32, #tpu.memory_space<vmem>>[vector<16xi32>], vector<16xf32>, vector<16xi1>
            }
          }
        } else {
        }
        %mul3A_101 = arith.constant 448 : i32
        %mul3A_102 = arith.muli %add3A_32, %mul3A_101 : i32
        "tpu.region"() ({
          %run_scoped3A = tpu.sem_alloc : memref<!tpu.dma_semaphore, #tpu.memory_space<semaphore_mem>>
          %dma_start3A = tpu.memref_slice %arg6[%mul3A_102] : memref<4480000xf32, #tpu.memory_space<hbm>> -> memref<448xf32, #tpu.memory_space<hbm>>
          %dma_start3A_103 = tpu.memref_slice %arg6[%mul3A_102] : memref<4480000xf32, #tpu.memory_space<hbm>> -> memref<448xf32, #tpu.memory_space<hbm>>
          tpu.enqueue_dma source(%arg11 : memref<448xf32, #tpu.memory_space<vmem>>) target(%dma_start3A_103 : memref<448xf32, #tpu.memory_space<hbm>>) target_semaphore(%run_scoped3A : memref<!tpu.dma_semaphore, #tpu.memory_space<semaphore_mem>>)
          %dma_wait3A = tpu.memref_slice %arg6[%mul3A_102] : memref<4480000xf32, #tpu.memory_space<hbm>> -> memref<448xf32, #tpu.memory_space<hbm>>
          %dma_wait3A_104 = tpu.memref_slice %arg6[%mul3A_102] : memref<4480000xf32, #tpu.memory_space<hbm>> -> memref<448xf32, #tpu.memory_space<hbm>>
          tpu.wait_dma2 semaphore(%run_scoped3A : memref<!tpu.dma_semaphore, #tpu.memory_space<semaphore_mem>>) src(%arg11 : memref<448xf32, #tpu.memory_space<vmem>>) dst(%dma_wait3A_104 : memref<448xf32, #tpu.memory_space<hbm>>)
          tpu.yield
        }) : () -> ()
      } else {
      }
    }
    %scan3A_30 = arith.constant 320 : i32
    return
  }
}

module attributes {stable_mosaic.version = 14 : i64} {
  func.func @_rfv_kernel(%arg0: memref<1250x128xf32, #tpu.memory_space<vmem>>, %arg1: memref<16x1250x128xf32, #tpu.memory_space<vmem>>) attributes {dimension_semantics = [], scalar_prefetch = 0 : i64, scratch_operands = 0 : i64, tpu.core_type = #tpu.core_type<tc>} {
    %get3A = arith.constant 0 : index
    %get3A_0 = arith.constant 0 : index
    %get3A_1 = vector.load %arg0[%get3A, %get3A_0] : memref<1250x128xf32, #tpu.memory_space<vmem>>, vector<1250x128xf32>
    %mul3A = arith.constant 0.615998566 : f32
    %mul3A_2 = vector.broadcast %mul3A : f32 to vector<1250x128xf32>
    %mul3A_3 = arith.mulf %mul3A_2, %get3A_1 : vector<1250x128xf32>
    %cos3A = math.cos %mul3A_3 : vector<1250x128xf32>
    %add3A = arith.constant 1.000000e+00 : f32
    %add3A_4 = vector.broadcast %add3A : f32 to vector<1250x128xf32>
    %add3A_5 = arith.addf %cos3A, %add3A_4 : vector<1250x128xf32>
    %mul3A_6 = arith.constant 5.000000e-01 : f32
    %mul3A_7 = vector.broadcast %mul3A_6 : f32 to vector<1250x128xf32>
    %mul3A_8 = arith.mulf %mul3A_7, %add3A_5 : vector<1250x128xf32>
    %le3A = arith.constant 5.100000e+00 : f32
    %le3A_9 = vector.broadcast %le3A : f32 to vector<1250x128xf32>
    %le3A_10 = arith.cmpf ole, %get3A_1, %le3A_9 : vector<1250x128xf32>
    %convert_element_type3A = arith.extui %le3A_10 : vector<1250x128xi1> to vector<1250x128xi32>
    %convert_element_type3A_11 = arith.sitofp %convert_element_type3A : vector<1250x128xi32> to vector<1250x128xf32>
    %mul3A_12 = arith.mulf %mul3A_8, %convert_element_type3A_11 : vector<1250x128xf32>
    %sub3A = arith.constant 8.000000e-01 : f32
    %sub3A_13 = vector.broadcast %sub3A : f32 to vector<1250x128xf32>
    %sub3A_14 = arith.subf %get3A_1, %sub3A_13 : vector<1250x128xf32>
    %mul3A_15 = arith.constant -1.970000e+01 : f32
    %mul3A_16 = vector.broadcast %mul3A_15 : f32 to vector<1250x128xf32>
    %mul3A_17 = arith.mulf %mul3A_16, %sub3A_14 : vector<1250x128xf32>
    %mul3A_18 = arith.mulf %mul3A_17, %sub3A_14 : vector<1250x128xf32>
    %exp3A = math.exp %mul3A_18 : vector<1250x128xf32>
    %mul3A_19 = arith.constant 2.500000e-01 : f32
    %mul3A_20 = vector.broadcast %mul3A_19 : f32 to vector<1250x128xf32>
    %mul3A_21 = arith.mulf %mul3A_20, %exp3A : vector<1250x128xf32>
    %mul3A_22 = arith.mulf %mul3A_21, %mul3A_12 : vector<1250x128xf32>
    %swap3A = arith.constant 0 : index
    %swap3A_23 = arith.constant 0 : index
    %swap3A_24 = arith.constant 0 : index
    %swap3A_25 = vector.load %arg1[%swap3A, %swap3A_23, %swap3A_24] : memref<16x1250x128xf32, #tpu.memory_space<vmem>>, vector<1x1250x128xf32>
    %swap3A_26 = vector.shape_cast %swap3A_25 : vector<1x1250x128xf32> to vector<1250x128xf32>
    %swap3A_27 = vector.shape_cast %mul3A_22 : vector<1250x128xf32> to vector<1x1250x128xf32>
    tpu.vector_store %arg1[%swap3A, %swap3A_23, %swap3A_24], %swap3A_27 {strides = array<i32>} : memref<16x1250x128xf32, #tpu.memory_space<vmem>>, vector<1x1250x128xf32>,
    %sub3A_28 = arith.constant 1.068750e+00 : f32
    %sub3A_29 = vector.broadcast %sub3A_28 : f32 to vector<1250x128xf32>
    %sub3A_30 = arith.subf %get3A_1, %sub3A_29 : vector<1250x128xf32>
    %mul3A_31 = arith.constant -1.970000e+01 : f32
    %mul3A_32 = vector.broadcast %mul3A_31 : f32 to vector<1250x128xf32>
    %mul3A_33 = arith.mulf %mul3A_32, %sub3A_30 : vector<1250x128xf32>
    %mul3A_34 = arith.mulf %mul3A_33, %sub3A_30 : vector<1250x128xf32>
    %exp3A_35 = math.exp %mul3A_34 : vector<1250x128xf32>
    %mul3A_36 = arith.constant 2.500000e-01 : f32
    %mul3A_37 = vector.broadcast %mul3A_36 : f32 to vector<1250x128xf32>
    %mul3A_38 = arith.mulf %mul3A_37, %exp3A_35 : vector<1250x128xf32>
    %mul3A_39 = arith.mulf %mul3A_38, %mul3A_12 : vector<1250x128xf32>
    %swap3A_40 = arith.constant 1 : index
    %swap3A_41 = arith.constant 0 : index
    %swap3A_42 = arith.constant 0 : index
    %swap3A_43 = vector.load %arg1[%swap3A_40, %swap3A_41, %swap3A_42] : memref<16x1250x128xf32, #tpu.memory_space<vmem>>, vector<1x1250x128xf32>
    %swap3A_44 = vector.shape_cast %swap3A_43 : vector<1x1250x128xf32> to vector<1250x128xf32>
    %swap3A_45 = vector.shape_cast %mul3A_39 : vector<1250x128xf32> to vector<1x1250x128xf32>
    tpu.vector_store %arg1[%swap3A_40, %swap3A_41, %swap3A_42], %swap3A_45 {strides = array<i32>} : memref<16x1250x128xf32, #tpu.memory_space<vmem>>, vector<1x1250x128xf32>,
    %sub3A_46 = arith.constant 1.337500e+00 : f32
    %sub3A_47 = vector.broadcast %sub3A_46 : f32 to vector<1250x128xf32>
    %sub3A_48 = arith.subf %get3A_1, %sub3A_47 : vector<1250x128xf32>
    %mul3A_49 = arith.constant -1.970000e+01 : f32
    %mul3A_50 = vector.broadcast %mul3A_49 : f32 to vector<1250x128xf32>
    %mul3A_51 = arith.mulf %mul3A_50, %sub3A_48 : vector<1250x128xf32>
    %mul3A_52 = arith.mulf %mul3A_51, %sub3A_48 : vector<1250x128xf32>
    %exp3A_53 = math.exp %mul3A_52 : vector<1250x128xf32>
    %mul3A_54 = arith.constant 2.500000e-01 : f32
    %mul3A_55 = vector.broadcast %mul3A_54 : f32 to vector<1250x128xf32>
    %mul3A_56 = arith.mulf %mul3A_55, %exp3A_53 : vector<1250x128xf32>
    %mul3A_57 = arith.mulf %mul3A_56, %mul3A_12 : vector<1250x128xf32>
    %swap3A_58 = arith.constant 2 : index
    %swap3A_59 = arith.constant 0 : index
    %swap3A_60 = arith.constant 0 : index
    %swap3A_61 = vector.load %arg1[%swap3A_58, %swap3A_59, %swap3A_60] : memref<16x1250x128xf32, #tpu.memory_space<vmem>>, vector<1x1250x128xf32>
    %swap3A_62 = vector.shape_cast %swap3A_61 : vector<1x1250x128xf32> to vector<1250x128xf32>
    %swap3A_63 = vector.shape_cast %mul3A_57 : vector<1250x128xf32> to vector<1x1250x128xf32>
    tpu.vector_store %arg1[%swap3A_58, %swap3A_59, %swap3A_60], %swap3A_63 {strides = array<i32>} : memref<16x1250x128xf32, #tpu.memory_space<vmem>>, vector<1x1250x128xf32>,
    %sub3A_64 = arith.constant 1.606250e+00 : f32
    %sub3A_65 = vector.broadcast %sub3A_64 : f32 to vector<1250x128xf32>
    %sub3A_66 = arith.subf %get3A_1, %sub3A_65 : vector<1250x128xf32>
    %mul3A_67 = arith.constant -1.970000e+01 : f32
    %mul3A_68 = vector.broadcast %mul3A_67 : f32 to vector<1250x128xf32>
    %mul3A_69 = arith.mulf %mul3A_68, %sub3A_66 : vector<1250x128xf32>
    %mul3A_70 = arith.mulf %mul3A_69, %sub3A_66 : vector<1250x128xf32>
    %exp3A_71 = math.exp %mul3A_70 : vector<1250x128xf32>
    %mul3A_72 = arith.constant 2.500000e-01 : f32
    %mul3A_73 = vector.broadcast %mul3A_72 : f32 to vector<1250x128xf32>
    %mul3A_74 = arith.mulf %mul3A_73, %exp3A_71 : vector<1250x128xf32>
    %mul3A_75 = arith.mulf %mul3A_74, %mul3A_12 : vector<1250x128xf32>
    %swap3A_76 = arith.constant 3 : index
    %swap3A_77 = arith.constant 0 : index
    %swap3A_78 = arith.constant 0 : index
    %swap3A_79 = vector.load %arg1[%swap3A_76, %swap3A_77, %swap3A_78] : memref<16x1250x128xf32, #tpu.memory_space<vmem>>, vector<1x1250x128xf32>
    %swap3A_80 = vector.shape_cast %swap3A_79 : vector<1x1250x128xf32> to vector<1250x128xf32>
    %swap3A_81 = vector.shape_cast %mul3A_75 : vector<1250x128xf32> to vector<1x1250x128xf32>
    tpu.vector_store %arg1[%swap3A_76, %swap3A_77, %swap3A_78], %swap3A_81 {strides = array<i32>} : memref<16x1250x128xf32, #tpu.memory_space<vmem>>, vector<1x1250x128xf32>,
    %sub3A_82 = arith.constant 1.875000e+00 : f32
    %sub3A_83 = vector.broadcast %sub3A_82 : f32 to vector<1250x128xf32>
    %sub3A_84 = arith.subf %get3A_1, %sub3A_83 : vector<1250x128xf32>
    %mul3A_85 = arith.constant -1.970000e+01 : f32
    %mul3A_86 = vector.broadcast %mul3A_85 : f32 to vector<1250x128xf32>
    %mul3A_87 = arith.mulf %mul3A_86, %sub3A_84 : vector<1250x128xf32>
    %mul3A_88 = arith.mulf %mul3A_87, %sub3A_84 : vector<1250x128xf32>
    %exp3A_89 = math.exp %mul3A_88 : vector<1250x128xf32>
    %mul3A_90 = arith.constant 2.500000e-01 : f32
    %mul3A_91 = vector.broadcast %mul3A_90 : f32 to vector<1250x128xf32>
    %mul3A_92 = arith.mulf %mul3A_91, %exp3A_89 : vector<1250x128xf32>
    %mul3A_93 = arith.mulf %mul3A_92, %mul3A_12 : vector<1250x128xf32>
    %swap3A_94 = arith.constant 4 : index
    %swap3A_95 = arith.constant 0 : index
    %swap3A_96 = arith.constant 0 : index
    %swap3A_97 = vector.load %arg1[%swap3A_94, %swap3A_95, %swap3A_96] : memref<16x1250x128xf32, #tpu.memory_space<vmem>>, vector<1x1250x128xf32>
    %swap3A_98 = vector.shape_cast %swap3A_97 : vector<1x1250x128xf32> to vector<1250x128xf32>
    %swap3A_99 = vector.shape_cast %mul3A_93 : vector<1250x128xf32> to vector<1x1250x128xf32>
    tpu.vector_store %arg1[%swap3A_94, %swap3A_95, %swap3A_96], %swap3A_99 {strides = array<i32>} : memref<16x1250x128xf32, #tpu.memory_space<vmem>>, vector<1x1250x128xf32>,
    %sub3A_100 = arith.constant 2.143750e+00 : f32
    %sub3A_101 = vector.broadcast %sub3A_100 : f32 to vector<1250x128xf32>
    %sub3A_102 = arith.subf %get3A_1, %sub3A_101 : vector<1250x128xf32>
    %mul3A_103 = arith.constant -1.970000e+01 : f32
    %mul3A_104 = vector.broadcast %mul3A_103 : f32 to vector<1250x128xf32>
    %mul3A_105 = arith.mulf %mul3A_104, %sub3A_102 : vector<1250x128xf32>
    %mul3A_106 = arith.mulf %mul3A_105, %sub3A_102 : vector<1250x128xf32>
    %exp3A_107 = math.exp %mul3A_106 : vector<1250x128xf32>
    %mul3A_108 = arith.constant 2.500000e-01 : f32
    %mul3A_109 = vector.broadcast %mul3A_108 : f32 to vector<1250x128xf32>
    %mul3A_110 = arith.mulf %mul3A_109, %exp3A_107 : vector<1250x128xf32>
    %mul3A_111 = arith.mulf %mul3A_110, %mul3A_12 : vector<1250x128xf32>
    %swap3A_112 = arith.constant 5 : index
    %swap3A_113 = arith.constant 0 : index
    %swap3A_114 = arith.constant 0 : index
    %swap3A_115 = vector.load %arg1[%swap3A_112, %swap3A_113, %swap3A_114] : memref<16x1250x128xf32, #tpu.memory_space<vmem>>, vector<1x1250x128xf32>
    %swap3A_116 = vector.shape_cast %swap3A_115 : vector<1x1250x128xf32> to vector<1250x128xf32>
    %swap3A_117 = vector.shape_cast %mul3A_111 : vector<1250x128xf32> to vector<1x1250x128xf32>
    tpu.vector_store %arg1[%swap3A_112, %swap3A_113, %swap3A_114], %swap3A_117 {strides = array<i32>} : memref<16x1250x128xf32, #tpu.memory_space<vmem>>, vector<1x1250x128xf32>,
    %sub3A_118 = arith.constant 2.412500e+00 : f32
    %sub3A_119 = vector.broadcast %sub3A_118 : f32 to vector<1250x128xf32>
    %sub3A_120 = arith.subf %get3A_1, %sub3A_119 : vector<1250x128xf32>
    %mul3A_121 = arith.constant -1.970000e+01 : f32
    %mul3A_122 = vector.broadcast %mul3A_121 : f32 to vector<1250x128xf32>
    %mul3A_123 = arith.mulf %mul3A_122, %sub3A_120 : vector<1250x128xf32>
    %mul3A_124 = arith.mulf %mul3A_123, %sub3A_120 : vector<1250x128xf32>
    %exp3A_125 = math.exp %mul3A_124 : vector<1250x128xf32>
    %mul3A_126 = arith.constant 2.500000e-01 : f32
    %mul3A_127 = vector.broadcast %mul3A_126 : f32 to vector<1250x128xf32>
    %mul3A_128 = arith.mulf %mul3A_127, %exp3A_125 : vector<1250x128xf32>
    %mul3A_129 = arith.mulf %mul3A_128, %mul3A_12 : vector<1250x128xf32>
    %swap3A_130 = arith.constant 6 : index
    %swap3A_131 = arith.constant 0 : index
    %swap3A_132 = arith.constant 0 : index
    %swap3A_133 = vector.load %arg1[%swap3A_130, %swap3A_131, %swap3A_132] : memref<16x1250x128xf32, #tpu.memory_space<vmem>>, vector<1x1250x128xf32>
    %swap3A_134 = vector.shape_cast %swap3A_133 : vector<1x1250x128xf32> to vector<1250x128xf32>
    %swap3A_135 = vector.shape_cast %mul3A_129 : vector<1250x128xf32> to vector<1x1250x128xf32>
    tpu.vector_store %arg1[%swap3A_130, %swap3A_131, %swap3A_132], %swap3A_135 {strides = array<i32>} : memref<16x1250x128xf32, #tpu.memory_space<vmem>>, vector<1x1250x128xf32>,
    %sub3A_136 = arith.constant 2.681250e+00 : f32
    %sub3A_137 = vector.broadcast %sub3A_136 : f32 to vector<1250x128xf32>
    %sub3A_138 = arith.subf %get3A_1, %sub3A_137 : vector<1250x128xf32>
    %mul3A_139 = arith.constant -1.970000e+01 : f32
    %mul3A_140 = vector.broadcast %mul3A_139 : f32 to vector<1250x128xf32>
    %mul3A_141 = arith.mulf %mul3A_140, %sub3A_138 : vector<1250x128xf32>
    %mul3A_142 = arith.mulf %mul3A_141, %sub3A_138 : vector<1250x128xf32>
    %exp3A_143 = math.exp %mul3A_142 : vector<1250x128xf32>
    %mul3A_144 = arith.constant 2.500000e-01 : f32
    %mul3A_145 = vector.broadcast %mul3A_144 : f32 to vector<1250x128xf32>
    %mul3A_146 = arith.mulf %mul3A_145, %exp3A_143 : vector<1250x128xf32>
    %mul3A_147 = arith.mulf %mul3A_146, %mul3A_12 : vector<1250x128xf32>
    %swap3A_148 = arith.constant 7 : index
    %swap3A_149 = arith.constant 0 : index
    %swap3A_150 = arith.constant 0 : index
    %swap3A_151 = vector.load %arg1[%swap3A_148, %swap3A_149, %swap3A_150] : memref<16x1250x128xf32, #tpu.memory_space<vmem>>, vector<1x1250x128xf32>
    %swap3A_152 = vector.shape_cast %swap3A_151 : vector<1x1250x128xf32> to vector<1250x128xf32>
    %swap3A_153 = vector.shape_cast %mul3A_147 : vector<1250x128xf32> to vector<1x1250x128xf32>
    tpu.vector_store %arg1[%swap3A_148, %swap3A_149, %swap3A_150], %swap3A_153 {strides = array<i32>} : memref<16x1250x128xf32, #tpu.memory_space<vmem>>, vector<1x1250x128xf32>,
    %sub3A_154 = arith.constant 2.950000e+00 : f32
    %sub3A_155 = vector.broadcast %sub3A_154 : f32 to vector<1250x128xf32>
    %sub3A_156 = arith.subf %get3A_1, %sub3A_155 : vector<1250x128xf32>
    %mul3A_157 = arith.constant -1.970000e+01 : f32
    %mul3A_158 = vector.broadcast %mul3A_157 : f32 to vector<1250x128xf32>
    %mul3A_159 = arith.mulf %mul3A_158, %sub3A_156 : vector<1250x128xf32>
    %mul3A_160 = arith.mulf %mul3A_159, %sub3A_156 : vector<1250x128xf32>
    %exp3A_161 = math.exp %mul3A_160 : vector<1250x128xf32>
    %mul3A_162 = arith.constant 2.500000e-01 : f32
    %mul3A_163 = vector.broadcast %mul3A_162 : f32 to vector<1250x128xf32>
    %mul3A_164 = arith.mulf %mul3A_163, %exp3A_161 : vector<1250x128xf32>
    %mul3A_165 = arith.mulf %mul3A_164, %mul3A_12 : vector<1250x128xf32>
    %swap3A_166 = arith.constant 8 : index
    %swap3A_167 = arith.constant 0 : index
    %swap3A_168 = arith.constant 0 : index
    %swap3A_169 = vector.load %arg1[%swap3A_166, %swap3A_167, %swap3A_168] : memref<16x1250x128xf32, #tpu.memory_space<vmem>>, vector<1x1250x128xf32>
    %swap3A_170 = vector.shape_cast %swap3A_169 : vector<1x1250x128xf32> to vector<1250x128xf32>
    %swap3A_171 = vector.shape_cast %mul3A_165 : vector<1250x128xf32> to vector<1x1250x128xf32>
    tpu.vector_store %arg1[%swap3A_166, %swap3A_167, %swap3A_168], %swap3A_171 {strides = array<i32>} : memref<16x1250x128xf32, #tpu.memory_space<vmem>>, vector<1x1250x128xf32>,
    %sub3A_172 = arith.constant 3.218750e+00 : f32
    %sub3A_173 = vector.broadcast %sub3A_172 : f32 to vector<1250x128xf32>
    %sub3A_174 = arith.subf %get3A_1, %sub3A_173 : vector<1250x128xf32>
    %mul3A_175 = arith.constant -1.970000e+01 : f32
    %mul3A_176 = vector.broadcast %mul3A_175 : f32 to vector<1250x128xf32>
    %mul3A_177 = arith.mulf %mul3A_176, %sub3A_174 : vector<1250x128xf32>
    %mul3A_178 = arith.mulf %mul3A_177, %sub3A_174 : vector<1250x128xf32>
    %exp3A_179 = math.exp %mul3A_178 : vector<1250x128xf32>
    %mul3A_180 = arith.constant 2.500000e-01 : f32
    %mul3A_181 = vector.broadcast %mul3A_180 : f32 to vector<1250x128xf32>
    %mul3A_182 = arith.mulf %mul3A_181, %exp3A_179 : vector<1250x128xf32>
    %mul3A_183 = arith.mulf %mul3A_182, %mul3A_12 : vector<1250x128xf32>
    %swap3A_184 = arith.constant 9 : index
    %swap3A_185 = arith.constant 0 : index
    %swap3A_186 = arith.constant 0 : index
    %swap3A_187 = vector.load %arg1[%swap3A_184, %swap3A_185, %swap3A_186] : memref<16x1250x128xf32, #tpu.memory_space<vmem>>, vector<1x1250x128xf32>
    %swap3A_188 = vector.shape_cast %swap3A_187 : vector<1x1250x128xf32> to vector<1250x128xf32>
    %swap3A_189 = vector.shape_cast %mul3A_183 : vector<1250x128xf32> to vector<1x1250x128xf32>
    tpu.vector_store %arg1[%swap3A_184, %swap3A_185, %swap3A_186], %swap3A_189 {strides = array<i32>} : memref<16x1250x128xf32, #tpu.memory_space<vmem>>, vector<1x1250x128xf32>,
    %sub3A_190 = arith.constant 3.487500e+00 : f32
    %sub3A_191 = vector.broadcast %sub3A_190 : f32 to vector<1250x128xf32>
    %sub3A_192 = arith.subf %get3A_1, %sub3A_191 : vector<1250x128xf32>
    %mul3A_193 = arith.constant -1.970000e+01 : f32
    %mul3A_194 = vector.broadcast %mul3A_193 : f32 to vector<1250x128xf32>
    %mul3A_195 = arith.mulf %mul3A_194, %sub3A_192 : vector<1250x128xf32>
    %mul3A_196 = arith.mulf %mul3A_195, %sub3A_192 : vector<1250x128xf32>
    %exp3A_197 = math.exp %mul3A_196 : vector<1250x128xf32>
    %mul3A_198 = arith.constant 2.500000e-01 : f32
    %mul3A_199 = vector.broadcast %mul3A_198 : f32 to vector<1250x128xf32>
    %mul3A_200 = arith.mulf %mul3A_199, %exp3A_197 : vector<1250x128xf32>
    %mul3A_201 = arith.mulf %mul3A_200, %mul3A_12 : vector<1250x128xf32>
    %swap3A_202 = arith.constant 10 : index
    %swap3A_203 = arith.constant 0 : index
    %swap3A_204 = arith.constant 0 : index
    %swap3A_205 = vector.load %arg1[%swap3A_202, %swap3A_203, %swap3A_204] : memref<16x1250x128xf32, #tpu.memory_space<vmem>>, vector<1x1250x128xf32>
    %swap3A_206 = vector.shape_cast %swap3A_205 : vector<1x1250x128xf32> to vector<1250x128xf32>
    %swap3A_207 = vector.shape_cast %mul3A_201 : vector<1250x128xf32> to vector<1x1250x128xf32>
    tpu.vector_store %arg1[%swap3A_202, %swap3A_203, %swap3A_204], %swap3A_207 {strides = array<i32>} : memref<16x1250x128xf32, #tpu.memory_space<vmem>>, vector<1x1250x128xf32>,
    %sub3A_208 = arith.constant 3.756250e+00 : f32
    %sub3A_209 = vector.broadcast %sub3A_208 : f32 to vector<1250x128xf32>
    %sub3A_210 = arith.subf %get3A_1, %sub3A_209 : vector<1250x128xf32>
    %mul3A_211 = arith.constant -1.970000e+01 : f32
    %mul3A_212 = vector.broadcast %mul3A_211 : f32 to vector<1250x128xf32>
    %mul3A_213 = arith.mulf %mul3A_212, %sub3A_210 : vector<1250x128xf32>
    %mul3A_214 = arith.mulf %mul3A_213, %sub3A_210 : vector<1250x128xf32>
    %exp3A_215 = math.exp %mul3A_214 : vector<1250x128xf32>
    %mul3A_216 = arith.constant 2.500000e-01 : f32
    %mul3A_217 = vector.broadcast %mul3A_216 : f32 to vector<1250x128xf32>
    %mul3A_218 = arith.mulf %mul3A_217, %exp3A_215 : vector<1250x128xf32>
    %mul3A_219 = arith.mulf %mul3A_218, %mul3A_12 : vector<1250x128xf32>
    %swap3A_220 = arith.constant 11 : index
    %swap3A_221 = arith.constant 0 : index
    %swap3A_222 = arith.constant 0 : index
    %swap3A_223 = vector.load %arg1[%swap3A_220, %swap3A_221, %swap3A_222] : memref<16x1250x128xf32, #tpu.memory_space<vmem>>, vector<1x1250x128xf32>
    %swap3A_224 = vector.shape_cast %swap3A_223 : vector<1x1250x128xf32> to vector<1250x128xf32>
    %swap3A_225 = vector.shape_cast %mul3A_219 : vector<1250x128xf32> to vector<1x1250x128xf32>
    tpu.vector_store %arg1[%swap3A_220, %swap3A_221, %swap3A_222], %swap3A_225 {strides = array<i32>} : memref<16x1250x128xf32, #tpu.memory_space<vmem>>, vector<1x1250x128xf32>,
    %sub3A_226 = arith.constant 4.025000e+00 : f32
    %sub3A_227 = vector.broadcast %sub3A_226 : f32 to vector<1250x128xf32>
    %sub3A_228 = arith.subf %get3A_1, %sub3A_227 : vector<1250x128xf32>
    %mul3A_229 = arith.constant -1.970000e+01 : f32
    %mul3A_230 = vector.broadcast %mul3A_229 : f32 to vector<1250x128xf32>
    %mul3A_231 = arith.mulf %mul3A_230, %sub3A_228 : vector<1250x128xf32>
    %mul3A_232 = arith.mulf %mul3A_231, %sub3A_228 : vector<1250x128xf32>
    %exp3A_233 = math.exp %mul3A_232 : vector<1250x128xf32>
    %mul3A_234 = arith.constant 2.500000e-01 : f32
    %mul3A_235 = vector.broadcast %mul3A_234 : f32 to vector<1250x128xf32>
    %mul3A_236 = arith.mulf %mul3A_235, %exp3A_233 : vector<1250x128xf32>
    %mul3A_237 = arith.mulf %mul3A_236, %mul3A_12 : vector<1250x128xf32>
    %swap3A_238 = arith.constant 12 : index
    %swap3A_239 = arith.constant 0 : index
    %swap3A_240 = arith.constant 0 : index
    %swap3A_241 = vector.load %arg1[%swap3A_238, %swap3A_239, %swap3A_240] : memref<16x1250x128xf32, #tpu.memory_space<vmem>>, vector<1x1250x128xf32>
    %swap3A_242 = vector.shape_cast %swap3A_241 : vector<1x1250x128xf32> to vector<1250x128xf32>
    %swap3A_243 = vector.shape_cast %mul3A_237 : vector<1250x128xf32> to vector<1x1250x128xf32>
    tpu.vector_store %arg1[%swap3A_238, %swap3A_239, %swap3A_240], %swap3A_243 {strides = array<i32>} : memref<16x1250x128xf32, #tpu.memory_space<vmem>>, vector<1x1250x128xf32>,
    %sub3A_244 = arith.constant 4.293750e+00 : f32
    %sub3A_245 = vector.broadcast %sub3A_244 : f32 to vector<1250x128xf32>
    %sub3A_246 = arith.subf %get3A_1, %sub3A_245 : vector<1250x128xf32>
    %mul3A_247 = arith.constant -1.970000e+01 : f32
    %mul3A_248 = vector.broadcast %mul3A_247 : f32 to vector<1250x128xf32>
    %mul3A_249 = arith.mulf %mul3A_248, %sub3A_246 : vector<1250x128xf32>
    %mul3A_250 = arith.mulf %mul3A_249, %sub3A_246 : vector<1250x128xf32>
    %exp3A_251 = math.exp %mul3A_250 : vector<1250x128xf32>
    %mul3A_252 = arith.constant 2.500000e-01 : f32
    %mul3A_253 = vector.broadcast %mul3A_252 : f32 to vector<1250x128xf32>
    %mul3A_254 = arith.mulf %mul3A_253, %exp3A_251 : vector<1250x128xf32>
    %mul3A_255 = arith.mulf %mul3A_254, %mul3A_12 : vector<1250x128xf32>
    %swap3A_256 = arith.constant 13 : index
    %swap3A_257 = arith.constant 0 : index
    %swap3A_258 = arith.constant 0 : index
    %swap3A_259 = vector.load %arg1[%swap3A_256, %swap3A_257, %swap3A_258] : memref<16x1250x128xf32, #tpu.memory_space<vmem>>, vector<1x1250x128xf32>
    %swap3A_260 = vector.shape_cast %swap3A_259 : vector<1x1250x128xf32> to vector<1250x128xf32>
    %swap3A_261 = vector.shape_cast %mul3A_255 : vector<1250x128xf32> to vector<1x1250x128xf32>
    tpu.vector_store %arg1[%swap3A_256, %swap3A_257, %swap3A_258], %swap3A_261 {strides = array<i32>} : memref<16x1250x128xf32, #tpu.memory_space<vmem>>, vector<1x1250x128xf32>,
    %sub3A_262 = arith.constant 4.562500e+00 : f32
    %sub3A_263 = vector.broadcast %sub3A_262 : f32 to vector<1250x128xf32>
    %sub3A_264 = arith.subf %get3A_1, %sub3A_263 : vector<1250x128xf32>
    %mul3A_265 = arith.constant -1.970000e+01 : f32
    %mul3A_266 = vector.broadcast %mul3A_265 : f32 to vector<1250x128xf32>
    %mul3A_267 = arith.mulf %mul3A_266, %sub3A_264 : vector<1250x128xf32>
    %mul3A_268 = arith.mulf %mul3A_267, %sub3A_264 : vector<1250x128xf32>
    %exp3A_269 = math.exp %mul3A_268 : vector<1250x128xf32>
    %mul3A_270 = arith.constant 2.500000e-01 : f32
    %mul3A_271 = vector.broadcast %mul3A_270 : f32 to vector<1250x128xf32>
    %mul3A_272 = arith.mulf %mul3A_271, %exp3A_269 : vector<1250x128xf32>
    %mul3A_273 = arith.mulf %mul3A_272, %mul3A_12 : vector<1250x128xf32>
    %swap3A_274 = arith.constant 14 : index
    %swap3A_275 = arith.constant 0 : index
    %swap3A_276 = arith.constant 0 : index
    %swap3A_277 = vector.load %arg1[%swap3A_274, %swap3A_275, %swap3A_276] : memref<16x1250x128xf32, #tpu.memory_space<vmem>>, vector<1x1250x128xf32>
    %swap3A_278 = vector.shape_cast %swap3A_277 : vector<1x1250x128xf32> to vector<1250x128xf32>
    %swap3A_279 = vector.shape_cast %mul3A_273 : vector<1250x128xf32> to vector<1x1250x128xf32>
    tpu.vector_store %arg1[%swap3A_274, %swap3A_275, %swap3A_276], %swap3A_279 {strides = array<i32>} : memref<16x1250x128xf32, #tpu.memory_space<vmem>>, vector<1x1250x128xf32>,
    %sub3A_280 = arith.constant 4.831250e+00 : f32
    %sub3A_281 = vector.broadcast %sub3A_280 : f32 to vector<1250x128xf32>
    %sub3A_282 = arith.subf %get3A_1, %sub3A_281 : vector<1250x128xf32>
    %mul3A_283 = arith.constant -1.970000e+01 : f32
    %mul3A_284 = vector.broadcast %mul3A_283 : f32 to vector<1250x128xf32>
    %mul3A_285 = arith.mulf %mul3A_284, %sub3A_282 : vector<1250x128xf32>
    %mul3A_286 = arith.mulf %mul3A_285, %sub3A_282 : vector<1250x128xf32>
    %exp3A_287 = math.exp %mul3A_286 : vector<1250x128xf32>
    %mul3A_288 = arith.constant 2.500000e-01 : f32
    %mul3A_289 = vector.broadcast %mul3A_288 : f32 to vector<1250x128xf32>
    %mul3A_290 = arith.mulf %mul3A_289, %exp3A_287 : vector<1250x128xf32>
    %mul3A_291 = arith.mulf %mul3A_290, %mul3A_12 : vector<1250x128xf32>
    %swap3A_292 = arith.constant 15 : index
    %swap3A_293 = arith.constant 0 : index
    %swap3A_294 = arith.constant 0 : index
    %swap3A_295 = vector.load %arg1[%swap3A_292, %swap3A_293, %swap3A_294] : memref<16x1250x128xf32, #tpu.memory_space<vmem>>, vector<1x1250x128xf32>
    %swap3A_296 = vector.shape_cast %swap3A_295 : vector<1x1250x128xf32> to vector<1250x128xf32>
    %swap3A_297 = vector.shape_cast %mul3A_291 : vector<1250x128xf32> to vector<1x1250x128xf32>
    tpu.vector_store %arg1[%swap3A_292, %swap3A_293, %swap3A_294], %swap3A_297 {strides = array<i32>} : memref<16x1250x128xf32, #tpu.memory_space<vmem>>, vector<1x1250x128xf32>,
    return
  }
}

</mosaic_0001>

<sc_bundles>
// kernel: gather_offload_async_start
scs
__scs_entry_jumppad:
0x0: {  	(pc) =	sbr.rel $0x88, $3  }
0x1: {  	(tag) =	ssettag $0x0;
	lr =	simm.s32 $0x1  }
0x2: {  	[smem:$0x3F9D] =	sst lr;
	_ =	strace $0xD0000000  }
0x3: {  	_ = 	snop  }
0x4: {  	_ = 	snop  }
0x5: {  	_ = 	snop  }
0x6: {  	_ = 	snop  }
0x7: {  	_ = 	snop  }
__scs_overlays_trampoline_lowered:
0x8: {  	[smem:$0x3FAC] =	sst s0  }
0x9: {  	[smem:$0x3FAD] =	sst s1  }
0xa: {  	[smem:$0x3FAE] =	sst s2  }
0xb: {  	[smem:$0x3FAF] =	sst s3  }
0xc: {  	[smem:$0x3FB0] =	sst s4  }
0xd: {  	[smem:$0x3FB1] =	sst s5  }
0xe: {  	[smem:$0x3FB2] =	sst s6  }
0xf: {  	[smem:$0x3FB3] =	sst s7  }
0x10: {  	[smem:$0x3FB4] =	sst s8  }
0x11: {  	[smem:$0x3FB5] =	sst s9;
	s0 =	simm.s32 @!p0 $0x0  }
0x12: {  	s1 =	sld [smem:$0x3F9B];
	s0 =	simm.s32 @p0 $0x1  }
0x13: {  	[smem:$0x3FB6] =	sst s0;
	s0 =	simm.s32 @!p1 $0x0  }
0x14: {  	s2 =	sld [smem:$0x3F9A];
	s0 =	simm.s32 @p1 $0x1  }
0x15: {  	[smem:$0x3FB7] =	sst s0;
	s0 =	simm.s32 @!p2 $0x0  }
0x16: {  	s3 =	sld [smem:$0x3FDB];
	s0 =	simm.s32 @p2 $0x1  }
0x17: {  	s4 =	simm.s32 $0x1BF5;
	[smem:$0x3FB9] =	sst s0  }
0x18: {  	s0 =	sld [smem:$0x3F9C];
	_ =	swait.ge [sflag:s4], $0x0  }
0x19: {  	s7 =	sld [smem:$0x3F9D]  }
0x1a: {  	s8 =	sadd.s32 $0xFFFFE003, lr  }
0x1b: {  	s9 =	sadd.s32 $0xFFFFFEF7, lr;
	s5 =	simm.s32 $0xFFFFFFFF;
	p2 =	slt.u32 s8, $0xFFFFF086  }
0x1c: {  	p1 =	slt.u32 s9, $0xF7A;
	s5 =	simm.s32 @!p2 $0x0  }
0x1d: {  	s5 =	simm.s32 @p1 $0x1;
	p0 =	seq.s32 s7, s2  }
0x1e: {  	s7 =	smul.u32 @!p0 $0xF7A, s2;
	p2 =	seq.s32 @!p0 s5, $0x0  }
0x1f: {  	s9 =	smul.u32 $0xF7A, s1;
	s8 =	simm.s32 @!p0 $0x1BF5;
	p2 =	por !p2, p0  }
0x20: {  	[sflag:s8] =	ssyncset.s32 @!p0 $0xFFFFF086;
	s6 =	sadd.s32 @!p0 s3, s7;
	s7 =	simm.s32 @!p0 $0x108  }
0x21: {  	s3 =	sadd.s32 s3, s9;
	s6 =	sadd.s32 @!p0 $0x88, s6;
	s7 =	simm.s32 @p2 $0x1082  }
0x22: {  	[simem:s7], [sflag:s8] =	dma.local @!p0 [hbm:s6], $0xF7A  }
0x23: {  	s9 =	sor.u32 $0xD0000000, s2;
	s6 =	simm.s32 $0x108;
	_ =	swait.ge @!p0 [sflag:s8], $0x0  }
0x24: {  	s3 =	sadd.s32 $0x88, s3;
	s6 =	simm.s32 @!p1 $0x1082;
	[sflag:s4] =	ssyncset.s32 $0xFFFFF086  }
0x25: {  	[simem:s6], [sflag:s4] =	dma.local [hbm:s3], $0xF7A  }
0x26: {  	[smem:$0x3F9D] =	sst s1;
	(tag) =	ssettag s2;
	_ =	strace s9  }
0x27: {  	s1 =	sld [smem:$0x3FAD]  }
0x28: {  	s2 =	sld [smem:$0x3FAE]  }
0x29: {  	s4 =	sld [smem:$0x3FB0]  }
0x2a: {  	p0 =	seq.s32 s5, $0x0;
	s5 =	sld [smem:$0x3FB1]  }
0x2b: {  	s6 =	sld [smem:$0x3FB2]  }
0x2c: {  	s7 =	sld [smem:$0x3FB3]  }
0x2d: {  	s3 =	simm.s32 $0x108;
	s8 =	sld [smem:$0x3FB4]  }
0x2e: {  	s3 =	simm.s32 @!p0 $0x1082;
	s9 =	sld [smem:$0x3FB5]  }
0x2f: {  	lr =	sadd.s32 s0, s3;
	s0 =	sld [smem:$0x3FAC]  }
0x30: {  	s3 =	sld [smem:$0x3FAF]  }
0x31: {  	[smem:$0x3FB8] =	sst s10  }
0x32: {  	s10 =	sld [smem:$0x3FB6];
	_ =	sdelay $0x3  }
0x33: {  	p0 =	seq.s32 s10, $0x1;
	s10 =	sld [smem:$0x3FB8];
	_ =	sdelay $0x3  }
0x34: {  	[smem:$0x3FB8] =	sst s10  }
0x35: {  	s10 =	sld [smem:$0x3FB7];
	_ =	sdelay $0x3  }
0x36: {  	p1 =	seq.s32 s10, $0x1;
	s10 =	sld [smem:$0x3FB8];
	_ =	sdelay $0x3  }
0x37: {  	[smem:$0x3FB8] =	sst s10  }
0x38: {  	s10 =	sld [smem:$0x3FB9]  }
0x39: {  	_ = 	snop;
	(pc) =	sbr.ind lr, $3  }
0x3a: {  	_ = 	snop  }
0x3b: {  	_ = 	snop  }
0x3c: {  	p2 =	seq.s32 s10, $0x1;
	s10 =	sld [smem:$0x3FB8]  }
0x3d: {  	_ =	shalt  }
0x3e: {  	_ =	shalt  }
0x3f: {  	_ =	shalt  }
0x40: {  	_ =	shalt  }
0x41: {  	_ =	shalt  }
0x42: {  	_ =	shalt  }
0x43: {  	_ =	shalt  }
0x44: {  	_ =	shalt  }
0x45: {  	_ =	shalt  }
0x46: {  	_ =	shalt  }
0x47: {  	_ =	shalt  }
0x48: {  	_ =	shalt  }
0x49: {  	_ =	shalt  }
0x4a: {  	_ =	shalt  }
0x4b: {  	_ =	shalt  }
0x4c: {  	_ =	shalt  }
0x4d: {  	_ =	shalt  }
0x4e: {  	_ =	shalt  }
0x4f: {  	_ =	shalt  }
0x50: {  	_ =	shalt  }
0x51: {  	_ =	shalt  }
0x52: {  	_ =	shalt  }
0x53: {  	_ =	shalt  }
0x54: {  	_ =	shalt  }
0x55: {  	_ =	shalt  }
0x56: {  	_ =	shalt  }
0x57: {  	_ =	shalt  }
0x58: {  	_ =	shalt  }
0x59: {  	_ =	shalt  }
0x5a: {  	_ =	shalt  }
0x5b: {  	_ =	shalt  }
0x5c: {  	_ =	shalt  }
0x5d: {  	_ =	shalt  }
0x5e: {  	_ =	shalt  }
0x5f: {  	_ =	shalt  }
0x60: {  	_ =	shalt  }
0x61: {  	_ =	shalt  }
0x62: {  	_ =	shalt  }
0x63: {  	_ =	shalt  }
0x64: {  	_ =	shalt  }
0x65: {  	_ =	shalt  }
0x66: {  	_ =	shalt  }
0x67: {  	_ =	shalt  }
0x68: {  	_ =	shalt  }
0x69: {  	_ =	shalt  }
0x6a: {  	_ =	shalt  }
0x6b: {  	_ =	shalt  }
0x6c: {  	_ =	shalt  }
0x6d: {  	_ =	shalt  }
0x6e: {  	_ =	shalt  }
0x6f: {  	_ =	shalt  }
0x70: {  	_ =	shalt  }
0x71: {  	_ =	shalt  }
0x72: {  	_ =	shalt  }
0x73: {  	_ =	shalt  }
0x74: {  	_ =	shalt  }
0x75: {  	_ =	shalt  }
0x76: {  	_ =	shalt  }
0x77: {  	_ =	shalt  }
0x78: {  	_ =	shalt  }
0x79: {  	_ =	shalt  }
0x7a: {  	_ =	shalt  }
0x7b: {  	_ =	shalt  }
0x7c: {  	_ =	shalt  }
0x7d: {  	_ =	shalt  }
0x7e: {  	_ =	shalt  }
0x7f: {  	_ =	shalt  }
0x80: {  	_ =	shalt  }
0x81: {  	_ =	shalt  }
0x82: {  	_ =	shalt  }
0x83: {  	_ =	shalt  }
0x84: {  	_ =	shalt  }
0x85: {  	_ =	shalt  }
0x86: {  	_ =	shalt  }
0x87: {  	_ =	shalt  }
.Lfunc_end0:
.L_simem_size_0:
called_computation.3_lowered:
.L_overlay_start_0:
0x88: {  	s2 =	sld [smem:$0x3FD9]  }
0x89: {  	s3 =	sld [smem:$0x3FFE];
	_ =	sdelay $0x1  }
0x8a: {  	s1 =	srdreg.scid  }
0x8b: {  	s0 =	sand.u32 $0x1, s1  }
0x8c: {  	s17 =	sshll.u32 s0, $0xA;
	s2 =	sadd.s32 s3, s2  }
0x8d: {  	s2 =	sadd.s32 s2, s17  }
0x8e: {  	[smem:$0x3FC4] =	sst s2  }
0x8f: {  	_ = 	snop  }
0x90: {  	(tm) =	ssettm $0x1  }
0x91: {  	s18 =	sld [smem:$0x3FFB];
	_ =	sdelay $0x3  }
0x92: {  	_ =	strace s18  }
0x93: {  	s2 =	sld [smem:$0x3FFC];
	_ =	sdelay $0x3  }
0x94: {  	_ =	strace s2  }
0x95: {  	s2 =	sld [smem:$0x3FFD];
	_ =	sdelay $0x3  }
0x96: {  	_ =	strace s2  }
0x97: {  	_ =	strace $0x8FFFFFFF  }
0x98: {  	s19 =	sld [smem:$0x3FDB];
	_ =	sdelay $0x1  }
0x99: {  	s20 =	simm.s32 $_scs_section_size  }
0x9a: {  	s4 =	simm.s32 $_size__tile_overlayer_lowered;
	s5 =	simm.s32 $_tile_overlayer_lowered  }
0x9b: {  	s6 =	simm.s32 $0x1BFF;
	s21 =	sshll.u32 s5, $0x1;
	s3 =	sadd.s32 s20, s19  }
0x9c: {  	s22 =	simm.s32 $0x0;
	s4 =	sshll.u32 s4, $0x1;
	s5 =	sadd.s32 s21, s3  }
0x9d: {  	[timem:s22], [sflag:s6] =	dma.local [hbm:s5], s4  }
0x9e: {  	_ =	swait.ge [sflag:s6], s4  }
0x9f: {  	s4 =	ssub.s32 $0x0, s4;
	[sflag:s6] =	ssyncset.done $0x0  }
0xa0: {  	[sflag:s6] =	ssyncadd.s32 s4;
	_ =	sdelay $0x1  }
0xa1: {  	s23 =	simm.s32 $0x1B8B  }
0xa2: {  	_ =	swait.ge [sflag:s23], $0x1  }
0xa3: {  	[sflag:s23] =	ssyncset.done $0x0  }
0xa4: {  	[sflag:s23] =	ssyncadd.s32 $0xFFFFFFFF  }
0xa5: {  	s4 =	sld [smem:$0x0]  }
0xa6: {  	s5 =	sand.u32 $0xFFFFFFFE, s1  }
0xa7: {  	p0 =	sne.s32 s1, s5  }
0xa8: {  	s5 =	sshll.u32 @p0 s5, $0xE  }
0xa9: {  	s5 =	sadd.s32 @p0 $0x11B8D, s5;
	s6 =	sshll.u32 @p0 s4, $0x11  }
0xaa: {  	s5 =	sor.u32 @p0 s6, s5  }
0xab: {  	[sflag:s5] =	ssyncadd.remote.s32 @p0 $0x1;
	_ =	sdelay $0x1  }
0xac: {  	s5 =	simm.s32 @p0 $0x1B8D  }
0xad: {  	_ =	swait.eq @p0 [sflag:s5], $0x1  }
0xae: {  	[sflag:s5] =	ssyncadd.s32 @p0 $0xFFFFFFFF  }
0xaf: {  	s6 =	sshll.u32 @!p0 s1, $0xE  }
0xb0: {  	s6 =	sor.u32 @!p0 $0x4000, s6;
	s5 =	simm.s32 @!p0 $0x1B8D  }
0xb1: {  	s4 =	sshll.u32 @!p0 s4, $0x11;
	s6 =	sadd.s32 @!p0 $0x11B8D, s6;
	_ =	swait.eq @!p0 [sflag:s5], $0x1  }
0xb2: {  	s4 =	sor.u32 @!p0 s4, s6;
	[sflag:s5] =	ssyncadd.s32 @!p0 $0xFFFFFFFF  }
0xb3: {  	s25 =	simm.s32 $0x1B8E;
	s24 =	sld [smem:$0x3FFE];
	[sflag:s4] =	ssyncadd.remote.s32 @!p0 $0x1  }
0xb4: {  	s26 =	simm.s32 $execute0_lowered;
	[smem:$0x3FD2] =	sst s25  }
0xb5: {  	s5 =	sshll.u32 s26, $0x1;
	_ =	strace $0x80000049;
	[dreg:$0x1] =	wrdreg $0xFFFFFFFF  }
0xb6: {  	s28 =	simm.s32 $_size_execute0_lowered;
	s3 =	sadd.s32 s3, s5;
	[dreg:$0x0] =	wrdreg $0x0  }
0xb7: {  	s5 =	sshll.u32 s28, $0x1;
	[dreg:$0x2] =	wrdreg s3  }
0xb8: {  	[dreg:$0x3] =	wrdreg s5  }
0xb9: {  	[dreg:$0x4] =	wrdreg $0xC0  }
0xba: {  	_ =	task [dreg:s22], $0x5FFFF  }
0xbb: {  	[dreg:$0x1] =	wrdreg $0xFFFFFFFF  }
0xbc: {  	[dreg:$0x0] =	wrdreg $0x60  }
0xbd: {  	[dreg:$0x2] =	wrdreg s24  }
0xbe: {  	[dreg:$0x3] =	wrdreg $0xB  }
0xbf: {  	_ =	task.clear_ibuf [dreg:s22], $0x4FFFF;
	_ =	strace $0x90000049  }
0xc0: {  	s29 =	simm.s32 $0xB;
	_ =	strace $0x8000004B  }
0xc1: {  	_ =	swait.ge [sflag:s29], $0x1  }
0xc2: {  	[sflag:s29] =	ssyncadd.s32 $0xFFFFFFFF  }
0xc3: {  	_ =	strace $0x9000004B  }
0xc4: {  	_ =	sfence  }
0xc5: {  	s30 =	sld [smem:$0x0];
	_ =	sdelay $0x2  }
0xc6: {  	s31 =	sshll.u32 s1, $0xD;
	s1 =	sshrl.u32 s1, $0x2  }
0xc7: {  	s4 =	sand.u32 $0x4000, s31;
	s1 =	sadd.s32 s1, s30  }
0xc8: {  	s0 =	sor.u32 s4, s0;
	s1 =	sshll.u32 s1, $0x11  }
0xc9: {  	s0 =	sor.u32 s1, s0  }
0xca: {  	s0 =	sadd.s32 $0x8F2B, s0  }
0xcb: {  	[sflag:s0] =	ssyncadd.remote.s32 $0x1  }
0xcc: {  	_ =	sfence.sel $0xFFFF  }
0xcd: {  	[dreg:$0x0] =	wrdreg $0xFFFFFFFF;
	(pc) =	sbr.abs _section_cstart, $3  }
0xce: {  	[dreg:$0x1] =	wrdreg $0xFFFFFFFF  }
0xcf: {  	_ =	task.clear_ibuf [dreg:s22], $0x2FFFF;
	_ =	strace $0x9FFFFFFF  }
0xd0: {  	(tm) =	ssettm $0x7FFFFFFF  }
0xd1: {  	_ =	shalt  }
tec
execute0_lowered:
.L_overlay_start_1:
0x0: {  	(tag) =	ssettag $0x1  }
0x1: {  	s2 =	rddreg [dreg:$0x0]  }
0x2: {  	s0 =	rddreg [dreg:$0x1];
	s1 =	stileid.u32  }
0x3: {  	s3 =	srdreg.scid;
	_ =	strace $0x8000004A;
	s4 =	simm.s32 $0x1  }
0x4: {  	s7 =	simm.s32 $0x1;
	s8 =	simm.s32 $0x1;
	s9 =	simm.s32 $0x3  }
0x5: {  	s10 =	simm.s32 $0x0;
	s5 =	sand.u32 $0x1, s3;
	s6 =	sshll.u32 s1, $0x1  }
0x6: {  	s13 =	simm.s32 $0x0;
	s12 =	simm.s32 $0x0;
	s5 =	sor.u32 s6, s5  }
.Ltmp0:
0x7: {  	[sflag:s4] =	ssyncpa.u1 $0x0;
	p0 =	slt.u32 s5, $0x9;
	(pc) =	sbr.rel .LBB2_1-.Ltmp0, $4  }
0x8: {  	s6 =	simm.s32 $0x2;
	s7 =	simm.s32 @!p0 $0x0;
	p0 =	sne.s32 s5, $0x8  }
0x9: {  	[sflag:s6] =	ssyncpa.u1 $0x0;
	s5 =	smul.u32 $0x1F40, s5;
	s8 =	simm.s32 @!p0 $0x0  }
0xa: {  	s3 =	sadd.s32 $0x29D800, s2;
	[sflag:s9] =	ssyncpa.u1 $0x0;
	s7 =	sadd.s32 s8, s7  }
0xb: {  	vm0 =	vmmov $0xffff;
	s8 =	sadd.s32 $0x13E200, s2;
	s11 =	smov.u32 s5;
	s9 =	sadd.s32 $0x1, s7  }
.LBB2_4:
0xc: {  	v2 =	vnsel vm1, $0x0, v2  }
0xd: {  	vm1 =	vgt.s32 v0, $0x0;
	v2 =	vmin.u32 v2, $0x4E1FF  }
0xe: {  	v0 =	vnsel vm1, $0x0, v0  }
0xf: {  	v0 =	vmin.u32 v0, $0x4E1FF  }
0x10: {  	[tilespmem:s18], [sflag:$0x1] =	stream.indirect_vreg.gather [hbm4b:s2+s10], $0x1, v1, vm0, $0x4038;
	[tilespmem:$0x7D00] =	vst v63  }
0x11: {  	(ifvalue) =	ssetifvalue $0x7FFFFFFF  }
0x12: {  	[tilespmem:s15], [sflag:$0x1] =	stream.indirect_vreg.gather [hbm4b:s2+s10], $0x1, v2, vm0, $0x4038;
	[tilespmem:$0x7D00] =	vst v63  }
0x13: {  	s29 =	sadd.s32 $0x10, s15;
	(ifvalue) =	ssetifvalue $0x7FFFFFFF  }
0x14: {  	[tilespmem:s29], [sflag:$0x1] =	stream.indirect_vreg.gather [hbm4b:s2+s10], $0x1, v0, vm0, $0x4038;
	[tilespmem:$0x7D00] =	vst v63  }
0x15: {  	_ =	swait.ge [sflag:s4], $0x1F40  }
0x16: {  	s30 =	sshrl.u32 s13, $0x3;
	[sflag:s4] =	ssyncset.done $0x0  }
0x17: {  	s31 =	sand.u32 $0x7, s13;
	s15 =	sadd.s32 s8, s30;
	[sflag:s4] =	ssyncadd.s32 $0xFFFFE0C0  }
0x18: {  	[hbm4b:s15+s31] =	stream.linear.scatter [tilespmem:s14], [sflag:$0x3], $0x1F40, $0x38;
	[tilespmem:$0x7D00] =	vst v63  }
.LBB2_5:
0x19: {  	s15 =	sadd.s32 $0x3E800, s11  }
0x1a: {  	p1 =	sgt.s32 s15, $0x4E1FF  }
0x1b: {  	s15 =	smov.u32 @p1 s5;
	p1 =	sne.s32 s12, s9  }
.Ltmp1:
0x1c: {  	p0 =	slt.u32 s12, $0x2;
	(pc) =	sbr.rel @!p1 .LBB2_6-.Ltmp1, $4  }
0x1d: {  	s14 =	simm.s32 @!p0 $0x3  }
0x1e: {  	_ =	swait.ge @!p0 [sflag:s14], $0x1F40  }
0x1f: {  	s16 =	sadd.s32 $0x1, s12;
	s13 =	smov.u32 s11;
	[sflag:s14] =	ssyncset.done @!p0 $0x0  }
0x20: {  	s12 =	smov.u32 s16;
	s11 =	smov.u32 s15;
	[sflag:s14] =	ssyncadd.s32 @!p0 $0xFFFFE0C0  }
.LBB2_1:
0x21: {  	p0 =	sge.u32 s12, s7  }
0x22: {  	s14 =	sxor.u32 @!p0 $0x1, s12  }
0x23: {  	s14 =	smul.u32 @!p0 $0x7D00, s14  }
0x24: {  	s31 =	sadd.s32 $0xFFFFFFFF, s12;
	s15 =	sshrl.u32 @!p0 s11, $0x3  }
0x25: {  	s16 =	sand.u32 @!p0 $0x7, s11;
	s15 =	sadd.s32 @!p0 s3, s15;
	s14 =	sshra.s32 @!p0 s14, $0x2  }
0x26: {  	[tilespmem:s14], [sflag:$0x2] =	stream.linear.gather @!p0 [hbm4b:s15+s16], $0x1F40, $0x38;
	[tilespmem:$0x7D00] =	vst v63  }
0x27: {  	p0 =	sge.u32 s31, s7  }
.Ltmp2:
0x28: {  	_ = 	snop;
	(pc) =	sbr.rel @p0 .LBB2_5-.Ltmp2, $1  }
0x29: {  	_ =	sdelay $0x3  }
0x2a: {  	s14 =	sand.u32 $0x1, s12  }
0x2b: {  	_ =	swait.ge [sflag:s6], $0x1F40;
	p0 =	seq.s32 s14, $0x1;
	s14 =	simm.s32 $0x1F40  }
0x2c: {  	[sflag:s6] =	ssyncset.done $0x0;
	s14 =	simm.s32 @!p0 $0x0  }
0x2d: {  	[sflag:s6] =	ssyncadd.s32 $0xFFFFE0C0;
	(ifvalue) =	ssetifvalue $0x7FFFFFFF;
	v0 =	vld.msk [tilespmem:s14+$0x0 ss:$0x1], $0xffff;
	_ =	sdelay $0x4  }
0x2e: {  	s15 =	sadd.s32 $0x10, s14;
	vm1 =	vgt.s32 v0, $0x0  }
0x2f: {  	v2 =	vld.msk [tilespmem:s15+$0x0 ss:$0x1], $0xffff;
	v1 =	vnsel vm1, $0x0, v0  }
0x30: {  	v1 =	vmin.u32 v1, $0x4E1FF;
	_ =	sdelay $0x2  }
0x31: {  	s17 =	simm.s32 $0x20;
	s14 =	sadd.s32 $0x3E80, s14;
	s16 =	sadd.s32 $0x10, s15  }
0x32: {  	s15 =	sadd.s32 $0x10, s14;
	s18 =	smov.u32 s14;
	v0 =	vld.msk [tilespmem:s16+$0x0 ss:$0x1], $0xffff;
	vm1 =	vgt.s32 v2, $0x0;
	(ifvalue) =	ssetifvalue $0x7FFFFFFF  }
.LBB2_3:
0x33: {  	[tilespmem:s18], [sflag:$0x1] =	stream.indirect_vreg.gather [hbm4b:s2+s10], $0x1, v1, vm0, $0x4038;
	[tilespmem:$0x7D00] =	vst v63  }
0x34: {  	s17 =	sadd.s32 $0x10, s17  }
0x35: {  	v2 =	vnsel vm1, $0x0, v2;
	p0 =	slt.u32 s17, $0x1F30  }
.Ltmp3:
0x36: {  	s18 =	smov.u32 s15;
	v1 =	vmin.u32 v2, $0x4E1FF;
	(pc) =	sbr.rel @p0 .LBB2_3-.Ltmp3, $3  }
0x37: {  	_ =	sdelay $0x1  }
0x38: {  	s16 =	sadd.s32 $0x10, s16  }
0x39: {  	vm1 =	vgt.s32 v0, $0x0;
	s15 =	sadd.s32 $0x10, s15;
	v2 =	vmov v0;
	(ifvalue) =	ssetifvalue $0x7FFFFFFF;
	v0 =	vld.msk [tilespmem:s16+$0x0 ss:$0x1], $0xffff  }
.Ltmp4:
0x3a: {  	_ = 	snop;
	(pc) =	sbr.rel .LBB2_4-.Ltmp4, $1  }
0x3b: {  	_ =	sdelay $0x3  }
.LBB2_6:
0x3c: {  	_ =	sfence.sel $0x180000  }
0x3d: {  	s2 =	simm.s32 $0x2;
	[bflag:$0x0] =	sbarrier.arrive $0xFFFF  }
0x3e: {  	s30 =	simm.s32 $0x3;
	[sflag:s2] =	ssyncpa.u1 $0x1  }
0x3f: {  	s31 =	simm.s32 $0x1;
	[sflag:s30] =	ssyncpa.u1 $0x1  }
0x40: {  	[sflag:s31] =	ssyncpa.u1 $0x1  }
0x41: {  	p0 =	sne.s32 s1, $0x0;
	_ =	strace $0x9000004A  }
0x42: {  	s0 =	sadd.s32 @!p0 $0x100000, s0;
	[bflag:$0x2] =	sbarrier.arrive $0xFFFF  }
0x43: {  	[sflag:s0] =	ssyncadd.tile.s32 @!p0 $0x1;
	_ =	shalt  }
.Lfunc_end2:
_tile_overlayer_lowered:
.L_overlay_start_2:
0x44: {  	(tag) =	ssettag $0x2  }
0x45: {  	s0 =	rddreg [dreg:$0x0];
	s2 =	stileid.u32  }
0x46: {  	s1 =	rddreg [dreg:$0x1];
	p0 =	sne.s32 s2, $0x0  }
0x47: {  	s3 =	rddreg [dreg:$0x2];
	[bflag:$0x3] =	sbarrier.arrive $0xFFFF;
	s2 =	simm.s32 @!p0 $0x1C01  }
0x48: {  	[timem:s3], [sflag:s2] =	dma.local @!p0 [hbm:s0], s1  }
0x49: {  	s0 =	simm.s32 @!p0 $0x1  }
0x4a: {  	_ =	swait.ge @!p0 [sflag:s0], s1  }
0x4b: {  	s1 =	ssub.s32 @!p0 $0x0, s1;
	[sflag:s0] =	ssyncset.done @!p0 $0x0  }
0x4c: {  	[sflag:s0] =	ssyncadd.s32 @!p0 s1  }
0x4d: {  	[bflag:$0x3] =	sbarrier.arrive $0xFFFF  }
0x4e: {  	_ =	shalt  }

// kernel: kernel.4.cloned.1.call-start
scs
__scs_entry_jumppad:
0x0: {  	(pc) =	sbr.rel $0x88, $3  }
0x1: {  	(tag) =	ssettag $0x0;
	lr =	simm.s32 $0x1  }
0x2: {  	[smem:$0x3F9D] =	sst lr;
	_ =	strace $0xD0000000  }
0x3: {  	_ = 	snop  }
0x4: {  	_ = 	snop  }
0x5: {  	_ = 	snop  }
0x6: {  	_ = 	snop  }
0x7: {  	_ = 	snop  }
__scs_overlays_trampoline_lowered:
0x8: {  	[smem:$0x3FAC] =	sst s0  }
0x9: {  	[smem:$0x3FAD] =	sst s1  }
0xa: {  	[smem:$0x3FAE] =	sst s2  }
0xb: {  	[smem:$0x3FAF] =	sst s3  }
0xc: {  	[smem:$0x3FB0] =	sst s4  }
0xd: {  	[smem:$0x3FB1] =	sst s5  }
0xe: {  	[smem:$0x3FB2] =	sst s6  }
0xf: {  	[smem:$0x3FB3] =	sst s7  }
0x10: {  	[smem:$0x3FB4] =	sst s8  }
0x11: {  	[smem:$0x3FB5] =	sst s9;
	s0 =	simm.s32 @!p0 $0x0  }
0x12: {  	s1 =	sld [smem:$0x3F9B];
	s0 =	simm.s32 @p0 $0x1  }
0x13: {  	[smem:$0x3FB6] =	sst s0;
	s0 =	simm.s32 @!p1 $0x0  }
0x14: {  	s2 =	sld [smem:$0x3F9A];
	s0 =	simm.s32 @p1 $0x1  }
0x15: {  	[smem:$0x3FB7] =	sst s0;
	s0 =	simm.s32 @!p2 $0x0  }
0x16: {  	s3 =	sld [smem:$0x3FDB];
	s0 =	simm.s32 @p2 $0x1  }
0x17: {  	s4 =	simm.s32 $0x1BF5;
	[smem:$0x3FB9] =	sst s0  }
0x18: {  	s0 =	sld [smem:$0x3F9C];
	_ =	swait.ge [sflag:s4], $0x0  }
0x19: {  	s7 =	sld [smem:$0x3F9D]  }
0x1a: {  	s8 =	sadd.s32 $0xFFFFE003, lr  }
0x1b: {  	s9 =	sadd.s32 $0xFFFFFEF7, lr;
	s5 =	simm.s32 $0xFFFFFFFF;
	p2 =	slt.u32 s8, $0xFFFFF086  }
0x1c: {  	p1 =	slt.u32 s9, $0xF7A;
	s5 =	simm.s32 @!p2 $0x0  }
0x1d: {  	s5 =	simm.s32 @p1 $0x1;
	p0 =	seq.s32 s7, s2  }
0x1e: {  	s7 =	smul.u32 @!p0 $0xF7A, s2;
	p2 =	seq.s32 @!p0 s5, $0x0  }
0x1f: {  	s9 =	smul.u32 $0xF7A, s1;
	s8 =	simm.s32 @!p0 $0x1BF5;
	p2 =	por !p2, p0  }
0x20: {  	[sflag:s8] =	ssyncset.s32 @!p0 $0xFFFFF086;
	s6 =	sadd.s32 @!p0 s3, s7;
	s7 =	simm.s32 @!p0 $0x108  }
0x21: {  	s3 =	sadd.s32 s3, s9;
	s6 =	sadd.s32 @!p0 $0x88, s6;
	s7 =	simm.s32 @p2 $0x1082  }
0x22: {  	[simem:s7], [sflag:s8] =	dma.local @!p0 [hbm:s6], $0xF7A  }
0x23: {  	s9 =	sor.u32 $0xD0000000, s2;
	s6 =	simm.s32 $0x108;
	_ =	swait.ge @!p0 [sflag:s8], $0x0  }
0x24: {  	s3 =	sadd.s32 $0x88, s3;
	s6 =	simm.s32 @!p1 $0x1082;
	[sflag:s4] =	ssyncset.s32 $0xFFFFF086  }
0x25: {  	[simem:s6], [sflag:s4] =	dma.local [hbm:s3], $0xF7A  }
0x26: {  	[smem:$0x3F9D] =	sst s1;
	(tag) =	ssettag s2;
	_ =	strace s9  }
0x27: {  	s1 =	sld [smem:$0x3FAD]  }
0x28: {  	s2 =	sld [smem:$0x3FAE]  }
0x29: {  	s4 =	sld [smem:$0x3FB0]  }
0x2a: {  	p0 =	seq.s32 s5, $0x0;
	s5 =	sld [smem:$0x3FB1]  }
0x2b: {  	s6 =	sld [smem:$0x3FB2]  }
0x2c: {  	s7 =	sld [smem:$0x3FB3]  }
0x2d: {  	s3 =	simm.s32 $0x108;
	s8 =	sld [smem:$0x3FB4]  }
0x2e: {  	s3 =	simm.s32 @!p0 $0x1082;
	s9 =	sld [smem:$0x3FB5]  }
0x2f: {  	lr =	sadd.s32 s0, s3;
	s0 =	sld [smem:$0x3FAC]  }
0x30: {  	s3 =	sld [smem:$0x3FAF]  }
0x31: {  	[smem:$0x3FB8] =	sst s10  }
0x32: {  	s10 =	sld [smem:$0x3FB6];
	_ =	sdelay $0x3  }
0x33: {  	p0 =	seq.s32 s10, $0x1;
	s10 =	sld [smem:$0x3FB8];
	_ =	sdelay $0x3  }
0x34: {  	[smem:$0x3FB8] =	sst s10  }
0x35: {  	s10 =	sld [smem:$0x3FB7];
	_ =	sdelay $0x3  }
0x36: {  	p1 =	seq.s32 s10, $0x1;
	s10 =	sld [smem:$0x3FB8];
	_ =	sdelay $0x3  }
0x37: {  	[smem:$0x3FB8] =	sst s10  }
0x38: {  	s10 =	sld [smem:$0x3FB9]  }
0x39: {  	_ = 	snop;
	(pc) =	sbr.ind lr, $3  }
0x3a: {  	_ = 	snop  }
0x3b: {  	_ = 	snop  }
0x3c: {  	p2 =	seq.s32 s10, $0x1;
	s10 =	sld [smem:$0x3FB8]  }
0x3d: {  	_ =	shalt  }
0x3e: {  	_ =	shalt  }
0x3f: {  	_ =	shalt  }
0x40: {  	_ =	shalt  }
0x41: {  	_ =	shalt  }
0x42: {  	_ =	shalt  }
0x43: {  	_ =	shalt  }
0x44: {  	_ =	shalt  }
0x45: {  	_ =	shalt  }
0x46: {  	_ =	shalt  }
0x47: {  	_ =	shalt  }
0x48: {  	_ =	shalt  }
0x49: {  	_ =	shalt  }
0x4a: {  	_ =	shalt  }
0x4b: {  	_ =	shalt  }
0x4c: {  	_ =	shalt  }
0x4d: {  	_ =	shalt  }
0x4e: {  	_ =	shalt  }
0x4f: {  	_ =	shalt  }
0x50: {  	_ =	shalt  }
0x51: {  	_ =	shalt  }
0x52: {  	_ =	shalt  }
0x53: {  	_ =	shalt  }
0x54: {  	_ =	shalt  }
0x55: {  	_ =	shalt  }
0x56: {  	_ =	shalt  }
0x57: {  	_ =	shalt  }
0x58: {  	_ =	shalt  }
0x59: {  	_ =	shalt  }
0x5a: {  	_ =	shalt  }
0x5b: {  	_ =	shalt  }
0x5c: {  	_ =	shalt  }
0x5d: {  	_ =	shalt  }
0x5e: {  	_ =	shalt  }
0x5f: {  	_ =	shalt  }
0x60: {  	_ =	shalt  }
0x61: {  	_ =	shalt  }
0x62: {  	_ =	shalt  }
0x63: {  	_ =	shalt  }
0x64: {  	_ =	shalt  }
0x65: {  	_ =	shalt  }
0x66: {  	_ =	shalt  }
0x67: {  	_ =	shalt  }
0x68: {  	_ =	shalt  }
0x69: {  	_ =	shalt  }
0x6a: {  	_ =	shalt  }
0x6b: {  	_ =	shalt  }
0x6c: {  	_ =	shalt  }
0x6d: {  	_ =	shalt  }
0x6e: {  	_ =	shalt  }
0x6f: {  	_ =	shalt  }
0x70: {  	_ =	shalt  }
0x71: {  	_ =	shalt  }
0x72: {  	_ =	shalt  }
0x73: {  	_ =	shalt  }
0x74: {  	_ =	shalt  }
0x75: {  	_ =	shalt  }
0x76: {  	_ =	shalt  }
0x77: {  	_ =	shalt  }
0x78: {  	_ =	shalt  }
0x79: {  	_ =	shalt  }
0x7a: {  	_ =	shalt  }
0x7b: {  	_ =	shalt  }
0x7c: {  	_ =	shalt  }
0x7d: {  	_ =	shalt  }
0x7e: {  	_ =	shalt  }
0x7f: {  	_ =	shalt  }
0x80: {  	_ =	shalt  }
0x81: {  	_ =	shalt  }
0x82: {  	_ =	shalt  }
0x83: {  	_ =	shalt  }
0x84: {  	_ =	shalt  }
0x85: {  	_ =	shalt  }
0x86: {  	_ =	shalt  }
0x87: {  	_ =	shalt  }
.Lfunc_end0:
.L_simem_size_0:
called_computation.4_lowered:
.L_overlay_start_0:
0x88: {  	s2 =	sld [smem:$0x3FD9]  }
0x89: {  	s3 =	sld [smem:$0x3FFE];
	_ =	sdelay $0x1  }
0x8a: {  	s1 =	srdreg.scid  }
0x8b: {  	s0 =	sand.u32 $0x1, s1  }
0x8c: {  	s15 =	sshll.u32 s0, $0xA;
	s2 =	sadd.s32 s3, s2  }
0x8d: {  	s2 =	sadd.s32 s2, s15  }
0x8e: {  	[smem:$0x3FC4] =	sst s2  }
0x8f: {  	_ = 	snop  }
0x90: {  	s2 =	sld [smem:$0x3FD0];
	_ =	sdelay $0x2  }
0x91: {  	s4 =	simm.s32 $0xC;
	s16 =	simm.s32 $0x10  }
0x92: {  	[smem:s16], [sflag:s4] =	dma.local [hbm:s2], $0x1  }
0x93: {  	_ =	swait.eq [sflag:s4], $0x1  }
0x94: {  	[sflag:s4] =	ssyncset.done $0x0  }
0x95: {  	s17 =	sld [smem:$0x10];
	[sflag:s4] =	ssyncadd.s32 $0xFFFFFFFF  }
0x96: {  	s18 =	sld [smem:$0x11];
	(tm) =	ssettm $0x1  }
0x97: {  	s19 =	sld [smem:$0x3FFB];
	_ =	sdelay $0x3  }
0x98: {  	_ =	strace s19  }
0x99: {  	s2 =	sld [smem:$0x3FFC];
	_ =	sdelay $0x3  }
0x9a: {  	_ =	strace s2  }
0x9b: {  	s2 =	sld [smem:$0x3FFD];
	_ =	sdelay $0x3  }
0x9c: {  	_ =	strace s2  }
0x9d: {  	_ =	strace $0x8FFFFFFF  }
0x9e: {  	s20 =	sld [smem:$0x3FDB];
	_ =	sdelay $0x1  }
0x9f: {  	s5 =	simm.s32 $_scs_section_size  }
0xa0: {  	s6 =	simm.s32 $_size__tile_overlayer_lowered;
	s7 =	simm.s32 $_tile_overlayer_lowered  }
0xa1: {  	s8 =	simm.s32 $0x1BFF;
	s21 =	sshll.u32 s7, $0x1;
	s5 =	sadd.s32 s5, s20  }
0xa2: {  	s22 =	simm.s32 $0x0;
	s6 =	sshll.u32 s6, $0x1;
	s7 =	sadd.s32 s21, s5  }
0xa3: {  	[timem:s22], [sflag:s8] =	dma.local [hbm:s7], s6  }
0xa4: {  	_ =	swait.ge [sflag:s8], s6  }
0xa5: {  	s6 =	ssub.s32 $0x0, s6;
	[sflag:s8] =	ssyncset.done $0x0  }
0xa6: {  	[sflag:s8] =	ssyncadd.s32 s6;
	_ =	sdelay $0x1  }
0xa7: {  	s23 =	simm.s32 $0x1B8B  }
0xa8: {  	_ =	swait.ge [sflag:s23], $0x1  }
0xa9: {  	[sflag:s23] =	ssyncset.done $0x0  }
0xaa: {  	[sflag:s23] =	ssyncadd.s32 $0xFFFFFFFF  }
0xab: {  	s6 =	sld [smem:$0x0]  }
0xac: {  	s7 =	sand.u32 $0xFFFFFFFE, s1  }
0xad: {  	p0 =	sne.s32 s1, s7  }
0xae: {  	s7 =	sshll.u32 @p0 s7, $0xE  }
0xaf: {  	s7 =	sadd.s32 @p0 $0x11B8D, s7;
	s8 =	sshll.u32 @p0 s6, $0x11  }
0xb0: {  	s7 =	sor.u32 @p0 s8, s7  }
0xb1: {  	[sflag:s7] =	ssyncadd.remote.s32 @p0 $0x1;
	_ =	sdelay $0x1  }
0xb2: {  	s7 =	simm.s32 @p0 $0x1B8D  }
0xb3: {  	_ =	swait.eq @p0 [sflag:s7], $0x1  }
0xb4: {  	[sflag:s7] =	ssyncadd.s32 @p0 $0xFFFFFFFF  }
0xb5: {  	s8 =	sshll.u32 @!p0 s1, $0xE  }
0xb6: {  	s8 =	sor.u32 @!p0 $0x4000, s8;
	s7 =	simm.s32 @!p0 $0x1B8D  }
0xb7: {  	s6 =	sshll.u32 @!p0 s6, $0x11;
	s8 =	sadd.s32 @!p0 $0x11B8D, s8;
	_ =	swait.eq @!p0 [sflag:s7], $0x1  }
0xb8: {  	s6 =	sor.u32 @!p0 s6, s8;
	[sflag:s7] =	ssyncadd.s32 @!p0 $0xFFFFFFFF  }
0xb9: {  	s25 =	simm.s32 $0x1B8E;
	s24 =	sld [smem:$0x3FFE];
	[sflag:s6] =	ssyncadd.remote.s32 @!p0 $0x1  }
0xba: {  	s26 =	simm.s32 $execute0_lowered;
	[smem:$0x3FD2] =	sst s25  }
0xbb: {  	s7 =	sshll.u32 s26, $0x1;
	_ =	strace $0x80000052;
	[dreg:$0x1] =	wrdreg $0xFFFFFFFF  }
0xbc: {  	s28 =	simm.s32 $_size_execute0_lowered;
	s5 =	sadd.s32 s5, s7;
	[dreg:$0x0] =	wrdreg $0x0  }
0xbd: {  	s7 =	sshll.u32 s28, $0x1;
	[dreg:$0x2] =	wrdreg s5  }
0xbe: {  	[dreg:$0x3] =	wrdreg s7  }
0xbf: {  	[dreg:$0x4] =	wrdreg $0xC0  }
0xc0: {  	_ =	task [dreg:s22], $0x5FFFF  }
0xc1: {  	[dreg:$0x1] =	wrdreg $0xFFFFFFFF  }
0xc2: {  	[dreg:$0x0] =	wrdreg $0x60  }
0xc3: {  	[dreg:$0x2] =	wrdreg s18  }
0xc4: {  	[dreg:$0x3] =	wrdreg s24  }
0xc5: {  	[dreg:$0x4] =	wrdreg s17  }
0xc6: {  	[dreg:$0x5] =	wrdreg $0xA  }
0xc7: {  	_ =	task.clear_ibuf [dreg:s22], $0x6FFFF;
	_ =	strace $0x90000052  }
0xc8: {  	s29 =	simm.s32 $0xA;
	_ =	strace $0x80000054  }
0xc9: {  	_ =	swait.ge [sflag:s29], $0x1  }
0xca: {  	[sflag:s29] =	ssyncadd.s32 $0xFFFFFFFF  }
0xcb: {  	_ =	strace $0x90000054  }
0xcc: {  	_ =	sfence  }
0xcd: {  	s30 =	sld [smem:$0x0];
	_ =	sdelay $0x2  }
0xce: {  	s31 =	sshll.u32 s1, $0xD;
	s1 =	sshrl.u32 s1, $0x2  }
0xcf: {  	s4 =	sand.u32 $0x4000, s31;
	s1 =	sadd.s32 s1, s30  }
0xd0: {  	s0 =	sor.u32 s4, s0;
	s1 =	sshll.u32 s1, $0x11  }
0xd1: {  	s0 =	sor.u32 s1, s0  }
0xd2: {  	s0 =	sadd.s32 $0x8F2B, s0  }
0xd3: {  	[sflag:s0] =	ssyncadd.remote.s32 $0x1  }
0xd4: {  	_ =	sfence.sel $0xFFFF  }
0xd5: {  	[dreg:$0x0] =	wrdreg $0xFFFFFFFF;
	(pc) =	sbr.abs _section_cstart, $3  }
0xd6: {  	[dreg:$0x1] =	wrdreg $0xFFFFFFFF  }
0xd7: {  	_ =	task.clear_ibuf [dreg:s22], $0x2FFFF;
	_ =	strace $0x9FFFFFFF  }
0xd8: {  	(tm) =	ssettm $0x7FFFFFFF  }
0xd9: {  	_ =	shalt  }
tec
execute0_lowered:
.L_overlay_start_1:
0x0: {  	(tag) =	ssettag $0x1  }
0x1: {  	s1 =	rddreg [dreg:$0x0]  }
0x2: {  	s2 =	srdreg.scid;
	s7 =	rddreg [dreg:$0x1]  }
0x3: {  	s0 =	stileid.u32;
	s3 =	rddreg [dreg:$0x2]  }
0x4: {  	s4 =	simm.s32 $0x0;
	s6 =	sand.u32 $0x1, s2;
	s31 =	sshll.u32 s0, $0x1  }
0x5: {  	s11 =	simm.s32 $0x180;
	s12 =	simm.s32 $0x300;
	s5 =	sor.u32 s6, s31  }
0x6: {  	s13 =	simm.s32 $0x380;
	s14 =	simm.s32 $0x2;
	s5 =	smul.u32 $0x140, s5  }
.Ltmp0:
0x7: {  	s15 =	simm.s32 $0x680;
	s2 =	rddreg [dreg:$0x3];
	(pc) =	sbr.rel .LBB2_1-.Ltmp0, $4  }
0x8: {  	s16 =	simm.s32 $0x0;
	[smem:$0x7FF] =	sst s4;
	s8 =	ssub.s32 $0x2, s6  }
0x9: {  	_ =	strace $0x80000053;
	s9 =	sshrl.u32 s8, $0x1;
	s10 =	sshrl.u32 s5, $0x3  }
0xa: {  	s6 =	sadd.s32 $0x13E200, s7;
	s9 =	ssub.s32 s8, s9;
	s7 =	sadd.s32 s7, s10  }
0xb: {  	v0 =	vimm.f32 $0.0e+00;
	v1 =	vlaneseq.u32;
	s9 =	smax.u32 s9, $0x1;
	s10 =	simm.s32 $0x1;
	s8 =	sadd.s32 $0x600, s7  }
.LBB2_14:
0xc: {  	s16 =	sadd.s32 $0x1, s16  }
0xd: {  	p0 =	sne.s32 s16, s9  }
.Ltmp1:
0xe: {  	_ = 	snop;
	(pc) =	sbr.rel @!p0 .LBB2_15-.Ltmp1, $1  }
0xf: {  	_ =	sdelay $0x3  }
.LBB2_1:
0x10: {  	[tilespmem:s4], [sflag:$0x1] =	stream.linear.gather [hbm4b:s7+s4], $0x150, $0x38;
	[tilespmem:$0x880] =	vst v63  }
0x11: {  	_ =	swait.ge [sflag:s10], $0x150  }
0x12: {  	[sflag:s10] =	ssyncset.done $0x0  }
0x13: {  	[sflag:s10] =	ssyncadd.s32 $0xFFFFFEB0  }
0x14: {  	[tilespmem:s11], [sflag:$0x1] =	stream.linear.gather [hbm4b:s8+s4], $0x150, $0x38;
	[tilespmem:$0x880] =	vst v63  }
0x15: {  	_ =	swait.ge [sflag:s10], $0x150  }
0x16: {  	[sflag:s10] =	ssyncset.done $0x0  }
.Ltmp2:
0x17: {  	[sflag:s10] =	ssyncadd.s32 $0xFFFFFEB0;
	(pc) =	sbr.rel .LBB2_2-.Ltmp2, $4  }
0x18: {  	[tilespmem:s12], [sflag:$0x1] =	stream.linear.gather [hbm4b:s3+s4], $0x80, $0x38;
	[tilespmem:$0x880] =	vst v63  }
0x19: {  	_ =	swait.ge [sflag:s10], $0x80  }
0x1a: {  	[sflag:s10] =	ssyncset.done $0x0  }
0x1b: {  	s17 =	simm.s32 $0x0;
	[sflag:s10] =	ssyncadd.s32 $0xFFFFFF80  }
.LBB2_12:
0x1c: {  	s18 =	smul.u32 $0x38, s18;
	_ =	sdelay $0x1  }
0x1d: {  	s18 =	sadd.s32 s6, s18  }
0x1e: {  	[hbm4b:s18+s4] =	stream.linear.scatter [tilespmem:s15], [sflag:$0x1], $0x1C0, $0x38;
	[tilespmem:$0x880] =	vst v63  }
0x1f: {  	_ =	swait.ge [sflag:s10], $0x1C0  }
0x20: {  	[sflag:s10] =	ssyncset.done $0x0  }
0x21: {  	[sflag:s10] =	ssyncadd.s32 $0xFFFFFE40  }
.LBB2_13:
0x22: {  	s17 =	sadd.s32 $0x1, s17  }
0x23: {  	p0 =	sne.s32 s17, $0x140  }
.Ltmp3:
0x24: {  	_ = 	snop;
	(pc) =	sbr.rel @!p0 .LBB2_14-.Ltmp3, $1  }
0x25: {  	_ =	sdelay $0x3  }
.LBB2_2:
0x26: {  	s18 =	sadd.s32 s5, s17  }
0x27: {  	p0 =	sgt.u32 s18, $0x270F  }
.Ltmp4:
0x28: {  	_ = 	snop;
	(pc) =	sbr.rel @p0 .LBB2_13-.Ltmp4, $1  }
0x29: {  	_ =	sdelay $0x3  }
0x2a: {  	v3 =	vld [tilespmem:s17+$0x180]  }
0x2b: {  	v2 =	vld [tilespmem:s17+$0x0];
	[tilespmem:$0x680] =	vst v0  }
0x2c: {  	[tilespmem:$0x690] =	vst v0  }
0x2d: {  	[tilespmem:$0x6A0] =	vst v0  }
0x2e: {  	[tilespmem:$0x6B0] =	vst v0  }
0x2f: {  	[tilespmem:$0x6C0] =	vst v0;
	(v2sf) =	vpush v3, $0x0  }
0x30: {  	[tilespmem:$0x6D0] =	vst v0  }
0x31: {  	[tilespmem:$0x6E0] =	vst v0  }
0x32: {  	[tilespmem:$0x6F0] =	vst v0  }
0x33: {  	[tilespmem:$0x700] =	vst v0  }
0x34: {  	[tilespmem:$0x710] =	vst v0  }
0x35: {  	[tilespmem:$0x720] =	vst v0  }
0x36: {  	[tilespmem:$0x730] =	vst v0  }
0x37: {  	[tilespmem:$0x740] =	vst v0  }
0x38: {  	[tilespmem:$0x750] =	vst v0  }
0x39: {  	[tilespmem:$0x760] =	vst v0  }
0x3a: {  	[tilespmem:$0x770] =	vst v0  }
0x3b: {  	[tilespmem:$0x780] =	vst v0  }
0x3c: {  	[tilespmem:$0x790] =	vst v0  }
0x3d: {  	[tilespmem:$0x7A0] =	vst v0  }
0x3e: {  	[tilespmem:$0x7B0] =	vst v0;
	s19 =	spop (v2sf)  }
0x3f: {  	[tilespmem:$0x7C0] =	vst v0;
	s19 =	scvt.f32.s32 s19  }
0x40: {  	[tilespmem:$0x7D0] =	vst v0  }
0x41: {  	[tilespmem:$0x7E0] =	vst v0;
	p0 =	slt.s32 s19, $0x2  }
.Ltmp5:
0x42: {  	[tilespmem:$0x7F0] =	vst v0;
	(pc) =	sbr.rel @p0 .LBB2_12-.Ltmp5, $4  }
0x43: {  	[tilespmem:$0x800] =	vst v0  }
0x44: {  	[tilespmem:$0x810] =	vst v0  }
0x45: {  	[tilespmem:$0x820] =	vst v0  }
0x46: {  	[tilespmem:$0x830] =	vst v0  }
0x47: {  	(v2sf) =	vpush v2, $0x0;
	_ =	sdelay $0xe  }
0x48: {  	s20 =	spop (v2sf)  }
0x49: {  	s20 =	scvt.f32.s32 s20;
	_ =	sdelay $0x1  }
0x4a: {  	s20 =	sand.u32 $0x1FFFFFFF, s20  }
.Ltmp6:
0x4b: {  	s20 =	sadd.s32 s1, s20;
	(pc) =	sbr.rel .LBB2_5-.Ltmp6, $4  }
0x4c: {  	[tilespmem:s13], [sflag:$0x2] =	stream.linear.gather [hbm4b:s20+s4], $0x300, $0x38;
	[tilespmem:$0x880] =	vst v63  }
0x4d: {  	_ =	swait.ge [sflag:s14], $0x300  }
0x4e: {  	[sflag:s14] =	ssyncset.done $0x0  }
0x4f: {  	s20 =	simm.s32 $0x1;
	[sflag:s14] =	ssyncadd.s32 $0xFFFFFD00  }
.LBB2_7:
0x50: {  	_ = 	snop  }
.LBB2_10:
0x51: {  	_ =	sdelay $0x4  }
0x52: {  	[tilespmem:v15+s15+$0x0] =	vst.idx.add.f32.msk @p0 vm0, v18  }
0x53: {  	[tilespmem:v16+s15+$0x0] =	vst.idx.add.f32.msk @p0 vm0, v19  }
0x54: {  	[tilespmem:v12+s15+$0x0] =	vst.idx.add.f32.msk @p0 vm0, v11  }
0x55: {  	v8 =	vld.idx.msk [tilespmem:v17+s13+$0x0], vm1;
	_ =	sdelay $0x2  }
0x56: {  	v11 =	vld.idx.msk [tilespmem:v14+s13+$0x0], vm1  }
0x57: {  	v12 =	vld.idx.msk [tilespmem:v9+s13+$0x0], vm1  }
0x58: {  	v34 =	vmul.f32 v8, v4  }
0x59: {  	v13 =	vld.idx.msk [tilespmem:v13+s13+$0x0], vm1  }
0x5a: {  	(erf) = vrcp.f32 v34;
	_ =	sdelay $0x1  }
0x5b: {  	v7 =	vmul.f32 v11, v7;
	v5 =	vmul.f32 v12, v5;
	_ =	sdelay $0x1  }
0x5c: {  	v6 =	vmul.f32 v13, v6;
	v5 =	vadd.f32 v7, v5;
	_ =	sdelay $0x1  }
0x5d: {  	v5 =	vadd.f32 v6, v5;
	_ =	sdelay $0x1  }
0x5e: {  	v5 =	vmul.f32 $9.499999880e-01, v5  }
0x5f: {  	v35 =	vpop (erf)  }
0x60: {  	v5 =	vmul.f32 v35, v5;
	_ =	sdelay $0x1  }
0x61: {  	v5 =	vmax.f32 v5, $-9.800000190e-01  }
0x62: {  	v5 =	vmin.f32 v5, $9.800000190e-01  }
0x63: {  	v36 =	vmul.f32 v5, v5;
	_ =	sdelay $0x1  }
0x64: {  	v6 =	vsub.f32 $1.000000000e+00, v36;
	_ =	sdelay $0x1  }
0x65: {  	v37 =	vshra.s32 v6, $0x1;
	v38 =	vmul.f32 $5.000000000e-01, v6  }
0x66: {  	v7 =	vsub.s32 $0x5F3759DF, v37  }
0x67: {  	v39 =	vmul.f32 v7, v38;
	_ =	sdelay $0x1  }
0x68: {  	v12 =	vmul.f32 v7, v39;
	_ =	sdelay $0x1  }
0x69: {  	v12 =	vsub.f32 $1.500000000e+00, v12;
	_ =	sdelay $0x1  }
0x6a: {  	v7 =	vmul.f32 v7, v12;
	_ =	sdelay $0x1  }
0x6b: {  	v11 =	vmul.f32 v7, v38;
	_ =	sdelay $0x1  }
0x6c: {  	v11 =	vmul.f32 v11, v7;
	_ =	sdelay $0x1  }
0x6d: {  	v11 =	vsub.f32 $1.500000000e+00, v11;
	_ =	sdelay $0x1  }
0x6e: {  	v7 =	vmul.f32 v11, v7;
	_ =	sdelay $0x1  }
0x6f: {  	v6 =	vmul.f32 v7, v6;
	_ =	sdelay $0x1  }
0x70: {  	v40 =	vmul.f32 $9.238795040e-01, v5;
	v42 =	vmul.f32 $3.826834560e-01, v6  }
0x71: {  	v10 =	vld.idx.msk [tilespmem:v10+s13+$0x0], vm1;
	v41 =	vmul.f32 $3.826834560e-01, v5;
	v43 =	vmul.f32 $9.238795040e-01, v6  }
0x72: {  	v5 =	vmul.f32 $-3.826833960e-01, v5;
	v45 =	vmul.f32 $9.238795630e-01, v6;
	v12 =	vadd.f32 v42, v40  }
0x73: {  	vm15 =	vmmov vm1;
	v6 =	vmul.f32 $3.826834860e-01, v6;
	v11 =	vadd.f32 v43, v41  }
0x74: {  	v61 =	vor.u32 $0x4, v9;
	v5 =	vadd.f32 v5, v45;
	v46 =	vmul.f32 $5.000000000e-01, v12  }
0x75: {  	v44 =	vadd.f32 v8, v4;
	v6 =	vsub.f32 v6, v40;
	v47 =	vmul.f32 $5.000000000e-01, v11  }
0x76: {  	v3 =	vadd.f32 v10, v3;
	v5 =	vmul.f32 $5.000000000e-01, v5;
	v7 =	vadd.f32 $5.000000000e-01, v46  }
0x77: {  	v4 =	vmul.f32 $5.000000000e-01, v44;
	v6 =	vmul.f32 $5.000000000e-01, v6;
	v8 =	vadd.f32 $5.000000000e-01, v47  }
0x78: {  	v3 =	vtrunc.f32 v3;
	v5 =	vadd.f32 $5.000000000e-01, v5;
	v51 =	vand.u32 $0x7FFFFF, v7  }
0x79: {  	v6 =	vadd.f32 $5.000000000e-01, v6;
	v52 =	vand.u32 $0x7FFFFF, v8;
	v14 =	vor.u32 $0x3F800000, v51  }
0x7a: {  	v53 =	vand.u32 $0x7FFFFF, v5;
	v15 =	vor.u32 $0x3F800000, v52;
	v54 =	vmul.f32 $1.477872110e-02, v14  }
0x7b: {  	v21 =	vand.u32 $0x7FFFFF, v6;
	v16 =	vor.u32 $0x3F800000, v53;
	v55 =	vmul.f32 $1.477872110e-02, v15  }
0x7c: {  	v21 =	vor.u32 $0x3F800000, v21;
	v20 =	vmul.f32 $1.477872110e-02, v16;
	v17 =	vadd.f32 $-1.802997740e-01, v54  }
0x7d: {  	v3 =	vcvt.f32.s32 v3;
	v23 =	vmul.f32 $1.477872110e-02, v21;
	v18 =	vadd.f32 $-1.802997740e-01, v55  }
0x7e: {  	v48 =	vadd.f32 $-8.000000110e-01, v4;
	v20 =	vadd.f32 $-1.802997740e-01, v20;
	v17 =	vmul.f32 v14, v17  }
0x7f: {  	v49 =	vadd.f32 $-1.475000020e+00, v4;
	v58 =	vadd.f32 $-1.802997740e-01, v23;
	v18 =	vmul.f32 v15, v18  }
0x80: {  	v50 =	vadd.f32 $-2.150000100e+00, v4;
	v57 =	vmul.f32 v16, v20;
	v17 =	vadd.f32 $9.618663190e-01, v17  }
0x81: {  	v4 =	vadd.f32 $-2.825000050e+00, v4;
	v20 =	vmul.f32 v21, v58;
	v18 =	vadd.f32 $9.618663190e-01, v18  }
0x82: {  	v56 =	vmul.f32 $-1.250000000e+01, v48;
	v19 =	vadd.f32 $9.618663190e-01, v57;
	v17 =	vmul.f32 v14, v17  }
0x83: {  	v22 =	vmul.f32 $-1.250000000e+01, v49;
	v20 =	vadd.f32 $9.618663190e-01, v20;
	v18 =	vmul.f32 v15, v18  }
0x84: {  	v59 =	vmul.f32 $-1.250000000e+01, v50;
	v19 =	vmul.f32 v16, v19;
	v17 =	vadd.f32 $-2.945206170e+00, v17  }
0x85: {  	v60 =	vmul.f32 $-1.250000000e+01, v4;
	v20 =	vmul.f32 v21, v20;
	v18 =	vadd.f32 $-2.945206170e+00, v18  }
0x86: {  	v13 =	vmul.f32 v59, v50;
	v19 =	vadd.f32 $-2.945206170e+00, v19;
	v17 =	vmul.f32 v14, v17  }
0x87: {  	v11 =	vmul.f32 v56, v48;
	v20 =	vadd.f32 $-2.945206170e+00, v20;
	v18 =	vmul.f32 v15, v18  }
0x88: {  	v12 =	vmul.f32 v22, v49;
	v19 =	vmul.f32 v16, v19;
	v17 =	vadd.f32 $5.723401550e+00, v17  }
0x89: {  	v11 =	vmul.f32 $1.442695020e+00, v11;
	v20 =	vmul.f32 v21, v20;
	v18 =	vadd.f32 $5.723401550e+00, v18  }
0x8a: {  	v12 =	vmul.f32 $1.442695020e+00, v12;
	v19 =	vadd.f32 $5.723401550e+00, v19;
	v17 =	vmul.f32 v14, v17  }
0x8b: {  	v7 =	vshra.s32 v7, $0x17;
	v20 =	vadd.f32 $5.723401550e+00, v20;
	v18 =	vmul.f32 v15, v18  }
0x8c: {  	v8 =	vshra.s32 v8, $0x17;
	v19 =	vmul.f32 v16, v19;
	v17 =	vadd.f32 $-7.443872930e+00, v17  }
0x8d: {  	v5 =	vshra.s32 v5, $0x17;
	v20 =	vmul.f32 v21, v20;
	v18 =	vadd.f32 $-7.443872930e+00, v18  }
0x8e: {  	v6 =	vshra.s32 v6, $0x17;
	v19 =	vadd.f32 $-7.443872930e+00, v19;
	v17 =	vmul.f32 v14, v17  }
0x8f: {  	(erf) = vpow2.f32 v12;
	v20 =	vadd.f32 $-7.443872930e+00, v20;
	v18 =	vmul.f32 v15, v18  }
0x90: {  	v7 =	vadd.s32 $0xFFFFFF81, v7;
	v19 =	vmul.f32 v16, v19;
	v17 =	vadd.f32 $7.110035420e+00, v17  }
0x91: {  	v8 =	vadd.s32 $0xFFFFFF81, v8;
	v20 =	vmul.f32 v21, v20;
	v18 =	vadd.f32 $7.110035420e+00, v18  }
0x92: {  	v5 =	vadd.s32 $0xFFFFFF81, v5;
	v19 =	vadd.f32 $7.110035420e+00, v19;
	v62 =	vmul.f32 v14, v17  }
0x93: {  	v6 =	vadd.s32 $0xFFFFFF81, v6;
	v23 =	vadd.f32 $7.110035420e+00, v20;
	v63 =	vmul.f32 v15, v18  }
0x94: {  	v7 =	vcvt.s32.f32 v7;
	v22 =	vmul.f32 v16, v19;
	v12 =	vadd.f32 $-3.240702150e+00, v62  }
0x95: {  	v8 =	vcvt.s32.f32 v8;
	v25 =	vmul.f32 v21, v23;
	v14 =	vadd.f32 $-3.240702150e+00, v63  }
0x96: {  	v5 =	vcvt.s32.f32 v5;
	v24 =	vadd.f32 $-3.240702150e+00, v22;
	v7 =	vadd.f32 v7, v12  }
0x97: {  	v6 =	vcvt.s32.f32 v6;
	v26 =	vadd.f32 $-3.240702150e+00, v25;
	v8 =	vadd.f32 v8, v14  }
0x98: {  	v4 =	vmul.f32 v60, v4;
	v5 =	vadd.f32 v5, v24;
	v7 =	vmul.f32 $9.773375510e+00, v7  }
0x99: {  	(erf) = vpow2.f32 v11;
	v6 =	vadd.f32 v6, v26;
	v8 =	vmul.f32 $9.773375510e+00, v8  }
0x9a: {  	v5 =	vmul.f32 $9.773375510e+00, v5;
	v7 =	vmul.f32 $1.442695020e+00, v7  }
0x9b: {  	v6 =	vmul.f32 $9.773375510e+00, v6;
	v8 =	vmul.f32 $1.442695020e+00, v8  }
0x9c: {  	v5 =	vmul.f32 $1.442695020e+00, v5;
	(erf) = vpow2.f32 v7  }
0x9d: {  	v27 =	vld.idx.msk [tilespmem:v61+s13+$0x0], vm15;
	v6 =	vmul.f32 $1.442695020e+00, v6;
	(erf) = vpow2.f32 v8  }
0x9e: {  	v28 =	vmul.f32 $1.442695020e+00, v13;
	(erf) = vpow2.f32 v5  }
0x9f: {  	v4 =	vmul.f32 $1.442695020e+00, v4;
	(erf) = vpow2.f32 v6  }
0xa0: {  	(erf) = vpow2.f32 v28  }
0xa1: {  	v3 =	vld.idx.msk [tilespmem:v3+s12+$0x0], vm15;
	(erf) = vpow2.f32 v4  }
0xa2: {  	v29 =	vadd.f32 v27, v27  }
0xa3: {  	v30 =	vpop (erf)  }
0xa4: {  	v2 =	vmul.f32 v29, v2;
	v31 =	vpop (erf)  }
0xa5: {  	v32 =	vpop (erf)  }
0xa6: {  	v33 =	vadd.s32 $0x4, v3;
	v4 =	vmul.f32 v32, v2;
	v34 =	vpop (erf)  }
0xa7: {  	v35 =	vadd.s32 $0x8, v3;
	v36 =	vpop (erf)  }
0xa8: {  	v37 =	vadd.s32 $0xC, v3;
	v38 =	vmul.f32 v4, v31;
	v39 =	vpop (erf)  }
0xa9: {  	v40 =	vadd.s32 $0x1, v3;
	v41 =	vmul.f32 v4, v30;
	v42 =	vpop (erf)  }
0xaa: {  	v43 =	vadd.s32 $0x5, v3;
	v8 =	vmul.f32 v34, v2;
	[tilespmem:v3+s15+$0x0] =	vst.idx.add.f32.msk vm15, v38;
	v44 =	vmul.f32 v4, v42;
	v45 =	vpop (erf)  }
0xab: {  	v46 =	vadd.s32 $0x9, v3;
	[tilespmem:v33+s15+$0x0] =	vst.idx.add.f32.msk vm15, v41;
	v4 =	vmul.f32 v4, v45  }
0xac: {  	v47 =	vadd.s32 $0xD, v3;
	v48 =	vmul.f32 v8, v31;
	[tilespmem:v35+s15+$0x0] =	vst.idx.add.f32.msk vm15, v44  }
0xad: {  	v49 =	vadd.s32 $0x2, v3;
	v50 =	vmul.f32 v8, v30;
	[tilespmem:v37+s15+$0x0] =	vst.idx.add.f32.msk vm15, v4  }
0xae: {  	v51 =	vadd.s32 $0x6, v3;
	v10 =	vmul.f32 v36, v2;
	v52 =	vmul.f32 v8, v42;
	[tilespmem:v40+s15+$0x0] =	vst.idx.add.f32.msk vm15, v48  }
0xaf: {  	v53 =	vadd.s32 $0xA, v3;
	v54 =	vmul.f32 v8, v45;
	[tilespmem:v43+s15+$0x0] =	vst.idx.add.f32.msk vm15, v50  }
0xb0: {  	v55 =	vadd.s32 $0xE, v3;
	v56 =	vmul.f32 v10, v31;
	[tilespmem:v46+s15+$0x0] =	vst.idx.add.f32.msk vm15, v52  }
0xb1: {  	v57 =	vadd.s32 $0x3, v3;
	v58 =	vmul.f32 v10, v30;
	[tilespmem:v47+s15+$0x0] =	vst.idx.add.f32.msk vm15, v54  }
0xb2: {  	v59 =	vadd.s32 $0x7, v3;
	v2 =	vmul.f32 v39, v2;
	v60 =	vmul.f32 v10, v42;
	[tilespmem:v49+s15+$0x0] =	vst.idx.add.f32.msk vm15, v56  }
0xb3: {  	v61 =	vadd.s32 $0xB, v3;
	v10 =	vmul.f32 v10, v45;
	[tilespmem:v51+s15+$0x0] =	vst.idx.add.f32.msk vm15, v58  }
0xb4: {  	v3 =	vadd.s32 $0xF, v3;
	v62 =	vmul.f32 v2, v31;
	[tilespmem:v53+s15+$0x0] =	vst.idx.add.f32.msk vm15, v60  }
0xb5: {  	v5 =	vmul.f32 v2, v30;
	[tilespmem:v55+s15+$0x0] =	vst.idx.add.f32.msk vm15, v10  }
0xb6: {  	v63 =	vmul.f32 v2, v42;
	[tilespmem:v57+s15+$0x0] =	vst.idx.add.f32.msk vm15, v62  }
0xb7: {  	v2 =	vmul.f32 v2, v45;
	[tilespmem:v59+s15+$0x0] =	vst.idx.add.f32.msk vm15, v5  }
0xb8: {  	[tilespmem:v61+s15+$0x0] =	vst.idx.add.f32.msk vm15, v63  }
0xb9: {  	[tilespmem:v3+s15+$0x0] =	vst.idx.add.f32.msk vm15, v2  }
.LBB2_11:
0xba: {  	s20 =	sadd.s32 $0x1, s20  }
0xbb: {  	p0 =	sne.s32 s20, s19  }
.Ltmp7:
0xbc: {  	_ = 	snop;
	(pc) =	sbr.rel @!p0 .LBB2_12-.Ltmp7, $1  }
0xbd: {  	_ =	sdelay $0x3  }
.LBB2_5:
0xbe: {  	s21 =	sadd.s32 $0xF, s20  }
0xbf: {  	s21 =	sshra.s32 s21, $0x4  }
0xc0: {  	p0 =	slt.s32 s21, $0x1  }
.Ltmp8:
0xc1: {  	_ = 	snop;
	(pc) =	sbr.rel @p0 .LBB2_11-.Ltmp8, $1  }
0xc2: {  	_ =	sdelay $0x3  }
0xc3: {  	s22 =	sshll.u32 s20, $0x3  }
0xc4: {  	v2 =	vmov s22  }
0xc5: {  	v3 =	vor.u32 $0x1, v2  }
0xc6: {  	v4 =	vor.u32 $0x2, v2  }
0xc7: {  	v8 =	vor.u32 $0x3, v2  }
0xc8: {  	v10 =	vor.u32 $0x4, v2  }
0xc9: {  	p1 =	sne.s32 s21, $0x1;
	v11 =	vor.u32 $0x6, v2;
	v5 =	vld.idx.msk [tilespmem:v2+s13+$0x0], $0xffff  }
.Ltmp9:
0xca: {  	s31 =	simm.s32 $0x0;
	v7 =	vld.idx.msk [tilespmem:v3+s13+$0x0], $0xffff;
	(pc) =	sbr.rel @!p1 .LBB2_7-.Ltmp9, $4  }
0xcb: {  	v6 =	vld.idx.msk [tilespmem:v4+s13+$0x0], $0xffff;
	v3 =	vor.u32 s31, v1  }
0xcc: {  	v4 =	vld.idx.msk [tilespmem:v8+s13+$0x0], $0xffff;
	v8 =	vmov s20;
	v9 =	vshll.u32 v3, $0x3  }
0xcd: {  	v2 =	vld.idx.msk [tilespmem:v10+s13+$0x0], $0xffff;
	vm1 =	vlt.s32 v3, v8;
	v14 =	vor.u32 $0x1, v9  }
0xce: {  	p0 =	por $0x0, $0x0;
	s22 =	sadd.s32 $0xFFFFFFFF, s21;
	v3 =	vld.idx.msk [tilespmem:v11+s13+$0x0], $0xffff;
	v13 =	vor.u32 $0x2, v9;
	v17 =	vor.u32 $0x3, v9;
	v10 =	vor.u32 $0x5, v9  }
0xcf: {  	_ =	sdelay $0x4  }
0xd0: {  	v11 =	vld.idx.msk [tilespmem:v17+s13+$0x0], vm1;
	_ =	sdelay $0x2  }
0xd1: {  	v12 =	vld.idx.msk [tilespmem:v14+s13+$0x0], vm1  }
0xd2: {  	v14 =	vld.idx.msk [tilespmem:v9+s13+$0x0], vm1  }
0xd3: {  	v15 =	vmul.f32 v11, v4  }
0xd4: {  	v13 =	vld.idx.msk [tilespmem:v13+s13+$0x0], vm1  }
0xd5: {  	(erf) = vrcp.f32 v15;
	_ =	sdelay $0x1  }
0xd6: {  	v12 =	vmul.f32 v12, v7;
	v14 =	vmul.f32 v14, v5;
	_ =	sdelay $0x1  }
0xd7: {  	v13 =	vmul.f32 v13, v6;
	v12 =	vadd.f32 v12, v14;
	_ =	sdelay $0x1  }
0xd8: {  	v12 =	vadd.f32 v13, v12;
	_ =	sdelay $0x1  }
0xd9: {  	v12 =	vmul.f32 $9.499999880e-01, v12  }
0xda: {  	v13 =	vpop (erf)  }
0xdb: {  	v12 =	vmul.f32 v13, v12;
	_ =	sdelay $0x1  }
0xdc: {  	v12 =	vmax.f32 v12, $-9.800000190e-01  }
0xdd: {  	v12 =	vmin.f32 v12, $9.800000190e-01  }
0xde: {  	v13 =	vmul.f32 v12, v12;
	_ =	sdelay $0x1  }
0xdf: {  	v13 =	vsub.f32 $1.000000000e+00, v13;
	_ =	sdelay $0x1  }
0xe0: {  	v14 =	vshra.s32 v13, $0x1;
	v15 =	vmul.f32 $5.000000000e-01, v13  }
0xe1: {  	v14 =	vsub.s32 $0x5F3759DF, v14  }
0xe2: {  	v16 =	vmul.f32 v14, v15;
	_ =	sdelay $0x1  }
0xe3: {  	v16 =	vmul.f32 v14, v16;
	_ =	sdelay $0x1  }
0xe4: {  	v16 =	vsub.f32 $1.500000000e+00, v16;
	_ =	sdelay $0x1  }
0xe5: {  	v14 =	vmul.f32 v14, v16;
	_ =	sdelay $0x1  }
0xe6: {  	v15 =	vmul.f32 v14, v15;
	_ =	sdelay $0x1  }
0xe7: {  	v15 =	vmul.f32 v15, v14;
	_ =	sdelay $0x1  }
0xe8: {  	v15 =	vsub.f32 $1.500000000e+00, v15;
	_ =	sdelay $0x1  }
0xe9: {  	v14 =	vmul.f32 v15, v14;
	_ =	sdelay $0x1  }
0xea: {  	v13 =	vmul.f32 v14, v13  }
0xeb: {  	v15 =	vmul.f32 $3.826834560e-01, v12;
	v14 =	vmul.f32 $9.238795040e-01, v12  }
0xec: {  	v10 =	vld.idx.msk [tilespmem:v10+s13+$0x0], vm1;
	v12 =	vmul.f32 $-3.826833960e-01, v12;
	v16 =	vmul.f32 $3.826834560e-01, v13  }
0xed: {  	v17 =	vmul.f32 $9.238795040e-01, v13;
	v18 =	vmul.f32 $9.238795630e-01, v13  }
0xee: {  	v11 =	vadd.f32 v11, v4;
	v13 =	vmul.f32 $3.826834860e-01, v13;
	v16 =	vadd.f32 v16, v14  }
0xef: {  	v15 =	vadd.f32 v17, v15;
	v12 =	vadd.f32 v12, v18  }
0xf0: {  	v11 =	vmul.f32 $5.000000000e-01, v11;
	v13 =	vsub.f32 v13, v14;
	v14 =	vmul.f32 $5.000000000e-01, v16  }
0xf1: {  	v10 =	vadd.f32 v10, v3;
	v15 =	vmul.f32 $5.000000000e-01, v15;
	v12 =	vmul.f32 $5.000000000e-01, v12  }
0xf2: {  	v16 =	vadd.f32 $-8.000000110e-01, v11;
	v13 =	vmul.f32 $5.000000000e-01, v13;
	v14 =	vadd.f32 $5.000000000e-01, v14  }
0xf3: {  	v15 =	vadd.f32 $5.000000000e-01, v15;
	v12 =	vadd.f32 $5.000000000e-01, v12  }
0xf4: {  	v18 =	vmul.f32 $-1.250000000e+01, v16;
	v13 =	vadd.f32 $5.000000000e-01, v13;
	v19 =	vand.u32 $0x7FFFFF, v14  }
0xf5: {  	v20 =	vand.u32 $0x7FFFFF, v15;
	v21 =	vand.u32 $0x7FFFFF, v12;
	v19 =	vor.u32 $0x3F800000, v19  }
0xf6: {  	v20 =	vor.u32 $0x3F800000, v20;
	v21 =	vor.u32 $0x3F800000, v21;
	v22 =	vmul.f32 $1.477872110e-02, v19  }
0xf7: {  	v26 =	vand.u32 $0x7FFFFF, v13;
	v23 =	vmul.f32 $1.477872110e-02, v20;
	v25 =	vmul.f32 $1.477872110e-02, v21  }
0xf8: {  	v16 =	vmul.f32 v18, v16;
	v26 =	vor.u32 $0x3F800000, v26;
	v22 =	vadd.f32 $-1.802997740e-01, v22  }
0xf9: {  	v52 =	vmul.f32 $1.477872110e-02, v26;
	v23 =	vadd.f32 $-1.802997740e-01, v23;
	v18 =	vadd.f32 $-1.802997740e-01, v25  }
0xfa: {  	vm0 =	vmmov vm1;
	v10 =	vtrunc.f32 v10;
	v22 =	vmul.f32 v19, v22  }
0xfb: {  	v25 =	vadd.f32 $-1.802997740e-01, v52;
	v23 =	vmul.f32 v20, v23;
	v18 =	vmul.f32 v21, v18  }
0xfc: {  	v9 =	vor.u32 $0x4, v9;
	v10 =	vcvt.f32.s32 v10;
	v22 =	vadd.f32 $9.618663190e-01, v22  }
0xfd: {  	v25 =	vmul.f32 v26, v25;
	v23 =	vadd.f32 $9.618663190e-01, v23;
	v18 =	vadd.f32 $9.618663190e-01, v18  }
0xfe: {  	v27 =	vadd.f32 $-2.150000100e+00, v11;
	v17 =	vadd.f32 $-1.475000020e+00, v11;
	v22 =	vmul.f32 v19, v22  }
0xff: {  	v25 =	vadd.f32 $9.618663190e-01, v25;
	v23 =	vmul.f32 v20, v23;
	v18 =	vmul.f32 v21, v18  }
0x100: {  	v53 =	vmul.f32 $-1.250000000e+01, v27;
	v24 =	vmul.f32 $-1.250000000e+01, v17;
	v22 =	vadd.f32 $-2.945206170e+00, v22  }
0x101: {  	v25 =	vmul.f32 v26, v25;
	v23 =	vadd.f32 $-2.945206170e+00, v23;
	v18 =	vadd.f32 $-2.945206170e+00, v18  }
0x102: {  	v11 =	vadd.f32 $-2.825000050e+00, v11;
	v17 =	vmul.f32 v24, v17;
	v22 =	vmul.f32 v19, v22  }
0x103: {  	v25 =	vadd.f32 $-2.945206170e+00, v25;
	v23 =	vmul.f32 v20, v23;
	v18 =	vmul.f32 v21, v18  }
0x104: {  	v54 =	vmul.f32 $-1.250000000e+01, v11;
	v17 =	vmul.f32 $1.442695020e+00, v17;
	v22 =	vadd.f32 $5.723401550e+00, v22  }
0x105: {  	v25 =	vmul.f32 v26, v25;
	v23 =	vadd.f32 $5.723401550e+00, v23;
	v18 =	vadd.f32 $5.723401550e+00, v18  }
0x106: {  	v14 =	vshra.s32 v14, $0x17;
	v15 =	vshra.s32 v15, $0x17;
	v22 =	vmul.f32 v19, v22  }
0x107: {  	v25 =	vadd.f32 $5.723401550e+00, v25;
	v23 =	vmul.f32 v20, v23;
	v18 =	vmul.f32 v21, v18  }
0x108: {  	v12 =	vshra.s32 v12, $0x17;
	v13 =	vshra.s32 v13, $0x17;
	v22 =	vadd.f32 $-7.443872930e+00, v22  }
0x109: {  	v25 =	vmul.f32 v26, v25;
	v23 =	vadd.f32 $-7.443872930e+00, v23;
	v18 =	vadd.f32 $-7.443872930e+00, v18  }
0x10a: {  	v14 =	vadd.s32 $0xFFFFFF81, v14;
	v15 =	vadd.s32 $0xFFFFFF81, v15;
	v22 =	vmul.f32 v19, v22  }
0x10b: {  	v25 =	vadd.f32 $-7.443872930e+00, v25;
	v23 =	vmul.f32 v20, v23;
	v18 =	vmul.f32 v21, v18  }
0x10c: {  	v16 =	vmul.f32 $1.442695020e+00, v16;
	(erf) = vpow2.f32 v17;
	v22 =	vadd.f32 $7.110035420e+00, v22  }
0x10d: {  	v25 =	vmul.f32 v26, v25;
	v23 =	vadd.f32 $7.110035420e+00, v23;
	v18 =	vadd.f32 $7.110035420e+00, v18  }
0x10e: {  	v12 =	vadd.s32 $0xFFFFFF81, v12;
	v14 =	vcvt.s32.f32 v14;
	v17 =	vmul.f32 v19, v22  }
0x10f: {  	v19 =	vmul.f32 v20, v23;
	v18 =	vmul.f32 v21, v18;
	v20 =	vadd.f32 $7.110035420e+00, v25  }
0x110: {  	v15 =	vcvt.s32.f32 v15;
	(erf) = vpow2.f32 v16;
	v17 =	vadd.f32 $-3.240702150e+00, v17  }
0x111: {  	v19 =	vadd.f32 $-3.240702150e+00, v19;
	v16 =	vadd.f32 $-3.240702150e+00, v18;
	v18 =	vmul.f32 v26, v20  }
0x112: {  	v13 =	vadd.s32 $0xFFFFFF81, v13;
	v12 =	vcvt.s32.f32 v12;
	v14 =	vadd.f32 v14, v17  }
0x113: {  	v13 =	vcvt.s32.f32 v13;
	v15 =	vadd.f32 v15, v19;
	v17 =	vadd.f32 $-3.240702150e+00, v18  }
0x114: {  	v24 =	vmul.f32 v53, v27;
	v12 =	vadd.f32 v12, v16;
	v14 =	vmul.f32 $9.773375510e+00, v14  }
0x115: {  	v11 =	vmul.f32 v54, v11;
	v15 =	vmul.f32 $9.773375510e+00, v15;
	v13 =	vadd.f32 v13, v17  }
0x116: {  	v12 =	vmul.f32 $9.773375510e+00, v12;
	v14 =	vmul.f32 $1.442695020e+00, v14  }
0x117: {  	v15 =	vmul.f32 $1.442695020e+00, v15;
	v13 =	vmul.f32 $9.773375510e+00, v13  }
0x118: {  	v12 =	vmul.f32 $1.442695020e+00, v12;
	(erf) = vpow2.f32 v14  }
0x119: {  	v9 =	vld.idx.msk [tilespmem:v9+s13+$0x0], vm0;
	v13 =	vmul.f32 $1.442695020e+00, v13;
	(erf) = vpow2.f32 v15  }
0x11a: {  	v14 =	vmul.f32 $1.442695020e+00, v24;
	(erf) = vpow2.f32 v12  }
0x11b: {  	v11 =	vmul.f32 $1.442695020e+00, v11;
	(erf) = vpow2.f32 v13  }
0x11c: {  	(erf) = vpow2.f32 v14  }
0x11d: {  	v10 =	vld.idx.msk [tilespmem:v10+s12+$0x0], vm0;
	(erf) = vpow2.f32 v11  }
0x11e: {  	v9 =	vadd.f32 v9, v9  }
0x11f: {  	v18 =	vpop (erf)  }
0x120: {  	v9 =	vmul.f32 v9, v2;
	v13 =	vpop (erf)  }
0x121: {  	v11 =	vpop (erf)  }
0x122: {  	v12 =	vadd.s32 $0x4, v10;
	v11 =	vmul.f32 v11, v9;
	v14 =	vpop (erf)  }
0x123: {  	v15 =	vadd.s32 $0x8, v10;
	v16 =	vpop (erf)  }
0x124: {  	v17 =	vadd.s32 $0xC, v10;
	v19 =	vmul.f32 v11, v13;
	v20 =	vpop (erf)  }
0x125: {  	v55 =	vadd.s32 $0x1, v10;
	v56 =	vmul.f32 v11, v18;
	v57 =	vpop (erf)  }
0x126: {  	v58 =	vadd.s32 $0x5, v10;
	v14 =	vmul.f32 v14, v9;
	[tilespmem:v10+s15+$0x0] =	vst.idx.add.f32.msk vm0, v19;
	v19 =	vmul.f32 v11, v57;
	v59 =	vpop (erf)  }
0x127: {  	v60 =	vadd.s32 $0x9, v10;
	[tilespmem:v12+s15+$0x0] =	vst.idx.add.f32.msk vm0, v56;
	v11 =	vmul.f32 v11, v59  }
0x128: {  	v12 =	vadd.s32 $0xD, v10;
	[tilespmem:v15+s15+$0x0] =	vst.idx.add.f32.msk vm0, v19;
	v15 =	vmul.f32 v14, v13  }
0x129: {  	v19 =	vadd.s32 $0x2, v10;
	[tilespmem:v17+s15+$0x0] =	vst.idx.add.f32.msk vm0, v11;
	v11 =	vmul.f32 v14, v18  }
0x12a: {  	v16 =	vmul.f32 v16, v9;
	v17 =	vadd.s32 $0x6, v10;
	[tilespmem:v55+s15+$0x0] =	vst.idx.add.f32.msk vm0, v15;
	v15 =	vmul.f32 v14, v57  }
0x12b: {  	v61 =	vadd.s32 $0xA, v10;
	v20 =	vmul.f32 v20, v9;
	v9 =	vmul.f32 v14, v59;
	[tilespmem:v58+s15+$0x0] =	vst.idx.add.f32.msk vm0, v11  }
0x12c: {  	v62 =	vadd.s32 $0xE, v10;
	v14 =	vmul.f32 v16, v13;
	[tilespmem:v60+s15+$0x0] =	vst.idx.add.f32.msk vm0, v15  }
0x12d: {  	p1 =	sne.s32 s22, $0x1;
	v63 =	vadd.s32 $0x3, v10;
	v25 =	vmul.f32 v16, v59;
	[tilespmem:v12+s15+$0x0] =	vst.idx.add.f32.msk vm0, v9;
	v9 =	vmul.f32 v16, v18  }
.Ltmp10:
0x12e: {  	s21 =	simm.s32 $0x10;
	v11 =	vmul.f32 v20, v59;
	v15 =	vadd.s32 $0x7, v10;
	[tilespmem:v19+s15+$0x0] =	vst.idx.add.f32.msk vm0, v14;
	v14 =	vmul.f32 v16, v57;
	(pc) =	sbr.rel @!p1 .LBB2_10-.Ltmp10, $4  }
0x12f: {  	v12 =	vadd.s32 $0xF, v10;
	v19 =	vor.u32 s21, v1;
	v16 =	vadd.s32 $0xB, v10;
	[tilespmem:v17+s15+$0x0] =	vst.idx.add.f32.msk vm0, v9  }
0x130: {  	vm1 =	vlt.s32 v19, v8;
	v9 =	vshll.u32 v19, $0x3;
	v19 =	vmul.f32 v20, v13;
	[tilespmem:v61+s15+$0x0] =	vst.idx.add.f32.msk vm0, v14  }
0x131: {  	v18 =	vmul.f32 v20, v18;
	v14 =	vor.u32 $0x1, v9;
	v17 =	vor.u32 $0x3, v9;
	[tilespmem:v62+s15+$0x0] =	vst.idx.add.f32.msk vm0, v25  }
0x132: {  	s22 =	sadd.s32 $0xFFFFFFFF, s22;
	p0 =	por $0x1, $0x1;
	v13 =	vor.u32 $0x2, v9;
	v10 =	vor.u32 $0x5, v9;
	[tilespmem:v63+s15+$0x0] =	vst.idx.add.f32.msk vm0, v19;
	v19 =	vmul.f32 v20, v57  }
.LBB2_9:
0x133: {  	p1 =	sne.s32 s22, $0x1;
	s22 =	sadd.s32 $0xFFFFFFFF, s22;
	[tilespmem:v15+s15+$0x0] =	vst.idx.add.f32.msk vm0, v18  }
0x134: {  	[tilespmem:v16+s15+$0x0] =	vst.idx.add.f32.msk vm0, v19  }
0x135: {  	[tilespmem:v12+s15+$0x0] =	vst.idx.add.f32.msk vm0, v11;
	vm0 =	vmmov vm1  }
0x136: {  	v11 =	vld.idx.msk [tilespmem:v17+s13+$0x0], vm1  }
0x137: {  	v12 =	vld.idx.msk [tilespmem:v14+s13+$0x0], vm1  }
0x138: {  	v14 =	vld.idx.msk [tilespmem:v9+s13+$0x0], vm1;
	_ =	sdelay $0x1  }
0x139: {  	v13 =	vld.idx.msk [tilespmem:v13+s13+$0x0], vm1;
	_ =	sdelay $0x1  }
0x13a: {  	v15 =	vmul.f32 v11, v4;
	v11 =	vadd.f32 v11, v4  }
0x13b: {  	v12 =	vmul.f32 v12, v7  }
0x13c: {  	v14 =	vmul.f32 v14, v5;
	(erf) = vrcp.f32 v15  }
0x13d: {  	v11 =	vmul.f32 $5.000000000e-01, v11  }
0x13e: {  	v12 =	vadd.f32 v12, v14;
	v13 =	vmul.f32 v13, v6  }
0x13f: {  	v14 =	vadd.f32 $-8.000000110e-01, v11;
	v15 =	vadd.f32 $-1.475000020e+00, v11  }
0x140: {  	v12 =	vadd.f32 v13, v12;
	v13 =	vadd.f32 $-2.150000100e+00, v11  }
0x141: {  	v18 =	vadd.f32 $-2.825000050e+00, v11;
	v16 =	vmul.f32 $-1.250000000e+01, v14;
	v17 =	vmul.f32 $-1.250000000e+01, v15  }
0x142: {  	v11 =	vmul.f32 $9.499999880e-01, v12;
	v12 =	vmul.f32 $-1.250000000e+01, v13  }
0x143: {  	v14 =	vmul.f32 v16, v14;
	v17 =	vmul.f32 v17, v15  }
0x144: {  	v16 =	vmul.f32 $-1.250000000e+01, v18;
	v12 =	vmul.f32 v12, v13  }
0x145: {  	v13 =	vmul.f32 $1.442695020e+00, v14;
	v14 =	vmul.f32 $1.442695020e+00, v17;
	v15 =	vpop (erf)  }
0x146: {  	v15 =	vmul.f32 v15, v11;
	v11 =	vmul.f32 $1.442695020e+00, v12  }
0x147: {  	v12 =	vmul.f32 v16, v18  }
0x148: {  	v15 =	vmax.f32 v15, $-9.800000190e-01  }
0x149: {  	v12 =	vmul.f32 $1.442695020e+00, v12;
	v15 =	vmin.f32 v15, $9.800000190e-01  }
0x14a: {  	v16 =	vmul.f32 v15, v15;
	_ =	sdelay $0x1  }
0x14b: {  	v16 =	vsub.f32 $1.000000000e+00, v16;
	_ =	sdelay $0x1  }
0x14c: {  	v17 =	vshra.s32 v16, $0x1;
	v18 =	vmul.f32 $5.000000000e-01, v16  }
0x14d: {  	v17 =	vsub.s32 $0x5F3759DF, v17  }
0x14e: {  	v19 =	vmul.f32 v17, v18;
	_ =	sdelay $0x1  }
0x14f: {  	v19 =	vmul.f32 v17, v19;
	_ =	sdelay $0x1  }
0x150: {  	v19 =	vsub.f32 $1.500000000e+00, v19;
	_ =	sdelay $0x1  }
0x151: {  	v17 =	vmul.f32 v17, v19;
	_ =	sdelay $0x1  }
0x152: {  	v18 =	vmul.f32 v17, v18;
	_ =	sdelay $0x1  }
0x153: {  	v18 =	vmul.f32 v18, v17;
	_ =	sdelay $0x1  }
0x154: {  	v18 =	vsub.f32 $1.500000000e+00, v18;
	_ =	sdelay $0x1  }
0x155: {  	v17 =	vmul.f32 v18, v17;
	v18 =	vmul.f32 $-3.826833960e-01, v15  }
0x156: {  	v19 =	vmul.f32 $9.238795040e-01, v15  }
0x157: {  	v16 =	vmul.f32 v17, v16  }
0x158: {  	v15 =	vmul.f32 $3.826834560e-01, v15  }
0x159: {  	v17 =	vmul.f32 $3.826834560e-01, v16;
	v20 =	vmul.f32 $9.238795040e-01, v16  }
0x15a: {  	v21 =	vmul.f32 $9.238795630e-01, v16;
	v16 =	vmul.f32 $3.826834860e-01, v16  }
0x15b: {  	v17 =	vadd.f32 v17, v19;
	v15 =	vadd.f32 v20, v15  }
0x15c: {  	v18 =	vadd.f32 v18, v21;
	v16 =	vsub.f32 v16, v19  }
0x15d: {  	v17 =	vmul.f32 $5.000000000e-01, v17;
	v15 =	vmul.f32 $5.000000000e-01, v15  }
0x15e: {  	v18 =	vmul.f32 $5.000000000e-01, v18;
	v16 =	vmul.f32 $5.000000000e-01, v16  }
0x15f: {  	v17 =	vadd.f32 $5.000000000e-01, v17;
	v15 =	vadd.f32 $5.000000000e-01, v15  }
0x160: {  	v18 =	vadd.f32 $5.000000000e-01, v18;
	v16 =	vadd.f32 $5.000000000e-01, v16  }
0x161: {  	v19 =	vshra.s32 v17, $0x17;
	v17 =	vand.u32 $0x7FFFFF, v17;
	v20 =	vand.u32 $0x7FFFFF, v15  }
0x162: {  	v21 =	vand.u32 $0x7FFFFF, v18;
	v17 =	vor.u32 $0x3F800000, v17;
	v20 =	vor.u32 $0x3F800000, v20  }
0x163: {  	v21 =	vor.u32 $0x3F800000, v21;
	v22 =	vmul.f32 $1.477872110e-02, v17;
	v23 =	vmul.f32 $1.477872110e-02, v20  }
0x164: {  	v25 =	vand.u32 $0x7FFFFF, v16;
	v19 =	vadd.s32 $0xFFFFFF81, v19;
	v24 =	vmul.f32 $1.477872110e-02, v21  }
0x165: {  	v25 =	vor.u32 $0x3F800000, v25;
	v22 =	vadd.f32 $-1.802997740e-01, v22;
	v23 =	vadd.f32 $-1.802997740e-01, v23  }
0x166: {  	v15 =	vshra.s32 v15, $0x17;
	v26 =	vmul.f32 $1.477872110e-02, v25;
	v24 =	vadd.f32 $-1.802997740e-01, v24  }
0x167: {  	v15 =	vadd.s32 $0xFFFFFF81, v15;
	v22 =	vmul.f32 v17, v22;
	v23 =	vmul.f32 v20, v23  }
0x168: {  	v18 =	vshra.s32 v18, $0x17;
	v26 =	vadd.f32 $-1.802997740e-01, v26;
	v24 =	vmul.f32 v21, v24  }
0x169: {  	v18 =	vadd.s32 $0xFFFFFF81, v18;
	v22 =	vadd.f32 $9.618663190e-01, v22;
	v23 =	vadd.f32 $9.618663190e-01, v23  }
0x16a: {  	v16 =	vshra.s32 v16, $0x17;
	v26 =	vmul.f32 v25, v26;
	v24 =	vadd.f32 $9.618663190e-01, v24  }
0x16b: {  	v16 =	vadd.s32 $0xFFFFFF81, v16;
	v22 =	vmul.f32 v17, v22;
	v23 =	vmul.f32 v20, v23  }
0x16c: {  	v26 =	vadd.f32 $9.618663190e-01, v26;
	v24 =	vmul.f32 v21, v24  }
0x16d: {  	v22 =	vadd.f32 $-2.945206170e+00, v22;
	v23 =	vadd.f32 $-2.945206170e+00, v23  }
0x16e: {  	v26 =	vmul.f32 v25, v26;
	v24 =	vadd.f32 $-2.945206170e+00, v24  }
0x16f: {  	v22 =	vmul.f32 v17, v22;
	v23 =	vmul.f32 v20, v23  }
0x170: {  	v26 =	vadd.f32 $-2.945206170e+00, v26;
	v24 =	vmul.f32 v21, v24  }
0x171: {  	v22 =	vadd.f32 $5.723401550e+00, v22;
	v23 =	vadd.f32 $5.723401550e+00, v23  }
0x172: {  	v26 =	vmul.f32 v25, v26;
	v24 =	vadd.f32 $5.723401550e+00, v24  }
0x173: {  	v22 =	vmul.f32 v17, v22;
	v23 =	vmul.f32 v20, v23  }
0x174: {  	v26 =	vadd.f32 $5.723401550e+00, v26;
	v24 =	vmul.f32 v21, v24  }
0x175: {  	v22 =	vadd.f32 $-7.443872930e+00, v22;
	v23 =	vadd.f32 $-7.443872930e+00, v23  }
0x176: {  	v26 =	vmul.f32 v25, v26;
	v24 =	vadd.f32 $-7.443872930e+00, v24  }
0x177: {  	v22 =	vmul.f32 v17, v22;
	v23 =	vmul.f32 v20, v23  }
0x178: {  	v26 =	vadd.f32 $-7.443872930e+00, v26;
	v24 =	vmul.f32 v21, v24;
	v10 =	vld.idx.msk [tilespmem:v10+s13+$0x0], vm0  }
0x179: {  	v22 =	vadd.f32 $7.110035420e+00, v22;
	v23 =	vadd.f32 $7.110035420e+00, v23  }
0x17a: {  	v26 =	vmul.f32 v25, v26;
	v24 =	vadd.f32 $7.110035420e+00, v24;
	(erf) = vpow2.f32 v14  }
0x17b: {  	v9 =	vor.u32 $0x4, v9;
	v14 =	vmul.f32 v17, v22;
	v17 =	vmul.f32 v20, v23  }
0x17c: {  	v19 =	vcvt.s32.f32 v19;
	v20 =	vmul.f32 v21, v24;
	v21 =	vadd.f32 $7.110035420e+00, v26  }
0x17d: {  	v14 =	vadd.f32 $-3.240702150e+00, v14;
	v17 =	vadd.f32 $-3.240702150e+00, v17;
	(erf) = vpow2.f32 v13  }
0x17e: {  	v13 =	vcvt.s32.f32 v15;
	v15 =	vadd.f32 $-3.240702150e+00, v20;
	v20 =	vmul.f32 v25, v21  }
0x17f: {  	v18 =	vcvt.s32.f32 v18;
	v10 =	vadd.f32 v10, v3;
	v14 =	vadd.f32 v19, v14  }
0x180: {  	v16 =	vcvt.s32.f32 v16;
	v13 =	vadd.f32 v13, v17;
	v17 =	vadd.f32 $-3.240702150e+00, v20  }
0x181: {  	v10 =	vtrunc.f32 v10;
	v15 =	vadd.f32 v18, v15;
	v14 =	vmul.f32 $9.773375510e+00, v14  }
0x182: {  	v10 =	vcvt.f32.s32 v10;
	v13 =	vmul.f32 $9.773375510e+00, v13;
	v16 =	vadd.f32 v16, v17  }
0x183: {  	v15 =	vmul.f32 $9.773375510e+00, v15;
	v14 =	vmul.f32 $1.442695020e+00, v14;
	v18 =	vpop (erf)  }
0x184: {  	v13 =	vmul.f32 $1.442695020e+00, v13;
	v16 =	vmul.f32 $9.773375510e+00, v16  }
0x185: {  	v15 =	vmul.f32 $1.442695020e+00, v15;
	v9 =	vld.idx.msk [tilespmem:v9+s13+$0x0], vm0;
	(erf) = vpow2.f32 v14  }
0x186: {  	v14 =	vmul.f32 $1.442695020e+00, v16;
	v19 =	vpop (erf);
	(erf) = vpow2.f32 v13  }
0x187: {  	(erf) = vpow2.f32 v15  }
0x188: {  	v10 =	vld.idx.msk [tilespmem:v10+s12+$0x0], vm0;
	(erf) = vpow2.f32 v14  }
0x189: {  	(erf) = vpow2.f32 v11  }
0x18a: {  	(erf) = vpow2.f32 v12  }
0x18b: {  	v9 =	vadd.f32 v9, v9;
	_ =	sdelay $0x1  }
0x18c: {  	v9 =	vmul.f32 v9, v2  }
0x18d: {  	v11 =	vadd.s32 $0x4, v10;
	v12 =	vadd.s32 $0x8, v10;
	v13 =	vpop (erf)  }
0x18e: {  	v14 =	vadd.s32 $0xC, v10;
	v13 =	vmul.f32 v13, v9;
	v15 =	vpop (erf)  }
0x18f: {  	v16 =	vadd.s32 $0x1, v10;
	v15 =	vmul.f32 v15, v9;
	v17 =	vpop (erf)  }
0x190: {  	v21 =	vadd.s32 $0x5, v10;
	v20 =	vmul.f32 v13, v19;
	v17 =	vmul.f32 v17, v9;
	v22 =	vpop (erf)  }
0x191: {  	v24 =	vadd.s32 $0x9, v10;
	v23 =	vmul.f32 v13, v18;
	v22 =	vmul.f32 v22, v9;
	v25 =	vpop (erf)  }
0x192: {  	[tilespmem:v10+s15+$0x0] =	vst.idx.add.f32.msk vm0, v20;
	v9 =	vmul.f32 v13, v25;
	v20 =	vadd.s32 $0xD, v10;
	v26 =	vpop (erf)  }
0x193: {  	[tilespmem:v11+s15+$0x0] =	vst.idx.add.f32.msk vm0, v23;
	v13 =	vmul.f32 v13, v26;
	v23 =	vadd.s32 $0x2, v10;
	v11 =	vmul.f32 v22, v26  }
0x194: {  	v27 =	vadd.s32 $0x6, v10;
	[tilespmem:v12+s15+$0x0] =	vst.idx.add.f32.msk vm0, v9;
	v9 =	vmul.f32 v15, v19  }
0x195: {  	v28 =	vadd.s32 $0xA, v10;
	v12 =	vmul.f32 v15, v18;
	[tilespmem:v14+s15+$0x0] =	vst.idx.add.f32.msk vm0, v13  }
0x196: {  	v29 =	vadd.s32 $0xE, v10;
	[tilespmem:v16+s15+$0x0] =	vst.idx.add.f32.msk vm0, v9;
	v9 =	vmul.f32 v15, v25  }
0x197: {  	v13 =	vmul.f32 v15, v26;
	[tilespmem:v21+s15+$0x0] =	vst.idx.add.f32.msk vm0, v12;
	v21 =	vadd.s32 $0x3, v10;
	v12 =	vadd.s32 $0xF, v10  }
0x198: {  	s21 =	sadd.s32 $0x10, s21;
	v14 =	vmul.f32 v17, v19;
	v15 =	vadd.s32 $0x7, v10;
	[tilespmem:v24+s15+$0x0] =	vst.idx.add.f32.msk vm0, v9;
	v24 =	vmul.f32 v17, v26  }
0x199: {  	v16 =	vadd.s32 $0xB, v10;
	v9 =	vor.u32 s21, v1;
	[tilespmem:v20+s15+$0x0] =	vst.idx.add.f32.msk vm0, v13;
	v20 =	vmul.f32 v17, v18  }
.Ltmp11:
0x19a: {  	vm1 =	vlt.s32 v9, v8;
	v9 =	vshll.u32 v9, $0x3;
	[tilespmem:v23+s15+$0x0] =	vst.idx.add.f32.msk vm0, v14;
	v23 =	vmul.f32 v17, v25;
	(pc) =	sbr.rel @p1 .LBB2_9-.Ltmp11, $4  }
0x19b: {  	v14 =	vor.u32 $0x1, v9;
	v13 =	vor.u32 $0x2, v9;
	v17 =	vor.u32 $0x3, v9;
	[tilespmem:v27+s15+$0x0] =	vst.idx.add.f32.msk vm0, v20  }
0x19c: {  	v19 =	vmul.f32 v22, v19;
	v10 =	vor.u32 $0x5, v9;
	[tilespmem:v28+s15+$0x0] =	vst.idx.add.f32.msk vm0, v23  }
0x19d: {  	v18 =	vmul.f32 v22, v18;
	[tilespmem:v29+s15+$0x0] =	vst.idx.add.f32.msk vm0, v24  }
0x19e: {  	[tilespmem:v21+s15+$0x0] =	vst.idx.add.f32.msk vm0, v19;
	v19 =	vmul.f32 v22, v25  }
.Ltmp12:
0x19f: {  	_ = 	snop;
	(pc) =	sbr.rel .LBB2_10-.Ltmp12, $1  }
0x1a0: {  	_ =	sdelay $0x3  }
.LBB2_15:
0x1a1: {  	_ =	sfence.sel $0x180000  }
0x1a2: {  	[bflag:$0x0] =	sbarrier.arrive $0xFFFF  }
0x1a3: {  	p0 =	sne.s32 s0, $0x0;
	_ =	strace $0x90000053  }
0x1a4: {  	s0 =	sadd.s32 @!p0 $0x100000, s2;
	[bflag:$0x2] =	sbarrier.arrive $0xFFFF  }
0x1a5: {  	[sflag:s0] =	ssyncadd.tile.s32 @!p0 $0x1;
	_ =	shalt  }
.Lfunc_end2:
_tile_overlayer_lowered:
.L_overlay_start_2:
0x1a6: {  	(tag) =	ssettag $0x2  }
0x1a7: {  	s0 =	rddreg [dreg:$0x0];
	s2 =	stileid.u32  }
0x1a8: {  	s1 =	rddreg [dreg:$0x1];
	p0 =	sne.s32 s2, $0x0  }
0x1a9: {  	s3 =	rddreg [dreg:$0x2];
	[bflag:$0x3] =	sbarrier.arrive $0xFFFF;
	s2 =	simm.s32 @!p0 $0x1C01  }
0x1aa: {  	[timem:s3], [sflag:s2] =	dma.local @!p0 [hbm:s0], s1  }
0x1ab: {  	s0 =	simm.s32 @!p0 $0x1  }
0x1ac: {  	_ =	swait.ge @!p0 [sflag:s0], s1  }
0x1ad: {  	s1 =	ssub.s32 @!p0 $0x0, s1;
	[sflag:s0] =	ssyncset.done @!p0 $0x0  }
0x1ae: {  	[sflag:s0] =	ssyncadd.s32 @!p0 s1  }
0x1af: {  	[bflag:$0x3] =	sbarrier.arrive $0xFFFF  }
0x1b0: {  	_ =	shalt  }

// kernel: scatter_offload_async_start.1
scs
__scs_entry_jumppad:
0x0: {  	(pc) =	sbr.rel $0x88, $3  }
0x1: {  	(tag) =	ssettag $0x0;
	lr =	simm.s32 $0x1  }
0x2: {  	[smem:$0x3F9D] =	sst lr;
	_ =	strace $0xD0000000  }
0x3: {  	_ = 	snop  }
0x4: {  	_ = 	snop  }
0x5: {  	_ = 	snop  }
0x6: {  	_ = 	snop  }
0x7: {  	_ = 	snop  }
__scs_overlays_trampoline_lowered:
0x8: {  	[smem:$0x3FAC] =	sst s0  }
0x9: {  	[smem:$0x3FAD] =	sst s1  }
0xa: {  	[smem:$0x3FAE] =	sst s2  }
0xb: {  	[smem:$0x3FAF] =	sst s3  }
0xc: {  	[smem:$0x3FB0] =	sst s4  }
0xd: {  	[smem:$0x3FB1] =	sst s5  }
0xe: {  	[smem:$0x3FB2] =	sst s6  }
0xf: {  	[smem:$0x3FB3] =	sst s7  }
0x10: {  	[smem:$0x3FB4] =	sst s8  }
0x11: {  	[smem:$0x3FB5] =	sst s9;
	s0 =	simm.s32 @!p0 $0x0  }
0x12: {  	s1 =	sld [smem:$0x3F9B];
	s0 =	simm.s32 @p0 $0x1  }
0x13: {  	[smem:$0x3FB6] =	sst s0;
	s0 =	simm.s32 @!p1 $0x0  }
0x14: {  	s2 =	sld [smem:$0x3F9A];
	s0 =	simm.s32 @p1 $0x1  }
0x15: {  	[smem:$0x3FB7] =	sst s0;
	s0 =	simm.s32 @!p2 $0x0  }
0x16: {  	s3 =	sld [smem:$0x3FDB];
	s0 =	simm.s32 @p2 $0x1  }
0x17: {  	s4 =	simm.s32 $0x1BF5;
	[smem:$0x3FB9] =	sst s0  }
0x18: {  	s0 =	sld [smem:$0x3F9C];
	_ =	swait.ge [sflag:s4], $0x0  }
0x19: {  	s7 =	sld [smem:$0x3F9D]  }
0x1a: {  	s8 =	sadd.s32 $0xFFFFE003, lr  }
0x1b: {  	s9 =	sadd.s32 $0xFFFFFEF7, lr;
	s5 =	simm.s32 $0xFFFFFFFF;
	p2 =	slt.u32 s8, $0xFFFFF086  }
0x1c: {  	p1 =	slt.u32 s9, $0xF7A;
	s5 =	simm.s32 @!p2 $0x0  }
0x1d: {  	s5 =	simm.s32 @p1 $0x1;
	p0 =	seq.s32 s7, s2  }
0x1e: {  	s7 =	smul.u32 @!p0 $0xF7A, s2;
	p2 =	seq.s32 @!p0 s5, $0x0  }
0x1f: {  	s9 =	smul.u32 $0xF7A, s1;
	s8 =	simm.s32 @!p0 $0x1BF5;
	p2 =	por !p2, p0  }
0x20: {  	[sflag:s8] =	ssyncset.s32 @!p0 $0xFFFFF086;
	s6 =	sadd.s32 @!p0 s3, s7;
	s7 =	simm.s32 @!p0 $0x108  }
0x21: {  	s3 =	sadd.s32 s3, s9;
	s6 =	sadd.s32 @!p0 $0x88, s6;
	s7 =	simm.s32 @p2 $0x1082  }
0x22: {  	[simem:s7], [sflag:s8] =	dma.local @!p0 [hbm:s6], $0xF7A  }
0x23: {  	s9 =	sor.u32 $0xD0000000, s2;
	s6 =	simm.s32 $0x108;
	_ =	swait.ge @!p0 [sflag:s8], $0x0  }
0x24: {  	s3 =	sadd.s32 $0x88, s3;
	s6 =	simm.s32 @!p1 $0x1082;
	[sflag:s4] =	ssyncset.s32 $0xFFFFF086  }
0x25: {  	[simem:s6], [sflag:s4] =	dma.local [hbm:s3], $0xF7A  }
0x26: {  	[smem:$0x3F9D] =	sst s1;
	(tag) =	ssettag s2;
	_ =	strace s9  }
0x27: {  	s1 =	sld [smem:$0x3FAD]  }
0x28: {  	s2 =	sld [smem:$0x3FAE]  }
0x29: {  	s4 =	sld [smem:$0x3FB0]  }
0x2a: {  	p0 =	seq.s32 s5, $0x0;
	s5 =	sld [smem:$0x3FB1]  }
0x2b: {  	s6 =	sld [smem:$0x3FB2]  }
0x2c: {  	s7 =	sld [smem:$0x3FB3]  }
0x2d: {  	s3 =	simm.s32 $0x108;
	s8 =	sld [smem:$0x3FB4]  }
0x2e: {  	s3 =	simm.s32 @!p0 $0x1082;
	s9 =	sld [smem:$0x3FB5]  }
0x2f: {  	lr =	sadd.s32 s0, s3;
	s0 =	sld [smem:$0x3FAC]  }
0x30: {  	s3 =	sld [smem:$0x3FAF]  }
0x31: {  	[smem:$0x3FB8] =	sst s10  }
0x32: {  	s10 =	sld [smem:$0x3FB6];
	_ =	sdelay $0x3  }
0x33: {  	p0 =	seq.s32 s10, $0x1;
	s10 =	sld [smem:$0x3FB8];
	_ =	sdelay $0x3  }
0x34: {  	[smem:$0x3FB8] =	sst s10  }
0x35: {  	s10 =	sld [smem:$0x3FB7];
	_ =	sdelay $0x3  }
0x36: {  	p1 =	seq.s32 s10, $0x1;
	s10 =	sld [smem:$0x3FB8];
	_ =	sdelay $0x3  }
0x37: {  	[smem:$0x3FB8] =	sst s10  }
0x38: {  	s10 =	sld [smem:$0x3FB9]  }
0x39: {  	_ = 	snop;
	(pc) =	sbr.ind lr, $3  }
0x3a: {  	_ = 	snop  }
0x3b: {  	_ = 	snop  }
0x3c: {  	p2 =	seq.s32 s10, $0x1;
	s10 =	sld [smem:$0x3FB8]  }
0x3d: {  	_ =	shalt  }
0x3e: {  	_ =	shalt  }
0x3f: {  	_ =	shalt  }
0x40: {  	_ =	shalt  }
0x41: {  	_ =	shalt  }
0x42: {  	_ =	shalt  }
0x43: {  	_ =	shalt  }
0x44: {  	_ =	shalt  }
0x45: {  	_ =	shalt  }
0x46: {  	_ =	shalt  }
0x47: {  	_ =	shalt  }
0x48: {  	_ =	shalt  }
0x49: {  	_ =	shalt  }
0x4a: {  	_ =	shalt  }
0x4b: {  	_ =	shalt  }
0x4c: {  	_ =	shalt  }
0x4d: {  	_ =	shalt  }
0x4e: {  	_ =	shalt  }
0x4f: {  	_ =	shalt  }
0x50: {  	_ =	shalt  }
0x51: {  	_ =	shalt  }
0x52: {  	_ =	shalt  }
0x53: {  	_ =	shalt  }
0x54: {  	_ =	shalt  }
0x55: {  	_ =	shalt  }
0x56: {  	_ =	shalt  }
0x57: {  	_ =	shalt  }
0x58: {  	_ =	shalt  }
0x59: {  	_ =	shalt  }
0x5a: {  	_ =	shalt  }
0x5b: {  	_ =	shalt  }
0x5c: {  	_ =	shalt  }
0x5d: {  	_ =	shalt  }
0x5e: {  	_ =	shalt  }
0x5f: {  	_ =	shalt  }
0x60: {  	_ =	shalt  }
0x61: {  	_ =	shalt  }
0x62: {  	_ =	shalt  }
0x63: {  	_ =	shalt  }
0x64: {  	_ =	shalt  }
0x65: {  	_ =	shalt  }
0x66: {  	_ =	shalt  }
0x67: {  	_ =	shalt  }
0x68: {  	_ =	shalt  }
0x69: {  	_ =	shalt  }
0x6a: {  	_ =	shalt  }
0x6b: {  	_ =	shalt  }
0x6c: {  	_ =	shalt  }
0x6d: {  	_ =	shalt  }
0x6e: {  	_ =	shalt  }
0x6f: {  	_ =	shalt  }
0x70: {  	_ =	shalt  }
0x71: {  	_ =	shalt  }
0x72: {  	_ =	shalt  }
0x73: {  	_ =	shalt  }
0x74: {  	_ =	shalt  }
0x75: {  	_ =	shalt  }
0x76: {  	_ =	shalt  }
0x77: {  	_ =	shalt  }
0x78: {  	_ =	shalt  }
0x79: {  	_ =	shalt  }
0x7a: {  	_ =	shalt  }
0x7b: {  	_ =	shalt  }
0x7c: {  	_ =	shalt  }
0x7d: {  	_ =	shalt  }
0x7e: {  	_ =	shalt  }
0x7f: {  	_ =	shalt  }
0x80: {  	_ =	shalt  }
0x81: {  	_ =	shalt  }
0x82: {  	_ =	shalt  }
0x83: {  	_ =	shalt  }
0x84: {  	_ =	shalt  }
0x85: {  	_ =	shalt  }
0x86: {  	_ =	shalt  }
0x87: {  	_ =	shalt  }
.Lfunc_end0:
.L_simem_size_0:
called_computation.1_lowered:
.L_overlay_start_0:
0x88: {  	s2 =	sld [smem:$0x3FD9]  }
0x89: {  	s3 =	sld [smem:$0x3FFE];
	_ =	sdelay $0x1  }
0x8a: {  	s1 =	srdreg.scid  }
0x8b: {  	s0 =	sand.u32 $0x1, s1  }
0x8c: {  	s17 =	sshll.u32 s0, $0xA;
	s2 =	sadd.s32 s3, s2  }
0x8d: {  	s2 =	sadd.s32 s2, s17  }
0x8e: {  	[smem:$0x3FC4] =	sst s2  }
0x8f: {  	_ = 	snop  }
0x90: {  	(tm) =	ssettm $0x1  }
0x91: {  	s18 =	sld [smem:$0x3FFB];
	_ =	sdelay $0x3  }
0x92: {  	_ =	strace s18  }
0x93: {  	s2 =	sld [smem:$0x3FFC];
	_ =	sdelay $0x3  }
0x94: {  	_ =	strace s2  }
0x95: {  	s2 =	sld [smem:$0x3FFD];
	_ =	sdelay $0x3  }
0x96: {  	_ =	strace s2  }
0x97: {  	_ =	strace $0x8FFFFFFF  }
0x98: {  	s19 =	sld [smem:$0x3FDB];
	_ =	sdelay $0x1  }
0x99: {  	s20 =	simm.s32 $_scs_section_size  }
0x9a: {  	s4 =	simm.s32 $_size__tile_overlayer_lowered;
	s5 =	simm.s32 $_tile_overlayer_lowered  }
0x9b: {  	s6 =	simm.s32 $0x1BFF;
	s21 =	sshll.u32 s5, $0x1;
	s3 =	sadd.s32 s20, s19  }
0x9c: {  	s22 =	simm.s32 $0x0;
	s4 =	sshll.u32 s4, $0x1;
	s5 =	sadd.s32 s21, s3  }
0x9d: {  	[timem:s22], [sflag:s6] =	dma.local [hbm:s5], s4  }
0x9e: {  	_ =	swait.ge [sflag:s6], s4  }
0x9f: {  	s4 =	ssub.s32 $0x0, s4;
	[sflag:s6] =	ssyncset.done $0x0  }
0xa0: {  	[sflag:s6] =	ssyncadd.s32 s4;
	_ =	sdelay $0x1  }
0xa1: {  	s23 =	simm.s32 $0x1B8B  }
0xa2: {  	_ =	swait.ge [sflag:s23], $0x1  }
0xa3: {  	[sflag:s23] =	ssyncset.done $0x0  }
0xa4: {  	[sflag:s23] =	ssyncadd.s32 $0xFFFFFFFF  }
0xa5: {  	s4 =	sld [smem:$0x0]  }
0xa6: {  	s5 =	sand.u32 $0xFFFFFFFE, s1  }
0xa7: {  	p0 =	sne.s32 s1, s5  }
0xa8: {  	s5 =	sshll.u32 @p0 s5, $0xE  }
0xa9: {  	s5 =	sadd.s32 @p0 $0x11B8D, s5;
	s6 =	sshll.u32 @p0 s4, $0x11  }
0xaa: {  	s5 =	sor.u32 @p0 s6, s5  }
0xab: {  	[sflag:s5] =	ssyncadd.remote.s32 @p0 $0x1;
	_ =	sdelay $0x1  }
0xac: {  	s5 =	simm.s32 @p0 $0x1B8D  }
0xad: {  	_ =	swait.eq @p0 [sflag:s5], $0x1  }
0xae: {  	[sflag:s5] =	ssyncadd.s32 @p0 $0xFFFFFFFF  }
0xaf: {  	s6 =	sshll.u32 @!p0 s1, $0xE  }
0xb0: {  	s6 =	sor.u32 @!p0 $0x4000, s6;
	s5 =	simm.s32 @!p0 $0x1B8D  }
0xb1: {  	s7 =	sshll.u32 @!p0 s4, $0x11;
	s6 =	sadd.s32 @!p0 $0x11B8D, s6;
	_ =	swait.eq @!p0 [sflag:s5], $0x1  }
0xb2: {  	[sflag:s5] =	ssyncadd.s32 @!p0 $0xFFFFFFFF;
	s5 =	sor.u32 @!p0 s7, s6  }
0xb3: {  	s25 =	simm.s32 $0x1B8E;
	s24 =	sld [smem:$0x3FFE];
	[sflag:s5] =	ssyncadd.remote.s32 @!p0 $0x1  }
0xb4: {  	s26 =	simm.s32 $execute0_lowered;
	[smem:$0x3FD2] =	sst s25  }
0xb5: {  	s6 =	sshll.u32 s26, $0x1;
	_ =	strace $0x8000004F;
	[dreg:$0x1] =	wrdreg $0xFFFFFFFF  }
0xb6: {  	s28 =	simm.s32 $_size_execute0_lowered;
	s3 =	sadd.s32 s3, s6;
	[dreg:$0x0] =	wrdreg $0x0  }
0xb7: {  	s6 =	sshll.u32 s28, $0x1;
	[dreg:$0x2] =	wrdreg s3  }
0xb8: {  	[dreg:$0x3] =	wrdreg s6  }
0xb9: {  	[dreg:$0x4] =	wrdreg $0xC0  }
0xba: {  	_ =	task [dreg:s22], $0x5FFFF  }
0xbb: {  	[dreg:$0x1] =	wrdreg $0xFFFFFFFF  }
0xbc: {  	[dreg:$0x0] =	wrdreg $0x60  }
0xbd: {  	[dreg:$0x2] =	wrdreg s24  }
0xbe: {  	[dreg:$0x3] =	wrdreg s1  }
0xbf: {  	[dreg:$0x4] =	wrdreg s4  }
0xc0: {  	[dreg:$0x5] =	wrdreg $0x9  }
0xc1: {  	_ =	task.clear_ibuf [dreg:s22], $0x6FFFF;
	_ =	strace $0x9000004F  }
0xc2: {  	s29 =	simm.s32 $0x9;
	_ =	strace $0x80000051  }
0xc3: {  	_ =	swait.ge [sflag:s29], $0x1  }
0xc4: {  	[sflag:s29] =	ssyncadd.s32 $0xFFFFFFFF  }
0xc5: {  	_ =	strace $0x90000051  }
0xc6: {  	_ =	sfence  }
0xc7: {  	s30 =	sld [smem:$0x0];
	_ =	sdelay $0x2  }
0xc8: {  	s31 =	sshll.u32 s1, $0xD;
	s1 =	sshrl.u32 s1, $0x2  }
0xc9: {  	s4 =	sand.u32 $0x4000, s31;
	s1 =	sadd.s32 s1, s30  }
0xca: {  	s0 =	sor.u32 s4, s0;
	s1 =	sshll.u32 s1, $0x11  }
0xcb: {  	s0 =	sor.u32 s1, s0  }
0xcc: {  	s0 =	sadd.s32 $0x8F2B, s0  }
0xcd: {  	[sflag:s0] =	ssyncadd.remote.s32 $0x1  }
0xce: {  	_ =	sfence.sel $0xFFFF  }
0xcf: {  	[dreg:$0x0] =	wrdreg $0xFFFFFFFF;
	(pc) =	sbr.abs _section_cstart, $3  }
0xd0: {  	[dreg:$0x1] =	wrdreg $0xFFFFFFFF  }
0xd1: {  	_ =	task.clear_ibuf [dreg:s22], $0x2FFFF;
	_ =	strace $0x9FFFFFFF  }
0xd2: {  	(tm) =	ssettm $0x7FFFFFFF  }
0xd3: {  	_ =	shalt  }
tec
execute0_lowered:
.L_overlay_start_1:
0x0: {  	(tag) =	ssettag $0x1  }
0x1: {  	s11 =	rddreg [dreg:$0x0]  }
0x2: {  	s2 =	rddreg [dreg:$0x1];
	_ =	strace $0x80000050;
	s12 =	simm.s32 $0x1  }
0x3: {  	v0 =	vimm.s32 $0x0;
	[sflag:s12] =	ssyncpa.u1 $0x0  }
0x4: {  	[tilespmem:$0x28] =	vst v0  }
0x5: {  	[tilespmem:$0x38] =	vst v0  }
0x6: {  	[tilespmem:$0x48] =	vst v0  }
0x7: {  	[tilespmem:$0x58] =	vst v0  }
0x8: {  	[tilespmem:$0x68] =	vst v0  }
0x9: {  	[tilespmem:$0x78] =	vst v0  }
0xa: {  	[tilespmem:$0x88] =	vst v0  }
0xb: {  	[tilespmem:$0x98] =	vst v0  }
0xc: {  	[tilespmem:$0xA8] =	vst v0  }
0xd: {  	[tilespmem:$0xB8] =	vst v0  }
0xe: {  	[tilespmem:$0xC8] =	vst v0  }
0xf: {  	[tilespmem:$0xD8] =	vst v0  }
0x10: {  	[tilespmem:$0xE8] =	vst v0  }
0x11: {  	[tilespmem:$0xF8] =	vst v0  }
0x12: {  	[tilespmem:$0x108] =	vst v0  }
0x13: {  	[tilespmem:$0x118] =	vst v0  }
0x14: {  	[tilespmem:$0x128] =	vst v0  }
0x15: {  	[tilespmem:$0x138] =	vst v0  }
0x16: {  	[tilespmem:$0x148] =	vst v0  }
0x17: {  	[tilespmem:$0x158] =	vst v0  }
0x18: {  	[tilespmem:$0x168] =	vst v0  }
0x19: {  	[tilespmem:$0x178] =	vst v0  }
0x1a: {  	[tilespmem:$0x188] =	vst v0  }
0x1b: {  	[tilespmem:$0x198] =	vst v0  }
0x1c: {  	[tilespmem:$0x1A8] =	vst v0  }
0x1d: {  	[tilespmem:$0x1B8] =	vst v0  }
0x1e: {  	[tilespmem:$0x1C8] =	vst v0  }
0x1f: {  	[tilespmem:$0x1D8] =	vst v0  }
0x20: {  	[tilespmem:$0x1E8] =	vst v0  }
0x21: {  	[tilespmem:$0x1F8] =	vst v0  }
0x22: {  	[tilespmem:$0x208] =	vst v0  }
0x23: {  	[tilespmem:$0x218] =	vst v0  }
0x24: {  	[tilespmem:$0x228] =	vst v0  }
0x25: {  	[tilespmem:$0x238] =	vst v0  }
0x26: {  	[tilespmem:$0x248] =	vst v0  }
0x27: {  	[tilespmem:$0x258] =	vst v0  }
0x28: {  	[tilespmem:$0x268] =	vst v0  }
0x29: {  	[tilespmem:$0x278] =	vst v0  }
0x2a: {  	[tilespmem:$0x288] =	vst v0  }
0x2b: {  	[tilespmem:$0x298] =	vst v0  }
0x2c: {  	[tilespmem:$0x2A8] =	vst v0  }
0x2d: {  	[tilespmem:$0x2B8] =	vst v0  }
0x2e: {  	[tilespmem:$0x2C8] =	vst v0  }
0x2f: {  	[tilespmem:$0x2D8] =	vst v0  }
0x30: {  	[tilespmem:$0x2E8] =	vst v0  }
0x31: {  	[tilespmem:$0x2F8] =	vst v0  }
0x32: {  	[tilespmem:$0x308] =	vst v0  }
0x33: {  	[tilespmem:$0x318] =	vst v0  }
0x34: {  	[tilespmem:$0x328] =	vst v0  }
0x35: {  	[tilespmem:$0x338] =	vst v0  }
0x36: {  	[tilespmem:$0x348] =	vst v0  }
0x37: {  	[tilespmem:$0x358] =	vst v0  }
0x38: {  	[tilespmem:$0x368] =	vst v0  }
0x39: {  	[tilespmem:$0x378] =	vst v0  }
0x3a: {  	[tilespmem:$0x388] =	vst v0  }
0x3b: {  	[tilespmem:$0x398] =	vst v0  }
0x3c: {  	[tilespmem:$0x3A8] =	vst v0  }
0x3d: {  	[tilespmem:$0x3B8] =	vst v0  }
0x3e: {  	[tilespmem:$0x3C8] =	vst v0  }
0x3f: {  	[tilespmem:$0x3D8] =	vst v0  }
0x40: {  	[tilespmem:$0x3E8] =	vst v0  }
0x41: {  	[tilespmem:$0x3F8] =	vst v0  }
0x42: {  	[tilespmem:$0x408] =	vst v0  }
0x43: {  	[tilespmem:$0x418] =	vst v0  }
0x44: {  	[tilespmem:$0x428] =	vst v0  }
0x45: {  	[tilespmem:$0x438] =	vst v0  }
0x46: {  	[tilespmem:$0x448] =	vst v0  }
0x47: {  	[tilespmem:$0x458] =	vst v0  }
0x48: {  	[tilespmem:$0x468] =	vst v0  }
0x49: {  	[tilespmem:$0x478] =	vst v0  }
0x4a: {  	[tilespmem:$0x488] =	vst v0  }
0x4b: {  	[tilespmem:$0x498] =	vst v0  }
0x4c: {  	[tilespmem:$0x4A8] =	vst v0  }
0x4d: {  	[tilespmem:$0x4B8] =	vst v0  }
0x4e: {  	[tilespmem:$0x4C8] =	vst v0  }
0x4f: {  	[tilespmem:$0x4D8] =	vst v0  }
0x50: {  	[tilespmem:$0x4E8] =	vst v0  }
0x51: {  	[tilespmem:$0x4F8] =	vst v0  }
0x52: {  	[tilespmem:$0x508] =	vst v0  }
0x53: {  	[tilespmem:$0x518] =	vst v0  }
0x54: {  	[tilespmem:$0x528] =	vst v0  }
0x55: {  	[tilespmem:$0x538] =	vst v0  }
0x56: {  	[tilespmem:$0x548] =	vst v0  }
0x57: {  	[tilespmem:$0x558] =	vst v0  }
0x58: {  	[tilespmem:$0x568] =	vst v0  }
0x59: {  	[tilespmem:$0x578] =	vst v0  }
0x5a: {  	[tilespmem:$0x588] =	vst v0  }
0x5b: {  	[tilespmem:$0x598] =	vst v0  }
0x5c: {  	[tilespmem:$0x5A8] =	vst v0  }
0x5d: {  	[tilespmem:$0x5B8] =	vst v0  }
0x5e: {  	[tilespmem:$0x5C8] =	vst v0  }
0x5f: {  	[tilespmem:$0x5D8] =	vst v0  }
0x60: {  	[tilespmem:$0x5E8] =	vst v0  }
0x61: {  	[tilespmem:$0x5F8] =	vst v0  }
0x62: {  	[tilespmem:$0x608] =	vst v0  }
0x63: {  	[tilespmem:$0x618] =	vst v0  }
0x64: {  	[tilespmem:$0x628] =	vst v0  }
0x65: {  	[tilespmem:$0x638] =	vst v0  }
0x66: {  	[tilespmem:$0x648] =	vst v0  }
0x67: {  	[tilespmem:$0x658] =	vst v0  }
0x68: {  	[tilespmem:$0x668] =	vst v0  }
0x69: {  	[tilespmem:$0x678] =	vst v0  }
0x6a: {  	[tilespmem:$0x688] =	vst v0  }
0x6b: {  	[tilespmem:$0x698] =	vst v0  }
0x6c: {  	[tilespmem:$0x6A8] =	vst v0  }
0x6d: {  	[tilespmem:$0x6B8] =	vst v0  }
0x6e: {  	[tilespmem:$0x6C8] =	vst v0  }
0x6f: {  	[tilespmem:$0x6D8] =	vst v0  }
0x70: {  	[tilespmem:$0x6E8] =	vst v0  }
0x71: {  	[tilespmem:$0x6F8] =	vst v0  }
0x72: {  	[tilespmem:$0x708] =	vst v0  }
0x73: {  	[tilespmem:$0x718] =	vst v0  }
0x74: {  	[tilespmem:$0x728] =	vst v0  }
0x75: {  	[tilespmem:$0x738] =	vst v0  }
0x76: {  	[tilespmem:$0x748] =	vst v0  }
0x77: {  	[tilespmem:$0x758] =	vst v0  }
0x78: {  	[tilespmem:$0x768] =	vst v0  }
0x79: {  	[tilespmem:$0x778] =	vst v0  }
0x7a: {  	[tilespmem:$0x788] =	vst v0  }
0x7b: {  	[tilespmem:$0x798] =	vst v0  }
0x7c: {  	[tilespmem:$0x7A8] =	vst v0  }
0x7d: {  	[tilespmem:$0x7B8] =	vst v0  }
0x7e: {  	[tilespmem:$0x7C8] =	vst v0  }
0x7f: {  	[tilespmem:$0x7D8] =	vst v0  }
0x80: {  	[tilespmem:$0x7E8] =	vst v0  }
0x81: {  	[tilespmem:$0x7F8] =	vst v0  }
0x82: {  	[tilespmem:$0x808] =	vst v0  }
0x83: {  	[tilespmem:$0x818] =	vst v0  }
0x84: {  	[tilespmem:$0x828] =	vst v0  }
0x85: {  	[tilespmem:$0x838] =	vst v0  }
0x86: {  	[tilespmem:$0x848] =	vst v0  }
0x87: {  	[tilespmem:$0x858] =	vst v0  }
0x88: {  	[tilespmem:$0x868] =	vst v0  }
0x89: {  	[tilespmem:$0x878] =	vst v0  }
0x8a: {  	[tilespmem:$0x888] =	vst v0  }
0x8b: {  	[tilespmem:$0x898] =	vst v0  }
0x8c: {  	[tilespmem:$0x8A8] =	vst v0  }
0x8d: {  	[tilespmem:$0x8B8] =	vst v0  }
0x8e: {  	[tilespmem:$0x8C8] =	vst v0  }
0x8f: {  	[tilespmem:$0x8D8] =	vst v0  }
0x90: {  	[tilespmem:$0x8E8] =	vst v0  }
0x91: {  	[tilespmem:$0x8F8] =	vst v0  }
0x92: {  	[tilespmem:$0x908] =	vst v0  }
0x93: {  	[tilespmem:$0x918] =	vst v0  }
0x94: {  	[tilespmem:$0x928] =	vst v0  }
0x95: {  	[tilespmem:$0x938] =	vst v0  }
0x96: {  	[tilespmem:$0x948] =	vst v0  }
0x97: {  	[tilespmem:$0x958] =	vst v0  }
0x98: {  	[tilespmem:$0x968] =	vst v0  }
0x99: {  	[tilespmem:$0x978] =	vst v0  }
0x9a: {  	[tilespmem:$0x988] =	vst v0  }
0x9b: {  	[tilespmem:$0x998] =	vst v0  }
0x9c: {  	[tilespmem:$0x9A8] =	vst v0  }
0x9d: {  	[tilespmem:$0x9B8] =	vst v0  }
0x9e: {  	[tilespmem:$0x9C8] =	vst v0  }
0x9f: {  	[tilespmem:$0x9D8] =	vst v0  }
0xa0: {  	[tilespmem:$0x9E8] =	vst v0  }
0xa1: {  	[tilespmem:$0x9F8] =	vst v0  }
0xa2: {  	[tilespmem:$0xA08] =	vst v0  }
0xa3: {  	[tilespmem:$0xA18] =	vst v0  }
0xa4: {  	[tilespmem:$0xA28] =	vst v0  }
0xa5: {  	[tilespmem:$0xA38] =	vst v0  }
0xa6: {  	[tilespmem:$0xA48] =	vst v0  }
0xa7: {  	[tilespmem:$0xA58] =	vst v0  }
0xa8: {  	[tilespmem:$0xA68] =	vst v0  }
0xa9: {  	[tilespmem:$0xA78] =	vst v0  }
0xaa: {  	[tilespmem:$0xA88] =	vst v0  }
0xab: {  	[tilespmem:$0xA98] =	vst v0  }
0xac: {  	[tilespmem:$0xAA8] =	vst v0  }
0xad: {  	[tilespmem:$0xAB8] =	vst v0  }
0xae: {  	[tilespmem:$0xAC8] =	vst v0  }
0xaf: {  	[tilespmem:$0xAD8] =	vst v0  }
0xb0: {  	[tilespmem:$0xAE8] =	vst v0  }
0xb1: {  	[tilespmem:$0xAF8] =	vst v0  }
0xb2: {  	[tilespmem:$0xB08] =	vst v0  }
0xb3: {  	[tilespmem:$0xB18] =	vst v0  }
0xb4: {  	[tilespmem:$0xB28] =	vst v0  }
0xb5: {  	[tilespmem:$0xB38] =	vst v0  }
0xb6: {  	[tilespmem:$0xB48] =	vst v0  }
0xb7: {  	[tilespmem:$0xB58] =	vst v0  }
0xb8: {  	[tilespmem:$0xB68] =	vst v0  }
0xb9: {  	[tilespmem:$0xB78] =	vst v0  }
0xba: {  	[tilespmem:$0xB88] =	vst v0  }
0xbb: {  	[tilespmem:$0xB98] =	vst v0  }
0xbc: {  	[tilespmem:$0xBA8] =	vst v0  }
0xbd: {  	[tilespmem:$0xBB8] =	vst v0  }
0xbe: {  	[tilespmem:$0xBC8] =	vst v0  }
0xbf: {  	[tilespmem:$0xBD8] =	vst v0  }
0xc0: {  	[tilespmem:$0xBE8] =	vst v0  }
0xc1: {  	[tilespmem:$0xBF8] =	vst v0  }
0xc2: {  	[tilespmem:$0xC08] =	vst v0  }
0xc3: {  	[tilespmem:$0xC18] =	vst v0  }
0xc4: {  	[tilespmem:$0xC28] =	vst v0  }
0xc5: {  	[tilespmem:$0xC38] =	vst v0  }
0xc6: {  	[tilespmem:$0xC48] =	vst v0  }
0xc7: {  	[tilespmem:$0xC58] =	vst v0  }
0xc8: {  	[tilespmem:$0xC68] =	vst v0  }
0xc9: {  	[tilespmem:$0xC78] =	vst v0  }
0xca: {  	[tilespmem:$0xC88] =	vst v0  }
0xcb: {  	[tilespmem:$0xC98] =	vst v0  }
0xcc: {  	[tilespmem:$0xCA8] =	vst v0  }
0xcd: {  	[tilespmem:$0xCB8] =	vst v0  }
0xce: {  	[tilespmem:$0xCC8] =	vst v0  }
0xcf: {  	[tilespmem:$0xCD8] =	vst v0  }
0xd0: {  	[tilespmem:$0xCE8] =	vst v0  }
0xd1: {  	[tilespmem:$0xCF8] =	vst v0  }
0xd2: {  	[tilespmem:$0xD08] =	vst v0  }
0xd3: {  	[tilespmem:$0xD18] =	vst v0  }
0xd4: {  	[tilespmem:$0xD28] =	vst v0  }
0xd5: {  	[tilespmem:$0xD38] =	vst v0  }
0xd6: {  	[tilespmem:$0xD48] =	vst v0  }
0xd7: {  	[tilespmem:$0xD58] =	vst v0  }
0xd8: {  	[tilespmem:$0xD68] =	vst v0  }
0xd9: {  	[tilespmem:$0xD78] =	vst v0  }
0xda: {  	[tilespmem:$0xD88] =	vst v0  }
0xdb: {  	[tilespmem:$0xD98] =	vst v0  }
0xdc: {  	[tilespmem:$0xDA8] =	vst v0  }
0xdd: {  	[tilespmem:$0xDB8] =	vst v0  }
0xde: {  	[tilespmem:$0xDC8] =	vst v0  }
0xdf: {  	[tilespmem:$0xDD8] =	vst v0  }
0xe0: {  	[tilespmem:$0xDE8] =	vst v0  }
0xe1: {  	[tilespmem:$0xDF8] =	vst v0  }
0xe2: {  	[tilespmem:$0xE08] =	vst v0  }
0xe3: {  	[tilespmem:$0xE18] =	vst v0  }
0xe4: {  	[tilespmem:$0xE28] =	vst v0  }
0xe5: {  	[tilespmem:$0xE38] =	vst v0  }
0xe6: {  	[tilespmem:$0xE48] =	vst v0  }
0xe7: {  	[tilespmem:$0xE58] =	vst v0  }
0xe8: {  	[tilespmem:$0xE68] =	vst v0  }
0xe9: {  	[tilespmem:$0xE78] =	vst v0  }
0xea: {  	[tilespmem:$0xE88] =	vst v0  }
0xeb: {  	[tilespmem:$0xE98] =	vst v0  }
0xec: {  	[tilespmem:$0xEA8] =	vst v0  }
0xed: {  	[tilespmem:$0xEB8] =	vst v0  }
0xee: {  	[tilespmem:$0xEC8] =	vst v0  }
0xef: {  	[tilespmem:$0xED8] =	vst v0  }
0xf0: {  	[tilespmem:$0xEE8] =	vst v0  }
0xf1: {  	[tilespmem:$0xEF8] =	vst v0  }
0xf2: {  	[tilespmem:$0xF08] =	vst v0  }
0xf3: {  	[tilespmem:$0xF18] =	vst v0  }
0xf4: {  	[tilespmem:$0xF28] =	vst v0  }
0xf5: {  	[tilespmem:$0xF38] =	vst v0  }
0xf6: {  	[tilespmem:$0xF48] =	vst v0  }
0xf7: {  	[tilespmem:$0xF58] =	vst v0  }
0xf8: {  	[tilespmem:$0xF68] =	vst v0  }
0xf9: {  	[tilespmem:$0xF78] =	vst v0  }
0xfa: {  	[tilespmem:$0xF88] =	vst v0  }
0xfb: {  	[tilespmem:$0xF98] =	vst v0  }
0xfc: {  	[tilespmem:$0xFA8] =	vst v0  }
0xfd: {  	[tilespmem:$0xFB8] =	vst v0  }
0xfe: {  	[tilespmem:$0xFC8] =	vst v0  }
0xff: {  	[tilespmem:$0xFD8] =	vst v0  }
0x100: {  	[tilespmem:$0xFE8] =	vst v0  }
0x101: {  	[tilespmem:$0xFF8] =	vst v0  }
0x102: {  	[tilespmem:$0x1028] =	vst v0  }
0x103: {  	[tilespmem:$0x10E8] =	vst v0  }
0x104: {  	[tilespmem:$0x1068] =	vst v0  }
0x105: {  	[tilespmem:$0x1B28] =	vst v0  }
0x106: {  	[tilespmem:$0x1B18] =	vst v0  }
0x107: {  	[tilespmem:$0x1B08] =	vst v0  }
0x108: {  	[tilespmem:$0x1AF8] =	vst v0  }
0x109: {  	[tilespmem:$0x1AE8] =	vst v0  }
0x10a: {  	[tilespmem:$0x1AD8] =	vst v0  }
0x10b: {  	[tilespmem:$0x1AC8] =	vst v0  }
0x10c: {  	[tilespmem:$0x1AB8] =	vst v0  }
0x10d: {  	[tilespmem:$0x1AA8] =	vst v0  }
0x10e: {  	[tilespmem:$0x1A98] =	vst v0  }
0x10f: {  	[tilespmem:$0x1A88] =	vst v0  }
0x110: {  	[tilespmem:$0x1A78] =	vst v0  }
0x111: {  	[tilespmem:$0x1A68] =	vst v0  }
0x112: {  	[tilespmem:$0x1A58] =	vst v0  }
0x113: {  	[tilespmem:$0x1A48] =	vst v0  }
0x114: {  	[tilespmem:$0x1A38] =	vst v0  }
0x115: {  	[tilespmem:$0x1A28] =	vst v0  }
0x116: {  	[tilespmem:$0x1A18] =	vst v0  }
0x117: {  	[tilespmem:$0x1A08] =	vst v0  }
0x118: {  	[tilespmem:$0x19F8] =	vst v0  }
0x119: {  	[tilespmem:$0x19E8] =	vst v0  }
0x11a: {  	[tilespmem:$0x19D8] =	vst v0  }
0x11b: {  	[tilespmem:$0x19C8] =	vst v0  }
0x11c: {  	[tilespmem:$0x19B8] =	vst v0  }
0x11d: {  	[tilespmem:$0x19A8] =	vst v0  }
0x11e: {  	[tilespmem:$0x1998] =	vst v0  }
0x11f: {  	[tilespmem:$0x1988] =	vst v0  }
0x120: {  	[tilespmem:$0x1978] =	vst v0  }
0x121: {  	[tilespmem:$0x1968] =	vst v0  }
0x122: {  	[tilespmem:$0x1958] =	vst v0  }
0x123: {  	[tilespmem:$0x1948] =	vst v0  }
0x124: {  	[tilespmem:$0x1938] =	vst v0  }
0x125: {  	[tilespmem:$0x1928] =	vst v0  }
0x126: {  	[tilespmem:$0x1918] =	vst v0  }
0x127: {  	[tilespmem:$0x1908] =	vst v0  }
0x128: {  	[tilespmem:$0x18F8] =	vst v0  }
0x129: {  	[tilespmem:$0x18E8] =	vst v0  }
0x12a: {  	[tilespmem:$0x18D8] =	vst v0  }
0x12b: {  	[tilespmem:$0x18C8] =	vst v0  }
0x12c: {  	[tilespmem:$0x18B8] =	vst v0  }
0x12d: {  	[tilespmem:$0x18A8] =	vst v0  }
0x12e: {  	[tilespmem:$0x1898] =	vst v0  }
0x12f: {  	[tilespmem:$0x1888] =	vst v0  }
0x130: {  	[tilespmem:$0x1878] =	vst v0  }
0x131: {  	[tilespmem:$0x1868] =	vst v0  }
0x132: {  	[tilespmem:$0x1858] =	vst v0  }
0x133: {  	[tilespmem:$0x1848] =	vst v0  }
0x134: {  	[tilespmem:$0x1838] =	vst v0  }
0x135: {  	[tilespmem:$0x1828] =	vst v0  }
0x136: {  	[tilespmem:$0x1818] =	vst v0  }
0x137: {  	[tilespmem:$0x1808] =	vst v0  }
0x138: {  	[tilespmem:$0x17F8] =	vst v0  }
0x139: {  	[tilespmem:$0x17E8] =	vst v0  }
0x13a: {  	[tilespmem:$0x17D8] =	vst v0  }
0x13b: {  	[tilespmem:$0x17C8] =	vst v0  }
0x13c: {  	[tilespmem:$0x17B8] =	vst v0  }
0x13d: {  	[tilespmem:$0x17A8] =	vst v0  }
0x13e: {  	[tilespmem:$0x1798] =	vst v0  }
0x13f: {  	[tilespmem:$0x1788] =	vst v0  }
0x140: {  	[tilespmem:$0x1778] =	vst v0  }
0x141: {  	[tilespmem:$0x1768] =	vst v0  }
0x142: {  	[tilespmem:$0x1758] =	vst v0  }
0x143: {  	[tilespmem:$0x1748] =	vst v0  }
0x144: {  	[tilespmem:$0x1738] =	vst v0  }
0x145: {  	[tilespmem:$0x1728] =	vst v0  }
0x146: {  	[tilespmem:$0x1718] =	vst v0  }
0x147: {  	[tilespmem:$0x1708] =	vst v0  }
0x148: {  	[tilespmem:$0x16F8] =	vst v0  }
0x149: {  	[tilespmem:$0x16E8] =	vst v0  }
0x14a: {  	[tilespmem:$0x16D8] =	vst v0  }
0x14b: {  	[tilespmem:$0x16C8] =	vst v0  }
0x14c: {  	[tilespmem:$0x16B8] =	vst v0  }
0x14d: {  	[tilespmem:$0x16A8] =	vst v0  }
0x14e: {  	[tilespmem:$0x1698] =	vst v0  }
0x14f: {  	[tilespmem:$0x1688] =	vst v0  }
0x150: {  	[tilespmem:$0x1678] =	vst v0  }
0x151: {  	[tilespmem:$0x1668] =	vst v0  }
0x152: {  	[tilespmem:$0x1658] =	vst v0  }
0x153: {  	[tilespmem:$0x1648] =	vst v0  }
0x154: {  	[tilespmem:$0x1638] =	vst v0  }
0x155: {  	[tilespmem:$0x1628] =	vst v0  }
0x156: {  	[tilespmem:$0x1618] =	vst v0  }
0x157: {  	[tilespmem:$0x1608] =	vst v0  }
0x158: {  	[tilespmem:$0x15F8] =	vst v0  }
0x159: {  	[tilespmem:$0x15E8] =	vst v0  }
0x15a: {  	[tilespmem:$0x15D8] =	vst v0  }
0x15b: {  	[tilespmem:$0x15C8] =	vst v0  }
0x15c: {  	[tilespmem:$0x15B8] =	vst v0  }
0x15d: {  	[tilespmem:$0x15A8] =	vst v0  }
0x15e: {  	[tilespmem:$0x1598] =	vst v0  }
0x15f: {  	[tilespmem:$0x1588] =	vst v0  }
0x160: {  	[tilespmem:$0x1578] =	vst v0  }
0x161: {  	[tilespmem:$0x1568] =	vst v0  }
0x162: {  	[tilespmem:$0x1558] =	vst v0  }
0x163: {  	[tilespmem:$0x1548] =	vst v0  }
0x164: {  	[tilespmem:$0x1538] =	vst v0  }
0x165: {  	[tilespmem:$0x1528] =	vst v0  }
0x166: {  	[tilespmem:$0x1518] =	vst v0  }
0x167: {  	[tilespmem:$0x1508] =	vst v0  }
0x168: {  	[tilespmem:$0x14F8] =	vst v0  }
0x169: {  	[tilespmem:$0x14E8] =	vst v0  }
0x16a: {  	[tilespmem:$0x14D8] =	vst v0  }
0x16b: {  	[tilespmem:$0x14C8] =	vst v0  }
0x16c: {  	[tilespmem:$0x14B8] =	vst v0  }
0x16d: {  	[tilespmem:$0x14A8] =	vst v0  }
0x16e: {  	[tilespmem:$0x1498] =	vst v0  }
0x16f: {  	[tilespmem:$0x1488] =	vst v0  }
0x170: {  	[tilespmem:$0x1478] =	vst v0  }
0x171: {  	[tilespmem:$0x1468] =	vst v0  }
0x172: {  	[tilespmem:$0x1458] =	vst v0  }
0x173: {  	[tilespmem:$0x1448] =	vst v0  }
0x174: {  	[tilespmem:$0x1438] =	vst v0  }
0x175: {  	[tilespmem:$0x1428] =	vst v0  }
0x176: {  	[tilespmem:$0x1418] =	vst v0  }
0x177: {  	[tilespmem:$0x1408] =	vst v0  }
0x178: {  	[tilespmem:$0x13F8] =	vst v0  }
0x179: {  	[tilespmem:$0x13E8] =	vst v0  }
0x17a: {  	[tilespmem:$0x13D8] =	vst v0  }
0x17b: {  	[tilespmem:$0x13C8] =	vst v0  }
0x17c: {  	[tilespmem:$0x13B8] =	vst v0  }
0x17d: {  	[tilespmem:$0x13A8] =	vst v0  }
0x17e: {  	[tilespmem:$0x1398] =	vst v0  }
0x17f: {  	[tilespmem:$0x1388] =	vst v0  }
0x180: {  	[tilespmem:$0x1378] =	vst v0  }
0x181: {  	[tilespmem:$0x1368] =	vst v0  }
0x182: {  	[tilespmem:$0x1358] =	vst v0  }
0x183: {  	[tilespmem:$0x1348] =	vst v0  }
0x184: {  	[tilespmem:$0x1338] =	vst v0  }
0x185: {  	[tilespmem:$0x1328] =	vst v0  }
0x186: {  	[tilespmem:$0x1318] =	vst v0  }
0x187: {  	[tilespmem:$0x1308] =	vst v0  }
0x188: {  	[tilespmem:$0x12F8] =	vst v0  }
0x189: {  	[tilespmem:$0x12E8] =	vst v0  }
0x18a: {  	[tilespmem:$0x12D8] =	vst v0  }
0x18b: {  	[tilespmem:$0x12C8] =	vst v0  }
0x18c: {  	[tilespmem:$0x12B8] =	vst v0  }
0x18d: {  	[tilespmem:$0x12A8] =	vst v0  }
0x18e: {  	[tilespmem:$0x1298] =	vst v0  }
0x18f: {  	[tilespmem:$0x1288] =	vst v0  }
0x190: {  	[tilespmem:$0x1278] =	vst v0  }
0x191: {  	[tilespmem:$0x1268] =	vst v0  }
0x192: {  	[tilespmem:$0x1258] =	vst v0  }
0x193: {  	[tilespmem:$0x1248] =	vst v0  }
0x194: {  	[tilespmem:$0x1238] =	vst v0  }
0x195: {  	[tilespmem:$0x1228] =	vst v0  }
0x196: {  	[tilespmem:$0x1218] =	vst v0  }
0x197: {  	[tilespmem:$0x1208] =	vst v0  }
0x198: {  	[tilespmem:$0x11F8] =	vst v0  }
0x199: {  	[tilespmem:$0x11E8] =	vst v0  }
0x19a: {  	[tilespmem:$0x11D8] =	vst v0  }
0x19b: {  	[tilespmem:$0x11C8] =	vst v0  }
0x19c: {  	[tilespmem:$0x11B8] =	vst v0  }
0x19d: {  	[tilespmem:$0x11A8] =	vst v0  }
0x19e: {  	[tilespmem:$0x1198] =	vst v0  }
0x19f: {  	[tilespmem:$0x1188] =	vst v0  }
0x1a0: {  	[tilespmem:$0x1178] =	vst v0  }
0x1a1: {  	[tilespmem:$0x1168] =	vst v0  }
0x1a2: {  	[tilespmem:$0x1158] =	vst v0  }
0x1a3: {  	[tilespmem:$0x1148] =	vst v0  }
0x1a4: {  	[tilespmem:$0x1138] =	vst v0  }
0x1a5: {  	[tilespmem:$0x1128] =	vst v0  }
0x1a6: {  	[tilespmem:$0x1118] =	vst v0  }
0x1a7: {  	s4 =	stileid.u32;
	[tilespmem:$0x1108] =	vst v0  }
0x1a8: {  	s0 =	smul.u32 $0xB, s4;
	[tilespmem:$0x10F8] =	vst v0  }
0x1a9: {  	s1 =	smin.u32 s4, $0xA;
	[tilespmem:$0x10C8] =	vst v0  }
0x1aa: {  	[tilespmem:$0x10D8] =	vst v0;
	s0 =	sadd.s32 s1, s0  }
0x1ab: {  	p0 =	slt.u32 s4, $0xA;
	[tilespmem:$0x10B8] =	vst v0;
	s1 =	simm.s32 $0x1440;
	s6 =	smul.u32 $0x1B0, s0  }
0x1ac: {  	s1 =	simm.s32 @!p0 $0x1290;
	[tilespmem:$0x1038] =	vst v0  }
0x1ad: {  	[tilespmem:$0x10A8] =	vst v0;
	s0 =	sadd.s32 s1, s6  }
0x1ae: {  	s3 =	simm.s32 $0x2;
	s8 =	simm.s32 $0x9;
	[tilespmem:$0x1098] =	vst v0;
	s7 =	smin.u32 s0, $0x13880  }
0x1af: {  	s10 =	simm.s32 $0xA;
	s30 =	simm.s32 $0xB;
	[tilespmem:$0x1088] =	vst v0;
	s0 =	ssub.s32 s7, s6  }
0x1b0: {  	s16 =	simm.s32 $0x0;
	p4 =	por $0x0, $0x0;
	[tilespmem:$0x1078] =	vst v0;
	p0 =	sgt.s32 s0, $0x0  }
0x1b1: {  	s17 =	simm.s32 $0xC;
	s21 =	simm.s32 $0x0;
	[tilespmem:$0x1058] =	vst v0;
	s0 =	simm.s32 @!p0 $0x0  }
0x1b2: {  	s18 =	simm.s32 $0x0;
	s2 =	sand.u32 $0x1, s2;
	[tilespmem:$0x1048] =	vst v0;
	s29 =	smulhi.u32 $0x4BDA12F7, s0  }
0x1b3: {  	s20 =	simm.s32 $0x0;
	s31 =	sshll.u32 s4, $0x5;
	[tilespmem:$0x1018] =	vst v0;
	[dreg:$0x5] =	wrdreg s2  }
0x1b4: {  	s2 =	smul.u32 $0x2710, s2;
	[tilespmem:$0x1008] =	vst v0;
	[sflag:s3] =	ssyncpa.u1 $0x0;
	s1 =	sshrl.u32 s29, $0x7  }
0x1b5: {  	v0 =	vimm.s32 $0xFFFFFFFF;
	s3 =	sadd.s32 $0x2CA00, s11;
	[dreg:$0x4] =	wrdreg s31;
	s5 =	smul.u32 $0x1B0, s1  }
.Ltmp0:
0x1b6: {  	[tilespmem:$0x3648] =	vst v0;
	[sflag:s8] =	ssyncpa.u1 $0x0;
	s2 =	sadd.s32 s2, s11;
	(pc) =	sbr.rel .LBB2_1-.Ltmp0, $4  }
0x1b7: {  	[sflag:s10] =	ssyncpa.u1 $0x0;
	s11 =	sadd.s32 $0x793400, s11;
	p0 =	sne.s32 s0, s5  }
0x1b8: {  	[sflag:s30] =	ssyncpa.u1 $0x0;
	s14 =	sadd.s32 $0x27A00, s2;
	s12 =	simm.s32 @!p0 $0x0  }
0x1b9: {  	s15 =	sadd.s32 $0x22A00, s2;
	s19 =	smov.u32 s6;
	s12 =	sadd.s32 s12, s1  }
0x1ba: {  	v0 =	vlaneseq.u32;
	[dreg:$0x6] =	wrdreg s6;
	p0 =	por $0x1, $0x1;
	s4 =	sadd.s32 $0x1, s12  }
.LBB2_18:
0x1bb: {  	s0 =	simm.s32 $0x2  }
0x1bc: {  	_ =	swait.ge [sflag:s0], $0x0  }
0x1bd: {  	[sflag:s0] =	ssyncset.done $0x0;
	s0 =	simm.s32 $0x0  }
.LBB2_19:
0x1be: {  	_ =	swait.ge [sflag:s17], s0  }
0x1bf: {  	s31 =	ssub.s32 $0x0, s0;
	v1 =	vmov s23;
	vm0 =	veq.s32 v0, $0x0;
	[sflag:s17] =	ssyncset.done $0x0  }
0x1c0: {  	vm15 =	veq.s32 v0, $0x2;
	v1 =	vsel vm0, s28, v1;
	[sflag:s17] =	ssyncadd.s32 s31  }
0x1c1: {  	v1 =	vsel vm15, s21, v1;
	[sflag:s17] =	ssyncpa.u1 $0x1  }
0x1c2: {  	[tilespmem:$0x3648] =	vst v1  }
.LBB2_20:
0x1c3: {  	s0 =	sadd.s32 $0x1B0, s19  }
0x1c4: {  	s1 =	smov.u32 s6;
	p1 =	slt.s32 s0, s7  }
0x1c5: {  	s1 =	smov.u32 @p1 s0;
	p1 =	sne.s32 s20, s4  }
.Ltmp1:
0x1c6: {  	_ = 	snop;
	(pc) =	sbr.rel @!p1 .LBB2_21-.Ltmp1, $4  }
0x1c7: {  	_ = 	snop  }
0x1c8: {  	s21 =	smov.u32 s18  }
0x1c9: {  	s31 =	sadd.s32 $0x1, s20;
	s18 =	smov.u32 s19;
	p0 =	por !p0, !p0  }
0x1ca: {  	p4 =	por !p4, !p4;
	s20 =	smov.u32 s31;
	s19 =	smov.u32 s1  }
.LBB2_1:
0x1cb: {  	p2 =	sge.u32 s20, s12  }
0x1cc: {  	s0 =	smulhi.u32 @!p2 $0xAAAAAAAB, s20  }
0x1cd: {  	s1 =	smov.u32 s19;
	p3 =	sgt.s32 @!p2 s19, $0x136D0  }
0x1ce: {  	s2 =	sshra.s32 @!p2 s19, $0x1F;
	p3 =	por !p3, p2;
	s0 =	sshrl.u32 @!p2 s0, $0x1  }
0x1cf: {  	s2 =	sand.u32 @!p2 s2, s19;
	s1 =	simm.s32 @p3 $0x136D0;
	s0 =	smul.u32 @!p2 $0x3, s0  }
0x1d0: {  	s1 =	ssub.s32 @!p2 s1, s2  }
0x1d1: {  	s23 =	sadd.s32 $0xFFFFFFFF, s20;
	s1 =	sadd.s32 @!p2 $0xFFFEC930, s1;
	s0 =	ssub.s32 @!p2 s20, s0  }
0x1d2: {  	s2 =	sshll.u32 @!p2 s1, $0x2;
	p3 =	sgt.s32 @!p2 s1, $0x1AF;
	s0 =	smul.u32 @!p2 $0x6C0, s0  }
0x1d3: {  	s5 =	sand.u32 @!p2 $0x7, s19;
	s1 =	ssub.s32 @!p2 $0x6C0, s2;
	p3 =	por !p3, p2  }
0x1d4: {  	s2 =	sshrl.u32 @!p2 s19, $0x3;
	s1 =	sshrl.u32 @!p2 s1, $0x2;
	s0 =	sshrl.u32 @!p2 s0, $0x2  }
0x1d5: {  	s2 =	sadd.s32 @!p2 s2, s14;
	s1 =	simm.s32 @!p3 $0x0;
	s0 =	sadd.s32 @!p2 $0x3888, s0  }
0x1d6: {  	[tilespmem:s0], [sflag:$0xA] =	stream.linear.gather @!p2 [hbm4b:s2+s5], s1, $0x38;
	[tilespmem:$0x1F0F8] =	vst v63  }
0x1d7: {  	p2 =	sge.u32 s23, s12  }
0x1d8: {  	p3 =	sgt.s32 @!p2 s18, $0x136D0  }
0x1d9: {  	s0 =	smov.u32 s18;
	s1 =	sshra.s32 @!p2 s18, $0x1F;
	p3 =	por !p3, p2  }
0x1da: {  	s1 =	sand.u32 @!p2 s1, s18;
	s0 =	simm.s32 @p3 $0x136D0  }
0x1db: {  	s0 =	ssub.s32 @!p2 s0, s1  }
0x1dc: {  	s0 =	sadd.s32 @!p2 $0xFFFEC930, s0  }
0x1dd: {  	s1 =	sshll.u32 @!p2 s0, $0x2  }
0x1de: {  	p3 =	sgt.s32 @!p2 s0, $0x1AF;
	s0 =	ssub.s32 @!p2 $0x6C0, s1  }
0x1df: {  	s22 =	ssub.s32 @!p2 $0x13880, s18;
	p3 =	por !p3, p2;
	s0 =	sshrl.u32 @!p2 s0, $0x2  }
0x1e0: {  	s1 =	sand.u32 @!p2 $0x1, s23;
	s0 =	simm.s32 @!p3 $0x0;
	p3 =	slt.s32 @!p2 s22, $0x1  }
0x1e1: {  	s2 =	simm.s32 @!p2 $0xA;
	s1 =	smul.u32 @!p2 $0x6C0, s1;
	p3 =	por p2, p3  }
.Ltmp2:
0x1e2: {  	_ =	swait.ge @!p2 [sflag:s2], s0;
	(pc) =	sbr.rel @p3 .LBB2_7-.Ltmp2, $4  }
0x1e3: {  	s5 =	ssub.s32 @!p2 $0x0, s0;
	[sflag:s2] =	ssyncset.done @!p2 $0x0  }
0x1e4: {  	s1 =	sshrl.u32 @!p2 s1, $0x2;
	[sflag:s2] =	ssyncadd.s32 @!p2 s5;
	s2 =	sshrl.u32 @!p2 s18, $0x3  }
0x1e5: {  	s1 =	sadd.s32 @!p2 $0x3D98, s1;
	s5 =	sand.u32 @!p2 $0x7, s18;
	s2 =	sadd.s32 @!p2 s2, s15  }
0x1e6: {  	[tilespmem:s1], [sflag:$0xB] =	stream.linear.gather @!p2 [hbm4b:s2+s5], s0, $0x38;
	[tilespmem:$0x1F0F8] =	vst v63  }
0x1e7: {  	s0 =	smulhi.u32 $0xAAAAAAAB, s23;
	_ =	sdelay $0x1  }
0x1e8: {  	s0 =	sshrl.u32 s0, $0x1  }
0x1e9: {  	s0 =	smul.u32 $0x3, s0;
	_ =	sdelay $0x1  }
0x1ea: {  	s0 =	ssub.s32 s23, s0  }
0x1eb: {  	s1 =	simm.s32 $0x1;
	s0 =	smul.u32 $0x6C0, s0  }
.Ltmp3:
0x1ec: {  	s1 =	simm.s32 @!p0 $0x0;
	(pc) =	sbr.rel .LBB2_4-.Ltmp3, $4  }
0x1ed: {  	s1 =	smul.u32 $0x36000, s1  }
0x1ee: {  	p3 =	slt.s32 @!p2 s22, $0x1B0;
	s0 =	sshrl.u32 s0, $0x2  }
0x1ef: {  	p2 =	por !p3, p2;
	s1 =	sshrl.u32 s1, $0x2;
	s0 =	sadd.s32 $0x3888, s0  }
0x1f0: {  	s24 =	simm.s32 $0x0;
	s22 =	simm.s32 @p2 $0x1B0;
	s23 =	sadd.s32 $0x40F8, s1;
	v1 =	vmov s0  }
.LBB2_3:
0x1f1: {  	p2 =	sge.s32 s24, s22  }
.Ltmp4:
0x1f2: {  	_ = 	snop;
	(pc) =	sbr.rel @p2 .LBB2_7-.Ltmp4, $2  }
0x1f3: {  	_ =	sdelay $0x2  }
0x1f4: {  	s23 =	sadd.s32 $0x800, s23  }
.LBB2_4:
0x1f5: {  	p2 =	sle.s32 s22, s24  }
.Ltmp5:
0x1f6: {  	_ = 	snop;
	(pc) =	sbr.rel @p2 .LBB2_3-.Ltmp5, $2  }
0x1f7: {  	_ =	sdelay $0x2  }
0x1f8: {  	s0 =	smov.u32 s24;
	s24 =	sadd.s32 $0x10, s24  }
0x1f9: {  	s1 =	ssub.s32 s22, s0  }
0x1fa: {  	p2 =	slt.s32 s1, $0x10  }
0x1fb: {  	s1 =	simm.s32 @!p2 $0x10  }
0x1fc: {  	v2 =	vmov s1  }
0x1fd: {  	vm0 =	vgt.s32 v2, v0;
	_ =	sdelay $0x5  }
0x1fe: {  	v2 =	vld.idx.msk [tilespmem:v1+s0+$0x0 ss:$0x1], vm0;
	_ =	sdelay $0x2  }
0x1ff: {  	p2 =	slt.s32 s24, s22;
	s1 =	smov.u32 s22  }
0x200: {  	s2 =	smov.u32 s23;
	s25 =	simm.s32 $0x0;
	s1 =	smov.u32 @p2 s24  }
.LBB2_6:
0x201: {  	(v2sf) =	vpush v2, s25;
	_ =	sdelay $0xc  }
0x202: {  	s25 =	sadd.s32 $0x1, s25  }
0x203: {  	s31 =	sadd.s32 s25, s0  }
0x204: {  	p2 =	slt.s32 s31, s1;
	s5 =	spop (v2sf)  }
.Ltmp6:
0x205: {  	s5 =	sshll.u32 s5, $0x4;
	(pc) =	sbr.rel @p2 .LBB2_6-.Ltmp6, $4  }
0x206: {  	s5 =	sand.u32 $0x1FFFFFF0, s5  }
0x207: {  	s5 =	sadd.s32 s11, s5  }
0x208: {  	[tilespmem:s2], [sflag:$0x9] =	stream.linear.gather [hbm4b:s5+s16], $0x10, $0x38;
	[tilespmem:$0x1F0F8] =	vst v63  }
0x209: {  	s2 =	sadd.s32 $0x80, s2  }
.Ltmp7:
0x20a: {  	_ = 	snop;
	(pc) =	sbr.rel .LBB2_3-.Ltmp7, $1  }
0x20b: {  	_ =	sdelay $0x3  }
.LBB2_7:
0x20c: {  	p2 =	slt.u32 s20, $0x2  }
.Ltmp8:
0x20d: {  	_ = 	snop;
	(pc) =	sbr.rel @p2 .LBB2_20-.Ltmp8, $1  }
0x20e: {  	_ =	sdelay $0x3  }
0x20f: {  	p2 =	sgt.s32 s21, $0x136D0  }
0x210: {  	s0 =	smov.u32 s21;
	s1 =	sshra.s32 s21, $0x1F;
	s2 =	ssub.s32 $0x13880, s21  }
0x211: {  	s0 =	simm.s32 @!p2 $0x136D0;
	s1 =	sand.u32 s1, s21;
	p2 =	slt.s32 s2, $0x1B0  }
0x212: {  	s0 =	ssub.s32 s0, s1;
	s2 =	simm.s32 @!p2 $0x1B0  }
0x213: {  	s0 =	sadd.s32 $0xFFFEC930, s0;
	s24 =	sshll.u32 s2, $0x4  }
0x214: {  	s28 =	simm.s32 $0x9;
	s25 =	sshll.u32 s0, $0x2;
	s1 =	sand.u32 $0x3FFFFFF0, s24  }
0x215: {  	p2 =	sgt.s32 s0, $0x1AF;
	s26 =	ssub.s32 $0x6C0, s25;
	_ =	swait.ge [sflag:s28], s1  }
0x216: {  	s1 =	ssub.s32 $0x0, s1;
	[sflag:s28] =	ssyncset.done $0x0;
	s0 =	sshrl.u32 s26, $0x2  }
0x217: {  	s30 =	simm.s32 $0xB;
	[sflag:s28] =	ssyncadd.s32 s1;
	s0 =	simm.s32 @p2 $0x0  }
0x218: {  	_ =	swait.ge [sflag:s30], s0  }
0x219: {  	s0 =	ssub.s32 $0x0, s0;
	[sflag:s30] =	ssyncset.done $0x0  }
0x21a: {  	[sflag:s30] =	ssyncadd.s32 s0  }
0x21b: {  	v1 =	vld [tilespmem:$0x3648];
	_ =	sdelay $0x4  }
0x21c: {  	(v2sf) =	vpush v1, $0x0  }
0x21d: {  	(v2sf) =	vpush v1, $0x1  }
0x21e: {  	(v2sf) =	vpush v1, $0x2;
	_ =	sdelay $0x3  }
0x21f: {  	s0 =	sadd.s32 $0x1B0, s21  }
0x220: {  	s1 =	ssub.s32 $0x27100, s21;
	p2 =	slt.s32 s7, s0  }
0x221: {  	s0 =	smov.u32 @p2 s7;
	p2 =	sgt.s32 s1, $0x0  }
0x222: {  	s25 =	ssub.s32 s0, s21;
	s1 =	simm.s32 @!p2 $0x0  }
0x223: {  	p2 =	slt.s32 s1, s25  }
0x224: {  	s25 =	smov.u32 @p2 s1  }
0x225: {  	s24 =	simm.s32 $0x1;
	p2 =	slt.s32 s25, $0x1  }
.Ltmp9:
0x226: {  	s24 =	simm.s32 @!p4 $0x0;
	(pc) =	sbr.rel @p2 .LBB2_12-.Ltmp9, $4  }
0x227: {  	s31 =	smul.u32 $0x6C0, s24  }
0x228: {  	s26 =	spop (v2sf)  }
0x229: {  	s0 =	sshrl.u32 s31, $0x2;
	s29 =	spop (v2sf)  }
0x22a: {  	s22 =	sadd.s32 $0x3D98, s0;
	s21 =	spop (v2sf)  }
0x22b: {  	s0 =	smin.u32 s25, $0x10  }
0x22c: {  	v1 =	vmov s0  }
0x22d: {  	p3 =	sgt.s32 s25, $0x10;
	vm1 =	vgt.u32 v1, v0  }
.Ltmp10:
0x22e: {  	_ = 	snop;
	(pc) =	sbr.rel @!p3 .LBB2_11-.Ltmp10, $2  }
0x22f: {  	_ =	sdelay $0x2  }
0x230: {  	s23 =	simm.s32 $0x10;
	s28 =	sadd.s32 $0xFFFFFFF0, s25;
	s0 =	smov.u32 s22;
	vm0 =	vmmov vm1  }
.LBB2_10:
0x231: {  	s1 =	smin.u32 s28, $0x10;
	s23 =	sadd.s32 $0x10, s23;
	v1 =	vld.msk [tilespmem:s0+$0x0 ss:$0x1], vm1  }
0x232: {  	v2 =	vmov s1;
	p3 =	slt.s32 s23, s25  }
0x233: {  	vm1 =	vgt.u32 v2, v0  }
.Ltmp11:
0x234: {  	(pc) =	sbr.rel @p3 .LBB2_10-.Ltmp11, $3  }
0x235: {  	_ =	sdelay $0x1  }
0x236: {  	v1 =	vshll.u32 v1, $0x4  }
0x237: {  	s28 =	sadd.s32 $0xFFFFFFF0, s28;
	[tilespmem:s0+$0x0] =	vst.msk vm0, v1;
	s0 =	sadd.s32 $0x10, s0;
	vm0 =	vmmov vm1  }
.LBB2_11:
0x238: {  	_ =	sdelay $0x4  }
0x239: {  	v1 =	vld.msk [tilespmem:s0+$0x0 ss:$0x1], vm1;
	_ =	sdelay $0x4  }
0x23a: {  	v1 =	vshll.u32 v1, $0x4  }
0x23b: {  	[tilespmem:s0+$0x0] =	vst.msk vm0, v1  }
.LBB2_12:
0x23c: {  	s0 =	sand.u32 $0x1, s20  }
0x23d: {  	s0 =	smul.u32 $0x1B0, s0  }
0x23e: {  	p3 =	sne.s32 s29, $0xFFFFFFFF  }
0x23f: {  	v1 =	vld.msk @!p3 [tilespmem:s0+$0x3D98], $0x1;
	_ =	sdelay $0x4  }
0x240: {  	(v2sf) =	vpush @!p3 v1, $0x0;
	_ =	sdelay $0xc  }
.Ltmp12:
0x241: {  	_ = 	snop;
	(pc) =	sbr.rel @p2 .LBB2_18-.Ltmp12, $4  }
0x242: {  	_ = 	snop  }
0x243: {  	s28 =	spop @!p3 (v2sf)  }
0x244: {  	s21 =	simm.s32 @!p3 $0x0;
	s23 =	smov.u32 s28  }
0x245: {  	[sflag:s17] =	ssyncpa.u1 $0x0;
	s28 =	smov.u32 @p3 s26;
	s23 =	smov.u32 @p3 s29  }
0x246: {  	v1 =	vld.msk [tilespmem:s22+$0x0], $0x1;
	_ =	sdelay $0x4  }
0x247: {  	(v2sf) =	vpush v1, $0x0;
	_ =	sdelay $0xe  }
0x248: {  	s0 =	simm.s32 @!p4 $0x0;
	s26 =	smul.u32 $0x36000, s24;
	s31 =	spop (v2sf)  }
0x249: {  	s29 =	ssub.s32 $0x0, s25;
	s0 =	simm.s32 @p4 $0x1;
	p2 =	seq.s32 s28, s31  }
0x24a: {  	s1 =	smov.u32 s28;
	[smem:$0x7FD] =	sst s0;
	p3 =	sgt.s32 @!p2 s28, $0x0  }
0x24b: {  	s0 =	sshrl.u32 s26, $0x2;
	s26 =	sadd.s32 $0x1, s29;
	p3 =	por !p3, p2  }
0x24c: {  	s1 =	simm.s32 @p3 $0x0;
	p3 =	seq.s32 s26, $0x0  }
.Ltmp13:
0x24d: {  	_ = 	snop;
	(pc) =	sbr.rel @p3 .LBB2_15-.Ltmp13, $4  }
0x24e: {  	s6 =	smov.u32 s4;
	s25 =	simm.s32 $0x0  }
0x24f: {  	s24 =	sadd.s32 $0x40F8, s0;
	s0 =	simm.s32 @!p2 $0x1;
	s2 =	smin.u32 @!p2 s1, $0x1116FE  }
0x250: {  	s30 =	sadd.s32 $0x1, s22;
	s0 =	smov.u32 @p2 s25;
	s5 =	sand.u32 @!p2 $0x1FFFF8, s2  }
0x251: {  	s1 =	simm.s32 @!p2 $0x1B38;
	s2 =	sand.u32 @!p2 $0x7, s2;
	s5 =	sadd.s32 @!p2 s3, s5  }
.LBB2_14:
0x252: {  	s4 =	smov.u32 s0  }
0x253: {  	[tilespmem:s1], [sflag:$0x2] =	stream.linear.gather @!p2 [hbm4b:s5+s2], $0x10, $0x38;
	[tilespmem:$0x1F0F8] =	vst v63  }
0x254: {  	s26 =	sadd.s32 $0x1, s26;
	s2 =	smov.u32 s31;
	v1 =	vld.msk [tilespmem:s30+$0x0], $0x1  }
0x255: {  	p3 =	seq.s32 s26, $0x0;
	_ =	sdelay $0x3  }
0x256: {  	(v2sf) =	vpush v1, $0x0;
	_ =	sdelay $0xe  }
0x257: {  	s31 =	spop (v2sf)  }
0x258: {  	p2 =	seq.s32 s2, s31  }
0x259: {  	p4 =	sgt.s32 @!p2 s2, $0x0;
	s1 =	sshll.u32 @!p2 s0, $0x6;
	s0 =	sadd.s32 @!p2 $0x1, s0  }
.Ltmp14:
0x25a: {  	p4 =	por !p4, p2;
	s1 =	sshra.s32 @!p2 s1, $0x2;
	(pc) =	sbr.rel @!p3 .LBB2_14-.Ltmp14, $4  }
0x25b: {  	s0 =	smov.u32 @p2 s4;
	s2 =	simm.s32 @p4 $0x0;
	s1 =	sadd.s32 @!p2 $0x1B38, s1  }
0x25c: {  	s2 =	smin.u32 @!p2 s2, $0x1116FE  }
0x25d: {  	s4 =	sand.u32 @!p2 $0x1FFFF8, s2;
	s2 =	sand.u32 @!p2 $0x7, s2  }
0x25e: {  	s30 =	sadd.s32 $0x1, s30;
	s5 =	sadd.s32 @!p2 s3, s4  }
.LBB2_15:
0x25f: {  	[tilespmem:s1], [sflag:$0x2] =	stream.linear.gather @!p2 [hbm4b:s5+s2], $0x10, $0x38;
	[tilespmem:$0x1F0F8] =	vst v63  }
0x260: {  	s0 =	sshll.u32 s0, $0x4  }
0x261: {  	s31 =	simm.s32 $0x2;
	s0 =	sand.u32 $0x3FFFFFF0, s0  }
0x262: {  	_ =	swait.ge [sflag:s31], s0  }
0x263: {  	s0 =	ssub.s32 $0x0, s0;
	[sflag:s31] =	ssyncset.done $0x0  }
0x264: {  	[sflag:s31] =	ssyncadd.s32 s0  }
0x265: {  	v1 =	vld.msk [tilespmem:s22+$0x0], $0x1;
	_ =	sdelay $0x4  }
0x266: {  	(v2sf) =	vpush v1, $0x0;
	_ =	sdelay $0xe  }
0x267: {  	s26 =	spop (v2sf)  }
0x268: {  	p2 =	sne.s32 s28, s26  }
0x269: {  	p4 =	sne.s32 @p2 s28, s23  }
0x26a: {  	p3 =	por !p4, !p2  }
0x26b: {  	s0 =	simm.s32 @!p3 $0x0  }
0x26c: {  	v1 =	vld @!p3 [tilespmem:s0+$0x1B38]  }
0x26d: {  	p5 =	sgt.u32 @!p3 s28, $0x1116FE  }
0x26e: {  	s1 =	sshll.u32 @!p3 s21, $0x6;
	p6 =	por @p2 p5, !p4  }
0x26f: {  	s1 =	sshra.s32 @!p3 s1, $0x2;
	p1 =	por p6, !p2;
	p6 =	por p4, !p2  }
0x270: {  	s2 =	sadd.s32 @!p3 $0x28, s1;
	s4 =	sand.u32 @!p1 $0x1FFFF8, s28;
	s5 =	sshll.u32 @!p6 s21, $0x6  }
0x271: {  	s28 =	sand.u32 @!p1 $0x7, s28;
	[tilespmem:s1+$0x28] =	vst.add.f32.msk @!p3 $0xffff, v1;
	s1 =	sadd.s32 @!p1 s3, s4;
	s4 =	sshra.s32 @!p6 s5, $0x2  }
0x272: {  	[hbm4b:s1+s28] =	stream.linear.scatter @!p1 [tilespmem:s2], [sflag:$0xC], $0x10, $0x38;
	[tilespmem:$0x1F0F8] =	vst v63  }
0x273: {  	s0 =	rddreg [dreg:$0x4];
	s1 =	sadd.s32 @!p6 $0x28, s4;
	s2 =	simm.s32 @!p6 $0x1  }
0x274: {  	[spmem:s0] =	stream.linear.scatter @!p6 [tilespmem:s1], [sflag:$0x1], $0x10, $0x38;
	[tilespmem:$0x1F0F8] =	vst v63  }
0x275: {  	s0 =	sadd.s32 @p2 $0x1, s21;
	_ =	swait.ge @!p6 [sflag:s2], $0x10  }
0x276: {  	s1 =	sshrl.u32 @p2 s0, $0x4;
	[sflag:s2] =	ssyncset.done @!p6 $0x0  }
0x277: {  	s1 =	smulhi.u32 @p2 $0x97B425F, s1;
	[sflag:s2] =	ssyncadd.s32 @!p6 $0xFFFFFFF0  }
0x278: {  	s28 =	sadd.s32 $0x1, s29;
	v1 =	vld @p2 [tilespmem:s24+$0x0]  }
0x279: {  	p1 =	por @p2 !p5, !p4;
	p4 =	seq.s32 s28, $0x0;
	s1 =	smul.u32 @p2 $0x1B0, s1  }
.Ltmp15:
0x27a: {  	p1 =	por !p1, !p2;
	s2 =	simm.s32 @!p3 $0x0;
	(pc) =	sbr.rel @p4 .LBB2_17-.Ltmp15, $4  }
0x27b: {  	s4 =	sshll.u32 @!p2 s21, $0x6;
	s2 =	simm.s32 @!p1 $0x40;
	s0 =	ssub.s32 @p2 s0, s1  }
0x27c: {  	s29 =	simm.s32 $0x0;
	s2 =	sadd.s32 @!p3 $0x0, s2;
	s5 =	sshll.u32 @p2 s0, $0x4  }
0x27d: {  	s30 =	sshra.s32 @!p2 s4, $0x2;
	s1 =	simm.s32 @p2 $0x1;
	s2 =	smov.u32 @p3 s25;
	[tilespmem:s5+$0x28] =	vst @p2 v1  }
0x27e: {  	s21 =	smov.u32 @p2 s0;
	s29 =	smov.u32 @p2 s2;
	s25 =	smov.u32 @p2 s1;
	v1 =	vld @!p2 [tilespmem:s24+$0x0]  }
.LBB2_16:
0x27f: {  	_ =	sdelay $0x3  }
0x280: {  	s22 =	sadd.s32 $0x1, s22;
	[tilespmem:s30+$0x28] =	vst.add.f32.msk @!p2 $0xffff, v1  }
0x281: {  	v1 =	vld.msk [tilespmem:s22+$0x0], $0x1;
	_ =	sdelay $0x4  }
0x282: {  	(v2sf) =	vpush v1, $0x0;
	_ =	sdelay $0xe  }
0x283: {  	s0 =	smov.u32 s26;
	s26 =	spop (v2sf)  }
0x284: {  	p2 =	sne.s32 s0, s26  }
0x285: {  	p5 =	sne.s32 @p2 s0, s23  }
0x286: {  	s4 =	sshll.u32 @!p2 s21, $0x6;
	p4 =	por !p5, !p2  }
0x287: {  	s30 =	sshra.s32 @!p2 s4, $0x2;
	s4 =	sshll.u32 @!p4 s25, $0x6  }
0x288: {  	s4 =	sshra.s32 @!p4 s4, $0x2  }
0x289: {  	p1 =	sgt.u32 @!p4 s0, $0x1116FE;
	v1 =	vld @!p4 [tilespmem:s4+$0x1B38]  }
0x28a: {  	s31 =	sshll.u32 @!p4 s21, $0x6;
	p6 =	por @p2 p1, !p5;
	p1 =	por @p2 !p1, !p5  }
0x28b: {  	s8 =	simm.s32 @!p4 $0x0;
	s31 =	sshra.s32 @!p4 s31, $0x2;
	p1 =	por !p1, !p2  }
0x28c: {  	p5 =	por p5, !p2;
	s8 =	simm.s32 @!p1 $0x40;
	p1 =	por p6, !p2  }
0x28d: {  	s4 =	sadd.s32 @!p4 $0x28, s31;
	s13 =	sshll.u32 @!p5 s21, $0x6;
	s10 =	sand.u32 @!p1 $0x1FFFF8, s0  }
0x28e: {  	s13 =	sshra.s32 @!p5 s13, $0x2;
	s0 =	sand.u32 @!p1 $0x7, s0;
	s10 =	sadd.s32 @!p1 s3, s10;
	[tilespmem:s31+$0x28] =	vst.add.f32.msk @!p4 $0xffff, v1  }
0x28f: {  	[hbm4b:s10+s0] =	stream.linear.scatter @!p1 [tilespmem:s4], [sflag:$0xC], $0x10, $0x38;
	[tilespmem:$0x1F0F8] =	vst v63  }
0x290: {  	s1 =	rddreg [dreg:$0x4];
	s0 =	sadd.s32 @!p5 $0x28, s13;
	s4 =	simm.s32 @!p5 $0x1  }
0x291: {  	[spmem:s1] =	stream.linear.scatter @!p5 [tilespmem:s0], [sflag:$0x1], $0x10, $0x38;
	[tilespmem:$0x1F0F8] =	vst v63  }
0x292: {  	s2 =	sadd.s32 @p2 $0x1, s21;
	_ =	swait.ge @!p5 [sflag:s4], $0x10  }
0x293: {  	s5 =	sshrl.u32 @p2 s2, $0x4;
	[sflag:s4] =	ssyncset.done @!p5 $0x0  }
0x294: {  	s24 =	sadd.s32 $0x80, s24;
	s5 =	smulhi.u32 @p2 $0x97B425F, s5;
	[sflag:s4] =	ssyncadd.s32 @!p5 $0xFFFFFFF0  }
0x295: {  	s28 =	sadd.s32 $0x1, s28;
	v1 =	vld @p2 [tilespmem:s24+$0x0]  }
0x296: {  	p3 =	seq.s32 s28, $0x0;
	s5 =	smul.u32 @p2 $0x1B0, s5  }
.Ltmp16:
0x297: {  	_ = 	snop;
	(pc) =	sbr.rel @!p3 .LBB2_16-.Ltmp16, $4  }
0x298: {  	s2 =	ssub.s32 @p2 s2, s5  }
0x299: {  	s8 =	sadd.s32 @!p4 s8, s29;
	s5 =	sshll.u32 @p2 s2, $0x4  }
0x29a: {  	s9 =	sadd.s32 @p2 $0x1, s25;
	s8 =	smov.u32 @p4 s29;
	[tilespmem:s5+$0x28] =	vst @p2 v1  }
0x29b: {  	s25 =	smov.u32 @p2 s9;
	s21 =	smov.u32 @p2 s2;
	s29 =	smov.u32 @p2 s8;
	v1 =	vld @!p2 [tilespmem:s24+$0x0]  }
.LBB2_17:
.Ltmp17:
0x29c: {  	_ = 	snop;
	(pc) =	sbr.rel .LBB2_19-.Ltmp17, $3  }
0x29d: {  	s1 =	sld [smem:$0x7FD];
	_ =	sdelay $0x1  }
0x29e: {  	s0 =	sshrl.u32 s29, $0x2;
	s28 =	smov.u32 s26  }
0x29f: {  	s4 =	smov.u32 s6;
	s6 =	rddreg [dreg:$0x6];
	p4 =	seq.s32 s1, $0x1;
	[tilespmem:s30+$0x28] =	vst.add.f32.msk @!p2 $0xffff, v1  }
.LBB2_21:
0x2a0: {  	_ =	sfence.sel $0x180000  }
0x2a1: {  	s0 =	simm.s32 $0x9;
	[bflag:$0x0] =	sbarrier.arrive $0xFFFF  }
0x2a2: {  	s24 =	simm.s32 $0xA;
	[sflag:s0] =	ssyncpa.u1 $0x1  }
0x2a3: {  	s25 =	simm.s32 $0xB;
	[sflag:s24] =	ssyncpa.u1 $0x1  }
0x2a4: {  	s26 =	simm.s32 $0x2;
	[sflag:s25] =	ssyncpa.u1 $0x1  }
0x2a5: {  	[sflag:s26] =	ssyncpa.u1 $0x1  }
0x2a6: {  	v0 =	vld [tilespmem:$0x3648];
	_ =	sdelay $0x4  }
0x2a7: {  	(v2sf) =	vpush v0, $0x0  }
0x2a8: {  	(v2sf) =	vpush v0, $0x1;
	_ =	sdelay $0x1  }
0x2a9: {  	(v2sf) =	vpush v0, $0x2;
	_ =	sdelay $0xb  }
0x2aa: {  	s0 =	spop (v2sf)  }
0x2ab: {  	s1 =	spop (v2sf)  }
0x2ac: {  	s2 =	smov.u32 s0;
	p0 =	sne.s32 s0, s1  }
0x2ad: {  	s4 =	spop (v2sf);
	s2 =	simm.s32 @!p0 $0xFFFFFFFF  }
0x2ae: {  	v2 =	vimm.s32 $0x1;
	v3 =	vlaneseq.u32;
	p0 =	seq.s32 s4, $0xFFFFFFFF;
	v1 =	vmov s2  }
0x2af: {  	s16 =	stileid.u32;
	v0 =	vperm.xlane v0, v2;
	p1 =	sne.s32 @!p0 s0, s1;
	v1 =	vperm.xlane v1, v3  }
0x2b0: {  	vm0 =	vcmask $0x3F04;
	s6 =	simm.s32 $0x3648;
	s0 =	simm.s32 @!p0 $0x1;
	p1 =	por !p1, p0  }
0x2b1: {  	s2 =	sshll.u32 s16, $0x1;
	s1 =	sshll.u32 @!p0 s4, $0x6;
	s0 =	simm.s32 @p1 $0x0;
	v0 =	vsel vm0, v1, v0  }
0x2b2: {  	s5 =	sor.u32 $0x200, s2;
	s1 =	sshra.s32 @!p0 s1, $0x2;
	s0 =	sor.u32 @!p0 s0, s2;
	[tilespmem:$0x3648] =	vst v0  }
0x2b3: {  	[spmem:s5] =	stream.linear.scatter [tilespmem:s6], [sflag:$0x1], $0x2, $0x38;
	[tilespmem:$0x1F0F8] =	vst v63  }
0x2b4: {  	s1 =	sadd.s32 @!p0 $0x28, s1;
	s0 =	sshll.u32 @!p0 s0, $0x4  }
0x2b5: {  	[spmem:s0] =	stream.linear.scatter @!p0 [tilespmem:s1], [sflag:$0x1], $0x10, $0x38;
	[tilespmem:$0x1F0F8] =	vst v63  }
0x2b6: {  	s0 =	simm.s32 @!p0 $0x12  }
0x2b7: {  	s28 =	simm.s32 $0x1;
	s0 =	simm.s32 @p0 $0x2  }
0x2b8: {  	_ =	swait.ge [sflag:s28], s0  }
0x2b9: {  	s0 =	ssub.s32 $0x0, s0;
	[sflag:s28] =	ssyncset.done $0x0  }
0x2ba: {  	p0 =	sne.s32 s16, $0x0;
	[sflag:s28] =	ssyncadd.s32 s0  }
.Ltmp18:
0x2bb: {  	_ =	sfence.stream.spmem;
	(pc) =	sbr.rel @p0 .LBB2_38-.Ltmp18, $4  }
0x2bc: {  	s29 =	simm.s32 $0x3;
	[bflag:$0x0] =	sbarrier.arrive $0xFFFF  }
0x2bd: {  	s30 =	simm.s32 $0x4;
	[sflag:s29] =	ssyncpa.u1 $0x1  }
0x2be: {  	s31 =	simm.s32 $0x3C;
	[sflag:s30] =	ssyncpa.u1 $0x1  }
0x2bf: {  	s17 =	rddreg [dreg:$0x5];
	[sflag:s31] =	ssyncpa.u1 $0x1  }
0x2c0: {  	_ =	sfence.stream.spmem;
	s0 =	simm.s32 $0x5  }
0x2c1: {  	s1 =	simm.s32 $0x200;
	s2 =	simm.s32 $0x3658;
	[sflag:s0] =	ssyncpa.u1 $0x0  }
0x2c2: {  	[tilespmem:s2], [sflag:$0x5] =	stream.linear.gather [spmem:s1], $0x20, $0x38;
	[tilespmem:$0x1F0F8] =	vst v63  }
0x2c3: {  	s26 =	simm.s32 $0x0;
	s28 =	simm.s32 $0x3678  }
0x2c4: {  	[tilespmem:s28], [sflag:$0x5] =	stream.linear.gather [spmem:s26], $0x200, $0x38;
	[tilespmem:$0x1F0F8] =	vst v63  }
0x2c5: {  	_ =	swait.ge [sflag:s0], $0x220  }
0x2c6: {  	[sflag:s0] =	ssyncset.done $0x0  }
0x2c7: {  	s29 =	simm.s32 $0x0;
	[sflag:s0] =	ssyncadd.s32 $0xFFFFFDE0  }
0x2c8: {  	v0 =	vld.msk [tilespmem:s29+$0x3658], $0x1;
	_ =	sdelay $0x1  }
0x2c9: {  	s30 =	simm.s32 $0x1  }
0x2ca: {  	v1 =	vld.msk [tilespmem:s30+$0x3658], $0x1;
	_ =	sdelay $0x1  }
0x2cb: {  	(v2sf) =	vpush v0, $0x0;
	_ =	sdelay $0x2  }
0x2cc: {  	(v2sf) =	vpush v1, $0x0;
	_ =	sdelay $0x2  }
0x2cd: {  	s31 =	simm.s32 $0x2  }
0x2ce: {  	v0 =	vld.msk [tilespmem:s31+$0x3658], $0x1;
	_ =	sdelay $0x2  }
0x2cf: {  	s6 =	simm.s32 $0xFFFFFFFF;
	s1 =	simm.s32 $0xFFFFFFFF;
	s0 =	simm.s32 $0xC  }
.LBB2_23:
0x2d0: {  	s2 =	smov.u32 s6;
	s4 =	smov.u32 s1  }
0x2d1: {  	s1 =	sshra.s32 s0, $0x2;
	p1 =	sne.s32 s0, $0x7C;
	s0 =	sadd.s32 $0x4, s0;
	(v2sf) =	vpush v0, $0x0  }
0x2d2: {  	v0 =	vld.msk [tilespmem:s1+$0x3658], $0x1  }
.Ltmp19:
0x2d3: {  	(pc) =	sbr.rel @p1 .LBB2_23-.Ltmp19, $4  }
0x2d4: {  	s6 =	spop (v2sf)  }
0x2d5: {  	p2 =	sne.s32 s4, $0xFFFFFFFF;
	s1 =	smov.u32 s6  }
0x2d6: {  	p3 =	seq.s32 s6, $0xFFFFFFFF;
	s1 =	smov.u32 @p2 s4  }
0x2d7: {  	s6 =	smov.u32 @p3 s2;
	s1 =	smov.u32 @p3 s4  }
0x2d8: {  	(v2sf) =	vpush v0, $0x0;
	_ =	sdelay $0x8  }
0x2d9: {  	s0 =	spop (v2sf)  }
0x2da: {  	p1 =	sne.s32 s1, $0xFFFFFFFF;
	s2 =	smov.u32 s0  }
0x2db: {  	s9 =	simm.s32 $0x6;
	p2 =	seq.s32 s0, $0xFFFFFFFF;
	s2 =	smov.u32 @p1 s1  }
0x2dc: {  	s10 =	simm.s32 $0x3638;
	s2 =	smov.u32 @p2 s1;
	s1 =	spop (v2sf)  }
0x2dd: {  	s0 =	smov.u32 @p2 s6;
	p1 =	sne.s32 s2, $0xFFFFFFFF;
	s4 =	smov.u32 s1  }
.Ltmp20:
0x2de: {  	p2 =	seq.s32 s1, $0xFFFFFFFF;
	s4 =	smov.u32 @p1 s2;
	(pc) =	sbr.rel .LBB2_25-.Ltmp20, $4  }
0x2df: {  	s11 =	simm.s32 $0x0;
	s4 =	smov.u32 @p2 s2;
	s7 =	spop (v2sf)  }
0x2e0: {  	[sflag:s9] =	ssyncpa.u1 $0x0;
	p1 =	sne.s32 s4, $0xFFFFFFFF;
	s8 =	smov.u32 s7  }
0x2e1: {  	s1 =	smov.u32 @p2 s0;
	p2 =	seq.s32 s7, $0xFFFFFFFF;
	s8 =	smov.u32 @p1 s4  }
0x2e2: {  	s6 =	simm.s32 $0x0;
	s7 =	smov.u32 @p2 s1;
	s8 =	smov.u32 @p2 s4  }
.LBB2_30:
0x2e3: {  	p1 =	sgt.u32 s12, $0x1116FE  }
0x2e4: {  	p2 =	seq.s32 @!p1 s12, s8  }
0x2e5: {  	p1 =	por p1, p2  }
0x2e6: {  	p2 =	sne.s32 @!p1 s12, s7  }
0x2e7: {  	p1 =	por p1, !p2  }
0x2e8: {  	s0 =	sshll.u32 @p1 s11, $0x6  }
0x2e9: {  	s0 =	sand.u32 @!p1 $0x1FFFF8, s12  }
0x2ea: {  	s1 =	sand.u32 @!p1 $0x7, s12;
	s0 =	sadd.s32 @!p1 s3, s0  }
0x2eb: {  	[tilespmem:s10], [sflag:$0x6] =	stream.linear.gather @!p1 [hbm4b:s0+s1], $0x10, $0x38;
	[tilespmem:$0x1F0F8] =	vst v63  }
0x2ec: {  	_ =	swait.ge @!p1 [sflag:s9], $0x10  }
0x2ed: {  	[sflag:s9] =	ssyncset.done @!p1 $0x0  }
0x2ee: {  	[sflag:s9] =	ssyncadd.s32 @!p1 $0xFFFFFFF0  }
0x2ef: {  	v1 =	vld @!p1 [tilespmem:$0x3638];
	_ =	sdelay $0x2  }
0x2f0: {  	s0 =	sshll.u32 @!p1 s11, $0x6  }
0x2f1: {  	s1 =	sshrl.u32 @!p1 s0, $0x2  }
0x2f2: {  	[tilespmem:s1+$0x3678] =	vst.add.f32.msk @!p1 $0xffff, v1  }
0x2f3: {  	s0 =	sshrl.u32 s0, $0x2;
	[tilespmem:s6+$0x3658] =	vst.msk $0x1, v0  }
0x2f4: {  	v0 =	vld [tilespmem:s0+$0x3678];
	_ =	sdelay $0x2  }
0x2f5: {  	s31 =	sshll.u32 s6, $0x6  }
0x2f6: {  	s0 =	sshra.s32 s31, $0x2  }
0x2f7: {  	s6 =	sadd.s32 $0x1, s6;
	[tilespmem:s0+$0x3678] =	vst v0  }
.LBB2_32:
0x2f8: {  	s11 =	sadd.s32 $0x1, s11  }
0x2f9: {  	p1 =	sne.s32 s11, $0x20  }
.Ltmp21:
0x2fa: {  	_ = 	snop;
	(pc) =	sbr.rel @!p1 .LBB2_33-.Ltmp21, $1  }
0x2fb: {  	_ =	sdelay $0x3  }
.LBB2_25:
0x2fc: {  	v0 =	vld.msk [tilespmem:s11+$0x3658], $0x1;
	_ =	sdelay $0x4  }
0x2fd: {  	(v2sf) =	vpush v0, $0x0;
	_ =	sdelay $0xe  }
0x2fe: {  	s12 =	spop (v2sf)  }
0x2ff: {  	p1 =	seq.s32 s12, $0xFFFFFFFF  }
.Ltmp22:
0x300: {  	_ = 	snop;
	(pc) =	sbr.rel @p1 .LBB2_32-.Ltmp22, $1  }
0x301: {  	_ =	sdelay $0x3  }
0x302: {  	p1 =	slt.s32 s6, $0x1  }
.Ltmp23:
0x303: {  	_ = 	snop;
	(pc) =	sbr.rel @p1 .LBB2_30-.Ltmp23, $1  }
0x304: {  	_ =	sdelay $0x3  }
0x305: {  	s13 =	simm.s32 $0x3658;
	p1 =	por $0x0, $0x0  }
0x306: {  	v1 =	vld.msk @!p1 [tilespmem:s13+$0x0], $0x1;
	_ =	sdelay $0x4  }
0x307: {  	(v2sf) =	vpush @!p1 v1, $0x0;
	_ =	sdelay $0xd  }
0x308: {  	p3 =	sne.s32 s6, $0x1  }
.Ltmp24:
0x309: {  	s0 =	spop @!p1 (v2sf);
	(pc) =	sbr.rel @!p3 .LBB2_29-.Ltmp24, $4  }
0x30a: {  	p2 =	seq.s32 @!p1 s12, s0  }
0x30b: {  	s14 =	simm.s32 $0x0;
	p2 =	por !p2, p1  }
0x30c: {  	s0 =	simm.s32 $0xFFFFFFFF;
	s14 =	simm.s32 @p2 $0xFFFFFFFF  }
0x30d: {  	s15 =	simm.s32 $0x1;
	s14 =	smov.u32 @p1 s0  }
.LBB2_28:
0x30e: {  	s0 =	smov.u32 s14;
	p1 =	sne.s32 s14, $0xFFFFFFFF  }
0x30f: {  	s13 =	sadd.s32 $0x1, s13;
	s14 =	smov.u32 s15;
	s15 =	sadd.s32 $0x1, s15  }
0x310: {  	p2 =	sne.s32 s6, s15;
	v1 =	vld.msk @!p1 [tilespmem:s13+$0x0], $0x1;
	_ =	sdelay $0x4  }
0x311: {  	(v2sf) =	vpush @!p1 v1, $0x0;
	_ =	sdelay $0xe  }
.Ltmp25:
0x312: {  	s1 =	spop @!p1 (v2sf);
	(pc) =	sbr.rel @p2 .LBB2_28-.Ltmp25, $4  }
0x313: {  	p3 =	seq.s32 @!p1 s12, s1  }
0x314: {  	p3 =	por !p3, p1  }
0x315: {  	s14 =	simm.s32 @p3 $0xFFFFFFFF  }
0x316: {  	s14 =	smov.u32 @p1 s0  }
.LBB2_29:
0x317: {  	p1 =	sne.s32 s14, $0xFFFFFFFF  }
.Ltmp26:
0x318: {  	_ = 	snop;
	(pc) =	sbr.rel @!p1 .LBB2_30-.Ltmp26, $1  }
0x319: {  	_ =	sdelay $0x3  }
0x31a: {  	s0 =	sshll.u32 s11, $0x4  }
0x31b: {  	s0 =	sand.u32 $0x3FFFFFF0, s0  }
0x31c: {  	v0 =	vld [tilespmem:s0+$0x3678]  }
.Ltmp27:
0x31d: {  	_ = 	snop;
	(pc) =	sbr.rel .LBB2_32-.Ltmp27, $4  }
0x31e: {  	_ = 	snop  }
0x31f: {  	s31 =	sshll.u32 s14, $0x6  }
0x320: {  	s0 =	sshra.s32 s31, $0x2  }
0x321: {  	[tilespmem:s0+$0x3678] =	vst.add.f32.msk $0xffff, v0  }
.LBB2_33:
0x322: {  	s0 =	simm.s32 $0x6;
	p1 =	seq.s32 s6, $0x0  }
0x323: {  	[sflag:s0] =	ssyncpa.u1 $0x1;
	v0 =	vimm.s32 @p1 $0xFFFFFFFF  }
0x324: {  	s9 =	sadd.s32 $0xFFFFFFFF, s6;
	[tilespmem:$0x3878] =	vst @p1 v0  }
0x325: {  	v0 =	vld.msk @!p1 [tilespmem:s9+$0x3658], $0x1;
	_ =	sdelay $0x1  }
0x326: {  	v1 =	vld.msk @!p1 [tilespmem:$0x3658], $0x1;
	_ =	sdelay $0x2  }
0x327: {  	p2 =	seq.s32 @!p1 s9, $0x0;
	v0 =	vbroadcast @!p1 v0, $0x0  }
0x328: {  	vm0 =	vmmov @!p1 $0x1;
	p2 =	por !p2, p1  }
0x329: {  	v1 =	vnsel @!p1 vm0, $0xFFFFFFFF, v1;
	vm0 =	vcmask @!p1 $0x308;
	v0 =	vpsel !p2, $0xFFFFFFFF, v0  }
0x32a: {  	p2 =	sne.s32 @!p1 s8, s7;
	v0 =	vsel @!p1 vm0, v1, v0  }
0x32b: {  	s0 =	simm.s32 @!p1 $0x3678;
	s1 =	simm.s32 @!p1 $0x0;
	p3 =	por !p2, p1;
	[tilespmem:$0x3878] =	vst @!p1 v0  }
0x32c: {  	[spmem:s1] =	stream.linear.scatter @!p1 [tilespmem:s0], [sflag:$0x1], $0x10, $0x38;
	[tilespmem:$0x1F0F8] =	vst v63  }
0x32d: {  	s0 =	sshll.u32 @!p3 s9, $0x6  }
0x32e: {  	s0 =	sshra.s32 @!p3 s0, $0x2  }
0x32f: {  	s1 =	simm.s32 @!p3 $0x10;
	s0 =	sadd.s32 @!p3 $0x3678, s0  }
0x330: {  	[spmem:s1] =	stream.linear.scatter @!p3 [tilespmem:s0], [sflag:$0x1], $0x10, $0x38;
	[tilespmem:$0x1F0F8] =	vst v63  }
0x331: {  	s0 =	simm.s32 @!p3 $0x1  }
0x332: {  	_ =	swait.ge @!p3 [sflag:s0], $0x20  }
0x333: {  	p1 =	por p2, p1;
	[sflag:s0] =	ssyncset.done @!p3 $0x0  }
0x334: {  	[sflag:s0] =	ssyncadd.s32 @!p3 $0xFFFFFFE0;
	s0 =	simm.s32 @!p1 $0x1  }
0x335: {  	_ =	swait.ge @!p1 [sflag:s0], $0x10  }
0x336: {  	s29 =	simm.s32 $0x3878;
	[sflag:s0] =	ssyncset.done @!p1 $0x0  }
0x337: {  	s30 =	simm.s32 $0x200;
	s31 =	simm.s32 $0x1;
	[sflag:s0] =	ssyncadd.s32 @!p1 $0xFFFFFFF0  }
0x338: {  	[spmem:s30] =	stream.linear.scatter [tilespmem:s29], [sflag:$0x1], $0x10, $0x38;
	[tilespmem:$0x1F0F8] =	vst v63  }
0x339: {  	_ =	swait.ge [sflag:s31], $0x10  }
0x33a: {  	[sflag:s31] =	ssyncset.done $0x0  }
0x33b: {  	p1 =	seq.s32 s17, $0x0;
	s8 =	rddreg [dreg:$0x1];
	[sflag:s31] =	ssyncadd.s32 $0xFFFFFFF0  }
0x33c: {  	s1 =	sshll.u32 @p1 s8, $0xE;
	s7 =	rddreg [dreg:$0x2]  }
0x33d: {  	s0 =	sadd.s32 @p1 $0x15C3C, s1;
	s1 =	sshll.u32 @p1 s7, $0x11  }
0x33e: {  	_ =	sfence.stream.spmem;
	s0 =	sor.u32 @p1 s1, s0  }
0x33f: {  	[sflag:s0] =	ssyncadd.remote.s32 @p1 $0x1;
	s0 =	simm.s32 @p1 $0x4  }
0x340: {  	s2 =	simm.s32 @!p1 $0x3C;
	s1 =	sand.u32 $0xFFFFFFFE, s8;
	_ =	swait.ge @p1 [sflag:s0], $0x6  }
0x341: {  	s4 =	simm.s32 @!p1 $0x0;
	s1 =	sadd.s32 @!p1 $0x4, s1;
	[sflag:s0] =	ssyncset.done @p1 $0x0  }
0x342: {  	s5 =	simm.s32 @!p1 $0x20;
	[sflag:s0] =	ssyncadd.s32 @p1 $0xFFFFFFFA;
	s0 =	sshll.u32 @!p1 s1, $0x1A  }
0x343: {  	s1 =	sshll.u32 @!p1 s1, $0xD;
	s0 =	sor.u32 @!p1 s0, s7;
	_ =	swait.eq @!p1 [sflag:s2], $0x1  }
0x344: {  	s1 =	sor.u32 @!p1 $0x1C04, s1;
	s2 =	simm.s32 @!p1 $0x1C03;
	s0 =	sor.u32 @!p1 $0x80004000, s0  }
0x345: {  	[spmem:s5], [sflag:s1] =	dma.general @!p1 [spmem:s4], [sflag:s2], length:$0x4, [dreg:$0x0], stride_count:$0x0, ici_dest:s0, dma_misc:DstOpCode:WRITE  }
0x346: {  	p2 =	slt.s32 s9, $0x2;
	s4 =	simm.s32 @!p1 $0x40;
	s5 =	simm.s32 @!p1 $0x42  }
0x347: {  	[spmem:s5], [sflag:s1] =	dma.general @!p1 [spmem:s4], [sflag:s2], length:$0x2, [dreg:$0x0], stride_count:$0x0, ici_dest:s0, dma_misc:DstOpCode:WRITE  }
.Ltmp28:
0x348: {  	s0 =	simm.s32 @!p1 $0x3;
	(pc) =	sbr.rel @p2 .LBB2_37-.Ltmp28, $4  }
0x349: {  	s1 =	sshll.u32 @!p1 s8, $0xE;
	_ =	swait.ge @!p1 [sflag:s0], $0x6  }
0x34a: {  	s2 =	sshll.u32 @!p1 s7, $0x11;
	s1 =	sadd.s32 @!p1 $0x11C3C, s1;
	[sflag:s0] =	ssyncset.done @!p1 $0x0  }
0x34b: {  	[sflag:s0] =	ssyncadd.s32 @!p1 $0xFFFFFFFA;
	s0 =	sor.u32 @!p1 s2, s1  }
0x34c: {  	[sflag:s0] =	ssyncadd.remote.s32 @!p1 $0xFFFFFFFF;
	s0 =	simm.s32 $0x0  }
0x34d: {  	s0 =	simm.s32 $0x3659  }
0x34e: {  	v0 =	vld.msk [tilespmem:s0+$0x0], $0x1;
	_ =	sdelay $0x4  }
0x34f: {  	(v2sf) =	vpush v0, $0x0;
	_ =	sdelay $0xd  }
0x350: {  	s2 =	sadd.s32 $0xFFFFFFFE, s6  }
0x351: {  	s2 =	sadd.s32 $0xFFFFFFFF, s2;
	s0 =	spop (v2sf)  }
0x352: {  	p2 =	sne.s32 s2, $0x0;
	p1 =	sgt.u32 s0, $0x1116FE  }
.Ltmp29:
0x353: {  	s4 =	sand.u32 @!p1 $0x1FFFF8, s0;
	(pc) =	sbr.rel @!p2 .LBB2_36-.Ltmp29, $4  }
0x354: {  	s1 =	simm.s32 $0x3688;
	s0 =	sand.u32 @!p1 $0x7, s0;
	s4 =	sadd.s32 @!p1 s3, s4  }
0x355: {  	[hbm4b:s4+s0] =	stream.linear.scatter @!p1 [tilespmem:s1], [sflag:$0x5], $0x10, $0x38;
	[tilespmem:$0x1F0F8] =	vst v63  }
0x356: {  	s0 =	simm.s32 $0x0  }
0x357: {  	s6 =	simm.s32 $0x0;
	s7 =	simm.s32 $0x365A;
	s0 =	simm.s32 @!p1 $0x40  }
.LBB2_35:
0x358: {  	v0 =	vld.msk [tilespmem:s7+$0x0], $0x1;
	s2 =	sadd.s32 $0xFFFFFFFF, s2;
	s6 =	sadd.s32 s6, s0  }
0x359: {  	p1 =	sne.s32 s2, $0x0;
	_ =	sdelay $0x3  }
0x35a: {  	(v2sf) =	vpush v0, $0x0;
	_ =	sdelay $0xe  }
.Ltmp30:
0x35b: {  	s4 =	spop (v2sf);
	(pc) =	sbr.rel @p1 .LBB2_35-.Ltmp30, $4  }
0x35c: {  	s0 =	simm.s32 $0x0;
	p2 =	sgt.u32 s4, $0x1116FE  }
0x35d: {  	s1 =	sadd.s32 $0x10, s1;
	s0 =	simm.s32 @!p2 $0x40;
	s5 =	sand.u32 @!p2 $0x1FFFF8, s4  }
0x35e: {  	s7 =	sadd.s32 $0x1, s7;
	s4 =	sand.u32 @!p2 $0x7, s4;
	s5 =	sadd.s32 @!p2 s3, s5  }
0x35f: {  	[hbm4b:s5+s4] =	stream.linear.scatter @!p2 [tilespmem:s1], [sflag:$0x5], $0x10, $0x38;
	[tilespmem:$0x1F0F8] =	vst v63  }
.LBB2_36:
0x360: {  	s0 =	sadd.s32 s6, s0  }
0x361: {  	s0 =	sshrl.u32 s0, $0x2  }
.LBB2_37:
0x362: {  	s1 =	simm.s32 $0x5  }
0x363: {  	_ =	swait.ge [sflag:s1], s0  }
0x364: {  	s31 =	ssub.s32 $0x0, s0;
	[sflag:s1] =	ssyncset.done $0x0  }
0x365: {  	[sflag:s1] =	ssyncadd.s32 s31  }
0x366: {  	[sflag:s1] =	ssyncpa.u1 $0x1  }
.LBB2_38:
0x367: {  	s0 =	sor.u32 s17, s16  }
0x368: {  	p1 =	sne.s32 s0, $0x0  }
.Ltmp31:
0x369: {  	_ = 	snop;
	(pc) =	sbr.rel @p1 .LBB2_53-.Ltmp31, $3  }
0x36a: {  	_ =	sdelay $0x1  }
0x36b: {  	[bflag:$0x0] =	sbarrier.arrive $0xFFFF  }
0x36c: {  	_ =	sfence  }
0x36d: {  	s0 =	simm.s32 $0x7  }
0x36e: {  	s1 =	simm.s32 $0x200;
	s2 =	simm.s32 $0x3658;
	[sflag:s0] =	ssyncpa.u1 $0x0  }
0x36f: {  	[tilespmem:s2], [sflag:$0x7] =	stream.linear.gather [spmem:s1], $0x20, $0x38;
	[tilespmem:$0x1F0F8] =	vst v63  }
0x370: {  	s30 =	simm.s32 $0x3678;
	s1 =	simm.s32 $0x0  }
0x371: {  	[tilespmem:s30], [sflag:$0x7] =	stream.linear.gather [spmem:s1], $0x200, $0x38;
	[tilespmem:$0x1F0F8] =	vst v63  }
.Ltmp32:
0x372: {  	_ = 	snop;
	(pc) =	sbr.rel .LBB2_40-.Ltmp32, $4  }
0x373: {  	_ =	swait.ge [sflag:s0], $0x220  }
0x374: {  	[sflag:s0] =	ssyncset.done $0x0  }
0x375: {  	s31 =	simm.s32 $0x8;
	[sflag:s0] =	ssyncadd.s32 $0xFFFFFDE0  }
0x376: {  	s2 =	simm.s32 $0x0;
	[sflag:s31] =	ssyncpa.u1 $0x0  }
.LBB2_45:
0x377: {  	p1 =	slt.u32 s4, $0x1116FF  }
0x378: {  	s0 =	sand.u32 @p1 $0x1FFFF8, s4  }
0x379: {  	s4 =	sand.u32 @p1 $0x7, s4;
	s5 =	simm.s32 @p1 $0x3638;
	s0 =	sadd.s32 @p1 s3, s0  }
0x37a: {  	[tilespmem:s5], [sflag:$0x8] =	stream.linear.gather @p1 [hbm4b:s0+s4], $0x10, $0x38;
	[tilespmem:$0x1F0F8] =	vst v63  }
0x37b: {  	s0 =	simm.s32 @p1 $0x8  }
0x37c: {  	_ =	swait.ge @p1 [sflag:s0], $0x10  }
0x37d: {  	[sflag:s0] =	ssyncset.done @p1 $0x0  }
0x37e: {  	[sflag:s0] =	ssyncadd.s32 @p1 $0xFFFFFFF0  }
0x37f: {  	v1 =	vld @p1 [tilespmem:$0x3638];
	_ =	sdelay $0x2  }
0x380: {  	s0 =	sshll.u32 @p1 s2, $0x6  }
0x381: {  	s5 =	sshll.u32 @!p1 s2, $0x6;
	s4 =	sshrl.u32 @p1 s0, $0x2  }
0x382: {  	s5 =	smov.u32 @p1 s0;
	[tilespmem:s4+$0x3678] =	vst.add.f32.msk @p1 $0xffff, v1  }
0x383: {  	s0 =	sshrl.u32 s5, $0x2;
	[tilespmem:s1+$0x3658] =	vst.msk $0x1, v0  }
0x384: {  	v0 =	vld [tilespmem:s0+$0x3678];
	_ =	sdelay $0x2  }
0x385: {  	s31 =	sshll.u32 s1, $0x6  }
0x386: {  	s0 =	sshra.s32 s31, $0x2  }
0x387: {  	s1 =	sadd.s32 $0x1, s1;
	[tilespmem:s0+$0x3678] =	vst v0  }
.LBB2_47:
0x388: {  	s2 =	sadd.s32 $0x1, s2  }
0x389: {  	p1 =	sne.s32 s2, $0x20  }
.Ltmp33:
0x38a: {  	_ = 	snop;
	(pc) =	sbr.rel @!p1 .LBB2_48-.Ltmp33, $1  }
0x38b: {  	_ =	sdelay $0x3  }
.LBB2_40:
0x38c: {  	v0 =	vld.msk [tilespmem:s2+$0x3658], $0x1;
	_ =	sdelay $0x4  }
0x38d: {  	(v2sf) =	vpush v0, $0x0;
	_ =	sdelay $0xe  }
0x38e: {  	s4 =	spop (v2sf)  }
0x38f: {  	p1 =	seq.s32 s4, $0xFFFFFFFF  }
.Ltmp34:
0x390: {  	_ = 	snop;
	(pc) =	sbr.rel @p1 .LBB2_47-.Ltmp34, $1  }
0x391: {  	_ =	sdelay $0x3  }
0x392: {  	p1 =	slt.s32 s1, $0x1  }
.Ltmp35:
0x393: {  	_ = 	snop;
	(pc) =	sbr.rel @p1 .LBB2_45-.Ltmp35, $1  }
0x394: {  	_ =	sdelay $0x3  }
0x395: {  	s5 =	simm.s32 $0x3658;
	p1 =	por $0x0, $0x0  }
0x396: {  	v1 =	vld.msk @!p1 [tilespmem:s5+$0x0], $0x1;
	_ =	sdelay $0x4  }
0x397: {  	(v2sf) =	vpush @!p1 v1, $0x0;
	_ =	sdelay $0xd  }
0x398: {  	p3 =	sne.s32 s1, $0x1  }
.Ltmp36:
0x399: {  	s0 =	spop @!p1 (v2sf);
	(pc) =	sbr.rel @!p3 .LBB2_44-.Ltmp36, $4  }
0x39a: {  	p2 =	seq.s32 @!p1 s4, s0  }
0x39b: {  	s6 =	simm.s32 $0x0;
	p2 =	por !p2, p1  }
0x39c: {  	s0 =	simm.s32 $0xFFFFFFFF;
	s6 =	simm.s32 @p2 $0xFFFFFFFF  }
0x39d: {  	s7 =	simm.s32 $0x1;
	s6 =	smov.u32 @p1 s0  }
.LBB2_43:
0x39e: {  	s0 =	smov.u32 s6;
	p1 =	sne.s32 s6, $0xFFFFFFFF  }
0x39f: {  	s5 =	sadd.s32 $0x1, s5;
	s6 =	smov.u32 s7;
	s7 =	sadd.s32 $0x1, s7  }
0x3a0: {  	p2 =	sne.s32 s1, s7;
	v1 =	vld.msk @!p1 [tilespmem:s5+$0x0], $0x1;
	_ =	sdelay $0x4  }
0x3a1: {  	(v2sf) =	vpush @!p1 v1, $0x0;
	_ =	sdelay $0xe  }
.Ltmp37:
0x3a2: {  	s8 =	spop @!p1 (v2sf);
	(pc) =	sbr.rel @p2 .LBB2_43-.Ltmp37, $4  }
0x3a3: {  	p3 =	seq.s32 @!p1 s4, s8  }
0x3a4: {  	p3 =	por !p3, p1  }
0x3a5: {  	s6 =	simm.s32 @p3 $0xFFFFFFFF  }
0x3a6: {  	s6 =	smov.u32 @p1 s0  }
.LBB2_44:
0x3a7: {  	p1 =	sne.s32 s6, $0xFFFFFFFF  }
.Ltmp38:
0x3a8: {  	_ = 	snop;
	(pc) =	sbr.rel @!p1 .LBB2_45-.Ltmp38, $1  }
0x3a9: {  	_ =	sdelay $0x3  }
0x3aa: {  	s0 =	sshll.u32 s2, $0x4  }
0x3ab: {  	s0 =	sand.u32 $0x3FFFFFF0, s0  }
0x3ac: {  	v0 =	vld [tilespmem:s0+$0x3678]  }
.Ltmp39:
0x3ad: {  	_ = 	snop;
	(pc) =	sbr.rel .LBB2_47-.Ltmp39, $4  }
0x3ae: {  	_ = 	snop  }
0x3af: {  	s31 =	sshll.u32 s6, $0x6  }
0x3b0: {  	s0 =	sshra.s32 s31, $0x2  }
0x3b1: {  	[tilespmem:s0+$0x3678] =	vst.add.f32.msk $0xffff, v0  }
.LBB2_48:
0x3b2: {  	p1 =	slt.s32 s1, $0x1  }
.Ltmp40:
0x3b3: {  	_ = 	snop;
	(pc) =	sbr.rel @p1 .LBB2_52-.Ltmp40, $3  }
0x3b4: {  	_ =	sdelay $0x1  }
0x3b5: {  	s0 =	simm.s32 $0x8  }
0x3b6: {  	s2 =	simm.s32 $0x0;
	[sflag:s0] =	ssyncpa.u1 $0x1  }
0x3b7: {  	s0 =	simm.s32 $0x3658  }
0x3b8: {  	v0 =	vld.msk [tilespmem:s0+$0x0], $0x1;
	_ =	sdelay $0x4  }
0x3b9: {  	(v2sf) =	vpush v0, $0x0;
	_ =	sdelay $0xe  }
0x3ba: {  	s1 =	sadd.s32 $0xFFFFFFFF, s1;
	s0 =	spop (v2sf)  }
0x3bb: {  	p2 =	sne.s32 s1, $0x0;
	p1 =	sgt.u32 s0, $0x1116FE  }
.Ltmp41:
0x3bc: {  	s5 =	sand.u32 @!p1 $0x1FFFF8, s0;
	(pc) =	sbr.rel @!p2 .LBB2_51-.Ltmp41, $4  }
0x3bd: {  	s4 =	simm.s32 $0x3678;
	s0 =	sand.u32 @!p1 $0x7, s0;
	s5 =	sadd.s32 @!p1 s3, s5  }
0x3be: {  	[hbm4b:s5+s0] =	stream.linear.scatter @!p1 [tilespmem:s4], [sflag:$0x7], $0x10, $0x38;
	[tilespmem:$0x1F0F8] =	vst v63  }
0x3bf: {  	s0 =	simm.s32 $0x0  }
0x3c0: {  	s5 =	simm.s32 $0x3659;
	s0 =	simm.s32 @!p1 $0x40  }
.LBB2_50:
0x3c1: {  	v0 =	vld.msk [tilespmem:s5+$0x0], $0x1;
	s1 =	sadd.s32 $0xFFFFFFFF, s1;
	s2 =	sadd.s32 s2, s0  }
0x3c2: {  	p1 =	sne.s32 s1, $0x0;
	_ =	sdelay $0x3  }
0x3c3: {  	(v2sf) =	vpush v0, $0x0;
	_ =	sdelay $0xe  }
.Ltmp42:
0x3c4: {  	s6 =	spop (v2sf);
	(pc) =	sbr.rel @p1 .LBB2_50-.Ltmp42, $4  }
0x3c5: {  	s0 =	simm.s32 $0x0;
	p2 =	sgt.u32 s6, $0x1116FE  }
0x3c6: {  	s4 =	sadd.s32 $0x10, s4;
	s0 =	simm.s32 @!p2 $0x40;
	s7 =	sand.u32 @!p2 $0x1FFFF8, s6  }
0x3c7: {  	s5 =	sadd.s32 $0x1, s5;
	s6 =	sand.u32 @!p2 $0x7, s6;
	s7 =	sadd.s32 @!p2 s3, s7  }
0x3c8: {  	[hbm4b:s7+s6] =	stream.linear.scatter @!p2 [tilespmem:s4], [sflag:$0x7], $0x10, $0x38;
	[tilespmem:$0x1F0F8] =	vst v63  }
.LBB2_51:
0x3c9: {  	s0 =	sadd.s32 s2, s0  }
0x3ca: {  	s2 =	sshrl.u32 s0, $0x2  }
.LBB2_52:
0x3cb: {  	s0 =	simm.s32 $0x7  }
0x3cc: {  	_ =	swait.ge [sflag:s0], s2  }
0x3cd: {  	s1 =	ssub.s32 $0x0, s2;
	[sflag:s0] =	ssyncset.done $0x0  }
0x3ce: {  	[sflag:s0] =	ssyncadd.s32 s1  }
0x3cf: {  	[sflag:s0] =	ssyncpa.u1 $0x1  }
.LBB2_53:
0x3d0: {  	_ =	sfence;
	s0 =	simm.s32 $0x1  }
0x3d1: {  	[sflag:s0] =	ssyncpa.u1 $0x1  }
0x3d2: {  	_ =	strace $0x90000050  }
0x3d3: {  	[bflag:$0x2] =	sbarrier.arrive $0xFFFF  }
0x3d4: {  	s0 =	rddreg [dreg:$0x3]  }
0x3d5: {  	s0 =	sadd.s32 @!p0 $0x100000, s0  }
0x3d6: {  	[sflag:s0] =	ssyncadd.tile.s32 @!p0 $0x1;
	_ =	shalt  }
.Lfunc_end2:
_tile_overlayer_lowered:
.L_overlay_start_2:
0x3d7: {  	(tag) =	ssettag $0x2  }
0x3d8: {  	s0 =	rddreg [dreg:$0x0];
	s2 =	stileid.u32  }
0x3d9: {  	s1 =	rddreg [dreg:$0x1];
	p0 =	sne.s32 s2, $0x0  }
0x3da: {  	s3 =	rddreg [dreg:$0x2];
	[bflag:$0x3] =	sbarrier.arrive $0xFFFF;
	s2 =	simm.s32 @!p0 $0x1C01  }
0x3db: {  	[timem:s3], [sflag:s2] =	dma.local @!p0 [hbm:s0], s1  }
0x3dc: {  	s0 =	simm.s32 @!p0 $0x1  }
0x3dd: {  	_ =	swait.ge @!p0 [sflag:s0], s1  }
0x3de: {  	s1 =	ssub.s32 @!p0 $0x0, s1;
	[sflag:s0] =	ssyncset.done @!p0 $0x0  }
0x3df: {  	[sflag:s0] =	ssyncadd.s32 @!p0 s1  }
0x3e0: {  	[bflag:$0x3] =	sbarrier.arrive $0xFFFF  }
0x3e1: {  	_ =	shalt  }

// kernel: scatter_offload_async_start.2
scs
__scs_entry_jumppad:
0x0: {  	(pc) =	sbr.rel $0x88, $3  }
0x1: {  	(tag) =	ssettag $0x0;
	lr =	simm.s32 $0x1  }
0x2: {  	[smem:$0x3F9D] =	sst lr;
	_ =	strace $0xD0000000  }
0x3: {  	_ = 	snop  }
0x4: {  	_ = 	snop  }
0x5: {  	_ = 	snop  }
0x6: {  	_ = 	snop  }
0x7: {  	_ = 	snop  }
__scs_overlays_trampoline_lowered:
0x8: {  	[smem:$0x3FAC] =	sst s0  }
0x9: {  	[smem:$0x3FAD] =	sst s1  }
0xa: {  	[smem:$0x3FAE] =	sst s2  }
0xb: {  	[smem:$0x3FAF] =	sst s3  }
0xc: {  	[smem:$0x3FB0] =	sst s4  }
0xd: {  	[smem:$0x3FB1] =	sst s5  }
0xe: {  	[smem:$0x3FB2] =	sst s6  }
0xf: {  	[smem:$0x3FB3] =	sst s7  }
0x10: {  	[smem:$0x3FB4] =	sst s8  }
0x11: {  	[smem:$0x3FB5] =	sst s9;
	s0 =	simm.s32 @!p0 $0x0  }
0x12: {  	s1 =	sld [smem:$0x3F9B];
	s0 =	simm.s32 @p0 $0x1  }
0x13: {  	[smem:$0x3FB6] =	sst s0;
	s0 =	simm.s32 @!p1 $0x0  }
0x14: {  	s2 =	sld [smem:$0x3F9A];
	s0 =	simm.s32 @p1 $0x1  }
0x15: {  	[smem:$0x3FB7] =	sst s0;
	s0 =	simm.s32 @!p2 $0x0  }
0x16: {  	s3 =	sld [smem:$0x3FDB];
	s0 =	simm.s32 @p2 $0x1  }
0x17: {  	s4 =	simm.s32 $0x1BF5;
	[smem:$0x3FB9] =	sst s0  }
0x18: {  	s0 =	sld [smem:$0x3F9C];
	_ =	swait.ge [sflag:s4], $0x0  }
0x19: {  	s7 =	sld [smem:$0x3F9D]  }
0x1a: {  	s8 =	sadd.s32 $0xFFFFE003, lr  }
0x1b: {  	s9 =	sadd.s32 $0xFFFFFEF7, lr;
	s5 =	simm.s32 $0xFFFFFFFF;
	p2 =	slt.u32 s8, $0xFFFFF086  }
0x1c: {  	p1 =	slt.u32 s9, $0xF7A;
	s5 =	simm.s32 @!p2 $0x0  }
0x1d: {  	s5 =	simm.s32 @p1 $0x1;
	p0 =	seq.s32 s7, s2  }
0x1e: {  	s7 =	smul.u32 @!p0 $0xF7A, s2;
	p2 =	seq.s32 @!p0 s5, $0x0  }
0x1f: {  	s9 =	smul.u32 $0xF7A, s1;
	s8 =	simm.s32 @!p0 $0x1BF5;
	p2 =	por !p2, p0  }
0x20: {  	[sflag:s8] =	ssyncset.s32 @!p0 $0xFFFFF086;
	s6 =	sadd.s32 @!p0 s3, s7;
	s7 =	simm.s32 @!p0 $0x108  }
0x21: {  	s3 =	sadd.s32 s3, s9;
	s6 =	sadd.s32 @!p0 $0x88, s6;
	s7 =	simm.s32 @p2 $0x1082  }
0x22: {  	[simem:s7], [sflag:s8] =	dma.local @!p0 [hbm:s6], $0xF7A  }
0x23: {  	s9 =	sor.u32 $0xD0000000, s2;
	s6 =	simm.s32 $0x108;
	_ =	swait.ge @!p0 [sflag:s8], $0x0  }
0x24: {  	s3 =	sadd.s32 $0x88, s3;
	s6 =	simm.s32 @!p1 $0x1082;
	[sflag:s4] =	ssyncset.s32 $0xFFFFF086  }
0x25: {  	[simem:s6], [sflag:s4] =	dma.local [hbm:s3], $0xF7A  }
0x26: {  	[smem:$0x3F9D] =	sst s1;
	(tag) =	ssettag s2;
	_ =	strace s9  }
0x27: {  	s1 =	sld [smem:$0x3FAD]  }
0x28: {  	s2 =	sld [smem:$0x3FAE]  }
0x29: {  	s4 =	sld [smem:$0x3FB0]  }
0x2a: {  	p0 =	seq.s32 s5, $0x0;
	s5 =	sld [smem:$0x3FB1]  }
0x2b: {  	s6 =	sld [smem:$0x3FB2]  }
0x2c: {  	s7 =	sld [smem:$0x3FB3]  }
0x2d: {  	s3 =	simm.s32 $0x108;
	s8 =	sld [smem:$0x3FB4]  }
0x2e: {  	s3 =	simm.s32 @!p0 $0x1082;
	s9 =	sld [smem:$0x3FB5]  }
0x2f: {  	lr =	sadd.s32 s0, s3;
	s0 =	sld [smem:$0x3FAC]  }
0x30: {  	s3 =	sld [smem:$0x3FAF]  }
0x31: {  	[smem:$0x3FB8] =	sst s10  }
0x32: {  	s10 =	sld [smem:$0x3FB6];
	_ =	sdelay $0x3  }
0x33: {  	p0 =	seq.s32 s10, $0x1;
	s10 =	sld [smem:$0x3FB8];
	_ =	sdelay $0x3  }
0x34: {  	[smem:$0x3FB8] =	sst s10  }
0x35: {  	s10 =	sld [smem:$0x3FB7];
	_ =	sdelay $0x3  }
0x36: {  	p1 =	seq.s32 s10, $0x1;
	s10 =	sld [smem:$0x3FB8];
	_ =	sdelay $0x3  }
0x37: {  	[smem:$0x3FB8] =	sst s10  }
0x38: {  	s10 =	sld [smem:$0x3FB9]  }
0x39: {  	_ = 	snop;
	(pc) =	sbr.ind lr, $3  }
0x3a: {  	_ = 	snop  }
0x3b: {  	_ = 	snop  }
0x3c: {  	p2 =	seq.s32 s10, $0x1;
	s10 =	sld [smem:$0x3FB8]  }
0x3d: {  	_ =	shalt  }
0x3e: {  	_ =	shalt  }
0x3f: {  	_ =	shalt  }
0x40: {  	_ =	shalt  }
0x41: {  	_ =	shalt  }
0x42: {  	_ =	shalt  }
0x43: {  	_ =	shalt  }
0x44: {  	_ =	shalt  }
0x45: {  	_ =	shalt  }
0x46: {  	_ =	shalt  }
0x47: {  	_ =	shalt  }
0x48: {  	_ =	shalt  }
0x49: {  	_ =	shalt  }
0x4a: {  	_ =	shalt  }
0x4b: {  	_ =	shalt  }
0x4c: {  	_ =	shalt  }
0x4d: {  	_ =	shalt  }
0x4e: {  	_ =	shalt  }
0x4f: {  	_ =	shalt  }
0x50: {  	_ =	shalt  }
0x51: {  	_ =	shalt  }
0x52: {  	_ =	shalt  }
0x53: {  	_ =	shalt  }
0x54: {  	_ =	shalt  }
0x55: {  	_ =	shalt  }
0x56: {  	_ =	shalt  }
0x57: {  	_ =	shalt  }
0x58: {  	_ =	shalt  }
0x59: {  	_ =	shalt  }
0x5a: {  	_ =	shalt  }
0x5b: {  	_ =	shalt  }
0x5c: {  	_ =	shalt  }
0x5d: {  	_ =	shalt  }
0x5e: {  	_ =	shalt  }
0x5f: {  	_ =	shalt  }
0x60: {  	_ =	shalt  }
0x61: {  	_ =	shalt  }
0x62: {  	_ =	shalt  }
0x63: {  	_ =	shalt  }
0x64: {  	_ =	shalt  }
0x65: {  	_ =	shalt  }
0x66: {  	_ =	shalt  }
0x67: {  	_ =	shalt  }
0x68: {  	_ =	shalt  }
0x69: {  	_ =	shalt  }
0x6a: {  	_ =	shalt  }
0x6b: {  	_ =	shalt  }
0x6c: {  	_ =	shalt  }
0x6d: {  	_ =	shalt  }
0x6e: {  	_ =	shalt  }
0x6f: {  	_ =	shalt  }
0x70: {  	_ =	shalt  }
0x71: {  	_ =	shalt  }
0x72: {  	_ =	shalt  }
0x73: {  	_ =	shalt  }
0x74: {  	_ =	shalt  }
0x75: {  	_ =	shalt  }
0x76: {  	_ =	shalt  }
0x77: {  	_ =	shalt  }
0x78: {  	_ =	shalt  }
0x79: {  	_ =	shalt  }
0x7a: {  	_ =	shalt  }
0x7b: {  	_ =	shalt  }
0x7c: {  	_ =	shalt  }
0x7d: {  	_ =	shalt  }
0x7e: {  	_ =	shalt  }
0x7f: {  	_ =	shalt  }
0x80: {  	_ =	shalt  }
0x81: {  	_ =	shalt  }
0x82: {  	_ =	shalt  }
0x83: {  	_ =	shalt  }
0x84: {  	_ =	shalt  }
0x85: {  	_ =	shalt  }
0x86: {  	_ =	shalt  }
0x87: {  	_ =	shalt  }
.Lfunc_end0:
.L_simem_size_0:
called_computation.2_lowered:
.L_overlay_start_0:
0x88: {  	s0 =	sld [smem:$0x3FD9]  }
0x89: {  	s1 =	sld [smem:$0x3FFE];
	_ =	sdelay $0x3  }
0x8a: {  	s0 =	sadd.s32 s1, s0  }
0x8b: {  	[smem:$0x3FC4] =	sst s0  }
0x8c: {  	_ = 	snop  }
0x8d: {  	s0 =	sld [smem:$0x3FD0];
	_ =	sdelay $0x2  }
0x8e: {  	s13 =	simm.s32 $0xC;
	s2 =	simm.s32 $0x10  }
0x8f: {  	[smem:s2], [sflag:s13] =	dma.local [hbm:s0], $0x1  }
0x90: {  	_ =	swait.eq [sflag:s13], $0x1  }
0x91: {  	[sflag:s13] =	ssyncset.done $0x0  }
0x92: {  	[sflag:s13] =	ssyncadd.s32 $0xFFFFFFFF  }
0x93: {  	s14 =	sld [smem:$0x10];
	(tm) =	ssettm $0x1  }
0x94: {  	s15 =	sld [smem:$0x3FFB];
	_ =	sdelay $0x3  }
0x95: {  	_ =	strace s15  }
0x96: {  	s1 =	sld [smem:$0x3FFC];
	_ =	sdelay $0x3  }
0x97: {  	_ =	strace s1  }
0x98: {  	s1 =	sld [smem:$0x3FFD];
	_ =	sdelay $0x3  }
0x99: {  	_ =	strace s1  }
0x9a: {  	_ =	strace $0x8FFFFFFF  }
0x9b: {  	s16 =	sld [smem:$0x3FDB];
	_ =	sdelay $0x1  }
0x9c: {  	s17 =	simm.s32 $_scs_section_size  }
0x9d: {  	s3 =	simm.s32 $_size__tile_overlayer_lowered;
	s4 =	simm.s32 $_tile_overlayer_lowered  }
0x9e: {  	s20 =	simm.s32 $0x1BFF;
	s19 =	sshll.u32 s4, $0x1;
	s1 =	sadd.s32 s17, s16  }
0x9f: {  	s5 =	simm.s32 $0x0;
	s18 =	sshll.u32 s3, $0x1;
	s3 =	sadd.s32 s19, s1  }
0xa0: {  	[timem:s5], [sflag:s20] =	dma.local [hbm:s3], s18  }
0xa1: {  	_ =	swait.ge [sflag:s20], s18  }
0xa2: {  	s2 =	ssub.s32 $0x0, s18;
	[sflag:s20] =	ssyncset.done $0x0  }
0xa3: {  	[sflag:s20] =	ssyncadd.s32 s2;
	_ =	sdelay $0x1  }
0xa4: {  	s21 =	simm.s32 $0x1B8B  }
0xa5: {  	_ =	swait.ge [sflag:s21], $0x1  }
0xa6: {  	[sflag:s21] =	ssyncset.done $0x0  }
0xa7: {  	s23 =	simm.s32 $0x1B8E;
	s22 =	sld [smem:$0x3FFE];
	[sflag:s21] =	ssyncadd.s32 $0xFFFFFFFF  }
0xa8: {  	s24 =	simm.s32 $execute0_lowered;
	[smem:$0x3FD2] =	sst s23  }
0xa9: {  	s3 =	sshll.u32 s24, $0x1;
	_ =	strace $0x8000004C;
	[dreg:$0x1] =	wrdreg $0xFFFFFFFF  }
0xaa: {  	s25 =	simm.s32 $_size_execute0_lowered;
	s1 =	sadd.s32 s1, s3;
	[dreg:$0x0] =	wrdreg $0x0  }
0xab: {  	s3 =	sshll.u32 s25, $0x1;
	[dreg:$0x2] =	wrdreg s1  }
0xac: {  	[dreg:$0x3] =	wrdreg s3  }
0xad: {  	[dreg:$0x4] =	wrdreg $0xC0  }
0xae: {  	_ =	task [dreg:s5], $0x5FFFF  }
0xaf: {  	[dreg:$0x1] =	wrdreg $0xFFFFFFFF  }
0xb0: {  	[dreg:$0x0] =	wrdreg $0x60  }
0xb1: {  	[dreg:$0x2] =	wrdreg s14  }
0xb2: {  	[dreg:$0x3] =	wrdreg s22  }
0xb3: {  	[dreg:$0x4] =	wrdreg $0xA  }
0xb4: {  	_ =	task.clear_ibuf [dreg:s5], $0x5FFFF;
	_ =	strace $0x9000004C  }
0xb5: {  	s26 =	simm.s32 $0xA;
	_ =	strace $0x8000004E  }
0xb6: {  	_ =	swait.ge [sflag:s26], $0x1  }
0xb7: {  	[sflag:s26] =	ssyncadd.s32 $0xFFFFFFFF  }
0xb8: {  	_ =	strace $0x9000004E  }
0xb9: {  	_ =	sfence  }
0xba: {  	s28 =	sld [smem:$0x0];
	_ =	sdelay $0x1  }
0xbb: {  	s29 =	srdreg.scid  }
0xbc: {  	s30 =	sshll.u32 s29, $0xD;
	s31 =	sshrl.u32 s29, $0x2  }
0xbd: {  	s2 =	sand.u32 $0x4000, s30;
	s1 =	sand.u32 $0x1, s29;
	s0 =	sadd.s32 s31, s28  }
0xbe: {  	s1 =	sor.u32 s2, s1;
	s0 =	sshll.u32 s0, $0x11  }
0xbf: {  	s0 =	sor.u32 s0, s1  }
0xc0: {  	s0 =	sadd.s32 $0x8F2B, s0  }
0xc1: {  	[sflag:s0] =	ssyncadd.remote.s32 $0x1  }
0xc2: {  	_ =	sfence.sel $0xFFFF  }
0xc3: {  	[dreg:$0x0] =	wrdreg $0xFFFFFFFF;
	(pc) =	sbr.abs _section_cstart, $3  }
0xc4: {  	[dreg:$0x1] =	wrdreg $0xFFFFFFFF  }
0xc5: {  	_ =	task.clear_ibuf [dreg:s5], $0x2FFFF;
	_ =	strace $0x9FFFFFFF  }
0xc6: {  	(tm) =	ssettm $0x7FFFFFFF  }
0xc7: {  	_ =	shalt  }
tec
execute0_lowered:
.L_overlay_start_1:
0x0: {  	(tag) =	ssettag $0x1  }
0x1: {  	s1 =	rddreg [dreg:$0x0]  }
0x2: {  	s0 =	rddreg [dreg:$0x1];
	_ =	strace $0x8000004D;
	s15 =	stileid.u32  }
0x3: {  	s2 =	simm.s32 $0x1;
	s4 =	smin.u32 s15, $0x8;
	s3 =	sshll.u32 s15, $0x1  }
0x4: {  	v1 =	vimm.s32 $0xFFFFFFFF;
	[sflag:s2] =	ssyncpa.u1 $0x0;
	s4 =	sadd.s32 s4, s3  }
0x5: {  	s5 =	simm.s32 $0x5DC0;
	p0 =	slt.u32 s15, $0x8;
	[tilespmem:$0x10] =	vst v1;
	s4 =	smul.u32 $0x1F40, s4  }
0x6: {  	v0 =	vimm.s32 $0x7FFFFFFF;
	[tilespmem:$0x20] =	vst v1;
	s5 =	simm.s32 @!p0 $0x3E80  }
0x7: {  	[tilespmem:$0x30] =	vst v0;
	s5 =	sadd.s32 s5, s4  }
0x8: {  	[tilespmem:$0x40] =	vst v0;
	s5 =	smin.u32 s5, $0x4E200  }
0x9: {  	s7 =	simm.s32 $0x2;
	s8 =	simm.s32 $0x8;
	[tilespmem:$0x50] =	vst v0;
	s9 =	ssub.s32 s5, s4  }
0xa: {  	s31 =	simm.s32 $0x9;
	s16 =	simm.s32 $0x0;
	[tilespmem:$0x60] =	vst v1;
	p0 =	sgt.s32 s9, $0x0  }
0xb: {  	s17 =	simm.s32 $0xF0;
	s18 =	simm.s32 $0xFFFFFFFF;
	[tilespmem:$0x70] =	vst v1;
	s9 =	simm.s32 @!p0 $0x0  }
0xc: {  	s19 =	simm.s32 $0xFFFFC280;
	s20 =	simm.s32 $0xFFFFFFFE;
	[tilespmem:$0x80] =	vst v1;
	s6 =	smulhi.u32 $0x10624DD3, s9  }
0xd: {  	s21 =	simm.s32 $0xF;
	s25 =	simm.s32 $0x0;
	s24 =	simm.s32 $0x0;
	v1 =	vimm.s32 $0x0;
	[tilespmem:$0xB0] =	vst v0  }
0xe: {  	s15 =	sshllo.u32 s15, $0x1;
	s13 =	sor.u32 $0x80, s3;
	[tilespmem:$0x90] =	vst v1;
	s10 =	sshrl.u32 s6, $0x9  }
0xf: {  	[tilespmem:$0xA0] =	vst v1;
	[sflag:s7] =	ssyncpa.u1 $0x0;
	s7 =	simm.s32 $0x7;
	s11 =	smul.u32 $0x1F40, s10  }
.Ltmp0:
0x10: {  	s14 =	sor.u32 $0x81, s3;
	[sflag:s7] =	ssyncpa.u1 $0x0;
	(pc) =	sbr.rel .LBB2_1-.Ltmp0, $4  }
0x11: {  	[sflag:s8] =	ssyncpa.u1 $0x0;
	s23 =	smov.u32 s4;
	p0 =	sne.s32 s9, s11  }
0x12: {  	s6 =	sadd.s32 $0x2A7600, s0;
	s0 =	sadd.s32 $0x18C00, s0;
	s2 =	simm.s32 @!p0 $0x0  }
0x13: {  	vm0 =	vmmov $0xffff;
	v2 =	vlaneseq.u32;
	[sflag:s31] =	ssyncpa.u1 $0x0;
	[dreg:$0x3] =	wrdreg s0;
	s10 =	sadd.s32 s2, s10  }
0x14: {  	vm1 =	vmxor vm1, vm1;
	vm2 =	vmmov $0x1;
	vm3 =	vcmask $0x3F3C;
	p0 =	por $0x0, $0x0;
	s11 =	sadd.s32 $0x1, s10;
	s12 =	sadd.s32 $0x2, s10  }
.LBB2_9:
0x15: {  	p1 =	slt.u32 s24, $0x3  }
0x16: {  	s0 =	simm.s32 @!p1 $0x2  }
0x17: {  	_ =	swait.ge @!p1 [sflag:s0], $0x1F40  }
0x18: {  	[sflag:s0] =	ssyncset.done @!p1 $0x0  }
0x19: {  	[sflag:s0] =	ssyncadd.s32 @!p1 $0xFFFFE0C0;
	s0 =	simm.s32 @!p1 $0x9  }
0x1a: {  	_ =	swait.ge @!p1 [sflag:s0], $0x10  }
0x1b: {  	[sflag:s0] =	ssyncset.done @!p1 $0x0  }
0x1c: {  	[sflag:s0] =	ssyncadd.s32 @!p1 $0xFFFFFFF0;
	p1 =	sne.s32 s24, s12  }
.Ltmp1:
0x1d: {  	s2 =	sadd.s32 $0x1F40, s23;
	(pc) =	sbr.rel @!p1 .LBB2_10-.Ltmp1, $4  }
0x1e: {  	s9 =	smov.u32 s4;
	s31 =	sadd.s32 $0x1, s24;
	s17 =	sadd.s32 $0x1F40, s17  }
0x1f: {  	s18 =	sadd.s32 $0x1, s18;
	s25 =	smov.u32 s23;
	p2 =	slt.s32 s2, s5  }
0x20: {  	p0 =	por !p0, !p0;
	s19 =	sadd.s32 $0x1F40, s19;
	s9 =	smov.u32 @p2 s2  }
0x21: {  	s20 =	sadd.s32 $0x1, s20;
	s23 =	smov.u32 s9;
	s24 =	smov.u32 s31  }
.LBB2_1:
0x22: {  	p1 =	sge.u32 s24, s10  }
0x23: {  	s0 =	smulhi.u32 @!p1 $0xAAAAAAAB, s24;
	_ =	sdelay $0x1  }
0x24: {  	s0 =	sshrl.u32 @!p1 s0, $0x1  }
0x25: {  	s0 =	smul.u32 @!p1 $0x3, s0;
	_ =	sdelay $0x1  }
0x26: {  	s0 =	ssub.s32 @!p1 s24, s0  }
0x27: {  	s0 =	smul.u32 @!p1 $0x7D00, s0;
	_ =	sdelay $0x1  }
0x28: {  	s2 =	sshrl.u32 @!p1 s23, $0x3;
	s0 =	sshrl.u32 @!p1 s0, $0x2  }
0x29: {  	s9 =	sand.u32 @!p1 $0x7, s23;
	s2 =	sadd.s32 @!p1 s6, s2;
	s0 =	sadd.s32 @!p1 $0x100, s0  }
0x2a: {  	[tilespmem:s0], [sflag:$0x7] =	stream.linear.gather @!p1 [hbm4b:s2+s9], $0x1F40, $0x38;
	[tilespmem:$0x11A60] =	vst v63  }
0x2b: {  	s0 =	sadd.s32 $0xFFFFFFFF, s24  }
0x2c: {  	p1 =	sge.u32 s0, s10  }
.Ltmp2:
0x2d: {  	_ = 	snop;
	(pc) =	sbr.rel @p1 .LBB2_5-.Ltmp2, $1  }
0x2e: {  	_ =	sdelay $0x3  }
0x2f: {  	s2 =	smulhi.u32 $0xAAAAAAAB, s0;
	_ =	sdelay $0x1  }
0x30: {  	s2 =	sshrl.u32 s2, $0x1  }
0x31: {  	s2 =	smul.u32 $0x3, s2;
	_ =	sdelay $0x1  }
0x32: {  	s2 =	ssub.s32 s0, s2  }
0x33: {  	s2 =	smul.u32 $0x7D00, s2  }
0x34: {  	_ =	swait.ge [sflag:s7], $0x1F40  }
0x35: {  	[sflag:s7] =	ssyncset.done $0x0;
	s2 =	sshrl.u32 s2, $0x2  }
0x36: {  	[sflag:s7] =	ssyncadd.s32 $0xFFFFE0C0;
	(ifvalue) =	ssetifvalue $0xFFFFFFFF;
	v3 =	vld.msk [tilespmem:s2+$0x100 ss:$0x1], $0xffff;
	_ =	sdelay $0x2  }
0x37: {  	s30 =	smulhi.u32 $0xAAAAAAAB, s18;
	p1 =	sne.s32 s24, $0x1  }
0x38: {  	v4 =	vimm.s32 @!p1 $0x0  }
0x39: {  	s2 =	sshrl.u32 s30, $0x1;
	v4 =	vperm.xlane @!p1 v3, v4  }
0x3a: {  	s9 =	sshll.u32 s24, $0x4;
	s2 =	smul.u32 $0xFFFE8900, s2;
	vm4 =	vlt.u32 v3, $0x2800  }
0x3b: {  	s9 =	sand.u32 $0x10, s9;
	v3 =	vnsel vm4, $0xFFFFFFFE, v3;
	vm4 =	vlt.u32 @!p1 v4, $0x2800  }
0x3c: {  	s2 =	sshra.s32 s2, $0x2;
	[tilespmem:s9+$0x60] =	vst v3;
	v3 =	vnsel @!p1 vm4, $0xFFFFFFFE, v4  }
0x3d: {  	s26 =	sadd.s32 s2, s17;
	[tilespmem:$0x80] =	vst @!p1 v3  }
0x3e: {  	v3 =	vld.msk [tilespmem:s26+$0x0 ss:$0x1], $0xffff;
	_ =	sdelay $0x4  }
0x3f: {  	(xrf1) =	vunique.msk.u32 $0xffff, v3;
	_ =	sdelay $0xd  }
0x40: {  	v4 =	vimm.s32 $0xFFFFFFFF;
	v5, _, _ =	vpop (xrf1)  }
0x41: {  	vm5 =	vne.s32 v3, v4;
	vm4 =	veq.s32 v5, v2  }
0x42: {  	vm6 =	vlt.u32 v3, $0x2800;
	vm4 =	vmand vm5, vm4  }
0x43: {  	vm4 =	vmand vm6, vm4  }
0x44: {  	v4 =	vnsel vm4, $0xFFFFFFFF, v3  }
0x45: {  	s31 =	sand.u32 $0x1, s0  }
0x46: {  	s0 =	simm.s32 $0x1F40;
	p1 =	seq.s32 s31, $0x1  }
0x47: {  	s0 =	simm.s32 @!p1 $0x0  }
0x48: {  	s2 =	sadd.s32 $0x7DF0, s0;
	(ifvalue) =	ssetifvalue $0xFFFFFFFF  }
0x49: {  	v3 =	vperm.xlane v3, v1;
	[tilespmem:s2], [sflag:$0x8] =	stream.indirect_vreg.gather [hbm4b:s1+s16], $0x1, v4, vm0, $0x4038;
	v4 =	vnsel vm6, $0xFFFFFFFE, v4;
	[tilespmem:$0x11A60] =	vst v63  }
0x4a: {  	s22 =	sadd.s32 $0xFFFFFFF0, s26;
	s9 =	simm.s32 $0x0;
	[tilespmem:s26+$0x0] =	vst v4  }
.LBB2_3:
0x4b: {  	v4 =	vld.msk [tilespmem:s22+$0x0 ss:$0x1], $0xffff;
	s9 =	sadd.s32 $0x10, s9;
	v5 =	vmov v3;
	s26 =	smov.u32 s22  }
0x4c: {  	p1 =	slt.u32 s9, $0x1F30;
	_ =	sdelay $0x4  }
0x4d: {  	v3 =	vperm.xlane v4, v1;
	(xrf1) =	vunique.msk.u32 $0xffff, v4;
	_ =	sdelay $0xd  }
0x4e: {  	v6, _, _ =	vpop (xrf1)  }
0x4f: {  	vm5 =	vne.s32 v4, v5;
	vm4 =	veq.s32 v6, v2  }
0x50: {  	vm6 =	vlt.u32 v4, $0x2800;
	vm4 =	vmand vm5, vm4  }
0x51: {  	vm4 =	vmand vm6, vm4  }
0x52: {  	v4 =	vnsel vm4, $0xFFFFFFFF, v4  }
.Ltmp3:
0x53: {  	v5 =	vnsel vm6, $0xFFFFFFFE, v4;
	(pc) =	sbr.rel @p1 .LBB2_3-.Ltmp3, $3  }
0x54: {  	_ =	sdelay $0x1  }
0x55: {  	s22 =	sadd.s32 $0xFFFFFFF0, s22;
	s2 =	sadd.s32 $0xFFFFFFF0, s2;
	(ifvalue) =	ssetifvalue $0xFFFFFFFF  }
0x56: {  	[tilespmem:s2], [sflag:$0x8] =	stream.indirect_vreg.gather [hbm4b:s1+s16], $0x1, v4, vm0, $0x4038;
	[tilespmem:s26+$0x0] =	vst v5  }
0x57: {  	s2 =	sshrl.u32 s25, $0x3;
	s9 =	rddreg [dreg:$0x3]  }
0x58: {  	s0 =	sadd.s32 $0x9D40, s0;
	s2 =	sadd.s32 s9, s2  }
0x59: {  	[tilespmem:s0], [sflag:$0x8] =	stream.linear.gather [hbm:s2], $0x1F40, $0x38;
	[tilespmem:$0x11A60] =	vst v63  }
.LBB2_5:
0x5a: {  	p1 =	slt.u32 s24, $0x2  }
0x5b: {  	p2 =	sge.u32 @!p1 s24, s12  }
0x5c: {  	p1 =	por p1, p2  }
.Ltmp4:
0x5d: {  	_ = 	snop;
	(pc) =	sbr.rel @p1 .LBB2_9-.Ltmp4, $1  }
0x5e: {  	_ =	sdelay $0x3  }
0x5f: {  	s0 =	sadd.s32 $0xFFFFFFFE, s24  }
0x60: {  	s2 =	smulhi.u32 $0xAAAAAAAB, s0;
	_ =	sdelay $0x1  }
0x61: {  	s2 =	sshrl.u32 s2, $0x1  }
0x62: {  	s2 =	smul.u32 $0x3, s2;
	_ =	sdelay $0x1  }
0x63: {  	s0 =	ssub.s32 s0, s2  }
0x64: {  	_ =	swait.ge [sflag:s8], $0x3E80;
	s0 =	smul.u32 $0x1F40, s0  }
0x65: {  	p1 =	sne.s32 s24, s11;
	[sflag:s8] =	ssyncset.done $0x0  }
0x66: {  	[sflag:s8] =	ssyncadd.s32 $0xFFFFC180;
	s2 =	sadd.s32 @!p1 $0x203F, s0  }
0x67: {  	[spmem:s14] =	stream.linear.scatter @!p1 [tilespmem:s2], [sflag:$0x1], $0x1, $0x38;
	[tilespmem:$0x11A60] =	vst v63  }
0x68: {  	s2 =	simm.s32 @!p1 $0x1  }
0x69: {  	_ =	swait.ge @!p1 [sflag:s2], $0x1  }
0x6a: {  	s9 =	sshll.u32 s24, $0x4;
	[sflag:s2] =	ssyncset.done @!p1 $0x0  }
0x6b: {  	s25 =	sand.u32 $0x10, s9;
	[sflag:s2] =	ssyncadd.s32 @!p1 $0xFFFFFFFF  }
0x6c: {  	s2 =	sxor.u32 $0x10, s25;
	v4 =	vld [tilespmem:s25+$0x10]  }
0x6d: {  	v5 =	vld [tilespmem:s2+$0x60]  }
0x6e: {  	v3 =	vld [tilespmem:$0x80];
	_ =	sdelay $0x2  }
0x6f: {  	(v2sf) =	vpush v4, $0x0  }
0x70: {  	(v2sf) =	vpush v5, $0x0  }
0x71: {  	(v2sf) =	vpush v3, $0x0;
	_ =	sdelay $0xc  }
0x72: {  	s26 =	spop (v2sf)  }
0x73: {  	s22 =	spop (v2sf)  }
0x74: {  	s28 =	spop (v2sf)  }
0x75: {  	p3 =	seq.s32 s26, s22;
	p2 =	seq.s32 s28, s26  }
0x76: {  	p2 =	por p3, p2  }
0x77: {  	s26 =	sand.u32 $0x1, s24;
	v4 =	vpsel p2, $0xFFFFFFFF, v4  }
0x78: {  	s29 =	smul.u32 $0x1F40, s26;
	[tilespmem:s25+$0x10] =	vst.msk $0x1, v4  }
0x79: {  	v4 =	vld [tilespmem:$0x30]  }
0x7a: {  	v5 =	vld [tilespmem:s29+$0x9D40]  }
0x7b: {  	v6 =	vld [tilespmem:s25+$0x40];
	_ =	sdelay $0x3  }
0x7c: {  	vm4 =	vmmov vm1;
	vm6 =	vmmov vm2;
	vm5 =	vlt.s32 v4, v5  }
0x7d: {  	vm4 =	vmmov @p3 vm2;
	s9 =	sshll.u32 s26, $0x4;
	v5 =	vsel vm5, v4, v5;
	vm5 =	vlt.s32 v4, v6  }
0x7e: {  	vm6 =	vmmov @p2 vm1;
	s26 =	sor.u32 $0x11A40, s9;
	v4 =	vsel vm5, v4, v6;
	[tilespmem:s29+$0x9D40] =	vst.msk vm4, v5  }
0x7f: {  	[tilespmem:s26+$0x0] =	vst.msk vm6, v4  }
0x80: {  	v4 =	vld [tilespmem:s29+$0x7DF0];
	_ =	sdelay $0x4  }
0x81: {  	v4 =	vshift.insert v4, v1, s21  }
0x82: {  	s22 =	sor.u32 $0x40, s2  }
0x83: {  	v5 =	vimm.s32 $0x7FFFFFFF;
	[tilespmem:s22+$0x0] =	vst.msk $0x1, v4  }
0x84: {  	[tilespmem:s29+$0x7DFF] =	vst.msk $0x1, v5  }
0x85: {  	v4 =	vld [tilespmem:s0+$0x2030];
	_ =	sdelay $0x1  }
0x86: {  	s0 =	simm.s32 $0x1  }
0x87: {  	s22 =	smulhi.u32 $0xAAAAAAAB, s20;
	s0 =	simm.s32 @!p0 $0x0  }
0x88: {  	s0 =	smul.u32 $0x7D00, s0  }
0x89: {  	s9 =	sshrl.u32 s22, $0x1;
	v4 =	vshift.insert v4, v1, s21  }
0x8a: {  	s9 =	smul.u32 $0xFFFE8900, s9;
	s0 =	sshrl.u32 s0, $0x2  }
0x8b: {  	s22 =	sadd.s32 $0x9D40, s0;
	[tilespmem:s2+$0x10] =	vst.msk $0x1, v4  }
0x8c: {  	s9 =	sshra.s32 s9, $0x2;
	v6 =	vld [tilespmem:s22+$0x0]  }
0x8d: {  	s2 =	sadd.s32 s9, s19  }
0x8e: {  	v7 =	vld [tilespmem:s2+$0x0];
	_ =	sdelay $0x2  }
0x8f: {  	vm4 =	vlt.s32 v6, v5  }
0x90: {  	v5 =	vsel vm4, v6, v5  }
0x91: {  	vm4 =	vne.s32 v7, $0xFFFFFFFF;
	v5 =	vxor.u32 $0x80000000, v5  }
0x92: {  	(xrf0) =	vmin.seg.scan.u32 vm4, v5  }
0x93: {  	s9 =	sadd.s32 $0x5EC0, s0  }
0x94: {  	v8 =	vld [tilespmem:s9+$0x0]  }
0x95: {  	v6 =	vld [tilespmem:$0xA0];
	_ =	sdelay $0x2  }
0x96: {  	v5 =	vperm.xlane v4, v1;
	v9, _, _ =	vpop (xrf0)  }
0x97: {  	vm6 =	veq.s32 v7, v3;
	v9 =	vxor.u32 $0x80000000, v9  }
0x98: {  	vm8 =	veq.s32 v7, v5;
	vm5 =	veq.s32 v6, $0x1;
	vm7 =	vlt.s32 v9, v8  }
0x99: {  	vm8 =	vmor vm8, vm6;
	v6 =	vsel vm7, v9, v8;
	vm7 =	vgt.u32 v7, $0xFFFFFFFD  }
0x9a: {  	v10 =	vld [tilespmem:$0x90];
	vm9 =	vmand vm4, vm3;
	vm4 =	vmor vm5, vm6;
	vm5 =	vmor vm8, vm7  }
0x9b: {  	v8 =	vsel vm5, $0xFFFFFFFF, v7;
	_ =	sdelay $0x1  }
0x9c: {  	s31 =	simm.s32 $0x0  }
0x9d: {  	s30 =	sadd.s32 $0xDBC0, s0;
	s0 =	sadd.s32 $0x10, s22;
	s2 =	sadd.s32 $0x10, s2;
	v11 =	vsel vm9, $0x7FFFFFFF, v9;
	v6 =	vsel vm6, v9, v6  }
0x9e: {  	s22 =	sadd.s32 $0x10, s30;
	s9 =	sadd.s32 $0x10, s9;
	[tilespmem:s30+$0x0] =	vst v6;
	v6 =	vsel vm6, v9, v10;
	v7 =	vshift.insert v11, v0, s21;
	(ifvalue) =	ssetifvalue $0xFFFFFFFF  }
.LBB2_7:
0x9f: {  	[hbm4b:s1+s16] =	stream.indirect_vreg.scatter [tilespmem:s30], [sflag:$0x2], $0x1, v8, vm0, $0x4038;
	[tilespmem:$0x11A60] =	vst v63  }
0xa0: {  	s31 =	sadd.s32 $0x10, s31;
	s30 =	smov.u32 s22;
	v8 =	vld [tilespmem:s0+$0x0]  }
0xa1: {  	p2 =	slt.u32 s31, $0x1F30  }
0xa2: {  	v9 =	vld [tilespmem:s2+$0x0];
	_ =	sdelay $0x2  }
0xa3: {  	vm5 =	vlt.s32 v8, v7  }
0xa4: {  	v7 =	vsel vm5, v8, v7  }
0xa5: {  	vm5 =	vne.s32 v9, $0xFFFFFFFF;
	v7 =	vxor.u32 $0x80000000, v7  }
0xa6: {  	(xrf0) =	vmin.seg.scan.u32 vm5, v7;
	_ =	sdelay $0x2  }
0xa7: {  	v7 =	vld [tilespmem:s9+$0x0];
	_ =	sdelay $0x1  }
0xa8: {  	vm6 =	veq.s32 v9, v3;
	vm7 =	veq.s32 v9, v5  }
0xa9: {  	vm8 =	vgt.u32 v9, $0xFFFFFFFD;
	vm4 =	vmor vm4, vm6;
	vm7 =	vmor vm7, vm6;
	v8, _, _ =	vpop (xrf0)  }
0xaa: {  	vm5 =	vmand vm5, vm3;
	vm7 =	vmor vm7, vm8;
	v10 =	vxor.u32 $0x80000000, v8  }
.Ltmp5:
0xab: {  	v8 =	vsel vm7, $0xFFFFFFFF, v9;
	vm7 =	vlt.s32 v10, v7;
	v9 =	vsel vm5, $0x7FFFFFFF, v10;
	(pc) =	sbr.rel @p2 .LBB2_7-.Ltmp5, $4  }
0xac: {  	v6 =	vsel vm6, v10, v6;
	v11 =	vsel vm7, v10, v7;
	v7 =	vshift.insert v9, v0, s21  }
0xad: {  	v9 =	vsel vm6, v10, v11  }
0xae: {  	s0 =	sadd.s32 $0x10, s0;
	s2 =	sadd.s32 $0x10, s2;
	[tilespmem:s22+$0x0] =	vst v9  }
0xaf: {  	s9 =	sadd.s32 $0x10, s9;
	s22 =	sadd.s32 $0x10, s22;
	(ifvalue) =	ssetifvalue $0xFFFFFFFF  }
0xb0: {  	_ =	sdelay $0x3  }
0xb1: {  	[hbm4b:s1+s16] =	stream.indirect_vreg.scatter [tilespmem:s30], [sflag:$0x2], $0x1, v8, vm0, $0x4038;
	[tilespmem:$0x11A60] =	vst v63  }
0xb2: {  	v3 =	vld [tilespmem:s29+$0xFAF0];
	_ =	sdelay $0x4  }
0xb3: {  	v3 =	vshift.insert v3, v1, s21  }
0xb4: {  	s0 =	simm.s32 $0x30  }
0xb5: {  	[tilespmem:s0+$0x0] =	vst.msk $0x1, v3  }
0xb6: {  	v3 =	vsel vm4, $0x1, v1;
	[tilespmem:$0x90] =	vst v6  }
0xb7: {  	s0 =	sadd.s32 @!p1 $0xFAFF, s29;
	[tilespmem:$0xA0] =	vst v3  }
0xb8: {  	[spmem:s15] =	stream.linear.scatter @!p1 [tilespmem:s0], [sflag:$0x1], $0x1, $0x38;
	[tilespmem:$0x11A60] =	vst v63  }
0xb9: {  	s0 =	simm.s32 @!p1 $0x1  }
0xba: {  	v3 =	vmctz.xlane @!p1 vm4;
	_ =	swait.ge @!p1 [sflag:s0], $0x1  }
0xbb: {  	(v2sf) =	vpush @!p1 v4, $0x0  }
0xbc: {  	(v2sf) =	vpush @!p1 v3, $0x0;
	_ =	sdelay $0xd  }
0xbd: {  	s2 =	spop @!p1 (v2sf)  }
0xbe: {  	s9 =	spop @!p1 (v2sf)  }
0xbf: {  	p2 =	sne.s32 @!p1 s28, s2;
	p3 =	slt.s32 @!p1 s9, $0xF  }
0xc0: {  	[sflag:s0] =	ssyncset.done @!p1 $0x0;
	p2 =	por p2, p1;
	p3 =	por !p3, p1  }
0xc1: {  	[sflag:s0] =	ssyncadd.s32 @!p1 $0xFFFFFFFF;
	v3 =	vimm.s32 @!p2 $0xFFFFFFFF;
	s9 =	simm.s32 @p3 $0xF  }
0xc2: {  	[tilespmem:$0x80] =	vst @!p2 v3;
	s2 =	sadd.s32 @!p1 $0x90, s9  }
0xc3: {  	[spmem:s3] =	stream.linear.scatter @!p1 [tilespmem:s2], [sflag:$0x1], $0x1, $0x38;
	[tilespmem:$0x11A60] =	vst v63  }
0xc4: {  	_ =	swait.ge @!p1 [sflag:s0], $0x1  }
0xc5: {  	[sflag:s0] =	ssyncset.done @!p1 $0x0  }
0xc6: {  	s2 =	simm.s32 @!p1 $0x80;
	[sflag:s0] =	ssyncadd.s32 @!p1 $0xFFFFFFFF  }
0xc7: {  	[spmem:s13] =	stream.linear.scatter @!p1 [tilespmem:s2], [sflag:$0x1], $0x1, $0x38;
	[tilespmem:$0x11A60] =	vst v63  }
0xc8: {  	_ =	swait.ge @!p1 [sflag:s0], $0x1  }
0xc9: {  	[sflag:s0] =	ssyncset.done @!p1 $0x0  }
0xca: {  	[sflag:s0] =	ssyncadd.s32 @!p1 $0xFFFFFFFF;
	(ifvalue) =	ssetifvalue $0xFFFFFFFF;
	v3 =	vld [tilespmem:s25+$0x10];
	_ =	sdelay $0x3  }
.Ltmp6:
0xcb: {  	_ = 	snop;
	(pc) =	sbr.rel .LBB2_9-.Ltmp6, $3  }
0xcc: {  	_ =	sdelay $0x1  }
0xcd: {  	(ifvalue) =	ssetifvalue $0xFFFFFFFF  }
0xce: {  	[hbm4b:s1+s16] =	stream.indirect_vreg.scatter [tilespmem:s26], [sflag:$0x9], $0x1, v3, vm0, $0x4038;
	[tilespmem:$0x11A60] =	vst v63  }
.LBB2_10:
0xcf: {  	_ =	sfence.sel $0x180000  }
0xd0: {  	s0 =	simm.s32 $0x7;
	[bflag:$0x0] =	sbarrier.arrive $0xFFFF  }
0xd1: {  	s26 =	simm.s32 $0x8;
	[sflag:s0] =	ssyncpa.u1 $0x1  }
0xd2: {  	s28 =	simm.s32 $0x9;
	[sflag:s26] =	ssyncpa.u1 $0x1  }
0xd3: {  	[sflag:s28] =	ssyncpa.u1 $0x1  }
0xd4: {  	_ =	sfence.stream.spmem  }
0xd5: {  	s29 =	simm.s32 $0x3;
	[bflag:$0x0] =	sbarrier.arrive $0xFFFF  }
0xd6: {  	s30 =	simm.s32 $0x4;
	[sflag:s29] =	ssyncpa.u1 $0x1  }
0xd7: {  	s31 =	simm.s32 $0x3C;
	s2 =	stileid.u32;
	[sflag:s30] =	ssyncpa.u1 $0x1  }
0xd8: {  	p0 =	sne.s32 s2, $0x0;
	[sflag:s31] =	ssyncpa.u1 $0x1  }
0xd9: {  	s0 =	simm.s32 @p0 $0x1;
	_ =	sfence @p0  }
0xda: {  	[sflag:s0] =	ssyncpa.u1 @p0 $0x1;
	s0 =	simm.s32 @p0 $0x2  }
0xdb: {  	[sflag:s0] =	ssyncpa.u1 @p0 $0x1  }
0xdc: {  	_ =	strace @p0 $0x9000004D  }
0xdd: {  	[bflag:$0x2] =	sbarrier.arrive @p0 $0xFFFF  }
0xde: {  	_ =	shalt @p0  }
.LBB2_11:
0xdf: {  	_ =	sfence.stream.spmem;
	s0 =	simm.s32 $0x5  }
0xe0: {  	s2 =	simm.s32 $0x80;
	s3 =	simm.s32 $0xC0;
	[sflag:s0] =	ssyncpa.u1 $0x0  }
0xe1: {  	[tilespmem:s3], [sflag:$0x5] =	stream.linear.gather [spmem:s2], $0x20, $0x38;
	[tilespmem:$0x11A60] =	vst v63  }
0xe2: {  	s30 =	simm.s32 $0xE0;
	s2 =	simm.s32 $0x0  }
0xe3: {  	[tilespmem:s30], [sflag:$0x5] =	stream.linear.gather [spmem:s2], $0x20, $0x38;
	[tilespmem:$0x11A60] =	vst v63  }
.Ltmp7:
0xe4: {  	_ = 	snop;
	(pc) =	sbr.rel .LBB2_12-.Ltmp7, $4  }
0xe5: {  	_ =	swait.ge [sflag:s0], $0x40  }
0xe6: {  	[sflag:s0] =	ssyncset.done $0x0  }
0xe7: {  	s31 =	simm.s32 $0x6;
	[sflag:s0] =	ssyncadd.s32 $0xFFFFFFC0  }
0xe8: {  	s3 =	simm.s32 $0x0;
	[sflag:s31] =	ssyncpa.u1 $0x0  }
.LBB2_17:
0xe9: {  	p0 =	sgt.u32 s4, $0x27FF  }
0xea: {  	s0 =	sshrl.u32 @!p0 s4, $0x3  }
0xeb: {  	s4 =	sand.u32 @!p0 $0x7, s4;
	s5 =	simm.s32 @!p0 $0xB0;
	s0 =	sadd.s32 @!p0 s1, s0  }
0xec: {  	[tilespmem:s5], [sflag:$0x6] =	stream.linear.gather @!p0 [hbm4b:s0+s4], $0x1, $0x38;
	[tilespmem:$0x11A60] =	vst v63  }
0xed: {  	s0 =	simm.s32 @!p0 $0x6  }
0xee: {  	_ =	swait.ge @!p0 [sflag:s0], $0x1  }
0xef: {  	[sflag:s0] =	ssyncset.done @!p0 $0x0  }
0xf0: {  	[sflag:s0] =	ssyncadd.s32 @!p0 $0xFFFFFFFF  }
0xf1: {  	v1 =	vld.msk @!p0 [tilespmem:$0xB0], $0x1  }
0xf2: {  	v2 =	vld.msk @!p0 [tilespmem:s3+$0xE0], $0x1;
	_ =	sdelay $0x4  }
0xf3: {  	vm0 =	vlt.s32 @!p0 v2, v1  }
0xf4: {  	v1 =	vsel @!p0 vm0, v2, v1  }
0xf5: {  	[tilespmem:s3+$0xE0] =	vst.msk @!p0 $0x1, v1  }
0xf6: {  	[tilespmem:s2+$0xC0] =	vst.msk $0x1, v0  }
0xf7: {  	v0 =	vld.msk [tilespmem:s3+$0xE0], $0x1;
	_ =	sdelay $0x4  }
0xf8: {  	[tilespmem:s2+$0xE0] =	vst.msk $0x1, v0;
	s2 =	sadd.s32 $0x1, s2  }
.LBB2_19:
0xf9: {  	s3 =	sadd.s32 $0x1, s3  }
0xfa: {  	p0 =	sne.s32 s3, $0x20  }
.Ltmp8:
0xfb: {  	_ = 	snop;
	(pc) =	sbr.rel @!p0 .LBB2_20-.Ltmp8, $1  }
0xfc: {  	_ =	sdelay $0x3  }
.LBB2_12:
0xfd: {  	v0 =	vld.msk [tilespmem:s3+$0xC0], $0x1;
	_ =	sdelay $0x4  }
0xfe: {  	(v2sf) =	vpush v0, $0x0;
	_ =	sdelay $0xe  }
0xff: {  	s4 =	spop (v2sf)  }
0x100: {  	p0 =	seq.s32 s4, $0xFFFFFFFF  }
.Ltmp9:
0x101: {  	_ = 	snop;
	(pc) =	sbr.rel @p0 .LBB2_19-.Ltmp9, $1  }
0x102: {  	_ =	sdelay $0x3  }
0x103: {  	p0 =	slt.s32 s2, $0x1  }
.Ltmp10:
0x104: {  	_ = 	snop;
	(pc) =	sbr.rel @p0 .LBB2_17-.Ltmp10, $1  }
0x105: {  	_ =	sdelay $0x3  }
0x106: {  	s0 =	simm.s32 $0xC0;
	p0 =	por $0x0, $0x0  }
0x107: {  	v1 =	vld.msk @!p0 [tilespmem:s0+$0x0], $0x1;
	_ =	sdelay $0x4  }
0x108: {  	(v2sf) =	vpush @!p0 v1, $0x0;
	_ =	sdelay $0xd  }
0x109: {  	p2 =	sne.s32 s2, $0x1  }
.Ltmp11:
0x10a: {  	s5 =	spop @!p0 (v2sf);
	(pc) =	sbr.rel @!p2 .LBB2_16-.Ltmp11, $4  }
0x10b: {  	p1 =	seq.s32 @!p0 s4, s5  }
0x10c: {  	s5 =	simm.s32 $0x0;
	p1 =	por !p1, p0  }
0x10d: {  	s7 =	simm.s32 $0xFFFFFFFF;
	s5 =	simm.s32 @p1 $0xFFFFFFFF  }
0x10e: {  	s6 =	simm.s32 $0x1;
	s5 =	smov.u32 @p0 s7  }
.LBB2_15:
0x10f: {  	s7 =	smov.u32 s5;
	p0 =	sne.s32 s5, $0xFFFFFFFF  }
0x110: {  	s0 =	sadd.s32 $0x1, s0;
	s5 =	smov.u32 s6;
	s6 =	sadd.s32 $0x1, s6  }
0x111: {  	p1 =	sne.s32 s2, s6;
	v1 =	vld.msk @!p0 [tilespmem:s0+$0x0], $0x1;
	_ =	sdelay $0x4  }
0x112: {  	(v2sf) =	vpush @!p0 v1, $0x0;
	_ =	sdelay $0xe  }
.Ltmp12:
0x113: {  	s8 =	spop @!p0 (v2sf);
	(pc) =	sbr.rel @p1 .LBB2_15-.Ltmp12, $4  }
0x114: {  	p2 =	seq.s32 @!p0 s4, s8  }
0x115: {  	p2 =	por !p2, p0  }
0x116: {  	s5 =	simm.s32 @p2 $0xFFFFFFFF  }
0x117: {  	s5 =	smov.u32 @p0 s7  }
.LBB2_16:
0x118: {  	p0 =	sne.s32 s5, $0xFFFFFFFF  }
.Ltmp13:
0x119: {  	_ = 	snop;
	(pc) =	sbr.rel @!p0 .LBB2_17-.Ltmp13, $1  }
0x11a: {  	_ =	sdelay $0x3  }
0x11b: {  	v0 =	vld.msk [tilespmem:s3+$0xE0], $0x1  }
0x11c: {  	v1 =	vld.msk [tilespmem:s5+$0xE0], $0x1;
	_ =	sdelay $0x2  }
.Ltmp14:
0x11d: {  	_ = 	snop;
	(pc) =	sbr.rel .LBB2_19-.Ltmp14, $4  }
0x11e: {  	_ = 	snop  }
0x11f: {  	vm0 =	vlt.s32 v1, v0  }
0x120: {  	v0 =	vsel vm0, v1, v0  }
0x121: {  	[tilespmem:s5+$0xE0] =	vst.msk $0x1, v0  }
.LBB2_20:
0x122: {  	p0 =	slt.s32 s2, $0x1  }
.Ltmp15:
0x123: {  	_ = 	snop;
	(pc) =	sbr.rel @p0 .LBB2_24-.Ltmp15, $3  }
0x124: {  	_ =	sdelay $0x1  }
0x125: {  	s0 =	simm.s32 $0x6  }
0x126: {  	s3 =	simm.s32 $0x0;
	[sflag:s0] =	ssyncpa.u1 $0x1  }
0x127: {  	s0 =	simm.s32 $0xC0  }
0x128: {  	v0 =	vld.msk [tilespmem:s0+$0x0], $0x1;
	_ =	sdelay $0x4  }
0x129: {  	(v2sf) =	vpush v0, $0x0;
	_ =	sdelay $0xe  }
0x12a: {  	s2 =	sadd.s32 $0xFFFFFFFF, s2;
	s4 =	spop (v2sf)  }
0x12b: {  	p1 =	sne.s32 s2, $0x0;
	p0 =	sgt.u32 s4, $0x27FF  }
.Ltmp16:
0x12c: {  	s5 =	sshrl.u32 @!p0 s4, $0x3;
	(pc) =	sbr.rel @!p1 .LBB2_23-.Ltmp16, $4  }
0x12d: {  	s0 =	simm.s32 $0xE0;
	s4 =	sand.u32 @!p0 $0x7, s4;
	s5 =	sadd.s32 @!p0 s1, s5  }
0x12e: {  	[hbm4b:s5+s4] =	stream.linear.scatter @!p0 [tilespmem:s0], [sflag:$0x5], $0x1, $0x38;
	[tilespmem:$0x11A60] =	vst v63  }
0x12f: {  	s5 =	simm.s32 $0x0  }
0x130: {  	s4 =	simm.s32 $0xC1;
	s5 =	simm.s32 @!p0 $0x4  }
.LBB2_22:
0x131: {  	v0 =	vld.msk [tilespmem:s4+$0x0], $0x1;
	s2 =	sadd.s32 $0xFFFFFFFF, s2;
	s3 =	sadd.s32 s3, s5  }
0x132: {  	p0 =	sne.s32 s2, $0x0;
	_ =	sdelay $0x3  }
0x133: {  	(v2sf) =	vpush v0, $0x0;
	_ =	sdelay $0xe  }
.Ltmp17:
0x134: {  	s6 =	spop (v2sf);
	(pc) =	sbr.rel @p0 .LBB2_22-.Ltmp17, $4  }
0x135: {  	s5 =	simm.s32 $0x0;
	p1 =	sgt.u32 s6, $0x27FF  }
0x136: {  	s0 =	sadd.s32 $0x1, s0;
	s5 =	simm.s32 @!p1 $0x4;
	s7 =	sshrl.u32 @!p1 s6, $0x3  }
0x137: {  	s4 =	sadd.s32 $0x1, s4;
	s6 =	sand.u32 @!p1 $0x7, s6;
	s7 =	sadd.s32 @!p1 s1, s7  }
0x138: {  	[hbm4b:s7+s6] =	stream.linear.scatter @!p1 [tilespmem:s0], [sflag:$0x5], $0x1, $0x38;
	[tilespmem:$0x11A60] =	vst v63  }
.LBB2_23:
0x139: {  	s0 =	sadd.s32 s3, s5  }
0x13a: {  	s3 =	sshrl.u32 s0, $0x2  }
.LBB2_24:
0x13b: {  	s0 =	simm.s32 $0x5  }
0x13c: {  	_ =	swait.ge [sflag:s0], s3  }
0x13d: {  	s1 =	ssub.s32 $0x0, s3;
	[sflag:s0] =	ssyncset.done $0x0  }
0x13e: {  	[sflag:s0] =	ssyncadd.s32 s1  }
0x13f: {  	[sflag:s0] =	ssyncpa.u1 $0x1  }
0x140: {  	s29 =	simm.s32 $0x1;
	_ =	sfence  }
0x141: {  	s30 =	simm.s32 $0x2;
	[sflag:s29] =	ssyncpa.u1 $0x1  }
0x142: {  	[sflag:s30] =	ssyncpa.u1 $0x1  }
0x143: {  	_ =	strace $0x9000004D  }
0x144: {  	[bflag:$0x2] =	sbarrier.arrive $0xFFFF  }
0x145: {  	s31 =	rddreg [dreg:$0x2]  }
0x146: {  	s0 =	sadd.s32 $0x100000, s31  }
0x147: {  	[sflag:s0] =	ssyncadd.tile.s32 $0x1;
	_ =	shalt  }
.Lfunc_end2:
_tile_overlayer_lowered:
.L_overlay_start_2:
0x148: {  	(tag) =	ssettag $0x2  }
0x149: {  	s0 =	rddreg [dreg:$0x0];
	s2 =	stileid.u32  }
0x14a: {  	s1 =	rddreg [dreg:$0x1];
	p0 =	sne.s32 s2, $0x0  }
0x14b: {  	s3 =	rddreg [dreg:$0x2];
	[bflag:$0x3] =	sbarrier.arrive $0xFFFF;
	s2 =	simm.s32 @!p0 $0x1C01  }
0x14c: {  	[timem:s3], [sflag:s2] =	dma.local @!p0 [hbm:s0], s1  }
0x14d: {  	s0 =	simm.s32 @!p0 $0x1  }
0x14e: {  	_ =	swait.ge @!p0 [sflag:s0], s1  }
0x14f: {  	s1 =	ssub.s32 @!p0 $0x0, s1;
	[sflag:s0] =	ssyncset.done @!p0 $0x0  }
0x150: {  	[sflag:s0] =	ssyncadd.s32 @!p0 s1  }
0x151: {  	[bflag:$0x3] =	sbarrier.arrive $0xFFFF  }
0x152: {  	_ =	shalt  }

// kernel: scatter_offload_async_start
scs
__scs_entry_jumppad:
0x0: {  	(pc) =	sbr.rel $0x88, $3  }
0x1: {  	(tag) =	ssettag $0x0;
	lr =	simm.s32 $0x1  }
0x2: {  	[smem:$0x3F9D] =	sst lr;
	_ =	strace $0xD0000000  }
0x3: {  	_ = 	snop  }
0x4: {  	_ = 	snop  }
0x5: {  	_ = 	snop  }
0x6: {  	_ = 	snop  }
0x7: {  	_ = 	snop  }
__scs_overlays_trampoline_lowered:
0x8: {  	[smem:$0x3FAC] =	sst s0  }
0x9: {  	[smem:$0x3FAD] =	sst s1  }
0xa: {  	[smem:$0x3FAE] =	sst s2  }
0xb: {  	[smem:$0x3FAF] =	sst s3  }
0xc: {  	[smem:$0x3FB0] =	sst s4  }
0xd: {  	[smem:$0x3FB1] =	sst s5  }
0xe: {  	[smem:$0x3FB2] =	sst s6  }
0xf: {  	[smem:$0x3FB3] =	sst s7  }
0x10: {  	[smem:$0x3FB4] =	sst s8  }
0x11: {  	[smem:$0x3FB5] =	sst s9;
	s0 =	simm.s32 @!p0 $0x0  }
0x12: {  	s1 =	sld [smem:$0x3F9B];
	s0 =	simm.s32 @p0 $0x1  }
0x13: {  	[smem:$0x3FB6] =	sst s0;
	s0 =	simm.s32 @!p1 $0x0  }
0x14: {  	s2 =	sld [smem:$0x3F9A];
	s0 =	simm.s32 @p1 $0x1  }
0x15: {  	[smem:$0x3FB7] =	sst s0;
	s0 =	simm.s32 @!p2 $0x0  }
0x16: {  	s3 =	sld [smem:$0x3FDB];
	s0 =	simm.s32 @p2 $0x1  }
0x17: {  	s4 =	simm.s32 $0x1BF5;
	[smem:$0x3FB9] =	sst s0  }
0x18: {  	s0 =	sld [smem:$0x3F9C];
	_ =	swait.ge [sflag:s4], $0x0  }
0x19: {  	s7 =	sld [smem:$0x3F9D]  }
0x1a: {  	s8 =	sadd.s32 $0xFFFFE003, lr  }
0x1b: {  	s9 =	sadd.s32 $0xFFFFFEF7, lr;
	s5 =	simm.s32 $0xFFFFFFFF;
	p2 =	slt.u32 s8, $0xFFFFF086  }
0x1c: {  	p1 =	slt.u32 s9, $0xF7A;
	s5 =	simm.s32 @!p2 $0x0  }
0x1d: {  	s5 =	simm.s32 @p1 $0x1;
	p0 =	seq.s32 s7, s2  }
0x1e: {  	s7 =	smul.u32 @!p0 $0xF7A, s2;
	p2 =	seq.s32 @!p0 s5, $0x0  }
0x1f: {  	s9 =	smul.u32 $0xF7A, s1;
	s8 =	simm.s32 @!p0 $0x1BF5;
	p2 =	por !p2, p0  }
0x20: {  	[sflag:s8] =	ssyncset.s32 @!p0 $0xFFFFF086;
	s6 =	sadd.s32 @!p0 s3, s7;
	s7 =	simm.s32 @!p0 $0x108  }
0x21: {  	s3 =	sadd.s32 s3, s9;
	s6 =	sadd.s32 @!p0 $0x88, s6;
	s7 =	simm.s32 @p2 $0x1082  }
0x22: {  	[simem:s7], [sflag:s8] =	dma.local @!p0 [hbm:s6], $0xF7A  }
0x23: {  	s9 =	sor.u32 $0xD0000000, s2;
	s6 =	simm.s32 $0x108;
	_ =	swait.ge @!p0 [sflag:s8], $0x0  }
0x24: {  	s3 =	sadd.s32 $0x88, s3;
	s6 =	simm.s32 @!p1 $0x1082;
	[sflag:s4] =	ssyncset.s32 $0xFFFFF086  }
0x25: {  	[simem:s6], [sflag:s4] =	dma.local [hbm:s3], $0xF7A  }
0x26: {  	[smem:$0x3F9D] =	sst s1;
	(tag) =	ssettag s2;
	_ =	strace s9  }
0x27: {  	s1 =	sld [smem:$0x3FAD]  }
0x28: {  	s2 =	sld [smem:$0x3FAE]  }
0x29: {  	s4 =	sld [smem:$0x3FB0]  }
0x2a: {  	p0 =	seq.s32 s5, $0x0;
	s5 =	sld [smem:$0x3FB1]  }
0x2b: {  	s6 =	sld [smem:$0x3FB2]  }
0x2c: {  	s7 =	sld [smem:$0x3FB3]  }
0x2d: {  	s3 =	simm.s32 $0x108;
	s8 =	sld [smem:$0x3FB4]  }
0x2e: {  	s3 =	simm.s32 @!p0 $0x1082;
	s9 =	sld [smem:$0x3FB5]  }
0x2f: {  	lr =	sadd.s32 s0, s3;
	s0 =	sld [smem:$0x3FAC]  }
0x30: {  	s3 =	sld [smem:$0x3FAF]  }
0x31: {  	[smem:$0x3FB8] =	sst s10  }
0x32: {  	s10 =	sld [smem:$0x3FB6];
	_ =	sdelay $0x3  }
0x33: {  	p0 =	seq.s32 s10, $0x1;
	s10 =	sld [smem:$0x3FB8];
	_ =	sdelay $0x3  }
0x34: {  	[smem:$0x3FB8] =	sst s10  }
0x35: {  	s10 =	sld [smem:$0x3FB7];
	_ =	sdelay $0x3  }
0x36: {  	p1 =	seq.s32 s10, $0x1;
	s10 =	sld [smem:$0x3FB8];
	_ =	sdelay $0x3  }
0x37: {  	[smem:$0x3FB8] =	sst s10  }
0x38: {  	s10 =	sld [smem:$0x3FB9]  }
0x39: {  	_ = 	snop;
	(pc) =	sbr.ind lr, $3  }
0x3a: {  	_ = 	snop  }
0x3b: {  	_ = 	snop  }
0x3c: {  	p2 =	seq.s32 s10, $0x1;
	s10 =	sld [smem:$0x3FB8]  }
0x3d: {  	_ =	shalt  }
0x3e: {  	_ =	shalt  }
0x3f: {  	_ =	shalt  }
0x40: {  	_ =	shalt  }
0x41: {  	_ =	shalt  }
0x42: {  	_ =	shalt  }
0x43: {  	_ =	shalt  }
0x44: {  	_ =	shalt  }
0x45: {  	_ =	shalt  }
0x46: {  	_ =	shalt  }
0x47: {  	_ =	shalt  }
0x48: {  	_ =	shalt  }
0x49: {  	_ =	shalt  }
0x4a: {  	_ =	shalt  }
0x4b: {  	_ =	shalt  }
0x4c: {  	_ =	shalt  }
0x4d: {  	_ =	shalt  }
0x4e: {  	_ =	shalt  }
0x4f: {  	_ =	shalt  }
0x50: {  	_ =	shalt  }
0x51: {  	_ =	shalt  }
0x52: {  	_ =	shalt  }
0x53: {  	_ =	shalt  }
0x54: {  	_ =	shalt  }
0x55: {  	_ =	shalt  }
0x56: {  	_ =	shalt  }
0x57: {  	_ =	shalt  }
0x58: {  	_ =	shalt  }
0x59: {  	_ =	shalt  }
0x5a: {  	_ =	shalt  }
0x5b: {  	_ =	shalt  }
0x5c: {  	_ =	shalt  }
0x5d: {  	_ =	shalt  }
0x5e: {  	_ =	shalt  }
0x5f: {  	_ =	shalt  }
0x60: {  	_ =	shalt  }
0x61: {  	_ =	shalt  }
0x62: {  	_ =	shalt  }
0x63: {  	_ =	shalt  }
0x64: {  	_ =	shalt  }
0x65: {  	_ =	shalt  }
0x66: {  	_ =	shalt  }
0x67: {  	_ =	shalt  }
0x68: {  	_ =	shalt  }
0x69: {  	_ =	shalt  }
0x6a: {  	_ =	shalt  }
0x6b: {  	_ =	shalt  }
0x6c: {  	_ =	shalt  }
0x6d: {  	_ =	shalt  }
0x6e: {  	_ =	shalt  }
0x6f: {  	_ =	shalt  }
0x70: {  	_ =	shalt  }
0x71: {  	_ =	shalt  }
0x72: {  	_ =	shalt  }
0x73: {  	_ =	shalt  }
0x74: {  	_ =	shalt  }
0x75: {  	_ =	shalt  }
0x76: {  	_ =	shalt  }
0x77: {  	_ =	shalt  }
0x78: {  	_ =	shalt  }
0x79: {  	_ =	shalt  }
0x7a: {  	_ =	shalt  }
0x7b: {  	_ =	shalt  }
0x7c: {  	_ =	shalt  }
0x7d: {  	_ =	shalt  }
0x7e: {  	_ =	shalt  }
0x7f: {  	_ =	shalt  }
0x80: {  	_ =	shalt  }
0x81: {  	_ =	shalt  }
0x82: {  	_ =	shalt  }
0x83: {  	_ =	shalt  }
0x84: {  	_ =	shalt  }
0x85: {  	_ =	shalt  }
0x86: {  	_ =	shalt  }
0x87: {  	_ =	shalt  }
.Lfunc_end0:
.L_simem_size_0:
called_computation_lowered:
.L_overlay_start_0:
0x88: {  	s2 =	sld [smem:$0x3FD9]  }
0x89: {  	s3 =	sld [smem:$0x3FFE];
	_ =	sdelay $0x1  }
0x8a: {  	s1 =	srdreg.scid  }
0x8b: {  	s0 =	sand.u32 $0x1, s1  }
0x8c: {  	s15 =	sshll.u32 s0, $0xA;
	s2 =	sadd.s32 s3, s2  }
0x8d: {  	s2 =	sadd.s32 s2, s15  }
0x8e: {  	[smem:$0x3FC4] =	sst s2  }
0x8f: {  	_ = 	snop  }
0x90: {  	(tm) =	ssettm $0x1  }
0x91: {  	s16 =	sld [smem:$0x3FFB];
	_ =	sdelay $0x3  }
0x92: {  	_ =	strace s16  }
0x93: {  	s2 =	sld [smem:$0x3FFC];
	_ =	sdelay $0x3  }
0x94: {  	_ =	strace s2  }
0x95: {  	s2 =	sld [smem:$0x3FFD];
	_ =	sdelay $0x3  }
0x96: {  	_ =	strace s2  }
0x97: {  	_ =	strace $0x8FFFFFFF  }
0x98: {  	s17 =	sld [smem:$0x3FDB];
	_ =	sdelay $0x1  }
0x99: {  	s18 =	simm.s32 $_scs_section_size  }
0x9a: {  	s4 =	simm.s32 $_size__tile_overlayer_lowered;
	s5 =	simm.s32 $_tile_overlayer_lowered  }
0x9b: {  	s21 =	simm.s32 $0x1BFF;
	s20 =	sshll.u32 s5, $0x1;
	s2 =	sadd.s32 s18, s17  }
0x9c: {  	s6 =	simm.s32 $0x0;
	s19 =	sshll.u32 s4, $0x1;
	s4 =	sadd.s32 s20, s2  }
0x9d: {  	[timem:s6], [sflag:s21] =	dma.local [hbm:s4], s19  }
0x9e: {  	_ =	swait.ge [sflag:s21], s19  }
0x9f: {  	s3 =	ssub.s32 $0x0, s19;
	[sflag:s21] =	ssyncset.done $0x0  }
0xa0: {  	[sflag:s21] =	ssyncadd.s32 s3;
	_ =	sdelay $0x1  }
0xa1: {  	s22 =	simm.s32 $0x1B8B  }
0xa2: {  	_ =	swait.ge [sflag:s22], $0x1  }
0xa3: {  	[sflag:s22] =	ssyncset.done $0x0  }
0xa4: {  	s23 =	sld [smem:$0x3FFE];
	[sflag:s22] =	ssyncadd.s32 $0xFFFFFFFF  }
0xa5: {  	s25 =	simm.s32 $0x1B8E;
	s24 =	sld [smem:$0x0]  }
0xa6: {  	s26 =	simm.s32 $execute0_lowered;
	[smem:$0x3FD2] =	sst s25  }
0xa7: {  	s5 =	sshll.u32 s26, $0x1;
	_ =	strace $0x80000046;
	[dreg:$0x1] =	wrdreg $0xFFFFFFFF  }
0xa8: {  	s28 =	simm.s32 $_size_execute0_lowered;
	s2 =	sadd.s32 s2, s5;
	[dreg:$0x0] =	wrdreg $0x0  }
0xa9: {  	s5 =	sshll.u32 s28, $0x1;
	[dreg:$0x2] =	wrdreg s2  }
0xaa: {  	[dreg:$0x3] =	wrdreg s5  }
0xab: {  	[dreg:$0x4] =	wrdreg $0xC0  }
0xac: {  	_ =	task [dreg:s6], $0x5FFFF  }
0xad: {  	[dreg:$0x1] =	wrdreg $0xFFFFFFFF  }
0xae: {  	[dreg:$0x0] =	wrdreg $0x60  }
0xaf: {  	[dreg:$0x2] =	wrdreg s23  }
0xb0: {  	[dreg:$0x3] =	wrdreg s1  }
0xb1: {  	[dreg:$0x4] =	wrdreg s24  }
0xb2: {  	[dreg:$0x5] =	wrdreg $0x9  }
0xb3: {  	_ =	task.clear_ibuf [dreg:s6], $0x6FFFF;
	_ =	strace $0x90000046  }
0xb4: {  	s29 =	simm.s32 $0x9;
	_ =	strace $0x80000048  }
0xb5: {  	_ =	swait.ge [sflag:s29], $0x1  }
0xb6: {  	[sflag:s29] =	ssyncadd.s32 $0xFFFFFFFF  }
0xb7: {  	_ =	strace $0x90000048  }
0xb8: {  	_ =	sfence  }
0xb9: {  	s30 =	sld [smem:$0x0];
	_ =	sdelay $0x2  }
0xba: {  	s31 =	sshll.u32 s1, $0xD;
	s1 =	sshrl.u32 s1, $0x2  }
0xbb: {  	s3 =	sand.u32 $0x4000, s31;
	s1 =	sadd.s32 s1, s30  }
0xbc: {  	s0 =	sor.u32 s3, s0;
	s1 =	sshll.u32 s1, $0x11  }
0xbd: {  	s0 =	sor.u32 s1, s0  }
0xbe: {  	s0 =	sadd.s32 $0x8F2B, s0  }
0xbf: {  	[sflag:s0] =	ssyncadd.remote.s32 $0x1  }
0xc0: {  	_ =	sfence.sel $0xFFFF  }
0xc1: {  	[dreg:$0x0] =	wrdreg $0xFFFFFFFF;
	(pc) =	sbr.abs _section_cstart, $3  }
0xc2: {  	[dreg:$0x1] =	wrdreg $0xFFFFFFFF  }
0xc3: {  	_ =	task.clear_ibuf [dreg:s6], $0x2FFFF;
	_ =	strace $0x9FFFFFFF  }
0xc4: {  	(tm) =	ssettm $0x7FFFFFFF  }
0xc5: {  	_ =	shalt  }
tec
execute0_lowered:
.L_overlay_start_1:
0x0: {  	(tag) =	ssettag $0x1  }
0x1: {  	s11 =	rddreg [dreg:$0x0]  }
0x2: {  	s2 =	rddreg [dreg:$0x1];
	_ =	strace $0x80000047;
	s12 =	simm.s32 $0x1  }
0x3: {  	v0 =	vimm.s32 $0x0;
	[sflag:s12] =	ssyncpa.u1 $0x0  }
0x4: {  	[tilespmem:$0x28] =	vst v0  }
0x5: {  	[tilespmem:$0x38] =	vst v0  }
0x6: {  	[tilespmem:$0x48] =	vst v0  }
0x7: {  	[tilespmem:$0x58] =	vst v0  }
0x8: {  	[tilespmem:$0x68] =	vst v0  }
0x9: {  	[tilespmem:$0x78] =	vst v0  }
0xa: {  	[tilespmem:$0x88] =	vst v0  }
0xb: {  	[tilespmem:$0x98] =	vst v0  }
0xc: {  	[tilespmem:$0xA8] =	vst v0  }
0xd: {  	[tilespmem:$0xB8] =	vst v0  }
0xe: {  	[tilespmem:$0xC8] =	vst v0  }
0xf: {  	[tilespmem:$0xD8] =	vst v0  }
0x10: {  	[tilespmem:$0xE8] =	vst v0  }
0x11: {  	[tilespmem:$0xF8] =	vst v0  }
0x12: {  	[tilespmem:$0x108] =	vst v0  }
0x13: {  	[tilespmem:$0x118] =	vst v0  }
0x14: {  	[tilespmem:$0x128] =	vst v0  }
0x15: {  	[tilespmem:$0x138] =	vst v0  }
0x16: {  	[tilespmem:$0x148] =	vst v0  }
0x17: {  	[tilespmem:$0x158] =	vst v0  }
0x18: {  	[tilespmem:$0x168] =	vst v0  }
0x19: {  	[tilespmem:$0x178] =	vst v0  }
0x1a: {  	[tilespmem:$0x188] =	vst v0  }
0x1b: {  	[tilespmem:$0x198] =	vst v0  }
0x1c: {  	[tilespmem:$0x1A8] =	vst v0  }
0x1d: {  	[tilespmem:$0x1B8] =	vst v0  }
0x1e: {  	[tilespmem:$0x1C8] =	vst v0  }
0x1f: {  	[tilespmem:$0x1D8] =	vst v0  }
0x20: {  	[tilespmem:$0x1E8] =	vst v0  }
0x21: {  	[tilespmem:$0x1F8] =	vst v0  }
0x22: {  	[tilespmem:$0x208] =	vst v0  }
0x23: {  	[tilespmem:$0x218] =	vst v0  }
0x24: {  	[tilespmem:$0x228] =	vst v0  }
0x25: {  	[tilespmem:$0x238] =	vst v0  }
0x26: {  	[tilespmem:$0x248] =	vst v0  }
0x27: {  	[tilespmem:$0x258] =	vst v0  }
0x28: {  	[tilespmem:$0x268] =	vst v0  }
0x29: {  	[tilespmem:$0x278] =	vst v0  }
0x2a: {  	[tilespmem:$0x288] =	vst v0  }
0x2b: {  	[tilespmem:$0x298] =	vst v0  }
0x2c: {  	[tilespmem:$0x2A8] =	vst v0  }
0x2d: {  	[tilespmem:$0x2B8] =	vst v0  }
0x2e: {  	[tilespmem:$0x2C8] =	vst v0  }
0x2f: {  	[tilespmem:$0x2D8] =	vst v0  }
0x30: {  	[tilespmem:$0x2E8] =	vst v0  }
0x31: {  	[tilespmem:$0x2F8] =	vst v0  }
0x32: {  	[tilespmem:$0x308] =	vst v0  }
0x33: {  	[tilespmem:$0x318] =	vst v0  }
0x34: {  	[tilespmem:$0x328] =	vst v0  }
0x35: {  	[tilespmem:$0x338] =	vst v0  }
0x36: {  	[tilespmem:$0x348] =	vst v0  }
0x37: {  	[tilespmem:$0x358] =	vst v0  }
0x38: {  	[tilespmem:$0x368] =	vst v0  }
0x39: {  	[tilespmem:$0x378] =	vst v0  }
0x3a: {  	[tilespmem:$0x388] =	vst v0  }
0x3b: {  	[tilespmem:$0x398] =	vst v0  }
0x3c: {  	[tilespmem:$0x3A8] =	vst v0  }
0x3d: {  	[tilespmem:$0x3B8] =	vst v0  }
0x3e: {  	[tilespmem:$0x3C8] =	vst v0  }
0x3f: {  	[tilespmem:$0x3D8] =	vst v0  }
0x40: {  	[tilespmem:$0x3E8] =	vst v0  }
0x41: {  	[tilespmem:$0x3F8] =	vst v0  }
0x42: {  	[tilespmem:$0x408] =	vst v0  }
0x43: {  	[tilespmem:$0x418] =	vst v0  }
0x44: {  	[tilespmem:$0x428] =	vst v0  }
0x45: {  	[tilespmem:$0x438] =	vst v0  }
0x46: {  	[tilespmem:$0x448] =	vst v0  }
0x47: {  	[tilespmem:$0x458] =	vst v0  }
0x48: {  	[tilespmem:$0x468] =	vst v0  }
0x49: {  	[tilespmem:$0x478] =	vst v0  }
0x4a: {  	[tilespmem:$0x488] =	vst v0  }
0x4b: {  	[tilespmem:$0x498] =	vst v0  }
0x4c: {  	[tilespmem:$0x4A8] =	vst v0  }
0x4d: {  	[tilespmem:$0x4B8] =	vst v0  }
0x4e: {  	[tilespmem:$0x4C8] =	vst v0  }
0x4f: {  	[tilespmem:$0x4D8] =	vst v0  }
0x50: {  	[tilespmem:$0x4E8] =	vst v0  }
0x51: {  	[tilespmem:$0x4F8] =	vst v0  }
0x52: {  	[tilespmem:$0x508] =	vst v0  }
0x53: {  	[tilespmem:$0x518] =	vst v0  }
0x54: {  	[tilespmem:$0x528] =	vst v0  }
0x55: {  	[tilespmem:$0x538] =	vst v0  }
0x56: {  	[tilespmem:$0x548] =	vst v0  }
0x57: {  	[tilespmem:$0x558] =	vst v0  }
0x58: {  	[tilespmem:$0x568] =	vst v0  }
0x59: {  	[tilespmem:$0x578] =	vst v0  }
0x5a: {  	[tilespmem:$0x588] =	vst v0  }
0x5b: {  	[tilespmem:$0x598] =	vst v0  }
0x5c: {  	[tilespmem:$0x5A8] =	vst v0  }
0x5d: {  	[tilespmem:$0x5B8] =	vst v0  }
0x5e: {  	[tilespmem:$0x5C8] =	vst v0  }
0x5f: {  	[tilespmem:$0x5D8] =	vst v0  }
0x60: {  	[tilespmem:$0x5E8] =	vst v0  }
0x61: {  	[tilespmem:$0x5F8] =	vst v0  }
0x62: {  	[tilespmem:$0x608] =	vst v0  }
0x63: {  	[tilespmem:$0x618] =	vst v0  }
0x64: {  	[tilespmem:$0x628] =	vst v0  }
0x65: {  	[tilespmem:$0x638] =	vst v0  }
0x66: {  	[tilespmem:$0x648] =	vst v0  }
0x67: {  	[tilespmem:$0x658] =	vst v0  }
0x68: {  	[tilespmem:$0x668] =	vst v0  }
0x69: {  	[tilespmem:$0x678] =	vst v0  }
0x6a: {  	[tilespmem:$0x688] =	vst v0  }
0x6b: {  	[tilespmem:$0x698] =	vst v0  }
0x6c: {  	[tilespmem:$0x6A8] =	vst v0  }
0x6d: {  	[tilespmem:$0x6B8] =	vst v0  }
0x6e: {  	[tilespmem:$0x6C8] =	vst v0  }
0x6f: {  	[tilespmem:$0x6D8] =	vst v0  }
0x70: {  	[tilespmem:$0x6E8] =	vst v0  }
0x71: {  	[tilespmem:$0x6F8] =	vst v0  }
0x72: {  	[tilespmem:$0x708] =	vst v0  }
0x73: {  	[tilespmem:$0x718] =	vst v0  }
0x74: {  	[tilespmem:$0x728] =	vst v0  }
0x75: {  	[tilespmem:$0x738] =	vst v0  }
0x76: {  	[tilespmem:$0x748] =	vst v0  }
0x77: {  	[tilespmem:$0x758] =	vst v0  }
0x78: {  	[tilespmem:$0x768] =	vst v0  }
0x79: {  	[tilespmem:$0x778] =	vst v0  }
0x7a: {  	[tilespmem:$0x788] =	vst v0  }
0x7b: {  	[tilespmem:$0x798] =	vst v0  }
0x7c: {  	[tilespmem:$0x7A8] =	vst v0  }
0x7d: {  	[tilespmem:$0x7B8] =	vst v0  }
0x7e: {  	[tilespmem:$0x7C8] =	vst v0  }
0x7f: {  	[tilespmem:$0x7D8] =	vst v0  }
0x80: {  	[tilespmem:$0x7E8] =	vst v0  }
0x81: {  	[tilespmem:$0x7F8] =	vst v0  }
0x82: {  	[tilespmem:$0x808] =	vst v0  }
0x83: {  	[tilespmem:$0x818] =	vst v0  }
0x84: {  	[tilespmem:$0x828] =	vst v0  }
0x85: {  	[tilespmem:$0x838] =	vst v0  }
0x86: {  	[tilespmem:$0x848] =	vst v0  }
0x87: {  	[tilespmem:$0x858] =	vst v0  }
0x88: {  	[tilespmem:$0x868] =	vst v0  }
0x89: {  	[tilespmem:$0x878] =	vst v0  }
0x8a: {  	[tilespmem:$0x888] =	vst v0  }
0x8b: {  	[tilespmem:$0x898] =	vst v0  }
0x8c: {  	[tilespmem:$0x8A8] =	vst v0  }
0x8d: {  	[tilespmem:$0x8B8] =	vst v0  }
0x8e: {  	[tilespmem:$0x8C8] =	vst v0  }
0x8f: {  	[tilespmem:$0x8D8] =	vst v0  }
0x90: {  	[tilespmem:$0x8E8] =	vst v0  }
0x91: {  	[tilespmem:$0x8F8] =	vst v0  }
0x92: {  	[tilespmem:$0x908] =	vst v0  }
0x93: {  	[tilespmem:$0x918] =	vst v0  }
0x94: {  	[tilespmem:$0x928] =	vst v0  }
0x95: {  	[tilespmem:$0x938] =	vst v0  }
0x96: {  	[tilespmem:$0x948] =	vst v0  }
0x97: {  	[tilespmem:$0x958] =	vst v0  }
0x98: {  	[tilespmem:$0x968] =	vst v0  }
0x99: {  	[tilespmem:$0x978] =	vst v0  }
0x9a: {  	[tilespmem:$0x988] =	vst v0  }
0x9b: {  	[tilespmem:$0x998] =	vst v0  }
0x9c: {  	[tilespmem:$0x9A8] =	vst v0  }
0x9d: {  	[tilespmem:$0x9B8] =	vst v0  }
0x9e: {  	[tilespmem:$0x9C8] =	vst v0  }
0x9f: {  	[tilespmem:$0x9D8] =	vst v0  }
0xa0: {  	[tilespmem:$0x9E8] =	vst v0  }
0xa1: {  	[tilespmem:$0x9F8] =	vst v0  }
0xa2: {  	[tilespmem:$0xA08] =	vst v0  }
0xa3: {  	[tilespmem:$0xA18] =	vst v0  }
0xa4: {  	[tilespmem:$0xA28] =	vst v0  }
0xa5: {  	[tilespmem:$0xA38] =	vst v0  }
0xa6: {  	[tilespmem:$0xA48] =	vst v0  }
0xa7: {  	[tilespmem:$0xA58] =	vst v0  }
0xa8: {  	[tilespmem:$0xA68] =	vst v0  }
0xa9: {  	[tilespmem:$0xA78] =	vst v0  }
0xaa: {  	[tilespmem:$0xA88] =	vst v0  }
0xab: {  	[tilespmem:$0xA98] =	vst v0  }
0xac: {  	[tilespmem:$0xAA8] =	vst v0  }
0xad: {  	[tilespmem:$0xAB8] =	vst v0  }
0xae: {  	[tilespmem:$0xAC8] =	vst v0  }
0xaf: {  	[tilespmem:$0xAD8] =	vst v0  }
0xb0: {  	[tilespmem:$0xAE8] =	vst v0  }
0xb1: {  	[tilespmem:$0xAF8] =	vst v0  }
0xb2: {  	[tilespmem:$0xB08] =	vst v0  }
0xb3: {  	[tilespmem:$0xB18] =	vst v0  }
0xb4: {  	[tilespmem:$0xB28] =	vst v0  }
0xb5: {  	[tilespmem:$0xB38] =	vst v0  }
0xb6: {  	[tilespmem:$0xB48] =	vst v0  }
0xb7: {  	[tilespmem:$0xB58] =	vst v0  }
0xb8: {  	[tilespmem:$0xB68] =	vst v0  }
0xb9: {  	[tilespmem:$0xB78] =	vst v0  }
0xba: {  	[tilespmem:$0xB88] =	vst v0  }
0xbb: {  	[tilespmem:$0xB98] =	vst v0  }
0xbc: {  	[tilespmem:$0xBA8] =	vst v0  }
0xbd: {  	[tilespmem:$0xBB8] =	vst v0  }
0xbe: {  	[tilespmem:$0xBC8] =	vst v0  }
0xbf: {  	[tilespmem:$0xBD8] =	vst v0  }
0xc0: {  	[tilespmem:$0xBE8] =	vst v0  }
0xc1: {  	[tilespmem:$0xBF8] =	vst v0  }
0xc2: {  	[tilespmem:$0xC08] =	vst v0  }
0xc3: {  	[tilespmem:$0xC18] =	vst v0  }
0xc4: {  	[tilespmem:$0xC28] =	vst v0  }
0xc5: {  	[tilespmem:$0xC38] =	vst v0  }
0xc6: {  	[tilespmem:$0xC48] =	vst v0  }
0xc7: {  	[tilespmem:$0xC58] =	vst v0  }
0xc8: {  	[tilespmem:$0xC68] =	vst v0  }
0xc9: {  	[tilespmem:$0xC78] =	vst v0  }
0xca: {  	[tilespmem:$0xC88] =	vst v0  }
0xcb: {  	[tilespmem:$0xC98] =	vst v0  }
0xcc: {  	[tilespmem:$0xCA8] =	vst v0  }
0xcd: {  	[tilespmem:$0xCB8] =	vst v0  }
0xce: {  	[tilespmem:$0xCC8] =	vst v0  }
0xcf: {  	[tilespmem:$0xCD8] =	vst v0  }
0xd0: {  	[tilespmem:$0xCE8] =	vst v0  }
0xd1: {  	[tilespmem:$0xCF8] =	vst v0  }
0xd2: {  	[tilespmem:$0xD08] =	vst v0  }
0xd3: {  	[tilespmem:$0xD18] =	vst v0  }
0xd4: {  	[tilespmem:$0xD28] =	vst v0  }
0xd5: {  	[tilespmem:$0xD38] =	vst v0  }
0xd6: {  	[tilespmem:$0xD48] =	vst v0  }
0xd7: {  	[tilespmem:$0xD58] =	vst v0  }
0xd8: {  	[tilespmem:$0xD68] =	vst v0  }
0xd9: {  	[tilespmem:$0xD78] =	vst v0  }
0xda: {  	[tilespmem:$0xD88] =	vst v0  }
0xdb: {  	[tilespmem:$0xD98] =	vst v0  }
0xdc: {  	[tilespmem:$0xDA8] =	vst v0  }
0xdd: {  	[tilespmem:$0xDB8] =	vst v0  }
0xde: {  	[tilespmem:$0xDC8] =	vst v0  }
0xdf: {  	[tilespmem:$0xDD8] =	vst v0  }
0xe0: {  	[tilespmem:$0xDE8] =	vst v0  }
0xe1: {  	[tilespmem:$0xDF8] =	vst v0  }
0xe2: {  	[tilespmem:$0xE08] =	vst v0  }
0xe3: {  	[tilespmem:$0xE18] =	vst v0  }
0xe4: {  	[tilespmem:$0xE28] =	vst v0  }
0xe5: {  	[tilespmem:$0xE38] =	vst v0  }
0xe6: {  	[tilespmem:$0xE48] =	vst v0  }
0xe7: {  	[tilespmem:$0xE58] =	vst v0  }
0xe8: {  	[tilespmem:$0xE68] =	vst v0  }
0xe9: {  	[tilespmem:$0xE78] =	vst v0  }
0xea: {  	[tilespmem:$0xE88] =	vst v0  }
0xeb: {  	[tilespmem:$0xE98] =	vst v0  }
0xec: {  	[tilespmem:$0xEA8] =	vst v0  }
0xed: {  	[tilespmem:$0xEB8] =	vst v0  }
0xee: {  	[tilespmem:$0xEC8] =	vst v0  }
0xef: {  	[tilespmem:$0xED8] =	vst v0  }
0xf0: {  	[tilespmem:$0xEE8] =	vst v0  }
0xf1: {  	[tilespmem:$0xEF8] =	vst v0  }
0xf2: {  	[tilespmem:$0xF08] =	vst v0  }
0xf3: {  	[tilespmem:$0xF18] =	vst v0  }
0xf4: {  	[tilespmem:$0xF28] =	vst v0  }
0xf5: {  	[tilespmem:$0xF38] =	vst v0  }
0xf6: {  	[tilespmem:$0xF48] =	vst v0  }
0xf7: {  	[tilespmem:$0xF58] =	vst v0  }
0xf8: {  	[tilespmem:$0xF68] =	vst v0  }
0xf9: {  	[tilespmem:$0xF78] =	vst v0  }
0xfa: {  	[tilespmem:$0xF88] =	vst v0  }
0xfb: {  	[tilespmem:$0xF98] =	vst v0  }
0xfc: {  	[tilespmem:$0xFA8] =	vst v0  }
0xfd: {  	[tilespmem:$0xFB8] =	vst v0  }
0xfe: {  	[tilespmem:$0xFC8] =	vst v0  }
0xff: {  	[tilespmem:$0xFD8] =	vst v0  }
0x100: {  	[tilespmem:$0xFE8] =	vst v0  }
0x101: {  	[tilespmem:$0xFF8] =	vst v0  }
0x102: {  	[tilespmem:$0x1028] =	vst v0  }
0x103: {  	[tilespmem:$0x10E8] =	vst v0  }
0x104: {  	[tilespmem:$0x1068] =	vst v0  }
0x105: {  	[tilespmem:$0x1B28] =	vst v0  }
0x106: {  	[tilespmem:$0x1B18] =	vst v0  }
0x107: {  	[tilespmem:$0x1B08] =	vst v0  }
0x108: {  	[tilespmem:$0x1AF8] =	vst v0  }
0x109: {  	[tilespmem:$0x1AE8] =	vst v0  }
0x10a: {  	[tilespmem:$0x1AD8] =	vst v0  }
0x10b: {  	[tilespmem:$0x1AC8] =	vst v0  }
0x10c: {  	[tilespmem:$0x1AB8] =	vst v0  }
0x10d: {  	[tilespmem:$0x1AA8] =	vst v0  }
0x10e: {  	[tilespmem:$0x1A98] =	vst v0  }
0x10f: {  	[tilespmem:$0x1A88] =	vst v0  }
0x110: {  	[tilespmem:$0x1A78] =	vst v0  }
0x111: {  	[tilespmem:$0x1A68] =	vst v0  }
0x112: {  	[tilespmem:$0x1A58] =	vst v0  }
0x113: {  	[tilespmem:$0x1A48] =	vst v0  }
0x114: {  	[tilespmem:$0x1A38] =	vst v0  }
0x115: {  	[tilespmem:$0x1A28] =	vst v0  }
0x116: {  	[tilespmem:$0x1A18] =	vst v0  }
0x117: {  	[tilespmem:$0x1A08] =	vst v0  }
0x118: {  	[tilespmem:$0x19F8] =	vst v0  }
0x119: {  	[tilespmem:$0x19E8] =	vst v0  }
0x11a: {  	[tilespmem:$0x19D8] =	vst v0  }
0x11b: {  	[tilespmem:$0x19C8] =	vst v0  }
0x11c: {  	[tilespmem:$0x19B8] =	vst v0  }
0x11d: {  	[tilespmem:$0x19A8] =	vst v0  }
0x11e: {  	[tilespmem:$0x1998] =	vst v0  }
0x11f: {  	[tilespmem:$0x1988] =	vst v0  }
0x120: {  	[tilespmem:$0x1978] =	vst v0  }
0x121: {  	[tilespmem:$0x1968] =	vst v0  }
0x122: {  	[tilespmem:$0x1958] =	vst v0  }
0x123: {  	[tilespmem:$0x1948] =	vst v0  }
0x124: {  	[tilespmem:$0x1938] =	vst v0  }
0x125: {  	[tilespmem:$0x1928] =	vst v0  }
0x126: {  	[tilespmem:$0x1918] =	vst v0  }
0x127: {  	[tilespmem:$0x1908] =	vst v0  }
0x128: {  	[tilespmem:$0x18F8] =	vst v0  }
0x129: {  	[tilespmem:$0x18E8] =	vst v0  }
0x12a: {  	[tilespmem:$0x18D8] =	vst v0  }
0x12b: {  	[tilespmem:$0x18C8] =	vst v0  }
0x12c: {  	[tilespmem:$0x18B8] =	vst v0  }
0x12d: {  	[tilespmem:$0x18A8] =	vst v0  }
0x12e: {  	[tilespmem:$0x1898] =	vst v0  }
0x12f: {  	[tilespmem:$0x1888] =	vst v0  }
0x130: {  	[tilespmem:$0x1878] =	vst v0  }
0x131: {  	[tilespmem:$0x1868] =	vst v0  }
0x132: {  	[tilespmem:$0x1858] =	vst v0  }
0x133: {  	[tilespmem:$0x1848] =	vst v0  }
0x134: {  	[tilespmem:$0x1838] =	vst v0  }
0x135: {  	[tilespmem:$0x1828] =	vst v0  }
0x136: {  	[tilespmem:$0x1818] =	vst v0  }
0x137: {  	[tilespmem:$0x1808] =	vst v0  }
0x138: {  	[tilespmem:$0x17F8] =	vst v0  }
0x139: {  	[tilespmem:$0x17E8] =	vst v0  }
0x13a: {  	[tilespmem:$0x17D8] =	vst v0  }
0x13b: {  	[tilespmem:$0x17C8] =	vst v0  }
0x13c: {  	[tilespmem:$0x17B8] =	vst v0  }
0x13d: {  	[tilespmem:$0x17A8] =	vst v0  }
0x13e: {  	[tilespmem:$0x1798] =	vst v0  }
0x13f: {  	[tilespmem:$0x1788] =	vst v0  }
0x140: {  	[tilespmem:$0x1778] =	vst v0  }
0x141: {  	[tilespmem:$0x1768] =	vst v0  }
0x142: {  	[tilespmem:$0x1758] =	vst v0  }
0x143: {  	[tilespmem:$0x1748] =	vst v0  }
0x144: {  	[tilespmem:$0x1738] =	vst v0  }
0x145: {  	[tilespmem:$0x1728] =	vst v0  }
0x146: {  	[tilespmem:$0x1718] =	vst v0  }
0x147: {  	[tilespmem:$0x1708] =	vst v0  }
0x148: {  	[tilespmem:$0x16F8] =	vst v0  }
0x149: {  	[tilespmem:$0x16E8] =	vst v0  }
0x14a: {  	[tilespmem:$0x16D8] =	vst v0  }
0x14b: {  	[tilespmem:$0x16C8] =	vst v0  }
0x14c: {  	[tilespmem:$0x16B8] =	vst v0  }
0x14d: {  	[tilespmem:$0x16A8] =	vst v0  }
0x14e: {  	[tilespmem:$0x1698] =	vst v0  }
0x14f: {  	[tilespmem:$0x1688] =	vst v0  }
0x150: {  	[tilespmem:$0x1678] =	vst v0  }
0x151: {  	[tilespmem:$0x1668] =	vst v0  }
0x152: {  	[tilespmem:$0x1658] =	vst v0  }
0x153: {  	[tilespmem:$0x1648] =	vst v0  }
0x154: {  	[tilespmem:$0x1638] =	vst v0  }
0x155: {  	[tilespmem:$0x1628] =	vst v0  }
0x156: {  	[tilespmem:$0x1618] =	vst v0  }
0x157: {  	[tilespmem:$0x1608] =	vst v0  }
0x158: {  	[tilespmem:$0x15F8] =	vst v0  }
0x159: {  	[tilespmem:$0x15E8] =	vst v0  }
0x15a: {  	[tilespmem:$0x15D8] =	vst v0  }
0x15b: {  	[tilespmem:$0x15C8] =	vst v0  }
0x15c: {  	[tilespmem:$0x15B8] =	vst v0  }
0x15d: {  	[tilespmem:$0x15A8] =	vst v0  }
0x15e: {  	[tilespmem:$0x1598] =	vst v0  }
0x15f: {  	[tilespmem:$0x1588] =	vst v0  }
0x160: {  	[tilespmem:$0x1578] =	vst v0  }
0x161: {  	[tilespmem:$0x1568] =	vst v0  }
0x162: {  	[tilespmem:$0x1558] =	vst v0  }
0x163: {  	[tilespmem:$0x1548] =	vst v0  }
0x164: {  	[tilespmem:$0x1538] =	vst v0  }
0x165: {  	[tilespmem:$0x1528] =	vst v0  }
0x166: {  	[tilespmem:$0x1518] =	vst v0  }
0x167: {  	[tilespmem:$0x1508] =	vst v0  }
0x168: {  	[tilespmem:$0x14F8] =	vst v0  }
0x169: {  	[tilespmem:$0x14E8] =	vst v0  }
0x16a: {  	[tilespmem:$0x14D8] =	vst v0  }
0x16b: {  	[tilespmem:$0x14C8] =	vst v0  }
0x16c: {  	[tilespmem:$0x14B8] =	vst v0  }
0x16d: {  	[tilespmem:$0x14A8] =	vst v0  }
0x16e: {  	[tilespmem:$0x1498] =	vst v0  }
0x16f: {  	[tilespmem:$0x1488] =	vst v0  }
0x170: {  	[tilespmem:$0x1478] =	vst v0  }
0x171: {  	[tilespmem:$0x1468] =	vst v0  }
0x172: {  	[tilespmem:$0x1458] =	vst v0  }
0x173: {  	[tilespmem:$0x1448] =	vst v0  }
0x174: {  	[tilespmem:$0x1438] =	vst v0  }
0x175: {  	[tilespmem:$0x1428] =	vst v0  }
0x176: {  	[tilespmem:$0x1418] =	vst v0  }
0x177: {  	[tilespmem:$0x1408] =	vst v0  }
0x178: {  	[tilespmem:$0x13F8] =	vst v0  }
0x179: {  	[tilespmem:$0x13E8] =	vst v0  }
0x17a: {  	[tilespmem:$0x13D8] =	vst v0  }
0x17b: {  	[tilespmem:$0x13C8] =	vst v0  }
0x17c: {  	[tilespmem:$0x13B8] =	vst v0  }
0x17d: {  	[tilespmem:$0x13A8] =	vst v0  }
0x17e: {  	[tilespmem:$0x1398] =	vst v0  }
0x17f: {  	[tilespmem:$0x1388] =	vst v0  }
0x180: {  	[tilespmem:$0x1378] =	vst v0  }
0x181: {  	[tilespmem:$0x1368] =	vst v0  }
0x182: {  	[tilespmem:$0x1358] =	vst v0  }
0x183: {  	[tilespmem:$0x1348] =	vst v0  }
0x184: {  	[tilespmem:$0x1338] =	vst v0  }
0x185: {  	[tilespmem:$0x1328] =	vst v0  }
0x186: {  	[tilespmem:$0x1318] =	vst v0  }
0x187: {  	[tilespmem:$0x1308] =	vst v0  }
0x188: {  	[tilespmem:$0x12F8] =	vst v0  }
0x189: {  	[tilespmem:$0x12E8] =	vst v0  }
0x18a: {  	[tilespmem:$0x12D8] =	vst v0  }
0x18b: {  	[tilespmem:$0x12C8] =	vst v0  }
0x18c: {  	[tilespmem:$0x12B8] =	vst v0  }
0x18d: {  	[tilespmem:$0x12A8] =	vst v0  }
0x18e: {  	[tilespmem:$0x1298] =	vst v0  }
0x18f: {  	[tilespmem:$0x1288] =	vst v0  }
0x190: {  	[tilespmem:$0x1278] =	vst v0  }
0x191: {  	[tilespmem:$0x1268] =	vst v0  }
0x192: {  	[tilespmem:$0x1258] =	vst v0  }
0x193: {  	[tilespmem:$0x1248] =	vst v0  }
0x194: {  	[tilespmem:$0x1238] =	vst v0  }
0x195: {  	[tilespmem:$0x1228] =	vst v0  }
0x196: {  	[tilespmem:$0x1218] =	vst v0  }
0x197: {  	[tilespmem:$0x1208] =	vst v0  }
0x198: {  	[tilespmem:$0x11F8] =	vst v0  }
0x199: {  	[tilespmem:$0x11E8] =	vst v0  }
0x19a: {  	[tilespmem:$0x11D8] =	vst v0  }
0x19b: {  	[tilespmem:$0x11C8] =	vst v0  }
0x19c: {  	[tilespmem:$0x11B8] =	vst v0  }
0x19d: {  	[tilespmem:$0x11A8] =	vst v0  }
0x19e: {  	[tilespmem:$0x1198] =	vst v0  }
0x19f: {  	[tilespmem:$0x1188] =	vst v0  }
0x1a0: {  	[tilespmem:$0x1178] =	vst v0  }
0x1a1: {  	[tilespmem:$0x1168] =	vst v0  }
0x1a2: {  	[tilespmem:$0x1158] =	vst v0  }
0x1a3: {  	[tilespmem:$0x1148] =	vst v0  }
0x1a4: {  	[tilespmem:$0x1138] =	vst v0  }
0x1a5: {  	[tilespmem:$0x1128] =	vst v0  }
0x1a6: {  	[tilespmem:$0x1118] =	vst v0  }
0x1a7: {  	s4 =	stileid.u32;
	[tilespmem:$0x1108] =	vst v0  }
0x1a8: {  	s0 =	smul.u32 $0xB, s4;
	[tilespmem:$0x10F8] =	vst v0  }
0x1a9: {  	s1 =	smin.u32 s4, $0xA;
	[tilespmem:$0x10C8] =	vst v0  }
0x1aa: {  	[tilespmem:$0x10D8] =	vst v0;
	s0 =	sadd.s32 s1, s0  }
0x1ab: {  	p0 =	slt.u32 s4, $0xA;
	[tilespmem:$0x10B8] =	vst v0;
	s1 =	simm.s32 $0x1440;
	s6 =	smul.u32 $0x1B0, s0  }
0x1ac: {  	s1 =	simm.s32 @!p0 $0x1290;
	[tilespmem:$0x1038] =	vst v0  }
0x1ad: {  	[tilespmem:$0x10A8] =	vst v0;
	s0 =	sadd.s32 s1, s6  }
0x1ae: {  	s3 =	simm.s32 $0x2;
	s8 =	simm.s32 $0x9;
	[tilespmem:$0x1098] =	vst v0;
	s7 =	smin.u32 s0, $0x13880  }
0x1af: {  	s10 =	simm.s32 $0xA;
	s30 =	simm.s32 $0xB;
	[tilespmem:$0x1088] =	vst v0;
	s0 =	ssub.s32 s7, s6  }
0x1b0: {  	s16 =	simm.s32 $0x0;
	p4 =	por $0x0, $0x0;
	[tilespmem:$0x1078] =	vst v0;
	p0 =	sgt.s32 s0, $0x0  }
0x1b1: {  	s17 =	simm.s32 $0xC;
	s21 =	simm.s32 $0x0;
	[tilespmem:$0x1058] =	vst v0;
	s0 =	simm.s32 @!p0 $0x0  }
0x1b2: {  	s18 =	simm.s32 $0x0;
	s2 =	sand.u32 $0x1, s2;
	[tilespmem:$0x1048] =	vst v0;
	s29 =	smulhi.u32 $0x4BDA12F7, s0  }
0x1b3: {  	s20 =	simm.s32 $0x0;
	s31 =	sshll.u32 s4, $0x5;
	[tilespmem:$0x1018] =	vst v0;
	[dreg:$0x5] =	wrdreg s2  }
0x1b4: {  	s2 =	smul.u32 $0x2710, s2;
	[tilespmem:$0x1008] =	vst v0;
	[sflag:s3] =	ssyncpa.u1 $0x0;
	s1 =	sshrl.u32 s29, $0x7  }
0x1b5: {  	v0 =	vimm.s32 $0xFFFFFFFF;
	s3 =	sadd.s32 $0x2CA00, s11;
	[dreg:$0x4] =	wrdreg s31;
	s5 =	smul.u32 $0x1B0, s1  }
.Ltmp0:
0x1b6: {  	[tilespmem:$0x3648] =	vst v0;
	[sflag:s8] =	ssyncpa.u1 $0x0;
	s2 =	sadd.s32 s2, s11;
	(pc) =	sbr.rel .LBB2_1-.Ltmp0, $4  }
0x1b7: {  	[sflag:s10] =	ssyncpa.u1 $0x0;
	s11 =	sadd.s32 $0x793400, s11;
	p0 =	sne.s32 s0, s5  }
0x1b8: {  	[sflag:s30] =	ssyncpa.u1 $0x0;
	s14 =	sadd.s32 $0xEE00, s2;
	s12 =	simm.s32 @!p0 $0x0  }
0x1b9: {  	s15 =	sadd.s32 $0x9E00, s2;
	s19 =	smov.u32 s6;
	s12 =	sadd.s32 s12, s1  }
0x1ba: {  	v0 =	vlaneseq.u32;
	[dreg:$0x6] =	wrdreg s6;
	p0 =	por $0x1, $0x1;
	s4 =	sadd.s32 $0x1, s12  }
.LBB2_18:
0x1bb: {  	s0 =	simm.s32 $0x2  }
0x1bc: {  	_ =	swait.ge [sflag:s0], $0x0  }
0x1bd: {  	[sflag:s0] =	ssyncset.done $0x0;
	s0 =	simm.s32 $0x0  }
.LBB2_19:
0x1be: {  	_ =	swait.ge [sflag:s17], s0  }
0x1bf: {  	s31 =	ssub.s32 $0x0, s0;
	v1 =	vmov s23;
	vm0 =	veq.s32 v0, $0x0;
	[sflag:s17] =	ssyncset.done $0x0  }
0x1c0: {  	vm15 =	veq.s32 v0, $0x2;
	v1 =	vsel vm0, s28, v1;
	[sflag:s17] =	ssyncadd.s32 s31  }
0x1c1: {  	v1 =	vsel vm15, s21, v1;
	[sflag:s17] =	ssyncpa.u1 $0x1  }
0x1c2: {  	[tilespmem:$0x3648] =	vst v1  }
.LBB2_20:
0x1c3: {  	s0 =	sadd.s32 $0x1B0, s19  }
0x1c4: {  	s1 =	smov.u32 s6;
	p1 =	slt.s32 s0, s7  }
0x1c5: {  	s1 =	smov.u32 @p1 s0;
	p1 =	sne.s32 s20, s4  }
.Ltmp1:
0x1c6: {  	_ = 	snop;
	(pc) =	sbr.rel @!p1 .LBB2_21-.Ltmp1, $4  }
0x1c7: {  	_ = 	snop  }
0x1c8: {  	s21 =	smov.u32 s18  }
0x1c9: {  	s31 =	sadd.s32 $0x1, s20;
	s18 =	smov.u32 s19;
	p0 =	por !p0, !p0  }
0x1ca: {  	p4 =	por !p4, !p4;
	s20 =	smov.u32 s31;
	s19 =	smov.u32 s1  }
.LBB2_1:
0x1cb: {  	p2 =	sge.u32 s20, s12  }
0x1cc: {  	s0 =	smulhi.u32 @!p2 $0xAAAAAAAB, s20  }
0x1cd: {  	s1 =	smov.u32 s19;
	p3 =	sgt.s32 @!p2 s19, $0x136D0  }
0x1ce: {  	s2 =	sshra.s32 @!p2 s19, $0x1F;
	p3 =	por !p3, p2;
	s0 =	sshrl.u32 @!p2 s0, $0x1  }
0x1cf: {  	s2 =	sand.u32 @!p2 s2, s19;
	s1 =	simm.s32 @p3 $0x136D0;
	s0 =	smul.u32 @!p2 $0x3, s0  }
0x1d0: {  	s1 =	ssub.s32 @!p2 s1, s2  }
0x1d1: {  	s23 =	sadd.s32 $0xFFFFFFFF, s20;
	s1 =	sadd.s32 @!p2 $0xFFFEC930, s1;
	s0 =	ssub.s32 @!p2 s20, s0  }
0x1d2: {  	s2 =	sshll.u32 @!p2 s1, $0x2;
	p3 =	sgt.s32 @!p2 s1, $0x1AF;
	s0 =	smul.u32 @!p2 $0x6C0, s0  }
0x1d3: {  	s5 =	sand.u32 @!p2 $0x7, s19;
	s1 =	ssub.s32 @!p2 $0x6C0, s2;
	p3 =	por !p3, p2  }
0x1d4: {  	s2 =	sshrl.u32 @!p2 s19, $0x3;
	s1 =	sshrl.u32 @!p2 s1, $0x2;
	s0 =	sshrl.u32 @!p2 s0, $0x2  }
0x1d5: {  	s2 =	sadd.s32 @!p2 s2, s14;
	s1 =	simm.s32 @!p3 $0x0;
	s0 =	sadd.s32 @!p2 $0x3888, s0  }
0x1d6: {  	[tilespmem:s0], [sflag:$0xA] =	stream.linear.gather @!p2 [hbm4b:s2+s5], s1, $0x38;
	[tilespmem:$0x1F0F8] =	vst v63  }
0x1d7: {  	p2 =	sge.u32 s23, s12  }
0x1d8: {  	p3 =	sgt.s32 @!p2 s18, $0x136D0  }
0x1d9: {  	s0 =	smov.u32 s18;
	s1 =	sshra.s32 @!p2 s18, $0x1F;
	p3 =	por !p3, p2  }
0x1da: {  	s1 =	sand.u32 @!p2 s1, s18;
	s0 =	simm.s32 @p3 $0x136D0  }
0x1db: {  	s0 =	ssub.s32 @!p2 s0, s1  }
0x1dc: {  	s0 =	sadd.s32 @!p2 $0xFFFEC930, s0  }
0x1dd: {  	s1 =	sshll.u32 @!p2 s0, $0x2  }
0x1de: {  	p3 =	sgt.s32 @!p2 s0, $0x1AF;
	s0 =	ssub.s32 @!p2 $0x6C0, s1  }
0x1df: {  	s22 =	ssub.s32 @!p2 $0x13880, s18;
	p3 =	por !p3, p2;
	s0 =	sshrl.u32 @!p2 s0, $0x2  }
0x1e0: {  	s1 =	sand.u32 @!p2 $0x1, s23;
	s0 =	simm.s32 @!p3 $0x0;
	p3 =	slt.s32 @!p2 s22, $0x1  }
0x1e1: {  	s2 =	simm.s32 @!p2 $0xA;
	s1 =	smul.u32 @!p2 $0x6C0, s1;
	p3 =	por p2, p3  }
.Ltmp2:
0x1e2: {  	_ =	swait.ge @!p2 [sflag:s2], s0;
	(pc) =	sbr.rel @p3 .LBB2_7-.Ltmp2, $4  }
0x1e3: {  	s5 =	ssub.s32 @!p2 $0x0, s0;
	[sflag:s2] =	ssyncset.done @!p2 $0x0  }
0x1e4: {  	s1 =	sshrl.u32 @!p2 s1, $0x2;
	[sflag:s2] =	ssyncadd.s32 @!p2 s5;
	s2 =	sshrl.u32 @!p2 s18, $0x3  }
0x1e5: {  	s1 =	sadd.s32 @!p2 $0x3D98, s1;
	s5 =	sand.u32 @!p2 $0x7, s18;
	s2 =	sadd.s32 @!p2 s2, s15  }
0x1e6: {  	[tilespmem:s1], [sflag:$0xB] =	stream.linear.gather @!p2 [hbm4b:s2+s5], s0, $0x38;
	[tilespmem:$0x1F0F8] =	vst v63  }
0x1e7: {  	s0 =	smulhi.u32 $0xAAAAAAAB, s23;
	_ =	sdelay $0x1  }
0x1e8: {  	s0 =	sshrl.u32 s0, $0x1  }
0x1e9: {  	s0 =	smul.u32 $0x3, s0;
	_ =	sdelay $0x1  }
0x1ea: {  	s0 =	ssub.s32 s23, s0  }
0x1eb: {  	s1 =	simm.s32 $0x1;
	s0 =	smul.u32 $0x6C0, s0  }
.Ltmp3:
0x1ec: {  	s1 =	simm.s32 @!p0 $0x0;
	(pc) =	sbr.rel .LBB2_4-.Ltmp3, $4  }
0x1ed: {  	s1 =	smul.u32 $0x36000, s1  }
0x1ee: {  	p3 =	slt.s32 @!p2 s22, $0x1B0;
	s0 =	sshrl.u32 s0, $0x2  }
0x1ef: {  	p2 =	por !p3, p2;
	s1 =	sshrl.u32 s1, $0x2;
	s0 =	sadd.s32 $0x3888, s0  }
0x1f0: {  	s24 =	simm.s32 $0x0;
	s22 =	simm.s32 @p2 $0x1B0;
	s23 =	sadd.s32 $0x40F8, s1;
	v1 =	vmov s0  }
.LBB2_3:
0x1f1: {  	p2 =	sge.s32 s24, s22  }
.Ltmp4:
0x1f2: {  	_ = 	snop;
	(pc) =	sbr.rel @p2 .LBB2_7-.Ltmp4, $2  }
0x1f3: {  	_ =	sdelay $0x2  }
0x1f4: {  	s23 =	sadd.s32 $0x800, s23  }
.LBB2_4:
0x1f5: {  	p2 =	sle.s32 s22, s24  }
.Ltmp5:
0x1f6: {  	_ = 	snop;
	(pc) =	sbr.rel @p2 .LBB2_3-.Ltmp5, $2  }
0x1f7: {  	_ =	sdelay $0x2  }
0x1f8: {  	s0 =	smov.u32 s24;
	s24 =	sadd.s32 $0x10, s24  }
0x1f9: {  	s1 =	ssub.s32 s22, s0  }
0x1fa: {  	p2 =	slt.s32 s1, $0x10  }
0x1fb: {  	s1 =	simm.s32 @!p2 $0x10  }
0x1fc: {  	v2 =	vmov s1  }
0x1fd: {  	vm0 =	vgt.s32 v2, v0;
	_ =	sdelay $0x5  }
0x1fe: {  	v2 =	vld.idx.msk [tilespmem:v1+s0+$0x0 ss:$0x1], vm0;
	_ =	sdelay $0x2  }
0x1ff: {  	p2 =	slt.s32 s24, s22;
	s1 =	smov.u32 s22  }
0x200: {  	s2 =	smov.u32 s23;
	s25 =	simm.s32 $0x0;
	s1 =	smov.u32 @p2 s24  }
.LBB2_6:
0x201: {  	(v2sf) =	vpush v2, s25;
	_ =	sdelay $0xc  }
0x202: {  	s25 =	sadd.s32 $0x1, s25  }
0x203: {  	s31 =	sadd.s32 s25, s0  }
0x204: {  	p2 =	slt.s32 s31, s1;
	s5 =	spop (v2sf)  }
.Ltmp6:
0x205: {  	s5 =	sshll.u32 s5, $0x4;
	(pc) =	sbr.rel @p2 .LBB2_6-.Ltmp6, $4  }
0x206: {  	s5 =	sand.u32 $0x1FFFFFF0, s5  }
0x207: {  	s5 =	sadd.s32 s11, s5  }
0x208: {  	[tilespmem:s2], [sflag:$0x9] =	stream.linear.gather [hbm4b:s5+s16], $0x10, $0x38;
	[tilespmem:$0x1F0F8] =	vst v63  }
0x209: {  	s2 =	sadd.s32 $0x80, s2  }
.Ltmp7:
0x20a: {  	_ = 	snop;
	(pc) =	sbr.rel .LBB2_3-.Ltmp7, $1  }
0x20b: {  	_ =	sdelay $0x3  }
.LBB2_7:
0x20c: {  	p2 =	slt.u32 s20, $0x2  }
.Ltmp8:
0x20d: {  	_ = 	snop;
	(pc) =	sbr.rel @p2 .LBB2_20-.Ltmp8, $1  }
0x20e: {  	_ =	sdelay $0x3  }
0x20f: {  	p2 =	sgt.s32 s21, $0x136D0  }
0x210: {  	s0 =	smov.u32 s21;
	s1 =	sshra.s32 s21, $0x1F;
	s2 =	ssub.s32 $0x13880, s21  }
0x211: {  	s0 =	simm.s32 @!p2 $0x136D0;
	s1 =	sand.u32 s1, s21;
	p2 =	slt.s32 s2, $0x1B0  }
0x212: {  	s0 =	ssub.s32 s0, s1;
	s2 =	simm.s32 @!p2 $0x1B0  }
0x213: {  	s0 =	sadd.s32 $0xFFFEC930, s0;
	s24 =	sshll.u32 s2, $0x4  }
0x214: {  	s28 =	simm.s32 $0x9;
	s25 =	sshll.u32 s0, $0x2;
	s1 =	sand.u32 $0x3FFFFFF0, s24  }
0x215: {  	p2 =	sgt.s32 s0, $0x1AF;
	s26 =	ssub.s32 $0x6C0, s25;
	_ =	swait.ge [sflag:s28], s1  }
0x216: {  	s1 =	ssub.s32 $0x0, s1;
	[sflag:s28] =	ssyncset.done $0x0;
	s0 =	sshrl.u32 s26, $0x2  }
0x217: {  	s30 =	simm.s32 $0xB;
	[sflag:s28] =	ssyncadd.s32 s1;
	s0 =	simm.s32 @p2 $0x0  }
0x218: {  	_ =	swait.ge [sflag:s30], s0  }
0x219: {  	s0 =	ssub.s32 $0x0, s0;
	[sflag:s30] =	ssyncset.done $0x0  }
0x21a: {  	[sflag:s30] =	ssyncadd.s32 s0  }
0x21b: {  	v1 =	vld [tilespmem:$0x3648];
	_ =	sdelay $0x4  }
0x21c: {  	(v2sf) =	vpush v1, $0x0  }
0x21d: {  	(v2sf) =	vpush v1, $0x1  }
0x21e: {  	(v2sf) =	vpush v1, $0x2;
	_ =	sdelay $0x3  }
0x21f: {  	s0 =	sadd.s32 $0x1B0, s21  }
0x220: {  	s1 =	ssub.s32 $0x27100, s21;
	p2 =	slt.s32 s7, s0  }
0x221: {  	s0 =	smov.u32 @p2 s7;
	p2 =	sgt.s32 s1, $0x0  }
0x222: {  	s25 =	ssub.s32 s0, s21;
	s1 =	simm.s32 @!p2 $0x0  }
0x223: {  	p2 =	slt.s32 s1, s25  }
0x224: {  	s25 =	smov.u32 @p2 s1  }
0x225: {  	s24 =	simm.s32 $0x1;
	p2 =	slt.s32 s25, $0x1  }
.Ltmp9:
0x226: {  	s24 =	simm.s32 @!p4 $0x0;
	(pc) =	sbr.rel @p2 .LBB2_12-.Ltmp9, $4  }
0x227: {  	s31 =	smul.u32 $0x6C0, s24  }
0x228: {  	s26 =	spop (v2sf)  }
0x229: {  	s0 =	sshrl.u32 s31, $0x2;
	s29 =	spop (v2sf)  }
0x22a: {  	s22 =	sadd.s32 $0x3D98, s0;
	s21 =	spop (v2sf)  }
0x22b: {  	s0 =	smin.u32 s25, $0x10  }
0x22c: {  	v1 =	vmov s0  }
0x22d: {  	p3 =	sgt.s32 s25, $0x10;
	vm1 =	vgt.u32 v1, v0  }
.Ltmp10:
0x22e: {  	_ = 	snop;
	(pc) =	sbr.rel @!p3 .LBB2_11-.Ltmp10, $2  }
0x22f: {  	_ =	sdelay $0x2  }
0x230: {  	s23 =	simm.s32 $0x10;
	s28 =	sadd.s32 $0xFFFFFFF0, s25;
	s0 =	smov.u32 s22;
	vm0 =	vmmov vm1  }
.LBB2_10:
0x231: {  	s1 =	smin.u32 s28, $0x10;
	s23 =	sadd.s32 $0x10, s23;
	v1 =	vld.msk [tilespmem:s0+$0x0 ss:$0x1], vm1  }
0x232: {  	v2 =	vmov s1;
	p3 =	slt.s32 s23, s25  }
0x233: {  	vm1 =	vgt.u32 v2, v0  }
.Ltmp11:
0x234: {  	(pc) =	sbr.rel @p3 .LBB2_10-.Ltmp11, $3  }
0x235: {  	_ =	sdelay $0x1  }
0x236: {  	v1 =	vshll.u32 v1, $0x4  }
0x237: {  	s28 =	sadd.s32 $0xFFFFFFF0, s28;
	[tilespmem:s0+$0x0] =	vst.msk vm0, v1;
	s0 =	sadd.s32 $0x10, s0;
	vm0 =	vmmov vm1  }
.LBB2_11:
0x238: {  	_ =	sdelay $0x4  }
0x239: {  	v1 =	vld.msk [tilespmem:s0+$0x0 ss:$0x1], vm1;
	_ =	sdelay $0x4  }
0x23a: {  	v1 =	vshll.u32 v1, $0x4  }
0x23b: {  	[tilespmem:s0+$0x0] =	vst.msk vm0, v1  }
.LBB2_12:
0x23c: {  	s0 =	sand.u32 $0x1, s20  }
0x23d: {  	s0 =	smul.u32 $0x1B0, s0  }
0x23e: {  	p3 =	sne.s32 s29, $0xFFFFFFFF  }
0x23f: {  	v1 =	vld.msk @!p3 [tilespmem:s0+$0x3D98], $0x1;
	_ =	sdelay $0x4  }
0x240: {  	(v2sf) =	vpush @!p3 v1, $0x0;
	_ =	sdelay $0xc  }
.Ltmp12:
0x241: {  	_ = 	snop;
	(pc) =	sbr.rel @p2 .LBB2_18-.Ltmp12, $4  }
0x242: {  	_ = 	snop  }
0x243: {  	s28 =	spop @!p3 (v2sf)  }
0x244: {  	s21 =	simm.s32 @!p3 $0x0;
	s23 =	smov.u32 s28  }
0x245: {  	[sflag:s17] =	ssyncpa.u1 $0x0;
	s28 =	smov.u32 @p3 s26;
	s23 =	smov.u32 @p3 s29  }
0x246: {  	v1 =	vld.msk [tilespmem:s22+$0x0], $0x1;
	_ =	sdelay $0x4  }
0x247: {  	(v2sf) =	vpush v1, $0x0;
	_ =	sdelay $0xe  }
0x248: {  	s0 =	simm.s32 @!p4 $0x0;
	s26 =	smul.u32 $0x36000, s24;
	s31 =	spop (v2sf)  }
0x249: {  	s29 =	ssub.s32 $0x0, s25;
	s0 =	simm.s32 @p4 $0x1;
	p2 =	seq.s32 s28, s31  }
0x24a: {  	s1 =	smov.u32 s28;
	[smem:$0x7FD] =	sst s0;
	p3 =	sgt.s32 @!p2 s28, $0x0  }
0x24b: {  	s0 =	sshrl.u32 s26, $0x2;
	s26 =	sadd.s32 $0x1, s29;
	p3 =	por !p3, p2  }
0x24c: {  	s1 =	simm.s32 @p3 $0x0;
	p3 =	seq.s32 s26, $0x0  }
.Ltmp13:
0x24d: {  	_ = 	snop;
	(pc) =	sbr.rel @p3 .LBB2_15-.Ltmp13, $4  }
0x24e: {  	s6 =	smov.u32 s4;
	s25 =	simm.s32 $0x0  }
0x24f: {  	s24 =	sadd.s32 $0x40F8, s0;
	s0 =	simm.s32 @!p2 $0x1;
	s2 =	smin.u32 @!p2 s1, $0x1116FE  }
0x250: {  	s30 =	sadd.s32 $0x1, s22;
	s0 =	smov.u32 @p2 s25;
	s5 =	sand.u32 @!p2 $0x1FFFF8, s2  }
0x251: {  	s1 =	simm.s32 @!p2 $0x1B38;
	s2 =	sand.u32 @!p2 $0x7, s2;
	s5 =	sadd.s32 @!p2 s3, s5  }
.LBB2_14:
0x252: {  	s4 =	smov.u32 s0  }
0x253: {  	[tilespmem:s1], [sflag:$0x2] =	stream.linear.gather @!p2 [hbm4b:s5+s2], $0x10, $0x38;
	[tilespmem:$0x1F0F8] =	vst v63  }
0x254: {  	s26 =	sadd.s32 $0x1, s26;
	s2 =	smov.u32 s31;
	v1 =	vld.msk [tilespmem:s30+$0x0], $0x1  }
0x255: {  	p3 =	seq.s32 s26, $0x0;
	_ =	sdelay $0x3  }
0x256: {  	(v2sf) =	vpush v1, $0x0;
	_ =	sdelay $0xe  }
0x257: {  	s31 =	spop (v2sf)  }
0x258: {  	p2 =	seq.s32 s2, s31  }
0x259: {  	p4 =	sgt.s32 @!p2 s2, $0x0;
	s1 =	sshll.u32 @!p2 s0, $0x6;
	s0 =	sadd.s32 @!p2 $0x1, s0  }
.Ltmp14:
0x25a: {  	p4 =	por !p4, p2;
	s1 =	sshra.s32 @!p2 s1, $0x2;
	(pc) =	sbr.rel @!p3 .LBB2_14-.Ltmp14, $4  }
0x25b: {  	s0 =	smov.u32 @p2 s4;
	s2 =	simm.s32 @p4 $0x0;
	s1 =	sadd.s32 @!p2 $0x1B38, s1  }
0x25c: {  	s2 =	smin.u32 @!p2 s2, $0x1116FE  }
0x25d: {  	s4 =	sand.u32 @!p2 $0x1FFFF8, s2;
	s2 =	sand.u32 @!p2 $0x7, s2  }
0x25e: {  	s30 =	sadd.s32 $0x1, s30;
	s5 =	sadd.s32 @!p2 s3, s4  }
.LBB2_15:
0x25f: {  	[tilespmem:s1], [sflag:$0x2] =	stream.linear.gather @!p2 [hbm4b:s5+s2], $0x10, $0x38;
	[tilespmem:$0x1F0F8] =	vst v63  }
0x260: {  	s0 =	sshll.u32 s0, $0x4  }
0x261: {  	s31 =	simm.s32 $0x2;
	s0 =	sand.u32 $0x3FFFFFF0, s0  }
0x262: {  	_ =	swait.ge [sflag:s31], s0  }
0x263: {  	s0 =	ssub.s32 $0x0, s0;
	[sflag:s31] =	ssyncset.done $0x0  }
0x264: {  	[sflag:s31] =	ssyncadd.s32 s0  }
0x265: {  	v1 =	vld.msk [tilespmem:s22+$0x0], $0x1;
	_ =	sdelay $0x4  }
0x266: {  	(v2sf) =	vpush v1, $0x0;
	_ =	sdelay $0xe  }
0x267: {  	s26 =	spop (v2sf)  }
0x268: {  	p2 =	sne.s32 s28, s26  }
0x269: {  	p4 =	sne.s32 @p2 s28, s23  }
0x26a: {  	p3 =	por !p4, !p2  }
0x26b: {  	s0 =	simm.s32 @!p3 $0x0  }
0x26c: {  	v1 =	vld @!p3 [tilespmem:s0+$0x1B38]  }
0x26d: {  	p5 =	sgt.u32 @!p3 s28, $0x1116FE  }
0x26e: {  	s1 =	sshll.u32 @!p3 s21, $0x6;
	p6 =	por @p2 p5, !p4  }
0x26f: {  	s1 =	sshra.s32 @!p3 s1, $0x2;
	p1 =	por p6, !p2;
	p6 =	por p4, !p2  }
0x270: {  	s2 =	sadd.s32 @!p3 $0x28, s1;
	s4 =	sand.u32 @!p1 $0x1FFFF8, s28;
	s5 =	sshll.u32 @!p6 s21, $0x6  }
0x271: {  	s28 =	sand.u32 @!p1 $0x7, s28;
	[tilespmem:s1+$0x28] =	vst.add.f32.msk @!p3 $0xffff, v1;
	s1 =	sadd.s32 @!p1 s3, s4;
	s4 =	sshra.s32 @!p6 s5, $0x2  }
0x272: {  	[hbm4b:s1+s28] =	stream.linear.scatter @!p1 [tilespmem:s2], [sflag:$0xC], $0x10, $0x38;
	[tilespmem:$0x1F0F8] =	vst v63  }
0x273: {  	s0 =	rddreg [dreg:$0x4];
	s1 =	sadd.s32 @!p6 $0x28, s4;
	s2 =	simm.s32 @!p6 $0x1  }
0x274: {  	[spmem:s0] =	stream.linear.scatter @!p6 [tilespmem:s1], [sflag:$0x1], $0x10, $0x38;
	[tilespmem:$0x1F0F8] =	vst v63  }
0x275: {  	s0 =	sadd.s32 @p2 $0x1, s21;
	_ =	swait.ge @!p6 [sflag:s2], $0x10  }
0x276: {  	s1 =	sshrl.u32 @p2 s0, $0x4;
	[sflag:s2] =	ssyncset.done @!p6 $0x0  }
0x277: {  	s1 =	smulhi.u32 @p2 $0x97B425F, s1;
	[sflag:s2] =	ssyncadd.s32 @!p6 $0xFFFFFFF0  }
0x278: {  	s28 =	sadd.s32 $0x1, s29;
	v1 =	vld @p2 [tilespmem:s24+$0x0]  }
0x279: {  	p1 =	por @p2 !p5, !p4;
	p4 =	seq.s32 s28, $0x0;
	s1 =	smul.u32 @p2 $0x1B0, s1  }
.Ltmp15:
0x27a: {  	p1 =	por !p1, !p2;
	s2 =	simm.s32 @!p3 $0x0;
	(pc) =	sbr.rel @p4 .LBB2_17-.Ltmp15, $4  }
0x27b: {  	s4 =	sshll.u32 @!p2 s21, $0x6;
	s2 =	simm.s32 @!p1 $0x40;
	s0 =	ssub.s32 @p2 s0, s1  }
0x27c: {  	s29 =	simm.s32 $0x0;
	s2 =	sadd.s32 @!p3 $0x0, s2;
	s5 =	sshll.u32 @p2 s0, $0x4  }
0x27d: {  	s30 =	sshra.s32 @!p2 s4, $0x2;
	s1 =	simm.s32 @p2 $0x1;
	s2 =	smov.u32 @p3 s25;
	[tilespmem:s5+$0x28] =	vst @p2 v1  }
0x27e: {  	s21 =	smov.u32 @p2 s0;
	s29 =	smov.u32 @p2 s2;
	s25 =	smov.u32 @p2 s1;
	v1 =	vld @!p2 [tilespmem:s24+$0x0]  }
.LBB2_16:
0x27f: {  	_ =	sdelay $0x3  }
0x280: {  	s22 =	sadd.s32 $0x1, s22;
	[tilespmem:s30+$0x28] =	vst.add.f32.msk @!p2 $0xffff, v1  }
0x281: {  	v1 =	vld.msk [tilespmem:s22+$0x0], $0x1;
	_ =	sdelay $0x4  }
0x282: {  	(v2sf) =	vpush v1, $0x0;
	_ =	sdelay $0xe  }
0x283: {  	s0 =	smov.u32 s26;
	s26 =	spop (v2sf)  }
0x284: {  	p2 =	sne.s32 s0, s26  }
0x285: {  	p5 =	sne.s32 @p2 s0, s23  }
0x286: {  	s4 =	sshll.u32 @!p2 s21, $0x6;
	p4 =	por !p5, !p2  }
0x287: {  	s30 =	sshra.s32 @!p2 s4, $0x2;
	s4 =	sshll.u32 @!p4 s25, $0x6  }
0x288: {  	s4 =	sshra.s32 @!p4 s4, $0x2  }
0x289: {  	p1 =	sgt.u32 @!p4 s0, $0x1116FE;
	v1 =	vld @!p4 [tilespmem:s4+$0x1B38]  }
0x28a: {  	s31 =	sshll.u32 @!p4 s21, $0x6;
	p6 =	por @p2 p1, !p5;
	p1 =	por @p2 !p1, !p5  }
0x28b: {  	s8 =	simm.s32 @!p4 $0x0;
	s31 =	sshra.s32 @!p4 s31, $0x2;
	p1 =	por !p1, !p2  }
0x28c: {  	p5 =	por p5, !p2;
	s8 =	simm.s32 @!p1 $0x40;
	p1 =	por p6, !p2  }
0x28d: {  	s4 =	sadd.s32 @!p4 $0x28, s31;
	s13 =	sshll.u32 @!p5 s21, $0x6;
	s10 =	sand.u32 @!p1 $0x1FFFF8, s0  }
0x28e: {  	s13 =	sshra.s32 @!p5 s13, $0x2;
	s0 =	sand.u32 @!p1 $0x7, s0;
	s10 =	sadd.s32 @!p1 s3, s10;
	[tilespmem:s31+$0x28] =	vst.add.f32.msk @!p4 $0xffff, v1  }
0x28f: {  	[hbm4b:s10+s0] =	stream.linear.scatter @!p1 [tilespmem:s4], [sflag:$0xC], $0x10, $0x38;
	[tilespmem:$0x1F0F8] =	vst v63  }
0x290: {  	s1 =	rddreg [dreg:$0x4];
	s0 =	sadd.s32 @!p5 $0x28, s13;
	s4 =	simm.s32 @!p5 $0x1  }
0x291: {  	[spmem:s1] =	stream.linear.scatter @!p5 [tilespmem:s0], [sflag:$0x1], $0x10, $0x38;
	[tilespmem:$0x1F0F8] =	vst v63  }
0x292: {  	s2 =	sadd.s32 @p2 $0x1, s21;
	_ =	swait.ge @!p5 [sflag:s4], $0x10  }
0x293: {  	s5 =	sshrl.u32 @p2 s2, $0x4;
	[sflag:s4] =	ssyncset.done @!p5 $0x0  }
0x294: {  	s24 =	sadd.s32 $0x80, s24;
	s5 =	smulhi.u32 @p2 $0x97B425F, s5;
	[sflag:s4] =	ssyncadd.s32 @!p5 $0xFFFFFFF0  }
0x295: {  	s28 =	sadd.s32 $0x1, s28;
	v1 =	vld @p2 [tilespmem:s24+$0x0]  }
0x296: {  	p3 =	seq.s32 s28, $0x0;
	s5 =	smul.u32 @p2 $0x1B0, s5  }
.Ltmp16:
0x297: {  	_ = 	snop;
	(pc) =	sbr.rel @!p3 .LBB2_16-.Ltmp16, $4  }
0x298: {  	s2 =	ssub.s32 @p2 s2, s5  }
0x299: {  	s8 =	sadd.s32 @!p4 s8, s29;
	s5 =	sshll.u32 @p2 s2, $0x4  }
0x29a: {  	s9 =	sadd.s32 @p2 $0x1, s25;
	s8 =	smov.u32 @p4 s29;
	[tilespmem:s5+$0x28] =	vst @p2 v1  }
0x29b: {  	s25 =	smov.u32 @p2 s9;
	s21 =	smov.u32 @p2 s2;
	s29 =	smov.u32 @p2 s8;
	v1 =	vld @!p2 [tilespmem:s24+$0x0]  }
.LBB2_17:
.Ltmp17:
0x29c: {  	_ = 	snop;
	(pc) =	sbr.rel .LBB2_19-.Ltmp17, $3  }
0x29d: {  	s1 =	sld [smem:$0x7FD];
	_ =	sdelay $0x1  }
0x29e: {  	s0 =	sshrl.u32 s29, $0x2;
	s28 =	smov.u32 s26  }
0x29f: {  	s4 =	smov.u32 s6;
	s6 =	rddreg [dreg:$0x6];
	p4 =	seq.s32 s1, $0x1;
	[tilespmem:s30+$0x28] =	vst.add.f32.msk @!p2 $0xffff, v1  }
.LBB2_21:
0x2a0: {  	_ =	sfence.sel $0x180000  }
0x2a1: {  	s0 =	simm.s32 $0x9;
	[bflag:$0x0] =	sbarrier.arrive $0xFFFF  }
0x2a2: {  	s24 =	simm.s32 $0xA;
	[sflag:s0] =	ssyncpa.u1 $0x1  }
0x2a3: {  	s25 =	simm.s32 $0xB;
	[sflag:s24] =	ssyncpa.u1 $0x1  }
0x2a4: {  	s26 =	simm.s32 $0x2;
	[sflag:s25] =	ssyncpa.u1 $0x1  }
0x2a5: {  	[sflag:s26] =	ssyncpa.u1 $0x1  }
0x2a6: {  	v0 =	vld [tilespmem:$0x3648];
	_ =	sdelay $0x4  }
0x2a7: {  	(v2sf) =	vpush v0, $0x0  }
0x2a8: {  	(v2sf) =	vpush v0, $0x1;
	_ =	sdelay $0x1  }
0x2a9: {  	(v2sf) =	vpush v0, $0x2;
	_ =	sdelay $0xb  }
0x2aa: {  	s0 =	spop (v2sf)  }
0x2ab: {  	s1 =	spop (v2sf)  }
0x2ac: {  	s2 =	smov.u32 s0;
	p0 =	sne.s32 s0, s1  }
0x2ad: {  	s4 =	spop (v2sf);
	s2 =	simm.s32 @!p0 $0xFFFFFFFF  }
0x2ae: {  	v2 =	vimm.s32 $0x1;
	v3 =	vlaneseq.u32;
	p0 =	seq.s32 s4, $0xFFFFFFFF;
	v1 =	vmov s2  }
0x2af: {  	s16 =	stileid.u32;
	v0 =	vperm.xlane v0, v2;
	p1 =	sne.s32 @!p0 s0, s1;
	v1 =	vperm.xlane v1, v3  }
0x2b0: {  	vm0 =	vcmask $0x3F04;
	s6 =	simm.s32 $0x3648;
	s0 =	simm.s32 @!p0 $0x1;
	p1 =	por !p1, p0  }
0x2b1: {  	s2 =	sshll.u32 s16, $0x1;
	s1 =	sshll.u32 @!p0 s4, $0x6;
	s0 =	simm.s32 @p1 $0x0;
	v0 =	vsel vm0, v1, v0  }
0x2b2: {  	s5 =	sor.u32 $0x200, s2;
	s1 =	sshra.s32 @!p0 s1, $0x2;
	s0 =	sor.u32 @!p0 s0, s2;
	[tilespmem:$0x3648] =	vst v0  }
0x2b3: {  	[spmem:s5] =	stream.linear.scatter [tilespmem:s6], [sflag:$0x1], $0x2, $0x38;
	[tilespmem:$0x1F0F8] =	vst v63  }
0x2b4: {  	s1 =	sadd.s32 @!p0 $0x28, s1;
	s0 =	sshll.u32 @!p0 s0, $0x4  }
0x2b5: {  	[spmem:s0] =	stream.linear.scatter @!p0 [tilespmem:s1], [sflag:$0x1], $0x10, $0x38;
	[tilespmem:$0x1F0F8] =	vst v63  }
0x2b6: {  	s0 =	simm.s32 @!p0 $0x12  }
0x2b7: {  	s28 =	simm.s32 $0x1;
	s0 =	simm.s32 @p0 $0x2  }
0x2b8: {  	_ =	swait.ge [sflag:s28], s0  }
0x2b9: {  	s0 =	ssub.s32 $0x0, s0;
	[sflag:s28] =	ssyncset.done $0x0  }
0x2ba: {  	p0 =	sne.s32 s16, $0x0;
	[sflag:s28] =	ssyncadd.s32 s0  }
.Ltmp18:
0x2bb: {  	_ =	sfence.stream.spmem;
	(pc) =	sbr.rel @p0 .LBB2_38-.Ltmp18, $4  }
0x2bc: {  	s29 =	simm.s32 $0x3;
	[bflag:$0x0] =	sbarrier.arrive $0xFFFF  }
0x2bd: {  	s30 =	simm.s32 $0x4;
	[sflag:s29] =	ssyncpa.u1 $0x1  }
0x2be: {  	s31 =	simm.s32 $0x3C;
	[sflag:s30] =	ssyncpa.u1 $0x1  }
0x2bf: {  	s17 =	rddreg [dreg:$0x5];
	[sflag:s31] =	ssyncpa.u1 $0x1  }
0x2c0: {  	_ =	sfence.stream.spmem;
	s0 =	simm.s32 $0x5  }
0x2c1: {  	s1 =	simm.s32 $0x200;
	s2 =	simm.s32 $0x3658;
	[sflag:s0] =	ssyncpa.u1 $0x0  }
0x2c2: {  	[tilespmem:s2], [sflag:$0x5] =	stream.linear.gather [spmem:s1], $0x20, $0x38;
	[tilespmem:$0x1F0F8] =	vst v63  }
0x2c3: {  	s26 =	simm.s32 $0x0;
	s28 =	simm.s32 $0x3678  }
0x2c4: {  	[tilespmem:s28], [sflag:$0x5] =	stream.linear.gather [spmem:s26], $0x200, $0x38;
	[tilespmem:$0x1F0F8] =	vst v63  }
0x2c5: {  	_ =	swait.ge [sflag:s0], $0x220  }
0x2c6: {  	[sflag:s0] =	ssyncset.done $0x0  }
0x2c7: {  	s29 =	simm.s32 $0x0;
	[sflag:s0] =	ssyncadd.s32 $0xFFFFFDE0  }
0x2c8: {  	v0 =	vld.msk [tilespmem:s29+$0x3658], $0x1;
	_ =	sdelay $0x1  }
0x2c9: {  	s30 =	simm.s32 $0x1  }
0x2ca: {  	v1 =	vld.msk [tilespmem:s30+$0x3658], $0x1;
	_ =	sdelay $0x1  }
0x2cb: {  	(v2sf) =	vpush v0, $0x0;
	_ =	sdelay $0x2  }
0x2cc: {  	(v2sf) =	vpush v1, $0x0;
	_ =	sdelay $0x2  }
0x2cd: {  	s31 =	simm.s32 $0x2  }
0x2ce: {  	v0 =	vld.msk [tilespmem:s31+$0x3658], $0x1;
	_ =	sdelay $0x2  }
0x2cf: {  	s6 =	simm.s32 $0xFFFFFFFF;
	s1 =	simm.s32 $0xFFFFFFFF;
	s0 =	simm.s32 $0xC  }
.LBB2_23:
0x2d0: {  	s2 =	smov.u32 s6;
	s4 =	smov.u32 s1  }
0x2d1: {  	s1 =	sshra.s32 s0, $0x2;
	p1 =	sne.s32 s0, $0x7C;
	s0 =	sadd.s32 $0x4, s0;
	(v2sf) =	vpush v0, $0x0  }
0x2d2: {  	v0 =	vld.msk [tilespmem:s1+$0x3658], $0x1  }
.Ltmp19:
0x2d3: {  	(pc) =	sbr.rel @p1 .LBB2_23-.Ltmp19, $4  }
0x2d4: {  	s6 =	spop (v2sf)  }
0x2d5: {  	p2 =	sne.s32 s4, $0xFFFFFFFF;
	s1 =	smov.u32 s6  }
0x2d6: {  	p3 =	seq.s32 s6, $0xFFFFFFFF;
	s1 =	smov.u32 @p2 s4  }
0x2d7: {  	s6 =	smov.u32 @p3 s2;
	s1 =	smov.u32 @p3 s4  }
0x2d8: {  	(v2sf) =	vpush v0, $0x0;
	_ =	sdelay $0x8  }
0x2d9: {  	s0 =	spop (v2sf)  }
0x2da: {  	p1 =	sne.s32 s1, $0xFFFFFFFF;
	s2 =	smov.u32 s0  }
0x2db: {  	s9 =	simm.s32 $0x6;
	p2 =	seq.s32 s0, $0xFFFFFFFF;
	s2 =	smov.u32 @p1 s1  }
0x2dc: {  	s10 =	simm.s32 $0x3638;
	s2 =	smov.u32 @p2 s1;
	s1 =	spop (v2sf)  }
0x2dd: {  	s0 =	smov.u32 @p2 s6;
	p1 =	sne.s32 s2, $0xFFFFFFFF;
	s4 =	smov.u32 s1  }
.Ltmp20:
0x2de: {  	p2 =	seq.s32 s1, $0xFFFFFFFF;
	s4 =	smov.u32 @p1 s2;
	(pc) =	sbr.rel .LBB2_25-.Ltmp20, $4  }
0x2df: {  	s11 =	simm.s32 $0x0;
	s4 =	smov.u32 @p2 s2;
	s7 =	spop (v2sf)  }
0x2e0: {  	[sflag:s9] =	ssyncpa.u1 $0x0;
	p1 =	sne.s32 s4, $0xFFFFFFFF;
	s8 =	smov.u32 s7  }
0x2e1: {  	s1 =	smov.u32 @p2 s0;
	p2 =	seq.s32 s7, $0xFFFFFFFF;
	s8 =	smov.u32 @p1 s4  }
0x2e2: {  	s6 =	simm.s32 $0x0;
	s7 =	smov.u32 @p2 s1;
	s8 =	smov.u32 @p2 s4  }
.LBB2_30:
0x2e3: {  	p1 =	sgt.u32 s12, $0x1116FE  }
0x2e4: {  	p2 =	seq.s32 @!p1 s12, s8  }
0x2e5: {  	p1 =	por p1, p2  }
0x2e6: {  	p2 =	sne.s32 @!p1 s12, s7  }
0x2e7: {  	p1 =	por p1, !p2  }
0x2e8: {  	s0 =	sshll.u32 @p1 s11, $0x6  }
0x2e9: {  	s0 =	sand.u32 @!p1 $0x1FFFF8, s12  }
0x2ea: {  	s1 =	sand.u32 @!p1 $0x7, s12;
	s0 =	sadd.s32 @!p1 s3, s0  }
0x2eb: {  	[tilespmem:s10], [sflag:$0x6] =	stream.linear.gather @!p1 [hbm4b:s0+s1], $0x10, $0x38;
	[tilespmem:$0x1F0F8] =	vst v63  }
0x2ec: {  	_ =	swait.ge @!p1 [sflag:s9], $0x10  }
0x2ed: {  	[sflag:s9] =	ssyncset.done @!p1 $0x0  }
0x2ee: {  	[sflag:s9] =	ssyncadd.s32 @!p1 $0xFFFFFFF0  }
0x2ef: {  	v1 =	vld @!p1 [tilespmem:$0x3638];
	_ =	sdelay $0x2  }
0x2f0: {  	s0 =	sshll.u32 @!p1 s11, $0x6  }
0x2f1: {  	s1 =	sshrl.u32 @!p1 s0, $0x2  }
0x2f2: {  	[tilespmem:s1+$0x3678] =	vst.add.f32.msk @!p1 $0xffff, v1  }
0x2f3: {  	s0 =	sshrl.u32 s0, $0x2;
	[tilespmem:s6+$0x3658] =	vst.msk $0x1, v0  }
0x2f4: {  	v0 =	vld [tilespmem:s0+$0x3678];
	_ =	sdelay $0x2  }
0x2f5: {  	s31 =	sshll.u32 s6, $0x6  }
0x2f6: {  	s0 =	sshra.s32 s31, $0x2  }
0x2f7: {  	s6 =	sadd.s32 $0x1, s6;
	[tilespmem:s0+$0x3678] =	vst v0  }
.LBB2_32:
0x2f8: {  	s11 =	sadd.s32 $0x1, s11  }
0x2f9: {  	p1 =	sne.s32 s11, $0x20  }
.Ltmp21:
0x2fa: {  	_ = 	snop;
	(pc) =	sbr.rel @!p1 .LBB2_33-.Ltmp21, $1  }
0x2fb: {  	_ =	sdelay $0x3  }
.LBB2_25:
0x2fc: {  	v0 =	vld.msk [tilespmem:s11+$0x3658], $0x1;
	_ =	sdelay $0x4  }
0x2fd: {  	(v2sf) =	vpush v0, $0x0;
	_ =	sdelay $0xe  }
0x2fe: {  	s12 =	spop (v2sf)  }
0x2ff: {  	p1 =	seq.s32 s12, $0xFFFFFFFF  }
.Ltmp22:
0x300: {  	_ = 	snop;
	(pc) =	sbr.rel @p1 .LBB2_32-.Ltmp22, $1  }
0x301: {  	_ =	sdelay $0x3  }
0x302: {  	p1 =	slt.s32 s6, $0x1  }
.Ltmp23:
0x303: {  	_ = 	snop;
	(pc) =	sbr.rel @p1 .LBB2_30-.Ltmp23, $1  }
0x304: {  	_ =	sdelay $0x3  }
0x305: {  	s13 =	simm.s32 $0x3658;
	p1 =	por $0x0, $0x0  }
0x306: {  	v1 =	vld.msk @!p1 [tilespmem:s13+$0x0], $0x1;
	_ =	sdelay $0x4  }
0x307: {  	(v2sf) =	vpush @!p1 v1, $0x0;
	_ =	sdelay $0xd  }
0x308: {  	p3 =	sne.s32 s6, $0x1  }
.Ltmp24:
0x309: {  	s0 =	spop @!p1 (v2sf);
	(pc) =	sbr.rel @!p3 .LBB2_29-.Ltmp24, $4  }
0x30a: {  	p2 =	seq.s32 @!p1 s12, s0  }
0x30b: {  	s14 =	simm.s32 $0x0;
	p2 =	por !p2, p1  }
0x30c: {  	s0 =	simm.s32 $0xFFFFFFFF;
	s14 =	simm.s32 @p2 $0xFFFFFFFF  }
0x30d: {  	s15 =	simm.s32 $0x1;
	s14 =	smov.u32 @p1 s0  }
.LBB2_28:
0x30e: {  	s0 =	smov.u32 s14;
	p1 =	sne.s32 s14, $0xFFFFFFFF  }
0x30f: {  	s13 =	sadd.s32 $0x1, s13;
	s14 =	smov.u32 s15;
	s15 =	sadd.s32 $0x1, s15  }
0x310: {  	p2 =	sne.s32 s6, s15;
	v1 =	vld.msk @!p1 [tilespmem:s13+$0x0], $0x1;
	_ =	sdelay $0x4  }
0x311: {  	(v2sf) =	vpush @!p1 v1, $0x0;
	_ =	sdelay $0xe  }
.Ltmp25:
0x312: {  	s1 =	spop @!p1 (v2sf);
	(pc) =	sbr.rel @p2 .LBB2_28-.Ltmp25, $4  }
0x313: {  	p3 =	seq.s32 @!p1 s12, s1  }
0x314: {  	p3 =	por !p3, p1  }
0x315: {  	s14 =	simm.s32 @p3 $0xFFFFFFFF  }
0x316: {  	s14 =	smov.u32 @p1 s0  }
.LBB2_29:
0x317: {  	p1 =	sne.s32 s14, $0xFFFFFFFF  }
.Ltmp26:
0x318: {  	_ = 	snop;
	(pc) =	sbr.rel @!p1 .LBB2_30-.Ltmp26, $1  }
0x319: {  	_ =	sdelay $0x3  }
0x31a: {  	s0 =	sshll.u32 s11, $0x4  }
0x31b: {  	s0 =	sand.u32 $0x3FFFFFF0, s0  }
0x31c: {  	v0 =	vld [tilespmem:s0+$0x3678]  }
.Ltmp27:
0x31d: {  	_ = 	snop;
	(pc) =	sbr.rel .LBB2_32-.Ltmp27, $4  }
0x31e: {  	_ = 	snop  }
0x31f: {  	s31 =	sshll.u32 s14, $0x6  }
0x320: {  	s0 =	sshra.s32 s31, $0x2  }
0x321: {  	[tilespmem:s0+$0x3678] =	vst.add.f32.msk $0xffff, v0  }
.LBB2_33:
0x322: {  	s0 =	simm.s32 $0x6;
	p1 =	seq.s32 s6, $0x0  }
0x323: {  	[sflag:s0] =	ssyncpa.u1 $0x1;
	v0 =	vimm.s32 @p1 $0xFFFFFFFF  }
0x324: {  	s9 =	sadd.s32 $0xFFFFFFFF, s6;
	[tilespmem:$0x3878] =	vst @p1 v0  }
0x325: {  	v0 =	vld.msk @!p1 [tilespmem:s9+$0x3658], $0x1;
	_ =	sdelay $0x1  }
0x326: {  	v1 =	vld.msk @!p1 [tilespmem:$0x3658], $0x1;
	_ =	sdelay $0x2  }
0x327: {  	p2 =	seq.s32 @!p1 s9, $0x0;
	v0 =	vbroadcast @!p1 v0, $0x0  }
0x328: {  	vm0 =	vmmov @!p1 $0x1;
	p2 =	por !p2, p1  }
0x329: {  	v1 =	vnsel @!p1 vm0, $0xFFFFFFFF, v1;
	vm0 =	vcmask @!p1 $0x308;
	v0 =	vpsel !p2, $0xFFFFFFFF, v0  }
0x32a: {  	p2 =	sne.s32 @!p1 s8, s7;
	v0 =	vsel @!p1 vm0, v1, v0  }
0x32b: {  	s0 =	simm.s32 @!p1 $0x3678;
	s1 =	simm.s32 @!p1 $0x0;
	p3 =	por !p2, p1;
	[tilespmem:$0x3878] =	vst @!p1 v0  }
0x32c: {  	[spmem:s1] =	stream.linear.scatter @!p1 [tilespmem:s0], [sflag:$0x1], $0x10, $0x38;
	[tilespmem:$0x1F0F8] =	vst v63  }
0x32d: {  	s0 =	sshll.u32 @!p3 s9, $0x6  }
0x32e: {  	s0 =	sshra.s32 @!p3 s0, $0x2  }
0x32f: {  	s1 =	simm.s32 @!p3 $0x10;
	s0 =	sadd.s32 @!p3 $0x3678, s0  }
0x330: {  	[spmem:s1] =	stream.linear.scatter @!p3 [tilespmem:s0], [sflag:$0x1], $0x10, $0x38;
	[tilespmem:$0x1F0F8] =	vst v63  }
0x331: {  	s0 =	simm.s32 @!p3 $0x1  }
0x332: {  	_ =	swait.ge @!p3 [sflag:s0], $0x20  }
0x333: {  	p1 =	por p2, p1;
	[sflag:s0] =	ssyncset.done @!p3 $0x0  }
0x334: {  	[sflag:s0] =	ssyncadd.s32 @!p3 $0xFFFFFFE0;
	s0 =	simm.s32 @!p1 $0x1  }
0x335: {  	_ =	swait.ge @!p1 [sflag:s0], $0x10  }
0x336: {  	s29 =	simm.s32 $0x3878;
	[sflag:s0] =	ssyncset.done @!p1 $0x0  }
0x337: {  	s30 =	simm.s32 $0x200;
	s31 =	simm.s32 $0x1;
	[sflag:s0] =	ssyncadd.s32 @!p1 $0xFFFFFFF0  }
0x338: {  	[spmem:s30] =	stream.linear.scatter [tilespmem:s29], [sflag:$0x1], $0x10, $0x38;
	[tilespmem:$0x1F0F8] =	vst v63  }
0x339: {  	_ =	swait.ge [sflag:s31], $0x10  }
0x33a: {  	[sflag:s31] =	ssyncset.done $0x0  }
0x33b: {  	p1 =	seq.s32 s17, $0x0;
	s8 =	rddreg [dreg:$0x1];
	[sflag:s31] =	ssyncadd.s32 $0xFFFFFFF0  }
0x33c: {  	s1 =	sshll.u32 @p1 s8, $0xE;
	s7 =	rddreg [dreg:$0x2]  }
0x33d: {  	s0 =	sadd.s32 @p1 $0x15C3C, s1;
	s1 =	sshll.u32 @p1 s7, $0x11  }
0x33e: {  	_ =	sfence.stream.spmem;
	s0 =	sor.u32 @p1 s1, s0  }
0x33f: {  	[sflag:s0] =	ssyncadd.remote.s32 @p1 $0x1;
	s0 =	simm.s32 @p1 $0x4  }
0x340: {  	s2 =	simm.s32 @!p1 $0x3C;
	s1 =	sand.u32 $0xFFFFFFFE, s8;
	_ =	swait.ge @p1 [sflag:s0], $0x6  }
0x341: {  	s4 =	simm.s32 @!p1 $0x0;
	s1 =	sadd.s32 @!p1 $0x4, s1;
	[sflag:s0] =	ssyncset.done @p1 $0x0  }
0x342: {  	s5 =	simm.s32 @!p1 $0x20;
	[sflag:s0] =	ssyncadd.s32 @p1 $0xFFFFFFFA;
	s0 =	sshll.u32 @!p1 s1, $0x1A  }
0x343: {  	s1 =	sshll.u32 @!p1 s1, $0xD;
	s0 =	sor.u32 @!p1 s0, s7;
	_ =	swait.eq @!p1 [sflag:s2], $0x1  }
0x344: {  	s1 =	sor.u32 @!p1 $0x1C04, s1;
	s2 =	simm.s32 @!p1 $0x1C03;
	s0 =	sor.u32 @!p1 $0x80004000, s0  }
0x345: {  	[spmem:s5], [sflag:s1] =	dma.general @!p1 [spmem:s4], [sflag:s2], length:$0x4, [dreg:$0x0], stride_count:$0x0, ici_dest:s0, dma_misc:DstOpCode:WRITE  }
0x346: {  	p2 =	slt.s32 s9, $0x2;
	s4 =	simm.s32 @!p1 $0x40;
	s5 =	simm.s32 @!p1 $0x42  }
0x347: {  	[spmem:s5], [sflag:s1] =	dma.general @!p1 [spmem:s4], [sflag:s2], length:$0x2, [dreg:$0x0], stride_count:$0x0, ici_dest:s0, dma_misc:DstOpCode:WRITE  }
.Ltmp28:
0x348: {  	s0 =	simm.s32 @!p1 $0x3;
	(pc) =	sbr.rel @p2 .LBB2_37-.Ltmp28, $4  }
0x349: {  	s1 =	sshll.u32 @!p1 s8, $0xE;
	_ =	swait.ge @!p1 [sflag:s0], $0x6  }
0x34a: {  	s2 =	sshll.u32 @!p1 s7, $0x11;
	s1 =	sadd.s32 @!p1 $0x11C3C, s1;
	[sflag:s0] =	ssyncset.done @!p1 $0x0  }
0x34b: {  	[sflag:s0] =	ssyncadd.s32 @!p1 $0xFFFFFFFA;
	s0 =	sor.u32 @!p1 s2, s1  }
0x34c: {  	[sflag:s0] =	ssyncadd.remote.s32 @!p1 $0xFFFFFFFF;
	s0 =	simm.s32 $0x0  }
0x34d: {  	s0 =	simm.s32 $0x3659  }
0x34e: {  	v0 =	vld.msk [tilespmem:s0+$0x0], $0x1;
	_ =	sdelay $0x4  }
0x34f: {  	(v2sf) =	vpush v0, $0x0;
	_ =	sdelay $0xd  }
0x350: {  	s2 =	sadd.s32 $0xFFFFFFFE, s6  }
0x351: {  	s2 =	sadd.s32 $0xFFFFFFFF, s2;
	s0 =	spop (v2sf)  }
0x352: {  	p2 =	sne.s32 s2, $0x0;
	p1 =	sgt.u32 s0, $0x1116FE  }
.Ltmp29:
0x353: {  	s4 =	sand.u32 @!p1 $0x1FFFF8, s0;
	(pc) =	sbr.rel @!p2 .LBB2_36-.Ltmp29, $4  }
0x354: {  	s1 =	simm.s32 $0x3688;
	s0 =	sand.u32 @!p1 $0x7, s0;
	s4 =	sadd.s32 @!p1 s3, s4  }
0x355: {  	[hbm4b:s4+s0] =	stream.linear.scatter @!p1 [tilespmem:s1], [sflag:$0x5], $0x10, $0x38;
	[tilespmem:$0x1F0F8] =	vst v63  }
0x356: {  	s0 =	simm.s32 $0x0  }
0x357: {  	s6 =	simm.s32 $0x0;
	s7 =	simm.s32 $0x365A;
	s0 =	simm.s32 @!p1 $0x40  }
.LBB2_35:
0x358: {  	v0 =	vld.msk [tilespmem:s7+$0x0], $0x1;
	s2 =	sadd.s32 $0xFFFFFFFF, s2;
	s6 =	sadd.s32 s6, s0  }
0x359: {  	p1 =	sne.s32 s2, $0x0;
	_ =	sdelay $0x3  }
0x35a: {  	(v2sf) =	vpush v0, $0x0;
	_ =	sdelay $0xe  }
.Ltmp30:
0x35b: {  	s4 =	spop (v2sf);
	(pc) =	sbr.rel @p1 .LBB2_35-.Ltmp30, $4  }
0x35c: {  	s0 =	simm.s32 $0x0;
	p2 =	sgt.u32 s4, $0x1116FE  }
0x35d: {  	s1 =	sadd.s32 $0x10, s1;
	s0 =	simm.s32 @!p2 $0x40;
	s5 =	sand.u32 @!p2 $0x1FFFF8, s4  }
0x35e: {  	s7 =	sadd.s32 $0x1, s7;
	s4 =	sand.u32 @!p2 $0x7, s4;
	s5 =	sadd.s32 @!p2 s3, s5  }
0x35f: {  	[hbm4b:s5+s4] =	stream.linear.scatter @!p2 [tilespmem:s1], [sflag:$0x5], $0x10, $0x38;
	[tilespmem:$0x1F0F8] =	vst v63  }
.LBB2_36:
0x360: {  	s0 =	sadd.s32 s6, s0  }
0x361: {  	s0 =	sshrl.u32 s0, $0x2  }
.LBB2_37:
0x362: {  	s1 =	simm.s32 $0x5  }
0x363: {  	_ =	swait.ge [sflag:s1], s0  }
0x364: {  	s31 =	ssub.s32 $0x0, s0;
	[sflag:s1] =	ssyncset.done $0x0  }
0x365: {  	[sflag:s1] =	ssyncadd.s32 s31  }
0x366: {  	[sflag:s1] =	ssyncpa.u1 $0x1  }
.LBB2_38:
0x367: {  	s0 =	sor.u32 s17, s16  }
0x368: {  	p1 =	sne.s32 s0, $0x0  }
.Ltmp31:
0x369: {  	_ = 	snop;
	(pc) =	sbr.rel @p1 .LBB2_53-.Ltmp31, $3  }
0x36a: {  	_ =	sdelay $0x1  }
0x36b: {  	[bflag:$0x0] =	sbarrier.arrive $0xFFFF  }
0x36c: {  	_ =	sfence  }
0x36d: {  	s0 =	simm.s32 $0x7  }
0x36e: {  	s1 =	simm.s32 $0x200;
	s2 =	simm.s32 $0x3658;
	[sflag:s0] =	ssyncpa.u1 $0x0  }
0x36f: {  	[tilespmem:s2], [sflag:$0x7] =	stream.linear.gather [spmem:s1], $0x20, $0x38;
	[tilespmem:$0x1F0F8] =	vst v63  }
0x370: {  	s30 =	simm.s32 $0x3678;
	s1 =	simm.s32 $0x0  }
0x371: {  	[tilespmem:s30], [sflag:$0x7] =	stream.linear.gather [spmem:s1], $0x200, $0x38;
	[tilespmem:$0x1F0F8] =	vst v63  }
.Ltmp32:
0x372: {  	_ = 	snop;
	(pc) =	sbr.rel .LBB2_40-.Ltmp32, $4  }
0x373: {  	_ =	swait.ge [sflag:s0], $0x220  }
0x374: {  	[sflag:s0] =	ssyncset.done $0x0  }
0x375: {  	s31 =	simm.s32 $0x8;
	[sflag:s0] =	ssyncadd.s32 $0xFFFFFDE0  }
0x376: {  	s2 =	simm.s32 $0x0;
	[sflag:s31] =	ssyncpa.u1 $0x0  }
.LBB2_45:
0x377: {  	p1 =	slt.u32 s4, $0x1116FF  }
0x378: {  	s0 =	sand.u32 @p1 $0x1FFFF8, s4  }
0x379: {  	s4 =	sand.u32 @p1 $0x7, s4;
	s5 =	simm.s32 @p1 $0x3638;
	s0 =	sadd.s32 @p1 s3, s0  }
0x37a: {  	[tilespmem:s5], [sflag:$0x8] =	stream.linear.gather @p1 [hbm4b:s0+s4], $0x10, $0x38;
	[tilespmem:$0x1F0F8] =	vst v63  }
0x37b: {  	s0 =	simm.s32 @p1 $0x8  }
0x37c: {  	_ =	swait.ge @p1 [sflag:s0], $0x10  }
0x37d: {  	[sflag:s0] =	ssyncset.done @p1 $0x0  }
0x37e: {  	[sflag:s0] =	ssyncadd.s32 @p1 $0xFFFFFFF0  }
0x37f: {  	v1 =	vld @p1 [tilespmem:$0x3638];
	_ =	sdelay $0x2  }
0x380: {  	s0 =	sshll.u32 @p1 s2, $0x6  }
0x381: {  	s5 =	sshll.u32 @!p1 s2, $0x6;
	s4 =	sshrl.u32 @p1 s0, $0x2  }
0x382: {  	s5 =	smov.u32 @p1 s0;
	[tilespmem:s4+$0x3678] =	vst.add.f32.msk @p1 $0xffff, v1  }
0x383: {  	s0 =	sshrl.u32 s5, $0x2;
	[tilespmem:s1+$0x3658] =	vst.msk $0x1, v0  }
0x384: {  	v0 =	vld [tilespmem:s0+$0x3678];
	_ =	sdelay $0x2  }
0x385: {  	s31 =	sshll.u32 s1, $0x6  }
0x386: {  	s0 =	sshra.s32 s31, $0x2  }
0x387: {  	s1 =	sadd.s32 $0x1, s1;
	[tilespmem:s0+$0x3678] =	vst v0  }
.LBB2_47:
0x388: {  	s2 =	sadd.s32 $0x1, s2  }
0x389: {  	p1 =	sne.s32 s2, $0x20  }
.Ltmp33:
0x38a: {  	_ = 	snop;
	(pc) =	sbr.rel @!p1 .LBB2_48-.Ltmp33, $1  }
0x38b: {  	_ =	sdelay $0x3  }
.LBB2_40:
0x38c: {  	v0 =	vld.msk [tilespmem:s2+$0x3658], $0x1;
	_ =	sdelay $0x4  }
0x38d: {  	(v2sf) =	vpush v0, $0x0;
	_ =	sdelay $0xe  }
0x38e: {  	s4 =	spop (v2sf)  }
0x38f: {  	p1 =	seq.s32 s4, $0xFFFFFFFF  }
.Ltmp34:
0x390: {  	_ = 	snop;
	(pc) =	sbr.rel @p1 .LBB2_47-.Ltmp34, $1  }
0x391: {  	_ =	sdelay $0x3  }
0x392: {  	p1 =	slt.s32 s1, $0x1  }
.Ltmp35:
0x393: {  	_ = 	snop;
	(pc) =	sbr.rel @p1 .LBB2_45-.Ltmp35, $1  }
0x394: {  	_ =	sdelay $0x3  }
0x395: {  	s5 =	simm.s32 $0x3658;
	p1 =	por $0x0, $0x0  }
0x396: {  	v1 =	vld.msk @!p1 [tilespmem:s5+$0x0], $0x1;
	_ =	sdelay $0x4  }
0x397: {  	(v2sf) =	vpush @!p1 v1, $0x0;
	_ =	sdelay $0xd  }
0x398: {  	p3 =	sne.s32 s1, $0x1  }
.Ltmp36:
0x399: {  	s0 =	spop @!p1 (v2sf);
	(pc) =	sbr.rel @!p3 .LBB2_44-.Ltmp36, $4  }
0x39a: {  	p2 =	seq.s32 @!p1 s4, s0  }
0x39b: {  	s6 =	simm.s32 $0x0;
	p2 =	por !p2, p1  }
0x39c: {  	s0 =	simm.s32 $0xFFFFFFFF;
	s6 =	simm.s32 @p2 $0xFFFFFFFF  }
0x39d: {  	s7 =	simm.s32 $0x1;
	s6 =	smov.u32 @p1 s0  }
.LBB2_43:
0x39e: {  	s0 =	smov.u32 s6;
	p1 =	sne.s32 s6, $0xFFFFFFFF  }
0x39f: {  	s5 =	sadd.s32 $0x1, s5;
	s6 =	smov.u32 s7;
	s7 =	sadd.s32 $0x1, s7  }
0x3a0: {  	p2 =	sne.s32 s1, s7;
	v1 =	vld.msk @!p1 [tilespmem:s5+$0x0], $0x1;
	_ =	sdelay $0x4  }
0x3a1: {  	(v2sf) =	vpush @!p1 v1, $0x0;
	_ =	sdelay $0xe  }
.Ltmp37:
0x3a2: {  	s8 =	spop @!p1 (v2sf);
	(pc) =	sbr.rel @p2 .LBB2_43-.Ltmp37, $4  }
0x3a3: {  	p3 =	seq.s32 @!p1 s4, s8  }
0x3a4: {  	p3 =	por !p3, p1  }
0x3a5: {  	s6 =	simm.s32 @p3 $0xFFFFFFFF  }
0x3a6: {  	s6 =	smov.u32 @p1 s0  }
.LBB2_44:
0x3a7: {  	p1 =	sne.s32 s6, $0xFFFFFFFF  }
.Ltmp38:
0x3a8: {  	_ = 	snop;
	(pc) =	sbr.rel @!p1 .LBB2_45-.Ltmp38, $1  }
0x3a9: {  	_ =	sdelay $0x3  }
0x3aa: {  	s0 =	sshll.u32 s2, $0x4  }
0x3ab: {  	s0 =	sand.u32 $0x3FFFFFF0, s0  }
0x3ac: {  	v0 =	vld [tilespmem:s0+$0x3678]  }
.Ltmp39:
0x3ad: {  	_ = 	snop;
	(pc) =	sbr.rel .LBB2_47-.Ltmp39, $4  }
0x3ae: {  	_ = 	snop  }
0x3af: {  	s31 =	sshll.u32 s6, $0x6  }
0x3b0: {  	s0 =	sshra.s32 s31, $0x2  }
0x3b1: {  	[tilespmem:s0+$0x3678] =	vst.add.f32.msk $0xffff, v0  }
.LBB2_48:
0x3b2: {  	p1 =	slt.s32 s1, $0x1  }
.Ltmp40:
0x3b3: {  	_ = 	snop;
	(pc) =	sbr.rel @p1 .LBB2_52-.Ltmp40, $3  }
0x3b4: {  	_ =	sdelay $0x1  }
0x3b5: {  	s0 =	simm.s32 $0x8  }
0x3b6: {  	s2 =	simm.s32 $0x0;
	[sflag:s0] =	ssyncpa.u1 $0x1  }
0x3b7: {  	s0 =	simm.s32 $0x3658  }
0x3b8: {  	v0 =	vld.msk [tilespmem:s0+$0x0], $0x1;
	_ =	sdelay $0x4  }
0x3b9: {  	(v2sf) =	vpush v0, $0x0;
	_ =	sdelay $0xe  }
0x3ba: {  	s1 =	sadd.s32 $0xFFFFFFFF, s1;
	s0 =	spop (v2sf)  }
0x3bb: {  	p2 =	sne.s32 s1, $0x0;
	p1 =	sgt.u32 s0, $0x1116FE  }
.Ltmp41:
0x3bc: {  	s5 =	sand.u32 @!p1 $0x1FFFF8, s0;
	(pc) =	sbr.rel @!p2 .LBB2_51-.Ltmp41, $4  }
0x3bd: {  	s4 =	simm.s32 $0x3678;
	s0 =	sand.u32 @!p1 $0x7, s0;
	s5 =	sadd.s32 @!p1 s3, s5  }
0x3be: {  	[hbm4b:s5+s0] =	stream.linear.scatter @!p1 [tilespmem:s4], [sflag:$0x7], $0x10, $0x38;
	[tilespmem:$0x1F0F8] =	vst v63  }
0x3bf: {  	s0 =	simm.s32 $0x0  }
0x3c0: {  	s5 =	simm.s32 $0x3659;
	s0 =	simm.s32 @!p1 $0x40  }
.LBB2_50:
0x3c1: {  	v0 =	vld.msk [tilespmem:s5+$0x0], $0x1;
	s1 =	sadd.s32 $0xFFFFFFFF, s1;
	s2 =	sadd.s32 s2, s0  }
0x3c2: {  	p1 =	sne.s32 s1, $0x0;
	_ =	sdelay $0x3  }
0x3c3: {  	(v2sf) =	vpush v0, $0x0;
	_ =	sdelay $0xe  }
.Ltmp42:
0x3c4: {  	s6 =	spop (v2sf);
	(pc) =	sbr.rel @p1 .LBB2_50-.Ltmp42, $4  }
0x3c5: {  	s0 =	simm.s32 $0x0;
	p2 =	sgt.u32 s6, $0x1116FE  }
0x3c6: {  	s4 =	sadd.s32 $0x10, s4;
	s0 =	simm.s32 @!p2 $0x40;
	s7 =	sand.u32 @!p2 $0x1FFFF8, s6  }
0x3c7: {  	s5 =	sadd.s32 $0x1, s5;
	s6 =	sand.u32 @!p2 $0x7, s6;
	s7 =	sadd.s32 @!p2 s3, s7  }
0x3c8: {  	[hbm4b:s7+s6] =	stream.linear.scatter @!p2 [tilespmem:s4], [sflag:$0x7], $0x10, $0x38;
	[tilespmem:$0x1F0F8] =	vst v63  }
.LBB2_51:
0x3c9: {  	s0 =	sadd.s32 s2, s0  }
0x3ca: {  	s2 =	sshrl.u32 s0, $0x2  }
.LBB2_52:
0x3cb: {  	s0 =	simm.s32 $0x7  }
0x3cc: {  	_ =	swait.ge [sflag:s0], s2  }
0x3cd: {  	s1 =	ssub.s32 $0x0, s2;
	[sflag:s0] =	ssyncset.done $0x0  }
0x3ce: {  	[sflag:s0] =	ssyncadd.s32 s1  }
0x3cf: {  	[sflag:s0] =	ssyncpa.u1 $0x1  }
.LBB2_53:
0x3d0: {  	_ =	sfence;
	s0 =	simm.s32 $0x1  }
0x3d1: {  	[sflag:s0] =	ssyncpa.u1 $0x1  }
0x3d2: {  	_ =	strace $0x90000047  }
0x3d3: {  	[bflag:$0x2] =	sbarrier.arrive $0xFFFF  }
0x3d4: {  	s0 =	rddreg [dreg:$0x3]  }
0x3d5: {  	s0 =	sadd.s32 @!p0 $0x100000, s0  }
0x3d6: {  	[sflag:s0] =	ssyncadd.tile.s32 @!p0 $0x1;
	_ =	shalt  }
.Lfunc_end2:
_tile_overlayer_lowered:
.L_overlay_start_2:
0x3d7: {  	(tag) =	ssettag $0x2  }
0x3d8: {  	s0 =	rddreg [dreg:$0x0];
	s2 =	stileid.u32  }
0x3d9: {  	s1 =	rddreg [dreg:$0x1];
	p0 =	sne.s32 s2, $0x0  }
0x3da: {  	s3 =	rddreg [dreg:$0x2];
	[bflag:$0x3] =	sbarrier.arrive $0xFFFF;
	s2 =	simm.s32 @!p0 $0x1C01  }
0x3db: {  	[timem:s3], [sflag:s2] =	dma.local @!p0 [hbm:s0], s1  }
0x3dc: {  	s0 =	simm.s32 @!p0 $0x1  }
0x3dd: {  	_ =	swait.ge @!p0 [sflag:s0], s1  }
0x3de: {  	s1 =	ssub.s32 @!p0 $0x0, s1;
	[sflag:s0] =	ssyncset.done @!p0 $0x0  }
0x3df: {  	[sflag:s0] =	ssyncadd.s32 @!p0 s1  }
0x3e0: {  	[bflag:$0x3] =	sbarrier.arrive $0xFFFF  }
0x3e1: {  	_ =	shalt  }

</sc_bundles>
